<compile_context>
chip_gen: v7x
topology: tpu7x:2x2x1
jax: 0.10.2.dev20260603
libtpu: 0.0.44.dev20260713+nightly
codegen_flags: <defaults>
</compile_context>

<pallas_src>
import functools

import jax
import jax.numpy as jnp
from jax import lax
from jax.experimental import pallas as pl
from jax.experimental.pallas import tpu as pltpu
from jax.experimental.pallas import tpu_sc as plsc

NEG_SLOPE = 0.2
H = 8
F = 16
HF = H * F
ROW = HF + 16

NUM_CORES = 2
NUM_SUBCORES = 16
NW = NUM_CORES * NUM_SUBCORES
K = 80


def _prep_node_body(h_ref, wn_ref, a2_ref, t_ref, sd_ref, m_ref):
    htr = jnp.dot(h_ref[...], wn_ref[...], preferred_element_type=jnp.float32)
    s2 = jnp.dot(htr, a2_ref[...], preferred_element_type=jnp.float32)
    t_ref[:, 0:HF] = htr
    t_ref[:, HF:HF + H] = s2[:, 0:H]
    t_ref[:, HF + H:ROW] = jnp.zeros_like(s2[:, 0:H])
    sd_ref[:, 0:H] = s2[:, H:2 * H]
    sd_ref[:, H:2 * H] = jnp.zeros_like(s2[:, 0:H])

    @pl.when(pl.program_id(0) == 0)
    def _():
        m_ref[...] = jnp.full_like(m_ref, -jnp.inf)

    m_ref[...] = jnp.maximum(m_ref[...], jnp.max(s2, axis=0, keepdims=True))


def _prep_et_body(ef_ref, we_ref, et_ref, m_ref):
    et = jnp.dot(ef_ref[...], we_ref[...], preferred_element_type=jnp.float32)
    et_ref[...] = et

    @pl.when(pl.program_id(0) == 0)
    def _():
        m_ref[...] = jnp.full_like(m_ref, -jnp.inf)

    m_ref[...] = jnp.maximum(m_ref[...], jnp.max(et, axis=0, keepdims=True))


def _make_sc_kernel(n_nodes, n_edges):
    ept = n_edges // NW
    nch = ept // K
    assert (nch - 1) % 2 == 0
    npt = n_nodes // NUM_SUBCORES
    mesh = plsc.VectorSubcoreMesh(core_axis_name="c", subcore_axis_name="s",
                                  num_cores=NUM_CORES,
                                  num_subcores=NUM_SUBCORES)

    @functools.partial(
        pl.kernel,
        out_type=jax.ShapeDtypeStruct((NUM_CORES, n_nodes, ROW), jnp.float32),
        mesh=mesh,
        compiler_params=pltpu.CompilerParams(use_tc_tiling_on_sc=False,
                                             needs_layout_passes=False),
        scratch_types=[
            pltpu.VMEM((2, K), jnp.int32),
            pltpu.VMEM((2, K), jnp.int32),
            pltpu.VMEM((K, ROW), jnp.float32),
            pltpu.VMEM((K, ROW), jnp.float32),
            pltpu.VMEM((K, 16), jnp.float32),
            pltpu.VMEM((K, 16), jnp.float32),
            pltpu.VMEM((K * H,), jnp.float32),
            pltpu.VMEM((K * H,), jnp.float32),
            pltpu.VMEM((K, ROW), jnp.float32),
            pltpu.VMEM((16,), jnp.float32),
            pltpu.SemaphoreType.DMA,
            pltpu.SemaphoreType.DMA,
            pltpu.SemaphoreType.DMA,
            pltpu.VMEM_SHARED((n_nodes, ROW), jnp.float32),
        ],
    )
    def sc_kernel(ei_hbm, t_hbm, sd_hbm, et_hbm, m_hbm,
                  z_hbm, acc_out, sidi0_v, sidi1_v, g0_v, g1_v, d0_v, d1_v,
                  et0_v, et1_v, msg_v, m_v, sem0, sem1, isem, acc_sh):
        slots = ((sidi0_v, g0_v, d0_v, et0_v, sem0),
                 (sidi1_v, g1_v, d1_v, et1_v, sem1))
        cid = lax.axis_index("c")
        sid = lax.axis_index("s")
        wid = sid * NUM_CORES + cid
        ebase = wid * ept
        ebase8 = wid * ept * H
        r0 = sid * npt

        pltpu.sync_copy(z_hbm.at[pl.ds(r0, npt)], acc_sh.at[pl.ds(r0, npt)])
        pltpu.sync_copy(m_hbm, m_v)

        def _zpad(k, carry):
            msg_v[k, pl.ds(HF, 16)] = jnp.zeros((16,), jnp.float32)
            return carry

        lax.fori_loop(0, K, _zpad, 0)
        mvec = m_v[...]

        iota = lax.iota(jnp.int32, 16)
        lane8 = lax.rem(iota, 8)
        second = jnp.where(iota >= 8, 1, 0)

        def issue_idx(c, slot):
            sidi_v = slots[slot][0]
            base = ebase + c * K
            pltpu.async_copy(ei_hbm.at[0, pl.ds(base, K)], sidi_v.at[0], isem)
            pltpu.async_copy(ei_hbm.at[1, pl.ds(base, K)], sidi_v.at[1], isem)

        def wait_idx(slot):
            sidi_v = slots[slot][0]
            pltpu.make_async_copy(ei_hbm.at[0, pl.ds(0, K)], sidi_v.at[0],
                                  isem).wait()
            pltpu.make_async_copy(ei_hbm.at[1, pl.ds(0, K)], sidi_v.at[1],
                                  isem).wait()

        kq = K // 5

        def issue_gathers(c, slot):
            sidi_v, g_v, d_v, et_v, sem = slots[slot]
            for j in range(5):
                pltpu.async_copy(t_hbm.at[sidi_v.at[0, pl.ds(j * kq, kq)]],
                                 g_v.at[pl.ds(j * kq, kq)], sem)
            pltpu.async_copy(sd_hbm.at[sidi_v.at[1]], d_v, sem)
            pltpu.async_copy(et_hbm.at[pl.ds(ebase8 + c * (K * H), K * H)],
                             et_v, sem)

        def wait_gathers(slot):
            sidi_v, g_v, d_v, et_v, sem = slots[slot]
            for j in range(5):
                pltpu.make_async_copy(t_hbm.at[sidi_v.at[0, pl.ds(j * kq, kq)]],
                                      g_v.at[pl.ds(j * kq, kq)], sem).wait()
            pltpu.make_async_copy(sd_hbm.at[sidi_v.at[1]], d_v, sem).wait()
            pltpu.make_async_copy(et_hbm.at[pl.ds(0, K * H)], et_v,
                                  sem).wait()

        def compute(slot):
            sidi_v, g_v, d_v, et_v, _ = slots[slot]

            @plsc.parallel_loop(0, K // 2, unroll=2)
            def _pair(kp):
                kk = kp * 2
                rows = kk + second
                ssrc = plsc.load_gather(g_v, [rows, HF + lane8])
                sdst = plsc.load_gather(d_v, [rows, lane8])
                et = et_v[pl.ds(kk * H, 16)]
                z = ssrc + sdst + et
                attn = jnp.maximum(z, NEG_SLOPE * z)
                p = jnp.exp(attn - mvec)
                plsc.store_scatter(msg_v, [rows, HF + lane8], p)
                for hh in range(H):
                    p0 = jnp.take_along_axis(
                        p, jnp.full((16,), hh, jnp.int32), axis=0)
                    p1 = jnp.take_along_axis(
                        p, jnp.full((16,), H + hh, jnp.int32), axis=0)
                    msg_v[kk, pl.ds(hh * F, F)] = (
                        p0 * g_v[kk, pl.ds(hh * F, F)])
                    msg_v[kk + 1, pl.ds(hh * F, F)] = (
                        p1 * g_v[kk + 1, pl.ds(hh * F, F)])

            pltpu.sync_copy(msg_v, acc_sh.at[sidi_v.at[1]], add=True)

        plsc.subcore_barrier()
        pltpu.sync_copy(ei_hbm.at[0, pl.ds(ebase, K)], sidi0_v.at[0])
        pltpu.sync_copy(ei_hbm.at[1, pl.ds(ebase, K)], sidi0_v.at[1])
        issue_gathers(0, 0)
        issue_idx(1, 1)

        def _step(i, carry):
            for par in (0, 1):
                c = i * 2 + par
                wait_idx(1 - par)
                issue_gathers(c + 1, 1 - par)
                wait_gathers(par)
                compute(par)
                issue_idx(jnp.minimum(c + 2, nch - 1), par)
            return carry

        lax.fori_loop(0, (nch - 1) // 2, _step, 0)
        wait_idx(0)
        wait_gathers(0)
        compute(0)
        plsc.subcore_barrier()
        pltpu.sync_copy(acc_sh.at[pl.ds(r0, npt)],
                        acc_out.at[cid, pl.ds(r0, npt)])

    return sc_kernel


def _finalize_body(acc_ref, out_ref):
    a = acc_ref[0] + acc_ref[1]
    se = jnp.clip(a[:, HF:HF + H], 1e-12, None)
    acc = jnp.zeros_like(out_ref)
    for hh in range(H):
        acc = acc + a[:, hh * F:(hh + 1) * F] / se[:, hh:hh + 1]
    out_ref[...] = acc * (1.0 / H)


def kernel(h, edge_index, edge_feat, W_node, W_edge, a_src, a_dst):
    n, in_feats = h.shape
    e = edge_index.shape[1]
    assert a_src.shape == (H, F) and W_node.shape[1] == HF
    assert e % (NW * K) == 0
    n_pad = -(-n // 128) * 128
    h = jnp.pad(h, ((0, n_pad - n), (0, 0)))

    eye = jnp.eye(H, dtype=jnp.float32)
    a2 = jnp.concatenate(
        [(a_src[:, :, None] * eye[:, None, :]).reshape(HF, H),
         (a_dst[:, :, None] * eye[:, None, :]).reshape(HF, H)], axis=1)

    bn = n_pad // 8
    t_tab, sd_tab, m_node = pl.pallas_call(
        _prep_node_body,
        grid=(n_pad // bn,),
        in_specs=[
            pl.BlockSpec((bn, in_feats), lambda i: (i, 0)),
            pl.BlockSpec((in_feats, HF), lambda i: (0, 0)),
            pl.BlockSpec((HF, 2 * H), lambda i: (0, 0)),
        ],
        out_specs=[
            pl.BlockSpec((bn, ROW), lambda i: (i, 0)),
            pl.BlockSpec((bn, 16), lambda i: (i, 0)),
            pl.BlockSpec((1, 2 * H), lambda i: (0, 0)),
        ],
        out_shape=[
            jax.ShapeDtypeStruct((n_pad, ROW), jnp.float32),
            jax.ShapeDtypeStruct((n_pad, 16), jnp.float32),
            jax.ShapeDtypeStruct((1, 2 * H), jnp.float32),
        ],
    )(h, W_node, a2)

    be = 6400
    et_tab, m_et8 = pl.pallas_call(
        _prep_et_body,
        grid=(e // be,),
        in_specs=[pl.BlockSpec((be, 4), lambda i: (i, 0)),
                  pl.BlockSpec((4, H), lambda i: (0, 0))],
        out_specs=[pl.BlockSpec((be, H), lambda i: (i, 0)),
                   pl.BlockSpec((1, H), lambda i: (0, 0))],
        out_shape=[jax.ShapeDtypeStruct((e, H), jnp.float32),
                   jax.ShapeDtypeStruct((1, H), jnp.float32)],
    )(edge_feat, W_edge)
    m_et = m_et8[0]

    m8 = jnp.maximum(m_node[0, :H] + m_node[0, H:] + m_et, 0.0)
    m16 = jnp.concatenate([m8, m8])

    zeros = jnp.zeros((n_pad, ROW), jnp.float32)
    sc = _make_sc_kernel(n_pad, e)
    acc = sc(edge_index, t_tab, sd_tab, et_tab.reshape(-1), m16, zeros)

    out = pl.pallas_call(
        _finalize_body,
        grid=(n_pad // bn,),
        in_specs=[pl.BlockSpec((NUM_CORES, bn, ROW), lambda i: (0, i, 0))],
        out_specs=pl.BlockSpec((bn, F), lambda i: (i, 0)),
        out_shape=jax.ShapeDtypeStruct((n_pad, F), jnp.float32),
    )(acc)
    return out[:n]

# --- scband reference (transcript-rebuilt; emitter-appended) ---
"""Pipeline reference for scband-hpggatlayer-63402307223552 (READ-ONLY COPY).

The authoritative reference and input builder live on the scoring server;
editing this copy changes nothing except your own understanding.
"""

import jax, jax.numpy as jnp
import numpy as np

N = 10000
E = 320000
IN_FEATS = 128
OUT_FEATS = 16
EDGE_FEATS = 4
NUM_HEADS = 8


def _xavier(key, shape):
    fan_in, fan_out = shape[-2], shape[-1]
    limit = float(np.sqrt(6.0 / (fan_in + fan_out)))
    return jax.random.uniform(key, shape, dtype=jnp.float32, minval=-limit, maxval=limit)


def setup_inputs(seed: int = 0) -> dict:
    key = jax.random.key(seed)
    k1, k2, k3, k4, k5, k6, k7 = jax.random.split(key, 7)
    h = jax.random.normal(k1, (N, IN_FEATS), dtype=jnp.float32)
    edge_index = jax.random.randint(k2, (2, E), 0, N, dtype=jnp.int32)
    edge_feat = jax.random.normal(k3, (E, EDGE_FEATS), dtype=jnp.float32)
    # learned params (torch Linear weight [out,in] applied as x @ W.T; here stored as [in,out])
    W_node = _xavier(k4, (IN_FEATS, NUM_HEADS * OUT_FEATS))
    W_edge = _xavier(k5, (EDGE_FEATS, NUM_HEADS))
    a_src = _xavier(k6, (NUM_HEADS, OUT_FEATS))
    a_dst = _xavier(k7, (NUM_HEADS, OUT_FEATS))
    return {"h": h, "edge_index": edge_index, "edge_feat": edge_feat,
            "W_node": W_node, "W_edge": W_edge, "a_src": a_src, "a_dst": a_dst}


def reference(h, edge_index, edge_feat, W_node, W_edge, a_src, a_dst):
    src = edge_index[0]
    dst = edge_index[1]
    n = h.shape[0]
    h_trans = (h @ W_node).reshape(n, NUM_HEADS, OUT_FEATS)  # [N, H, F]
    e_trans = edge_feat @ W_edge  # [E, H]
    src_feat = h_trans[src]  # gather [E, H, F]
    dst_feat = h_trans[dst]  # gather [E, H, F]
    attn = (src_feat * a_src[None]).sum(-1) + (dst_feat * a_dst[None]).sum(-1) + e_trans  # [E, H]
    attn = jax.nn.leaky_relu(attn, negative_slope=0.2)
    # numerically stable edge softmax grouped by dst
    max_val = jax.ops.segment_max(attn, dst, num_segments=n)  # [N, H]
    attn_shifted = attn - max_val[dst]
    exp_attn = jnp.exp(attn_shifted)
    sum_exp = jax.ops.segment_sum(exp_attn, dst, num_segments=n)  # [N, H]
    alpha = exp_attn / jnp.clip(sum_exp[dst], 1e-12, None)  # [E, H]
    msg = src_feat * alpha[..., None]  # [E, H, F]
    out = jax.ops.segment_sum(msg, dst, num_segments=n)  # scatter-add [N, H, F]
    out = out.mean(axis=1)  # [N, F]
    return out

if __name__ == "__main__":
    import jax
    _d = setup_inputs()
    print(jax.jit(kernel)(*tuple(_d.values())))

</pallas_src>

<mosaic_0001>
#map = affine_map<(d0, d1) -> (0, 0)>
#map1 = affine_map<(d0, d1) -> (0)>
#map2 = affine_map<(d0, d1) -> (0, 0, 0)>
module attributes {stable_mosaic.version = 14 : i64} {
  func.func @sc_kernel(%arg0: i32, %arg1: i32, %arg2: memref<2x320000xi32, #tpu.memory_space<hbm>>, %arg3: memref<10112x144xf32, #tpu.memory_space<hbm>>, %arg4: memref<10112x16xf32, #tpu.memory_space<hbm>>, %arg5: memref<2560000xf32, #tpu.memory_space<hbm>>, %arg6: memref<16xf32, #tpu.memory_space<hbm>>, %arg7: memref<10112x144xf32, #tpu.memory_space<hbm>>, %arg8: memref<2x10112x144xf32, #tpu.memory_space<hbm>>, %arg9: memref<2x80xi32, #tpu.memory_space<vmem>>, %arg10: memref<2x80xi32, #tpu.memory_space<vmem>>, %arg11: memref<80x144xf32, #tpu.memory_space<vmem>>, %arg12: memref<80x144xf32, #tpu.memory_space<vmem>>, %arg13: memref<80x16xf32, #tpu.memory_space<vmem>>, %arg14: memref<80x16xf32, #tpu.memory_space<vmem>>, %arg15: memref<640xf32, #tpu.memory_space<vmem>>, %arg16: memref<640xf32, #tpu.memory_space<vmem>>, %arg17: memref<80x144xf32, #tpu.memory_space<vmem>>, %arg18: memref<16xf32, #tpu.memory_space<vmem>>, %arg19: memref<!tpu.dma_semaphore, #tpu.memory_space<semaphore_mem>>, %arg20: memref<!tpu.dma_semaphore, #tpu.memory_space<semaphore_mem>>, %arg21: memref<!tpu.dma_semaphore, #tpu.memory_space<semaphore_mem>>, %arg22: memref<10112x144xf32, #tpu.memory_space<vmem_shared>>) attributes {dimension_semantics = [#tpu.dimension_semantics<core_parallel>, #tpu.dimension_semantics<subcore_parallel>], iteration_bounds = array<i64: 2, 16>, scalar_prefetch = 0 : i64, scratch_operands = 14 : i64, tpu.core_type = #tpu.core_type<sc_vector_subcore>, window_params = [{transform_indices = #map}, {transform_indices = #map}, {transform_indices = #map}, {transform_indices = #map1}, {transform_indices = #map1}, {transform_indices = #map}, {transform_indices = #map2}]} {
    %mul3A = arith.constant 2 : i32
    %mul3A_0 = arith.muli %arg1, %mul3A : i32
    %add3A = arith.addi %mul3A_0, %arg0 : i32
    %mul3A_1 = arith.constant 10000 : i32
    %mul3A_2 = arith.muli %add3A, %mul3A_1 : i32
    %mul3A_3 = arith.constant 10000 : i32
    %mul3A_4 = arith.muli %add3A, %mul3A_3 : i32
    %mul3A_5 = arith.constant 8 : i32
    %mul3A_6 = arith.muli %mul3A_4, %mul3A_5 : i32
    %mul3A_7 = arith.constant 632 : i32
    %mul3A_8 = arith.muli %arg1, %mul3A_7 : i32
    "tpu.region"() ({
      %run_scoped3A_208 = tpu.sem_alloc : memref<!tpu.dma_semaphore, #tpu.memory_space<semaphore_mem>>
      %dma_start3A_209 = arith.constant 0 : i32
      %dma_start3A_210 = tpu.memref_slice %arg22[%mul3A_8, %dma_start3A_209] : memref<10112x144xf32, #tpu.memory_space<vmem_shared>> -> memref<632x144xf32, #tpu.memory_space<vmem_shared>>
      %dma_start3A_211 = arith.constant 0 : i32
      %dma_start3A_212 = tpu.memref_slice %arg7[%mul3A_8, %dma_start3A_211] : memref<10112x144xf32, #tpu.memory_space<hbm>> -> memref<632x144xf32, #tpu.memory_space<hbm>>
      tpu.enqueue_dma source(%dma_start3A_212 : memref<632x144xf32, #tpu.memory_space<hbm>>) target(%dma_start3A_210 : memref<632x144xf32, #tpu.memory_space<vmem_shared>>) target_semaphore(%run_scoped3A_208 : memref<!tpu.dma_semaphore, #tpu.memory_space<semaphore_mem>>)
      %dma_wait3A_213 = arith.constant 0 : i32
      %dma_wait3A_214 = tpu.memref_slice %arg22[%mul3A_8, %dma_wait3A_213] : memref<10112x144xf32, #tpu.memory_space<vmem_shared>> -> memref<632x144xf32, #tpu.memory_space<vmem_shared>>
      %dma_wait3A_215 = arith.constant 0 : i32
      %dma_wait3A_216 = tpu.memref_slice %arg7[%mul3A_8, %dma_wait3A_215] : memref<10112x144xf32, #tpu.memory_space<hbm>> -> memref<632x144xf32, #tpu.memory_space<hbm>>
      tpu.wait_dma2 semaphore(%run_scoped3A_208 : memref<!tpu.dma_semaphore, #tpu.memory_space<semaphore_mem>>) src(%dma_wait3A_216 : memref<632x144xf32, #tpu.memory_space<hbm>>) dst(%dma_wait3A_214 : memref<632x144xf32, #tpu.memory_space<vmem_shared>>)
      tpu.yield
    }) : () -> ()
    "tpu.region"() ({
      %run_scoped3A_208 = tpu.sem_alloc : memref<!tpu.dma_semaphore, #tpu.memory_space<semaphore_mem>>
      tpu.enqueue_dma source(%arg6 : memref<16xf32, #tpu.memory_space<hbm>>) target(%arg18 : memref<16xf32, #tpu.memory_space<vmem>>) target_semaphore(%run_scoped3A_208 : memref<!tpu.dma_semaphore, #tpu.memory_space<semaphore_mem>>)
      tpu.wait_dma2 semaphore(%run_scoped3A_208 : memref<!tpu.dma_semaphore, #tpu.memory_space<semaphore_mem>>) src(%arg6 : memref<16xf32, #tpu.memory_space<hbm>>) dst(%arg18 : memref<16xf32, #tpu.memory_space<vmem>>)
      tpu.yield
    }) : () -> ()
    %scan3A = arith.constant 0 : i32
    %scan3A_9 = arith.constant 0 : i32
    %scan3A_10 = arith.constant 80 : i32
    %scan3A_11 = arith.addi %scan3A_9, %scan3A_10 : i32
    %scan3A_12 = arith.constant 1 : i32
    scf.for %scan3A_208 = %scan3A_9 to %scan3A_11 step %scan3A_12  : i32 {
      %broadcast_in_dim3A_209 = arith.constant 0.000000e+00 : f32
      %broadcast_in_dim3A_210 = vector.broadcast %broadcast_in_dim3A_209 : f32 to vector<16xf32>
      %swap3A = arith.index_cast %scan3A_208 : i32 to index
      %swap3A_211 = arith.constant 128 : index
      %swap3A_212 = tpu.vector_load %arg17[%swap3A, %swap3A_211] {strides = array<i32>} : memref<80x144xf32, #tpu.memory_space<vmem>>, vector<16xf32>,
      tpu.vector_store %arg17[%swap3A, %swap3A_211], %broadcast_in_dim3A_210 {strides = array<i32>} : memref<80x144xf32, #tpu.memory_space<vmem>>, vector<16xf32>,
    }
    %scan3A_13 = arith.constant 80 : i32
    %get3A = arith.constant 0 : index
    %get3A_14 = tpu.vector_load %arg18[%get3A] {strides = array<i32>} : memref<16xf32, #tpu.memory_space<vmem>>, vector<16xf32>,
    %iota3A = tpu.iota {dimensions = array<i32: 0>} : vector<16xi32>
    %rem3A = arith.constant 8 : i32
    %rem3A_15 = vector.broadcast %rem3A : i32 to vector<16xi32>
    %rem3A_16 = arith.remsi %iota3A, %rem3A_15 : vector<16xi32>
    %ge3A = arith.constant 8 : i32
    %ge3A_17 = vector.broadcast %ge3A : i32 to vector<16xi32>
    %ge3A_18 = arith.cmpi sge, %iota3A, %ge3A_17 : vector<16xi32>
    %jit3A = arith.constant 1 : i32
    %jit3A_19 = arith.constant 0 : i32
    %broadcast_in_dim3A = vector.broadcast %jit3A : i32 to vector<16xi32>
    %broadcast_in_dim3A_20 = vector.broadcast %jit3A_19 : i32 to vector<16xi32>
    %select_n3A = arith.select %ge3A_18, %broadcast_in_dim3A, %broadcast_in_dim3A_20 : vector<16xi1>, vector<16xi32>
    %barrier3A = arith.constant 0 : index
    tpu.barrier barrier_id(%barrier3A)
    %run_scoped3A = arith.constant 0 : i32
    %run_scoped3A_21 = arith.constant 0 : i32
    "tpu.region"() ({
      %run_scoped3A_208 = tpu.sem_alloc : memref<!tpu.dma_semaphore, #tpu.memory_space<semaphore_mem>>
      %dma_start3A_209 = arith.constant 0 : i32
      %dma_start3A_210 = tpu.memref_slice %arg9[%run_scoped3A_21, %dma_start3A_209] : memref<2x80xi32, #tpu.memory_space<vmem>> -> memref<1x80xi32, #tpu.memory_space<vmem>>
      %dma_start3A_211 = tpu.memref_squeeze %dma_start3A_210 : memref<1x80xi32, #tpu.memory_space<vmem>> -> memref<80xi32, #tpu.memory_space<vmem>>
      %dma_start3A_212 = tpu.memref_slice %arg2[%run_scoped3A, %mul3A_2] : memref<2x320000xi32, #tpu.memory_space<hbm>> -> memref<1x80xi32, #tpu.memory_space<hbm>>
      %dma_start3A_213 = tpu.memref_squeeze %dma_start3A_212 : memref<1x80xi32, #tpu.memory_space<hbm>> -> memref<80xi32, #tpu.memory_space<hbm>>
      %dma_start3A_214 = arith.constant 0 : i32
      %dma_start3A_215 = tpu.memref_slice %arg9[%run_scoped3A_21, %dma_start3A_214] : memref<2x80xi32, #tpu.memory_space<vmem>> -> memref<1x80xi32, #tpu.memory_space<vmem>>
      %dma_start3A_216 = tpu.memref_squeeze %dma_start3A_215 : memref<1x80xi32, #tpu.memory_space<vmem>> -> memref<80xi32, #tpu.memory_space<vmem>>
      %dma_start3A_217 = tpu.memref_slice %arg2[%run_scoped3A, %mul3A_2] : memref<2x320000xi32, #tpu.memory_space<hbm>> -> memref<1x80xi32, #tpu.memory_space<hbm>>
      %dma_start3A_218 = tpu.memref_squeeze %dma_start3A_217 : memref<1x80xi32, #tpu.memory_space<hbm>> -> memref<80xi32, #tpu.memory_space<hbm>>
      tpu.enqueue_dma source(%dma_start3A_218 : memref<80xi32, #tpu.memory_space<hbm>>) target(%dma_start3A_216 : memref<80xi32, #tpu.memory_space<vmem>>) target_semaphore(%run_scoped3A_208 : memref<!tpu.dma_semaphore, #tpu.memory_space<semaphore_mem>>)
      %dma_wait3A_219 = arith.constant 0 : i32
      %dma_wait3A_220 = tpu.memref_slice %arg9[%run_scoped3A_21, %dma_wait3A_219] : memref<2x80xi32, #tpu.memory_space<vmem>> -> memref<1x80xi32, #tpu.memory_space<vmem>>
      %dma_wait3A_221 = tpu.memref_squeeze %dma_wait3A_220 : memref<1x80xi32, #tpu.memory_space<vmem>> -> memref<80xi32, #tpu.memory_space<vmem>>
      %dma_wait3A_222 = tpu.memref_slice %arg2[%run_scoped3A, %mul3A_2] : memref<2x320000xi32, #tpu.memory_space<hbm>> -> memref<1x80xi32, #tpu.memory_space<hbm>>
      %dma_wait3A_223 = tpu.memref_squeeze %dma_wait3A_222 : memref<1x80xi32, #tpu.memory_space<hbm>> -> memref<80xi32, #tpu.memory_space<hbm>>
      %dma_wait3A_224 = arith.constant 0 : i32
      %dma_wait3A_225 = tpu.memref_slice %arg9[%run_scoped3A_21, %dma_wait3A_224] : memref<2x80xi32, #tpu.memory_space<vmem>> -> memref<1x80xi32, #tpu.memory_space<vmem>>
      %dma_wait3A_226 = tpu.memref_squeeze %dma_wait3A_225 : memref<1x80xi32, #tpu.memory_space<vmem>> -> memref<80xi32, #tpu.memory_space<vmem>>
      %dma_wait3A_227 = tpu.memref_slice %arg2[%run_scoped3A, %mul3A_2] : memref<2x320000xi32, #tpu.memory_space<hbm>> -> memref<1x80xi32, #tpu.memory_space<hbm>>
      %dma_wait3A_228 = tpu.memref_squeeze %dma_wait3A_227 : memref<1x80xi32, #tpu.memory_space<hbm>> -> memref<80xi32, #tpu.memory_space<hbm>>
      tpu.wait_dma2 semaphore(%run_scoped3A_208 : memref<!tpu.dma_semaphore, #tpu.memory_space<semaphore_mem>>) src(%dma_wait3A_228 : memref<80xi32, #tpu.memory_space<hbm>>) dst(%dma_wait3A_226 : memref<80xi32, #tpu.memory_space<vmem>>)
      tpu.yield
    }) : () -> ()
    %run_scoped3A_22 = arith.constant 1 : i32
    %run_scoped3A_23 = arith.constant 1 : i32
    "tpu.region"() ({
      %run_scoped3A_208 = tpu.sem_alloc : memref<!tpu.dma_semaphore, #tpu.memory_space<semaphore_mem>>
      %dma_start3A_209 = arith.constant 0 : i32
      %dma_start3A_210 = tpu.memref_slice %arg9[%run_scoped3A_23, %dma_start3A_209] : memref<2x80xi32, #tpu.memory_space<vmem>> -> memref<1x80xi32, #tpu.memory_space<vmem>>
      %dma_start3A_211 = tpu.memref_squeeze %dma_start3A_210 : memref<1x80xi32, #tpu.memory_space<vmem>> -> memref<80xi32, #tpu.memory_space<vmem>>
      %dma_start3A_212 = tpu.memref_slice %arg2[%run_scoped3A_22, %mul3A_2] : memref<2x320000xi32, #tpu.memory_space<hbm>> -> memref<1x80xi32, #tpu.memory_space<hbm>>
      %dma_start3A_213 = tpu.memref_squeeze %dma_start3A_212 : memref<1x80xi32, #tpu.memory_space<hbm>> -> memref<80xi32, #tpu.memory_space<hbm>>
      %dma_start3A_214 = arith.constant 0 : i32
      %dma_start3A_215 = tpu.memref_slice %arg9[%run_scoped3A_23, %dma_start3A_214] : memref<2x80xi32, #tpu.memory_space<vmem>> -> memref<1x80xi32, #tpu.memory_space<vmem>>
      %dma_start3A_216 = tpu.memref_squeeze %dma_start3A_215 : memref<1x80xi32, #tpu.memory_space<vmem>> -> memref<80xi32, #tpu.memory_space<vmem>>
      %dma_start3A_217 = tpu.memref_slice %arg2[%run_scoped3A_22, %mul3A_2] : memref<2x320000xi32, #tpu.memory_space<hbm>> -> memref<1x80xi32, #tpu.memory_space<hbm>>
      %dma_start3A_218 = tpu.memref_squeeze %dma_start3A_217 : memref<1x80xi32, #tpu.memory_space<hbm>> -> memref<80xi32, #tpu.memory_space<hbm>>
      tpu.enqueue_dma source(%dma_start3A_218 : memref<80xi32, #tpu.memory_space<hbm>>) target(%dma_start3A_216 : memref<80xi32, #tpu.memory_space<vmem>>) target_semaphore(%run_scoped3A_208 : memref<!tpu.dma_semaphore, #tpu.memory_space<semaphore_mem>>)
      %dma_wait3A_219 = arith.constant 0 : i32
      %dma_wait3A_220 = tpu.memref_slice %arg9[%run_scoped3A_23, %dma_wait3A_219] : memref<2x80xi32, #tpu.memory_space<vmem>> -> memref<1x80xi32, #tpu.memory_space<vmem>>
      %dma_wait3A_221 = tpu.memref_squeeze %dma_wait3A_220 : memref<1x80xi32, #tpu.memory_space<vmem>> -> memref<80xi32, #tpu.memory_space<vmem>>
      %dma_wait3A_222 = tpu.memref_slice %arg2[%run_scoped3A_22, %mul3A_2] : memref<2x320000xi32, #tpu.memory_space<hbm>> -> memref<1x80xi32, #tpu.memory_space<hbm>>
      %dma_wait3A_223 = tpu.memref_squeeze %dma_wait3A_222 : memref<1x80xi32, #tpu.memory_space<hbm>> -> memref<80xi32, #tpu.memory_space<hbm>>
      %dma_wait3A_224 = arith.constant 0 : i32
      %dma_wait3A_225 = tpu.memref_slice %arg9[%run_scoped3A_23, %dma_wait3A_224] : memref<2x80xi32, #tpu.memory_space<vmem>> -> memref<1x80xi32, #tpu.memory_space<vmem>>
      %dma_wait3A_226 = tpu.memref_squeeze %dma_wait3A_225 : memref<1x80xi32, #tpu.memory_space<vmem>> -> memref<80xi32, #tpu.memory_space<vmem>>
      %dma_wait3A_227 = tpu.memref_slice %arg2[%run_scoped3A_22, %mul3A_2] : memref<2x320000xi32, #tpu.memory_space<hbm>> -> memref<1x80xi32, #tpu.memory_space<hbm>>
      %dma_wait3A_228 = tpu.memref_squeeze %dma_wait3A_227 : memref<1x80xi32, #tpu.memory_space<hbm>> -> memref<80xi32, #tpu.memory_space<hbm>>
      tpu.wait_dma2 semaphore(%run_scoped3A_208 : memref<!tpu.dma_semaphore, #tpu.memory_space<semaphore_mem>>) src(%dma_wait3A_228 : memref<80xi32, #tpu.memory_space<hbm>>) dst(%dma_wait3A_226 : memref<80xi32, #tpu.memory_space<vmem>>)
      tpu.yield
    }) : () -> ()
    %dma_start3A = arith.constant 0 : i32
    %dma_start3A_24 = arith.constant 0 : i32
    %dma_start3A_25 = arith.constant 0 : i32
    %dma_start3A_26 = tpu.memref_slice %arg11[%dma_start3A_24, %dma_start3A_25] : memref<80x144xf32, #tpu.memory_space<vmem>> -> memref<16x144xf32, #tpu.memory_space<vmem>>
    %dma_start3A_27 = arith.constant 0 : i32
    %dma_start3A_28 = tpu.memref_slice %arg9[%dma_start3A, %dma_start3A_27] : memref<2x80xi32, #tpu.memory_space<vmem>> -> memref<1x16xi32, #tpu.memory_space<vmem>>
    %dma_start3A_29 = tpu.memref_squeeze %dma_start3A_28 : memref<1x16xi32, #tpu.memory_space<vmem>> -> memref<16xi32, #tpu.memory_space<vmem>>
    %dma_start3A_30 = arith.constant 0 : i32
    %dma_start3A_31 = arith.constant 0 : i32
    %dma_start3A_32 = tpu.memref_slice %arg3[%dma_start3A_30, %dma_start3A_31] : memref<10112x144xf32, #tpu.memory_space<hbm>> -> memref<10112x144xf32, #tpu.memory_space<hbm>>
    tpu.enqueue_indirect_dma source(%dma_start3A_32 : memref<10112x144xf32, #tpu.memory_space<hbm>>) target(%dma_start3A_26 : memref<16x144xf32, #tpu.memory_space<vmem>>) offsets(%dma_start3A_29 : memref<16xi32, #tpu.memory_space<vmem>>) semaphore(%arg19 : memref<!tpu.dma_semaphore, #tpu.memory_space<semaphore_mem>>)
    %dma_start3A_33 = arith.constant 0 : i32
    %dma_start3A_34 = arith.constant 16 : i32
    %dma_start3A_35 = arith.constant 0 : i32
    %dma_start3A_36 = tpu.memref_slice %arg11[%dma_start3A_34, %dma_start3A_35] : memref<80x144xf32, #tpu.memory_space<vmem>> -> memref<16x144xf32, #tpu.memory_space<vmem>>
    %dma_start3A_37 = arith.constant 16 : i32
    %dma_start3A_38 = tpu.memref_slice %arg9[%dma_start3A_33, %dma_start3A_37] : memref<2x80xi32, #tpu.memory_space<vmem>> -> memref<1x16xi32, #tpu.memory_space<vmem>>
    %dma_start3A_39 = tpu.memref_squeeze %dma_start3A_38 : memref<1x16xi32, #tpu.memory_space<vmem>> -> memref<16xi32, #tpu.memory_space<vmem>>
    %dma_start3A_40 = arith.constant 0 : i32
    %dma_start3A_41 = arith.constant 0 : i32
    %dma_start3A_42 = tpu.memref_slice %arg3[%dma_start3A_40, %dma_start3A_41] : memref<10112x144xf32, #tpu.memory_space<hbm>> -> memref<10112x144xf32, #tpu.memory_space<hbm>>
    tpu.enqueue_indirect_dma source(%dma_start3A_42 : memref<10112x144xf32, #tpu.memory_space<hbm>>) target(%dma_start3A_36 : memref<16x144xf32, #tpu.memory_space<vmem>>) offsets(%dma_start3A_39 : memref<16xi32, #tpu.memory_space<vmem>>) semaphore(%arg19 : memref<!tpu.dma_semaphore, #tpu.memory_space<semaphore_mem>>)
    %dma_start3A_43 = arith.constant 0 : i32
    %dma_start3A_44 = arith.constant 32 : i32
    %dma_start3A_45 = arith.constant 0 : i32
    %dma_start3A_46 = tpu.memref_slice %arg11[%dma_start3A_44, %dma_start3A_45] : memref<80x144xf32, #tpu.memory_space<vmem>> -> memref<16x144xf32, #tpu.memory_space<vmem>>
    %dma_start3A_47 = arith.constant 32 : i32
    %dma_start3A_48 = tpu.memref_slice %arg9[%dma_start3A_43, %dma_start3A_47] : memref<2x80xi32, #tpu.memory_space<vmem>> -> memref<1x16xi32, #tpu.memory_space<vmem>>
    %dma_start3A_49 = tpu.memref_squeeze %dma_start3A_48 : memref<1x16xi32, #tpu.memory_space<vmem>> -> memref<16xi32, #tpu.memory_space<vmem>>
    %dma_start3A_50 = arith.constant 0 : i32
    %dma_start3A_51 = arith.constant 0 : i32
    %dma_start3A_52 = tpu.memref_slice %arg3[%dma_start3A_50, %dma_start3A_51] : memref<10112x144xf32, #tpu.memory_space<hbm>> -> memref<10112x144xf32, #tpu.memory_space<hbm>>
    tpu.enqueue_indirect_dma source(%dma_start3A_52 : memref<10112x144xf32, #tpu.memory_space<hbm>>) target(%dma_start3A_46 : memref<16x144xf32, #tpu.memory_space<vmem>>) offsets(%dma_start3A_49 : memref<16xi32, #tpu.memory_space<vmem>>) semaphore(%arg19 : memref<!tpu.dma_semaphore, #tpu.memory_space<semaphore_mem>>)
    %dma_start3A_53 = arith.constant 0 : i32
    %dma_start3A_54 = arith.constant 48 : i32
    %dma_start3A_55 = arith.constant 0 : i32
    %dma_start3A_56 = tpu.memref_slice %arg11[%dma_start3A_54, %dma_start3A_55] : memref<80x144xf32, #tpu.memory_space<vmem>> -> memref<16x144xf32, #tpu.memory_space<vmem>>
    %dma_start3A_57 = arith.constant 48 : i32
    %dma_start3A_58 = tpu.memref_slice %arg9[%dma_start3A_53, %dma_start3A_57] : memref<2x80xi32, #tpu.memory_space<vmem>> -> memref<1x16xi32, #tpu.memory_space<vmem>>
    %dma_start3A_59 = tpu.memref_squeeze %dma_start3A_58 : memref<1x16xi32, #tpu.memory_space<vmem>> -> memref<16xi32, #tpu.memory_space<vmem>>
    %dma_start3A_60 = arith.constant 0 : i32
    %dma_start3A_61 = arith.constant 0 : i32
    %dma_start3A_62 = tpu.memref_slice %arg3[%dma_start3A_60, %dma_start3A_61] : memref<10112x144xf32, #tpu.memory_space<hbm>> -> memref<10112x144xf32, #tpu.memory_space<hbm>>
    tpu.enqueue_indirect_dma source(%dma_start3A_62 : memref<10112x144xf32, #tpu.memory_space<hbm>>) target(%dma_start3A_56 : memref<16x144xf32, #tpu.memory_space<vmem>>) offsets(%dma_start3A_59 : memref<16xi32, #tpu.memory_space<vmem>>) semaphore(%arg19 : memref<!tpu.dma_semaphore, #tpu.memory_space<semaphore_mem>>)
    %dma_start3A_63 = arith.constant 0 : i32
    %dma_start3A_64 = arith.constant 64 : i32
    %dma_start3A_65 = arith.constant 0 : i32
    %dma_start3A_66 = tpu.memref_slice %arg11[%dma_start3A_64, %dma_start3A_65] : memref<80x144xf32, #tpu.memory_space<vmem>> -> memref<16x144xf32, #tpu.memory_space<vmem>>
    %dma_start3A_67 = arith.constant 64 : i32
    %dma_start3A_68 = tpu.memref_slice %arg9[%dma_start3A_63, %dma_start3A_67] : memref<2x80xi32, #tpu.memory_space<vmem>> -> memref<1x16xi32, #tpu.memory_space<vmem>>
    %dma_start3A_69 = tpu.memref_squeeze %dma_start3A_68 : memref<1x16xi32, #tpu.memory_space<vmem>> -> memref<16xi32, #tpu.memory_space<vmem>>
    %dma_start3A_70 = arith.constant 0 : i32
    %dma_start3A_71 = arith.constant 0 : i32
    %dma_start3A_72 = tpu.memref_slice %arg3[%dma_start3A_70, %dma_start3A_71] : memref<10112x144xf32, #tpu.memory_space<hbm>> -> memref<10112x144xf32, #tpu.memory_space<hbm>>
    tpu.enqueue_indirect_dma source(%dma_start3A_72 : memref<10112x144xf32, #tpu.memory_space<hbm>>) target(%dma_start3A_66 : memref<16x144xf32, #tpu.memory_space<vmem>>) offsets(%dma_start3A_69 : memref<16xi32, #tpu.memory_space<vmem>>) semaphore(%arg19 : memref<!tpu.dma_semaphore, #tpu.memory_space<semaphore_mem>>)
    %dma_start3A_73 = arith.constant 1 : i32
    %dma_start3A_74 = arith.constant 0 : i32
    %dma_start3A_75 = tpu.memref_slice %arg9[%dma_start3A_73, %dma_start3A_74] : memref<2x80xi32, #tpu.memory_space<vmem>> -> memref<1x80xi32, #tpu.memory_space<vmem>>
    %dma_start3A_76 = tpu.memref_squeeze %dma_start3A_75 : memref<1x80xi32, #tpu.memory_space<vmem>> -> memref<80xi32, #tpu.memory_space<vmem>>
    %dma_start3A_77 = arith.constant 0 : i32
    %dma_start3A_78 = arith.constant 0 : i32
    %dma_start3A_79 = tpu.memref_slice %arg4[%dma_start3A_77, %dma_start3A_78] : memref<10112x16xf32, #tpu.memory_space<hbm>> -> memref<10112x16xf32, #tpu.memory_space<hbm>>
    tpu.enqueue_indirect_dma source(%dma_start3A_79 : memref<10112x16xf32, #tpu.memory_space<hbm>>) target(%arg13 : memref<80x16xf32, #tpu.memory_space<vmem>>) offsets(%dma_start3A_76 : memref<80xi32, #tpu.memory_space<vmem>>) semaphore(%arg19 : memref<!tpu.dma_semaphore, #tpu.memory_space<semaphore_mem>>)
    %add3A_80 = arith.constant 0 : i32
    %add3A_81 = arith.addi %mul3A_6, %add3A_80 : i32
    %dma_start3A_82 = tpu.memref_slice %arg5[%add3A_81] : memref<2560000xf32, #tpu.memory_space<hbm>> -> memref<640xf32, #tpu.memory_space<hbm>>
    %dma_start3A_83 = tpu.memref_slice %arg5[%add3A_81] : memref<2560000xf32, #tpu.memory_space<hbm>> -> memref<640xf32, #tpu.memory_space<hbm>>
    tpu.enqueue_dma source(%dma_start3A_83 : memref<640xf32, #tpu.memory_space<hbm>>) target(%arg15 : memref<640xf32, #tpu.memory_space<vmem>>) target_semaphore(%arg19 : memref<!tpu.dma_semaphore, #tpu.memory_space<semaphore_mem>>)
    %add3A_84 = arith.constant 80 : i32
    %add3A_85 = arith.addi %mul3A_2, %add3A_84 : i32
    %dma_start3A_86 = arith.constant 0 : i32
    %dma_start3A_87 = arith.constant 0 : i32
    %dma_start3A_88 = arith.constant 0 : i32
    %dma_start3A_89 = tpu.memref_slice %arg10[%dma_start3A_87, %dma_start3A_88] : memref<2x80xi32, #tpu.memory_space<vmem>> -> memref<1x80xi32, #tpu.memory_space<vmem>>
    %dma_start3A_90 = tpu.memref_squeeze %dma_start3A_89 : memref<1x80xi32, #tpu.memory_space<vmem>> -> memref<80xi32, #tpu.memory_space<vmem>>
    %dma_start3A_91 = tpu.memref_slice %arg2[%dma_start3A_86, %add3A_85] : memref<2x320000xi32, #tpu.memory_space<hbm>> -> memref<1x80xi32, #tpu.memory_space<hbm>>
    %dma_start3A_92 = tpu.memref_squeeze %dma_start3A_91 : memref<1x80xi32, #tpu.memory_space<hbm>> -> memref<80xi32, #tpu.memory_space<hbm>>
    %dma_start3A_93 = arith.constant 0 : i32
    %dma_start3A_94 = tpu.memref_slice %arg10[%dma_start3A_87, %dma_start3A_93] : memref<2x80xi32, #tpu.memory_space<vmem>> -> memref<1x80xi32, #tpu.memory_space<vmem>>
    %dma_start3A_95 = tpu.memref_squeeze %dma_start3A_94 : memref<1x80xi32, #tpu.memory_space<vmem>> -> memref<80xi32, #tpu.memory_space<vmem>>
    %dma_start3A_96 = tpu.memref_slice %arg2[%dma_start3A_86, %add3A_85] : memref<2x320000xi32, #tpu.memory_space<hbm>> -> memref<1x80xi32, #tpu.memory_space<hbm>>
    %dma_start3A_97 = tpu.memref_squeeze %dma_start3A_96 : memref<1x80xi32, #tpu.memory_space<hbm>> -> memref<80xi32, #tpu.memory_space<hbm>>
    tpu.enqueue_dma source(%dma_start3A_97 : memref<80xi32, #tpu.memory_space<hbm>>) target(%dma_start3A_95 : memref<80xi32, #tpu.memory_space<vmem>>) target_semaphore(%arg21 : memref<!tpu.dma_semaphore, #tpu.memory_space<semaphore_mem>>)
    %dma_start3A_98 = arith.constant 1 : i32
    %dma_start3A_99 = arith.constant 1 : i32
    %dma_start3A_100 = arith.constant 0 : i32
    %dma_start3A_101 = tpu.memref_slice %arg10[%dma_start3A_99, %dma_start3A_100] : memref<2x80xi32, #tpu.memory_space<vmem>> -> memref<1x80xi32, #tpu.memory_space<vmem>>
    %dma_start3A_102 = tpu.memref_squeeze %dma_start3A_101 : memref<1x80xi32, #tpu.memory_space<vmem>> -> memref<80xi32, #tpu.memory_space<vmem>>
    %dma_start3A_103 = tpu.memref_slice %arg2[%dma_start3A_98, %add3A_85] : memref<2x320000xi32, #tpu.memory_space<hbm>> -> memref<1x80xi32, #tpu.memory_space<hbm>>
    %dma_start3A_104 = tpu.memref_squeeze %dma_start3A_103 : memref<1x80xi32, #tpu.memory_space<hbm>> -> memref<80xi32, #tpu.memory_space<hbm>>
    %dma_start3A_105 = arith.constant 0 : i32
    %dma_start3A_106 = tpu.memref_slice %arg10[%dma_start3A_99, %dma_start3A_105] : memref<2x80xi32, #tpu.memory_space<vmem>> -> memref<1x80xi32, #tpu.memory_space<vmem>>
    %dma_start3A_107 = tpu.memref_squeeze %dma_start3A_106 : memref<1x80xi32, #tpu.memory_space<vmem>> -> memref<80xi32, #tpu.memory_space<vmem>>
    %dma_start3A_108 = tpu.memref_slice %arg2[%dma_start3A_98, %add3A_85] : memref<2x320000xi32, #tpu.memory_space<hbm>> -> memref<1x80xi32, #tpu.memory_space<hbm>>
    %dma_start3A_109 = tpu.memref_squeeze %dma_start3A_108 : memref<1x80xi32, #tpu.memory_space<hbm>> -> memref<80xi32, #tpu.memory_space<hbm>>
    tpu.enqueue_dma source(%dma_start3A_109 : memref<80xi32, #tpu.memory_space<hbm>>) target(%dma_start3A_107 : memref<80xi32, #tpu.memory_space<vmem>>) target_semaphore(%arg21 : memref<!tpu.dma_semaphore, #tpu.memory_space<semaphore_mem>>)
    %scan3A_110 = arith.constant 0 : i32
    %scan3A_111 = arith.constant 0 : i32
    %scan3A_112 = arith.constant 62 : i32
    %scan3A_113 = arith.addi %scan3A_111, %scan3A_112 : i32
    %scan3A_114 = arith.constant 1 : i32
    scf.for %scan3A_208 = %scan3A_111 to %scan3A_113 step %scan3A_114  : i32 {
      %mul3A_209 = arith.constant 2 : i32
      %mul3A_210 = arith.muli %scan3A_208, %mul3A_209 : i32
      %add3A_211 = arith.constant 0 : i32
      %add3A_212 = arith.addi %mul3A_210, %add3A_211 : i32
      %dma_wait3A_213 = arith.constant 0 : i32
      %dma_wait3A_214 = arith.constant 0 : i32
      %dma_wait3A_215 = arith.constant 0 : i32
      %dma_wait3A_216 = tpu.memref_slice %arg10[%dma_wait3A_214, %dma_wait3A_215] : memref<2x80xi32, #tpu.memory_space<vmem>> -> memref<1x80xi32, #tpu.memory_space<vmem>>
      %dma_wait3A_217 = tpu.memref_squeeze %dma_wait3A_216 : memref<1x80xi32, #tpu.memory_space<vmem>> -> memref<80xi32, #tpu.memory_space<vmem>>
      %dma_wait3A_218 = arith.constant 0 : i32
      %dma_wait3A_219 = tpu.memref_slice %arg2[%dma_wait3A_213, %dma_wait3A_218] : memref<2x320000xi32, #tpu.memory_space<hbm>> -> memref<1x80xi32, #tpu.memory_space<hbm>>
      %dma_wait3A_220 = tpu.memref_squeeze %dma_wait3A_219 : memref<1x80xi32, #tpu.memory_space<hbm>> -> memref<80xi32, #tpu.memory_space<hbm>>
      %dma_wait3A_221 = arith.constant 0 : i32
      %dma_wait3A_222 = tpu.memref_slice %arg10[%dma_wait3A_214, %dma_wait3A_221] : memref<2x80xi32, #tpu.memory_space<vmem>> -> memref<1x80xi32, #tpu.memory_space<vmem>>
      %dma_wait3A_223 = tpu.memref_squeeze %dma_wait3A_222 : memref<1x80xi32, #tpu.memory_space<vmem>> -> memref<80xi32, #tpu.memory_space<vmem>>
      %dma_wait3A_224 = arith.constant 0 : i32
      %dma_wait3A_225 = tpu.memref_slice %arg2[%dma_wait3A_213, %dma_wait3A_224] : memref<2x320000xi32, #tpu.memory_space<hbm>> -> memref<1x80xi32, #tpu.memory_space<hbm>>
      %dma_wait3A_226 = tpu.memref_squeeze %dma_wait3A_225 : memref<1x80xi32, #tpu.memory_space<hbm>> -> memref<80xi32, #tpu.memory_space<hbm>>
      tpu.wait_dma2 semaphore(%arg21 : memref<!tpu.dma_semaphore, #tpu.memory_space<semaphore_mem>>) src(%dma_wait3A_226 : memref<80xi32, #tpu.memory_space<hbm>>) dst(%dma_wait3A_223 : memref<80xi32, #tpu.memory_space<vmem>>)
      %dma_wait3A_227 = arith.constant 1 : i32
      %dma_wait3A_228 = arith.constant 1 : i32
      %dma_wait3A_229 = arith.constant 0 : i32
      %dma_wait3A_230 = tpu.memref_slice %arg10[%dma_wait3A_228, %dma_wait3A_229] : memref<2x80xi32, #tpu.memory_space<vmem>> -> memref<1x80xi32, #tpu.memory_space<vmem>>
      %dma_wait3A_231 = tpu.memref_squeeze %dma_wait3A_230 : memref<1x80xi32, #tpu.memory_space<vmem>> -> memref<80xi32, #tpu.memory_space<vmem>>
      %dma_wait3A_232 = arith.constant 0 : i32
      %dma_wait3A_233 = tpu.memref_slice %arg2[%dma_wait3A_227, %dma_wait3A_232] : memref<2x320000xi32, #tpu.memory_space<hbm>> -> memref<1x80xi32, #tpu.memory_space<hbm>>
      %dma_wait3A_234 = tpu.memref_squeeze %dma_wait3A_233 : memref<1x80xi32, #tpu.memory_space<hbm>> -> memref<80xi32, #tpu.memory_space<hbm>>
      %dma_wait3A_235 = arith.constant 0 : i32
      %dma_wait3A_236 = tpu.memref_slice %arg10[%dma_wait3A_228, %dma_wait3A_235] : memref<2x80xi32, #tpu.memory_space<vmem>> -> memref<1x80xi32, #tpu.memory_space<vmem>>
      %dma_wait3A_237 = tpu.memref_squeeze %dma_wait3A_236 : memref<1x80xi32, #tpu.memory_space<vmem>> -> memref<80xi32, #tpu.memory_space<vmem>>
      %dma_wait3A_238 = arith.constant 0 : i32
      %dma_wait3A_239 = tpu.memref_slice %arg2[%dma_wait3A_227, %dma_wait3A_238] : memref<2x320000xi32, #tpu.memory_space<hbm>> -> memref<1x80xi32, #tpu.memory_space<hbm>>
      %dma_wait3A_240 = tpu.memref_squeeze %dma_wait3A_239 : memref<1x80xi32, #tpu.memory_space<hbm>> -> memref<80xi32, #tpu.memory_space<hbm>>
      tpu.wait_dma2 semaphore(%arg21 : memref<!tpu.dma_semaphore, #tpu.memory_space<semaphore_mem>>) src(%dma_wait3A_240 : memref<80xi32, #tpu.memory_space<hbm>>) dst(%dma_wait3A_237 : memref<80xi32, #tpu.memory_space<vmem>>)
      %add3A_241 = arith.constant 1 : i32
      %add3A_242 = arith.addi %add3A_212, %add3A_241 : i32
      %dma_start3A_243 = arith.constant 0 : i32
      %dma_start3A_244 = arith.constant 0 : i32
      %dma_start3A_245 = arith.constant 0 : i32
      %dma_start3A_246 = tpu.memref_slice %arg12[%dma_start3A_244, %dma_start3A_245] : memref<80x144xf32, #tpu.memory_space<vmem>> -> memref<16x144xf32, #tpu.memory_space<vmem>>
      %dma_start3A_247 = arith.constant 0 : i32
      %dma_start3A_248 = tpu.memref_slice %arg10[%dma_start3A_243, %dma_start3A_247] : memref<2x80xi32, #tpu.memory_space<vmem>> -> memref<1x16xi32, #tpu.memory_space<vmem>>
      %dma_start3A_249 = tpu.memref_squeeze %dma_start3A_248 : memref<1x16xi32, #tpu.memory_space<vmem>> -> memref<16xi32, #tpu.memory_space<vmem>>
      %dma_start3A_250 = arith.constant 0 : i32
      %dma_start3A_251 = arith.constant 0 : i32
      %dma_start3A_252 = tpu.memref_slice %arg3[%dma_start3A_250, %dma_start3A_251] : memref<10112x144xf32, #tpu.memory_space<hbm>> -> memref<10112x144xf32, #tpu.memory_space<hbm>>
      tpu.enqueue_indirect_dma source(%dma_start3A_252 : memref<10112x144xf32, #tpu.memory_space<hbm>>) target(%dma_start3A_246 : memref<16x144xf32, #tpu.memory_space<vmem>>) offsets(%dma_start3A_249 : memref<16xi32, #tpu.memory_space<vmem>>) semaphore(%arg20 : memref<!tpu.dma_semaphore, #tpu.memory_space<semaphore_mem>>)
      %dma_start3A_253 = arith.constant 0 : i32
      %dma_start3A_254 = arith.constant 16 : i32
      %dma_start3A_255 = arith.constant 0 : i32
      %dma_start3A_256 = tpu.memref_slice %arg12[%dma_start3A_254, %dma_start3A_255] : memref<80x144xf32, #tpu.memory_space<vmem>> -> memref<16x144xf32, #tpu.memory_space<vmem>>
      %dma_start3A_257 = arith.constant 16 : i32
      %dma_start3A_258 = tpu.memref_slice %arg10[%dma_start3A_253, %dma_start3A_257] : memref<2x80xi32, #tpu.memory_space<vmem>> -> memref<1x16xi32, #tpu.memory_space<vmem>>
      %dma_start3A_259 = tpu.memref_squeeze %dma_start3A_258 : memref<1x16xi32, #tpu.memory_space<vmem>> -> memref<16xi32, #tpu.memory_space<vmem>>
      %dma_start3A_260 = arith.constant 0 : i32
      %dma_start3A_261 = arith.constant 0 : i32
      %dma_start3A_262 = tpu.memref_slice %arg3[%dma_start3A_260, %dma_start3A_261] : memref<10112x144xf32, #tpu.memory_space<hbm>> -> memref<10112x144xf32, #tpu.memory_space<hbm>>
      tpu.enqueue_indirect_dma source(%dma_start3A_262 : memref<10112x144xf32, #tpu.memory_space<hbm>>) target(%dma_start3A_256 : memref<16x144xf32, #tpu.memory_space<vmem>>) offsets(%dma_start3A_259 : memref<16xi32, #tpu.memory_space<vmem>>) semaphore(%arg20 : memref<!tpu.dma_semaphore, #tpu.memory_space<semaphore_mem>>)
      %dma_start3A_263 = arith.constant 0 : i32
      %dma_start3A_264 = arith.constant 32 : i32
      %dma_start3A_265 = arith.constant 0 : i32
      %dma_start3A_266 = tpu.memref_slice %arg12[%dma_start3A_264, %dma_start3A_265] : memref<80x144xf32, #tpu.memory_space<vmem>> -> memref<16x144xf32, #tpu.memory_space<vmem>>
      %dma_start3A_267 = arith.constant 32 : i32
      %dma_start3A_268 = tpu.memref_slice %arg10[%dma_start3A_263, %dma_start3A_267] : memref<2x80xi32, #tpu.memory_space<vmem>> -> memref<1x16xi32, #tpu.memory_space<vmem>>
      %dma_start3A_269 = tpu.memref_squeeze %dma_start3A_268 : memref<1x16xi32, #tpu.memory_space<vmem>> -> memref<16xi32, #tpu.memory_space<vmem>>
      %dma_start3A_270 = arith.constant 0 : i32
      %dma_start3A_271 = arith.constant 0 : i32
      %dma_start3A_272 = tpu.memref_slice %arg3[%dma_start3A_270, %dma_start3A_271] : memref<10112x144xf32, #tpu.memory_space<hbm>> -> memref<10112x144xf32, #tpu.memory_space<hbm>>
      tpu.enqueue_indirect_dma source(%dma_start3A_272 : memref<10112x144xf32, #tpu.memory_space<hbm>>) target(%dma_start3A_266 : memref<16x144xf32, #tpu.memory_space<vmem>>) offsets(%dma_start3A_269 : memref<16xi32, #tpu.memory_space<vmem>>) semaphore(%arg20 : memref<!tpu.dma_semaphore, #tpu.memory_space<semaphore_mem>>)
      %dma_start3A_273 = arith.constant 0 : i32
      %dma_start3A_274 = arith.constant 48 : i32
      %dma_start3A_275 = arith.constant 0 : i32
      %dma_start3A_276 = tpu.memref_slice %arg12[%dma_start3A_274, %dma_start3A_275] : memref<80x144xf32, #tpu.memory_space<vmem>> -> memref<16x144xf32, #tpu.memory_space<vmem>>
      %dma_start3A_277 = arith.constant 48 : i32
      %dma_start3A_278 = tpu.memref_slice %arg10[%dma_start3A_273, %dma_start3A_277] : memref<2x80xi32, #tpu.memory_space<vmem>> -> memref<1x16xi32, #tpu.memory_space<vmem>>
      %dma_start3A_279 = tpu.memref_squeeze %dma_start3A_278 : memref<1x16xi32, #tpu.memory_space<vmem>> -> memref<16xi32, #tpu.memory_space<vmem>>
      %dma_start3A_280 = arith.constant 0 : i32
      %dma_start3A_281 = arith.constant 0 : i32
      %dma_start3A_282 = tpu.memref_slice %arg3[%dma_start3A_280, %dma_start3A_281] : memref<10112x144xf32, #tpu.memory_space<hbm>> -> memref<10112x144xf32, #tpu.memory_space<hbm>>
      tpu.enqueue_indirect_dma source(%dma_start3A_282 : memref<10112x144xf32, #tpu.memory_space<hbm>>) target(%dma_start3A_276 : memref<16x144xf32, #tpu.memory_space<vmem>>) offsets(%dma_start3A_279 : memref<16xi32, #tpu.memory_space<vmem>>) semaphore(%arg20 : memref<!tpu.dma_semaphore, #tpu.memory_space<semaphore_mem>>)
      %dma_start3A_283 = arith.constant 0 : i32
      %dma_start3A_284 = arith.constant 64 : i32
      %dma_start3A_285 = arith.constant 0 : i32
      %dma_start3A_286 = tpu.memref_slice %arg12[%dma_start3A_284, %dma_start3A_285] : memref<80x144xf32, #tpu.memory_space<vmem>> -> memref<16x144xf32, #tpu.memory_space<vmem>>
      %dma_start3A_287 = arith.constant 64 : i32
      %dma_start3A_288 = tpu.memref_slice %arg10[%dma_start3A_283, %dma_start3A_287] : memref<2x80xi32, #tpu.memory_space<vmem>> -> memref<1x16xi32, #tpu.memory_space<vmem>>
      %dma_start3A_289 = tpu.memref_squeeze %dma_start3A_288 : memref<1x16xi32, #tpu.memory_space<vmem>> -> memref<16xi32, #tpu.memory_space<vmem>>
      %dma_start3A_290 = arith.constant 0 : i32
      %dma_start3A_291 = arith.constant 0 : i32
      %dma_start3A_292 = tpu.memref_slice %arg3[%dma_start3A_290, %dma_start3A_291] : memref<10112x144xf32, #tpu.memory_space<hbm>> -> memref<10112x144xf32, #tpu.memory_space<hbm>>
      tpu.enqueue_indirect_dma source(%dma_start3A_292 : memref<10112x144xf32, #tpu.memory_space<hbm>>) target(%dma_start3A_286 : memref<16x144xf32, #tpu.memory_space<vmem>>) offsets(%dma_start3A_289 : memref<16xi32, #tpu.memory_space<vmem>>) semaphore(%arg20 : memref<!tpu.dma_semaphore, #tpu.memory_space<semaphore_mem>>)
      %dma_start3A_293 = arith.constant 1 : i32
      %dma_start3A_294 = arith.constant 0 : i32
      %dma_start3A_295 = tpu.memref_slice %arg10[%dma_start3A_293, %dma_start3A_294] : memref<2x80xi32, #tpu.memory_space<vmem>> -> memref<1x80xi32, #tpu.memory_space<vmem>>
      %dma_start3A_296 = tpu.memref_squeeze %dma_start3A_295 : memref<1x80xi32, #tpu.memory_space<vmem>> -> memref<80xi32, #tpu.memory_space<vmem>>
      %dma_start3A_297 = arith.constant 0 : i32
      %dma_start3A_298 = arith.constant 0 : i32
      %dma_start3A_299 = tpu.memref_slice %arg4[%dma_start3A_297, %dma_start3A_298] : memref<10112x16xf32, #tpu.memory_space<hbm>> -> memref<10112x16xf32, #tpu.memory_space<hbm>>
      tpu.enqueue_indirect_dma source(%dma_start3A_299 : memref<10112x16xf32, #tpu.memory_space<hbm>>) target(%arg14 : memref<80x16xf32, #tpu.memory_space<vmem>>) offsets(%dma_start3A_296 : memref<80xi32, #tpu.memory_space<vmem>>) semaphore(%arg20 : memref<!tpu.dma_semaphore, #tpu.memory_space<semaphore_mem>>)
      %mul3A_300 = arith.constant 640 : i32
      %mul3A_301 = arith.muli %add3A_242, %mul3A_300 : i32
      %add3A_302 = arith.addi %mul3A_6, %mul3A_301 : i32
      %dma_start3A_303 = tpu.memref_slice %arg5[%add3A_302] : memref<2560000xf32, #tpu.memory_space<hbm>> -> memref<640xf32, #tpu.memory_space<hbm>>
      %dma_start3A_304 = tpu.memref_slice %arg5[%add3A_302] : memref<2560000xf32, #tpu.memory_space<hbm>> -> memref<640xf32, #tpu.memory_space<hbm>>
      tpu.enqueue_dma source(%dma_start3A_304 : memref<640xf32, #tpu.memory_space<hbm>>) target(%arg16 : memref<640xf32, #tpu.memory_space<vmem>>) target_semaphore(%arg20 : memref<!tpu.dma_semaphore, #tpu.memory_space<semaphore_mem>>)
      %dma_wait3A_305 = arith.constant 0 : i32
      %dma_wait3A_306 = arith.constant 0 : i32
      %dma_wait3A_307 = arith.constant 0 : i32
      %dma_wait3A_308 = tpu.memref_slice %arg11[%dma_wait3A_306, %dma_wait3A_307] : memref<80x144xf32, #tpu.memory_space<vmem>> -> memref<16x144xf32, #tpu.memory_space<vmem>>
      %dma_wait3A_309 = arith.constant 0 : i32
      %dma_wait3A_310 = tpu.memref_slice %arg9[%dma_wait3A_305, %dma_wait3A_309] : memref<2x80xi32, #tpu.memory_space<vmem>> -> memref<1x16xi32, #tpu.memory_space<vmem>>
      %dma_wait3A_311 = tpu.memref_squeeze %dma_wait3A_310 : memref<1x16xi32, #tpu.memory_space<vmem>> -> memref<16xi32, #tpu.memory_space<vmem>>
      %dma_wait3A_312 = arith.constant 0 : i32
      %dma_wait3A_313 = arith.constant 0 : i32
      %dma_wait3A_314 = tpu.memref_slice %arg3[%dma_wait3A_312, %dma_wait3A_313] : memref<10112x144xf32, #tpu.memory_space<hbm>> -> memref<10112x144xf32, #tpu.memory_space<hbm>>
      tpu.wait_indirect_dma semaphore(%arg19 : memref<!tpu.dma_semaphore, #tpu.memory_space<semaphore_mem>>) src(%dma_wait3A_314 : memref<10112x144xf32, #tpu.memory_space<hbm>>) dst(%dma_wait3A_308 : memref<16x144xf32, #tpu.memory_space<vmem>>)
      %dma_wait3A_315 = arith.constant 0 : i32
      %dma_wait3A_316 = arith.constant 16 : i32
      %dma_wait3A_317 = arith.constant 0 : i32
      %dma_wait3A_318 = tpu.memref_slice %arg11[%dma_wait3A_316, %dma_wait3A_317] : memref<80x144xf32, #tpu.memory_space<vmem>> -> memref<16x144xf32, #tpu.memory_space<vmem>>
      %dma_wait3A_319 = arith.constant 16 : i32
      %dma_wait3A_320 = tpu.memref_slice %arg9[%dma_wait3A_315, %dma_wait3A_319] : memref<2x80xi32, #tpu.memory_space<vmem>> -> memref<1x16xi32, #tpu.memory_space<vmem>>
      %dma_wait3A_321 = tpu.memref_squeeze %dma_wait3A_320 : memref<1x16xi32, #tpu.memory_space<vmem>> -> memref<16xi32, #tpu.memory_space<vmem>>
      %dma_wait3A_322 = arith.constant 0 : i32
      %dma_wait3A_323 = arith.constant 0 : i32
      %dma_wait3A_324 = tpu.memref_slice %arg3[%dma_wait3A_322, %dma_wait3A_323] : memref<10112x144xf32, #tpu.memory_space<hbm>> -> memref<10112x144xf32, #tpu.memory_space<hbm>>
      tpu.wait_indirect_dma semaphore(%arg19 : memref<!tpu.dma_semaphore, #tpu.memory_space<semaphore_mem>>) src(%dma_wait3A_324 : memref<10112x144xf32, #tpu.memory_space<hbm>>) dst(%dma_wait3A_318 : memref<16x144xf32, #tpu.memory_space<vmem>>)
      %dma_wait3A_325 = arith.constant 0 : i32
      %dma_wait3A_326 = arith.constant 32 : i32
      %dma_wait3A_327 = arith.constant 0 : i32
      %dma_wait3A_328 = tpu.memref_slice %arg11[%dma_wait3A_326, %dma_wait3A_327] : memref<80x144xf32, #tpu.memory_space<vmem>> -> memref<16x144xf32, #tpu.memory_space<vmem>>
      %dma_wait3A_329 = arith.constant 32 : i32
      %dma_wait3A_330 = tpu.memref_slice %arg9[%dma_wait3A_325, %dma_wait3A_329] : memref<2x80xi32, #tpu.memory_space<vmem>> -> memref<1x16xi32, #tpu.memory_space<vmem>>
      %dma_wait3A_331 = tpu.memref_squeeze %dma_wait3A_330 : memref<1x16xi32, #tpu.memory_space<vmem>> -> memref<16xi32, #tpu.memory_space<vmem>>
      %dma_wait3A_332 = arith.constant 0 : i32
      %dma_wait3A_333 = arith.constant 0 : i32
      %dma_wait3A_334 = tpu.memref_slice %arg3[%dma_wait3A_332, %dma_wait3A_333] : memref<10112x144xf32, #tpu.memory_space<hbm>> -> memref<10112x144xf32, #tpu.memory_space<hbm>>
      tpu.wait_indirect_dma semaphore(%arg19 : memref<!tpu.dma_semaphore, #tpu.memory_space<semaphore_mem>>) src(%dma_wait3A_334 : memref<10112x144xf32, #tpu.memory_space<hbm>>) dst(%dma_wait3A_328 : memref<16x144xf32, #tpu.memory_space<vmem>>)
      %dma_wait3A_335 = arith.constant 0 : i32
      %dma_wait3A_336 = arith.constant 48 : i32
      %dma_wait3A_337 = arith.constant 0 : i32
      %dma_wait3A_338 = tpu.memref_slice %arg11[%dma_wait3A_336, %dma_wait3A_337] : memref<80x144xf32, #tpu.memory_space<vmem>> -> memref<16x144xf32, #tpu.memory_space<vmem>>
      %dma_wait3A_339 = arith.constant 48 : i32
      %dma_wait3A_340 = tpu.memref_slice %arg9[%dma_wait3A_335, %dma_wait3A_339] : memref<2x80xi32, #tpu.memory_space<vmem>> -> memref<1x16xi32, #tpu.memory_space<vmem>>
      %dma_wait3A_341 = tpu.memref_squeeze %dma_wait3A_340 : memref<1x16xi32, #tpu.memory_space<vmem>> -> memref<16xi32, #tpu.memory_space<vmem>>
      %dma_wait3A_342 = arith.constant 0 : i32
      %dma_wait3A_343 = arith.constant 0 : i32
      %dma_wait3A_344 = tpu.memref_slice %arg3[%dma_wait3A_342, %dma_wait3A_343] : memref<10112x144xf32, #tpu.memory_space<hbm>> -> memref<10112x144xf32, #tpu.memory_space<hbm>>
      tpu.wait_indirect_dma semaphore(%arg19 : memref<!tpu.dma_semaphore, #tpu.memory_space<semaphore_mem>>) src(%dma_wait3A_344 : memref<10112x144xf32, #tpu.memory_space<hbm>>) dst(%dma_wait3A_338 : memref<16x144xf32, #tpu.memory_space<vmem>>)
      %dma_wait3A_345 = arith.constant 0 : i32
      %dma_wait3A_346 = arith.constant 64 : i32
      %dma_wait3A_347 = arith.constant 0 : i32
      %dma_wait3A_348 = tpu.memref_slice %arg11[%dma_wait3A_346, %dma_wait3A_347] : memref<80x144xf32, #tpu.memory_space<vmem>> -> memref<16x144xf32, #tpu.memory_space<vmem>>
      %dma_wait3A_349 = arith.constant 64 : i32
      %dma_wait3A_350 = tpu.memref_slice %arg9[%dma_wait3A_345, %dma_wait3A_349] : memref<2x80xi32, #tpu.memory_space<vmem>> -> memref<1x16xi32, #tpu.memory_space<vmem>>
      %dma_wait3A_351 = tpu.memref_squeeze %dma_wait3A_350 : memref<1x16xi32, #tpu.memory_space<vmem>> -> memref<16xi32, #tpu.memory_space<vmem>>
      %dma_wait3A_352 = arith.constant 0 : i32
      %dma_wait3A_353 = arith.constant 0 : i32
      %dma_wait3A_354 = tpu.memref_slice %arg3[%dma_wait3A_352, %dma_wait3A_353] : memref<10112x144xf32, #tpu.memory_space<hbm>> -> memref<10112x144xf32, #tpu.memory_space<hbm>>
      tpu.wait_indirect_dma semaphore(%arg19 : memref<!tpu.dma_semaphore, #tpu.memory_space<semaphore_mem>>) src(%dma_wait3A_354 : memref<10112x144xf32, #tpu.memory_space<hbm>>) dst(%dma_wait3A_348 : memref<16x144xf32, #tpu.memory_space<vmem>>)
      %dma_wait3A_355 = arith.constant 1 : i32
      %dma_wait3A_356 = arith.constant 0 : i32
      %dma_wait3A_357 = tpu.memref_slice %arg9[%dma_wait3A_355, %dma_wait3A_356] : memref<2x80xi32, #tpu.memory_space<vmem>> -> memref<1x80xi32, #tpu.memory_space<vmem>>
      %dma_wait3A_358 = tpu.memref_squeeze %dma_wait3A_357 : memref<1x80xi32, #tpu.memory_space<vmem>> -> memref<80xi32, #tpu.memory_space<vmem>>
      %dma_wait3A_359 = arith.constant 0 : i32
      %dma_wait3A_360 = arith.constant 0 : i32
      %dma_wait3A_361 = tpu.memref_slice %arg4[%dma_wait3A_359, %dma_wait3A_360] : memref<10112x16xf32, #tpu.memory_space<hbm>> -> memref<10112x16xf32, #tpu.memory_space<hbm>>
      tpu.wait_indirect_dma semaphore(%arg19 : memref<!tpu.dma_semaphore, #tpu.memory_space<semaphore_mem>>) src(%dma_wait3A_361 : memref<10112x16xf32, #tpu.memory_space<hbm>>) dst(%arg13 : memref<80x16xf32, #tpu.memory_space<vmem>>)
      %dma_wait3A_362 = arith.constant 0 : i32
      %dma_wait3A_363 = tpu.memref_slice %arg5[%dma_wait3A_362] : memref<2560000xf32, #tpu.memory_space<hbm>> -> memref<640xf32, #tpu.memory_space<hbm>>
      %dma_wait3A_364 = arith.constant 0 : i32
      %dma_wait3A_365 = tpu.memref_slice %arg5[%dma_wait3A_364] : memref<2560000xf32, #tpu.memory_space<hbm>> -> memref<640xf32, #tpu.memory_space<hbm>>
      tpu.wait_dma2 semaphore(%arg19 : memref<!tpu.dma_semaphore, #tpu.memory_space<semaphore_mem>>) src(%dma_wait3A_365 : memref<640xf32, #tpu.memory_space<hbm>>) dst(%arg15 : memref<640xf32, #tpu.memory_space<vmem>>)
      %parallel_loop3A_366 = arith.constant 0 : i32
      %parallel_loop3A_367 = arith.constant 40 : i32
      %parallel_loop3A_368 = arith.constant 1 : i32
      scf.for %parallel_loop3A_592 = %parallel_loop3A_366 to %parallel_loop3A_367 step %parallel_loop3A_368  : i32 {
        %parallel_loop3A_593 = arith.constant 2 : i32
        %parallel_loop3A_594 = arith.muli %parallel_loop3A_592, %parallel_loop3A_593 : i32
        %parallel_loop3A_595 = vector.broadcast %parallel_loop3A_594 : i32 to vector<16xi32>
        %parallel_loop3A_596 = arith.addi %parallel_loop3A_595, %select_n3A : vector<16xi32>
        %parallel_loop3A_597 = arith.constant 128 : i32
        %parallel_loop3A_598 = vector.broadcast %parallel_loop3A_597 : i32 to vector<16xi32>
        %parallel_loop3A_599 = arith.addi %parallel_loop3A_598, %rem3A_16 : vector<16xi32>
        %parallel_loop3A_600 = tpu.vector_load_idx %arg11[%parallel_loop3A_596, %parallel_loop3A_599] : memref<80x144xf32, #tpu.memory_space<vmem>>[vector<16xi32>, vector<16xi32>], vector<16xf32>,
        %parallel_loop3A_601 = tpu.vector_load_idx %arg13[%parallel_loop3A_596, %rem3A_16] : memref<80x16xf32, #tpu.memory_space<vmem>>[vector<16xi32>, vector<16xi32>], vector<16xf32>,
        %parallel_loop3A_602 = arith.constant 8 : i32
        %parallel_loop3A_603 = arith.muli %parallel_loop3A_594, %parallel_loop3A_602 : i32
        %parallel_loop3A_604 = arith.index_cast %parallel_loop3A_603 : i32 to index
        %parallel_loop3A_605 = tpu.vector_load %arg15[%parallel_loop3A_604] {strides = array<i32>} : memref<640xf32, #tpu.memory_space<vmem>>, vector<16xf32>,
        %parallel_loop3A_606 = arith.addf %parallel_loop3A_600, %parallel_loop3A_601 : vector<16xf32>
        %parallel_loop3A_607 = arith.addf %parallel_loop3A_606, %parallel_loop3A_605 : vector<16xf32>
        %parallel_loop3A_608 = arith.constant 2.000000e-01 : f32
        %parallel_loop3A_609 = vector.broadcast %parallel_loop3A_608 : f32 to vector<16xf32>
        %parallel_loop3A_610 = arith.mulf %parallel_loop3A_609, %parallel_loop3A_607 : vector<16xf32>
        %parallel_loop3A_611 = arith.maximumf %parallel_loop3A_607, %parallel_loop3A_610 : vector<16xf32>
        %parallel_loop3A_612 = arith.subf %parallel_loop3A_611, %get3A_14 : vector<16xf32>
        %parallel_loop3A_613 = math.exp %parallel_loop3A_612 : vector<16xf32>
        %parallel_loop3A_614 = arith.constant 128 : i32
        %parallel_loop3A_615 = vector.broadcast %parallel_loop3A_614 : i32 to vector<16xi32>
        %parallel_loop3A_616 = arith.addi %parallel_loop3A_615, %rem3A_16 : vector<16xi32>
        tpu.vector_store_idx %arg17[%parallel_loop3A_596, %parallel_loop3A_616], %parallel_loop3A_613 : memref<80x144xf32, #tpu.memory_space<vmem>>[vector<16xi32>, vector<16xi32>], vector<16xf32>,
        %parallel_loop3A_617 = arith.constant 0 : i32
        %parallel_loop3A_618 = vector.broadcast %parallel_loop3A_617 : i32 to vector<16xi32>
        %parallel_loop3A_619 = arith.constant 0 : i32
        %parallel_loop3A_620 = vector.broadcast %parallel_loop3A_619 : i32 to vector<16xi32>
        %parallel_loop3A_621 = arith.cmpi slt, %parallel_loop3A_618, %parallel_loop3A_620 : vector<16xi32>
        %parallel_loop3A_622 = arith.constant 16 : i32
        %parallel_loop3A_623 = vector.broadcast %parallel_loop3A_622 : i32 to vector<16xi32>
        %parallel_loop3A_624 = arith.addi %parallel_loop3A_618, %parallel_loop3A_623 : vector<16xi32>
        %parallel_loop3A_625 = arith.select %parallel_loop3A_621, %parallel_loop3A_624, %parallel_loop3A_618 : vector<16xi1>, vector<16xi32>
        %parallel_loop3A_626 = vector.shape_cast %parallel_loop3A_625 : vector<16xi32> to vector<16x1xi32>
        %parallel_loop3A_627 = vector.shape_cast %parallel_loop3A_626 : vector<16x1xi32> to vector<16xi32>
        %parallel_loop3A_628 = tpu.dynamic_gather %parallel_loop3A_613[%parallel_loop3A_627] in [0] : vector<16xf32>, vector<16xi32> -> vector<16xf32>
        %parallel_loop3A_629 = arith.constant 8 : i32
        %parallel_loop3A_630 = vector.broadcast %parallel_loop3A_629 : i32 to vector<16xi32>
        %parallel_loop3A_631 = arith.constant 0 : i32
        %parallel_loop3A_632 = vector.broadcast %parallel_loop3A_631 : i32 to vector<16xi32>
        %parallel_loop3A_633 = arith.cmpi slt, %parallel_loop3A_630, %parallel_loop3A_632 : vector<16xi32>
        %parallel_loop3A_634 = arith.constant 16 : i32
        %parallel_loop3A_635 = vector.broadcast %parallel_loop3A_634 : i32 to vector<16xi32>
        %parallel_loop3A_636 = arith.addi %parallel_loop3A_630, %parallel_loop3A_635 : vector<16xi32>
        %parallel_loop3A_637 = arith.select %parallel_loop3A_633, %parallel_loop3A_636, %parallel_loop3A_630 : vector<16xi1>, vector<16xi32>
        %parallel_loop3A_638 = vector.shape_cast %parallel_loop3A_637 : vector<16xi32> to vector<16x1xi32>
        %parallel_loop3A_639 = vector.shape_cast %parallel_loop3A_638 : vector<16x1xi32> to vector<16xi32>
        %parallel_loop3A_640 = tpu.dynamic_gather %parallel_loop3A_613[%parallel_loop3A_639] in [0] : vector<16xf32>, vector<16xi32> -> vector<16xf32>
        %parallel_loop3A_641 = arith.index_cast %parallel_loop3A_594 : i32 to index
        %parallel_loop3A_642 = arith.constant 0 : index
        %parallel_loop3A_643 = tpu.vector_load %arg11[%parallel_loop3A_641, %parallel_loop3A_642] {strides = array<i32>} : memref<80x144xf32, #tpu.memory_space<vmem>>, vector<16xf32>,
        %parallel_loop3A_644 = arith.mulf %parallel_loop3A_628, %parallel_loop3A_643 : vector<16xf32>
        %parallel_loop3A_645 = arith.index_cast %parallel_loop3A_594 : i32 to index
        %parallel_loop3A_646 = arith.constant 0 : index
        %parallel_loop3A_647 = tpu.vector_load %arg17[%parallel_loop3A_645, %parallel_loop3A_646] {strides = array<i32>} : memref<80x144xf32, #tpu.memory_space<vmem>>, vector<16xf32>,
        tpu.vector_store %arg17[%parallel_loop3A_645, %parallel_loop3A_646], %parallel_loop3A_644 {strides = array<i32>} : memref<80x144xf32, #tpu.memory_space<vmem>>, vector<16xf32>,
        %parallel_loop3A_648 = arith.constant 1 : i32
        %parallel_loop3A_649 = arith.addi %parallel_loop3A_594, %parallel_loop3A_648 : i32
        %parallel_loop3A_650 = arith.index_cast %parallel_loop3A_649 : i32 to index
        %parallel_loop3A_651 = arith.constant 0 : index
        %parallel_loop3A_652 = tpu.vector_load %arg11[%parallel_loop3A_650, %parallel_loop3A_651] {strides = array<i32>} : memref<80x144xf32, #tpu.memory_space<vmem>>, vector<16xf32>,
        %parallel_loop3A_653 = arith.mulf %parallel_loop3A_640, %parallel_loop3A_652 : vector<16xf32>
        %parallel_loop3A_654 = arith.constant 1 : i32
        %parallel_loop3A_655 = arith.addi %parallel_loop3A_594, %parallel_loop3A_654 : i32
        %parallel_loop3A_656 = arith.index_cast %parallel_loop3A_655 : i32 to index
        %parallel_loop3A_657 = arith.constant 0 : index
        %parallel_loop3A_658 = tpu.vector_load %arg17[%parallel_loop3A_656, %parallel_loop3A_657] {strides = array<i32>} : memref<80x144xf32, #tpu.memory_space<vmem>>, vector<16xf32>,
        tpu.vector_store %arg17[%parallel_loop3A_656, %parallel_loop3A_657], %parallel_loop3A_653 {strides = array<i32>} : memref<80x144xf32, #tpu.memory_space<vmem>>, vector<16xf32>,
        %parallel_loop3A_659 = arith.constant 1 : i32
        %parallel_loop3A_660 = vector.broadcast %parallel_loop3A_659 : i32 to vector<16xi32>
        %parallel_loop3A_661 = arith.constant 0 : i32
        %parallel_loop3A_662 = vector.broadcast %parallel_loop3A_661 : i32 to vector<16xi32>
        %parallel_loop3A_663 = arith.cmpi slt, %parallel_loop3A_660, %parallel_loop3A_662 : vector<16xi32>
        %parallel_loop3A_664 = arith.constant 16 : i32
        %parallel_loop3A_665 = vector.broadcast %parallel_loop3A_664 : i32 to vector<16xi32>
        %parallel_loop3A_666 = arith.addi %parallel_loop3A_660, %parallel_loop3A_665 : vector<16xi32>
        %parallel_loop3A_667 = arith.select %parallel_loop3A_663, %parallel_loop3A_666, %parallel_loop3A_660 : vector<16xi1>, vector<16xi32>
        %parallel_loop3A_668 = vector.shape_cast %parallel_loop3A_667 : vector<16xi32> to vector<16x1xi32>
        %parallel_loop3A_669 = vector.shape_cast %parallel_loop3A_668 : vector<16x1xi32> to vector<16xi32>
        %parallel_loop3A_670 = tpu.dynamic_gather %parallel_loop3A_613[%parallel_loop3A_669] in [0] : vector<16xf32>, vector<16xi32> -> vector<16xf32>
        %parallel_loop3A_671 = arith.constant 9 : i32
        %parallel_loop3A_672 = vector.broadcast %parallel_loop3A_671 : i32 to vector<16xi32>
        %parallel_loop3A_673 = arith.constant 0 : i32
        %parallel_loop3A_674 = vector.broadcast %parallel_loop3A_673 : i32 to vector<16xi32>
        %parallel_loop3A_675 = arith.cmpi slt, %parallel_loop3A_672, %parallel_loop3A_674 : vector<16xi32>
        %parallel_loop3A_676 = arith.constant 16 : i32
        %parallel_loop3A_677 = vector.broadcast %parallel_loop3A_676 : i32 to vector<16xi32>
        %parallel_loop3A_678 = arith.addi %parallel_loop3A_672, %parallel_loop3A_677 : vector<16xi32>
        %parallel_loop3A_679 = arith.select %parallel_loop3A_675, %parallel_loop3A_678, %parallel_loop3A_672 : vector<16xi1>, vector<16xi32>
        %parallel_loop3A_680 = vector.shape_cast %parallel_loop3A_679 : vector<16xi32> to vector<16x1xi32>
        %parallel_loop3A_681 = vector.shape_cast %parallel_loop3A_680 : vector<16x1xi32> to vector<16xi32>
        %parallel_loop3A_682 = tpu.dynamic_gather %parallel_loop3A_613[%parallel_loop3A_681] in [0] : vector<16xf32>, vector<16xi32> -> vector<16xf32>
        %parallel_loop3A_683 = arith.index_cast %parallel_loop3A_594 : i32 to index
        %parallel_loop3A_684 = arith.constant 16 : index
        %parallel_loop3A_685 = tpu.vector_load %arg11[%parallel_loop3A_683, %parallel_loop3A_684] {strides = array<i32>} : memref<80x144xf32, #tpu.memory_space<vmem>>, vector<16xf32>,
        %parallel_loop3A_686 = arith.mulf %parallel_loop3A_670, %parallel_loop3A_685 : vector<16xf32>
        %parallel_loop3A_687 = arith.index_cast %parallel_loop3A_594 : i32 to index
        %parallel_loop3A_688 = arith.constant 16 : index
        %parallel_loop3A_689 = tpu.vector_load %arg17[%parallel_loop3A_687, %parallel_loop3A_688] {strides = array<i32>} : memref<80x144xf32, #tpu.memory_space<vmem>>, vector<16xf32>,
        tpu.vector_store %arg17[%parallel_loop3A_687, %parallel_loop3A_688], %parallel_loop3A_686 {strides = array<i32>} : memref<80x144xf32, #tpu.memory_space<vmem>>, vector<16xf32>,
        %parallel_loop3A_690 = arith.constant 1 : i32
        %parallel_loop3A_691 = arith.addi %parallel_loop3A_594, %parallel_loop3A_690 : i32
        %parallel_loop3A_692 = arith.index_cast %parallel_loop3A_691 : i32 to index
        %parallel_loop3A_693 = arith.constant 16 : index
        %parallel_loop3A_694 = tpu.vector_load %arg11[%parallel_loop3A_692, %parallel_loop3A_693] {strides = array<i32>} : memref<80x144xf32, #tpu.memory_space<vmem>>, vector<16xf32>,
        %parallel_loop3A_695 = arith.mulf %parallel_loop3A_682, %parallel_loop3A_694 : vector<16xf32>
        %parallel_loop3A_696 = arith.constant 1 : i32
        %parallel_loop3A_697 = arith.addi %parallel_loop3A_594, %parallel_loop3A_696 : i32
        %parallel_loop3A_698 = arith.index_cast %parallel_loop3A_697 : i32 to index
        %parallel_loop3A_699 = arith.constant 16 : index
        %parallel_loop3A_700 = tpu.vector_load %arg17[%parallel_loop3A_698, %parallel_loop3A_699] {strides = array<i32>} : memref<80x144xf32, #tpu.memory_space<vmem>>, vector<16xf32>,
        tpu.vector_store %arg17[%parallel_loop3A_698, %parallel_loop3A_699], %parallel_loop3A_695 {strides = array<i32>} : memref<80x144xf32, #tpu.memory_space<vmem>>, vector<16xf32>,
        %parallel_loop3A_701 = arith.constant 2 : i32
        %parallel_loop3A_702 = vector.broadcast %parallel_loop3A_701 : i32 to vector<16xi32>
        %parallel_loop3A_703 = arith.constant 0 : i32
        %parallel_loop3A_704 = vector.broadcast %parallel_loop3A_703 : i32 to vector<16xi32>
        %parallel_loop3A_705 = arith.cmpi slt, %parallel_loop3A_702, %parallel_loop3A_704 : vector<16xi32>
        %parallel_loop3A_706 = arith.constant 16 : i32
        %parallel_loop3A_707 = vector.broadcast %parallel_loop3A_706 : i32 to vector<16xi32>
        %parallel_loop3A_708 = arith.addi %parallel_loop3A_702, %parallel_loop3A_707 : vector<16xi32>
        %parallel_loop3A_709 = arith.select %parallel_loop3A_705, %parallel_loop3A_708, %parallel_loop3A_702 : vector<16xi1>, vector<16xi32>
        %parallel_loop3A_710 = vector.shape_cast %parallel_loop3A_709 : vector<16xi32> to vector<16x1xi32>
        %parallel_loop3A_711 = vector.shape_cast %parallel_loop3A_710 : vector<16x1xi32> to vector<16xi32>
        %parallel_loop3A_712 = tpu.dynamic_gather %parallel_loop3A_613[%parallel_loop3A_711] in [0] : vector<16xf32>, vector<16xi32> -> vector<16xf32>
        %parallel_loop3A_713 = arith.constant 10 : i32
        %parallel_loop3A_714 = vector.broadcast %parallel_loop3A_713 : i32 to vector<16xi32>
        %parallel_loop3A_715 = arith.constant 0 : i32
        %parallel_loop3A_716 = vector.broadcast %parallel_loop3A_715 : i32 to vector<16xi32>
        %parallel_loop3A_717 = arith.cmpi slt, %parallel_loop3A_714, %parallel_loop3A_716 : vector<16xi32>
        %parallel_loop3A_718 = arith.constant 16 : i32
        %parallel_loop3A_719 = vector.broadcast %parallel_loop3A_718 : i32 to vector<16xi32>
        %parallel_loop3A_720 = arith.addi %parallel_loop3A_714, %parallel_loop3A_719 : vector<16xi32>
        %parallel_loop3A_721 = arith.select %parallel_loop3A_717, %parallel_loop3A_720, %parallel_loop3A_714 : vector<16xi1>, vector<16xi32>
        %parallel_loop3A_722 = vector.shape_cast %parallel_loop3A_721 : vector<16xi32> to vector<16x1xi32>
        %parallel_loop3A_723 = vector.shape_cast %parallel_loop3A_722 : vector<16x1xi32> to vector<16xi32>
        %parallel_loop3A_724 = tpu.dynamic_gather %parallel_loop3A_613[%parallel_loop3A_723] in [0] : vector<16xf32>, vector<16xi32> -> vector<16xf32>
        %parallel_loop3A_725 = arith.index_cast %parallel_loop3A_594 : i32 to index
        %parallel_loop3A_726 = arith.constant 32 : index
        %parallel_loop3A_727 = tpu.vector_load %arg11[%parallel_loop3A_725, %parallel_loop3A_726] {strides = array<i32>} : memref<80x144xf32, #tpu.memory_space<vmem>>, vector<16xf32>,
        %parallel_loop3A_728 = arith.mulf %parallel_loop3A_712, %parallel_loop3A_727 : vector<16xf32>
        %parallel_loop3A_729 = arith.index_cast %parallel_loop3A_594 : i32 to index
        %parallel_loop3A_730 = arith.constant 32 : index
        %parallel_loop3A_731 = tpu.vector_load %arg17[%parallel_loop3A_729, %parallel_loop3A_730] {strides = array<i32>} : memref<80x144xf32, #tpu.memory_space<vmem>>, vector<16xf32>,
        tpu.vector_store %arg17[%parallel_loop3A_729, %parallel_loop3A_730], %parallel_loop3A_728 {strides = array<i32>} : memref<80x144xf32, #tpu.memory_space<vmem>>, vector<16xf32>,
        %parallel_loop3A_732 = arith.constant 1 : i32
        %parallel_loop3A_733 = arith.addi %parallel_loop3A_594, %parallel_loop3A_732 : i32
        %parallel_loop3A_734 = arith.index_cast %parallel_loop3A_733 : i32 to index
        %parallel_loop3A_735 = arith.constant 32 : index
        %parallel_loop3A_736 = tpu.vector_load %arg11[%parallel_loop3A_734, %parallel_loop3A_735] {strides = array<i32>} : memref<80x144xf32, #tpu.memory_space<vmem>>, vector<16xf32>,
        %parallel_loop3A_737 = arith.mulf %parallel_loop3A_724, %parallel_loop3A_736 : vector<16xf32>
        %parallel_loop3A_738 = arith.constant 1 : i32
        %parallel_loop3A_739 = arith.addi %parallel_loop3A_594, %parallel_loop3A_738 : i32
        %parallel_loop3A_740 = arith.index_cast %parallel_loop3A_739 : i32 to index
        %parallel_loop3A_741 = arith.constant 32 : index
        %parallel_loop3A_742 = tpu.vector_load %arg17[%parallel_loop3A_740, %parallel_loop3A_741] {strides = array<i32>} : memref<80x144xf32, #tpu.memory_space<vmem>>, vector<16xf32>,
        tpu.vector_store %arg17[%parallel_loop3A_740, %parallel_loop3A_741], %parallel_loop3A_737 {strides = array<i32>} : memref<80x144xf32, #tpu.memory_space<vmem>>, vector<16xf32>,
        %parallel_loop3A_743 = arith.constant 3 : i32
        %parallel_loop3A_744 = vector.broadcast %parallel_loop3A_743 : i32 to vector<16xi32>
        %parallel_loop3A_745 = arith.constant 0 : i32
        %parallel_loop3A_746 = vector.broadcast %parallel_loop3A_745 : i32 to vector<16xi32>
        %parallel_loop3A_747 = arith.cmpi slt, %parallel_loop3A_744, %parallel_loop3A_746 : vector<16xi32>
        %parallel_loop3A_748 = arith.constant 16 : i32
        %parallel_loop3A_749 = vector.broadcast %parallel_loop3A_748 : i32 to vector<16xi32>
        %parallel_loop3A_750 = arith.addi %parallel_loop3A_744, %parallel_loop3A_749 : vector<16xi32>
        %parallel_loop3A_751 = arith.select %parallel_loop3A_747, %parallel_loop3A_750, %parallel_loop3A_744 : vector<16xi1>, vector<16xi32>
        %parallel_loop3A_752 = vector.shape_cast %parallel_loop3A_751 : vector<16xi32> to vector<16x1xi32>
        %parallel_loop3A_753 = vector.shape_cast %parallel_loop3A_752 : vector<16x1xi32> to vector<16xi32>
        %parallel_loop3A_754 = tpu.dynamic_gather %parallel_loop3A_613[%parallel_loop3A_753] in [0] : vector<16xf32>, vector<16xi32> -> vector<16xf32>
        %parallel_loop3A_755 = arith.constant 11 : i32
        %parallel_loop3A_756 = vector.broadcast %parallel_loop3A_755 : i32 to vector<16xi32>
        %parallel_loop3A_757 = arith.constant 0 : i32
        %parallel_loop3A_758 = vector.broadcast %parallel_loop3A_757 : i32 to vector<16xi32>
        %parallel_loop3A_759 = arith.cmpi slt, %parallel_loop3A_756, %parallel_loop3A_758 : vector<16xi32>
        %parallel_loop3A_760 = arith.constant 16 : i32
        %parallel_loop3A_761 = vector.broadcast %parallel_loop3A_760 : i32 to vector<16xi32>
        %parallel_loop3A_762 = arith.addi %parallel_loop3A_756, %parallel_loop3A_761 : vector<16xi32>
        %parallel_loop3A_763 = arith.select %parallel_loop3A_759, %parallel_loop3A_762, %parallel_loop3A_756 : vector<16xi1>, vector<16xi32>
        %parallel_loop3A_764 = vector.shape_cast %parallel_loop3A_763 : vector<16xi32> to vector<16x1xi32>
        %parallel_loop3A_765 = vector.shape_cast %parallel_loop3A_764 : vector<16x1xi32> to vector<16xi32>
        %parallel_loop3A_766 = tpu.dynamic_gather %parallel_loop3A_613[%parallel_loop3A_765] in [0] : vector<16xf32>, vector<16xi32> -> vector<16xf32>
        %parallel_loop3A_767 = arith.index_cast %parallel_loop3A_594 : i32 to index
        %parallel_loop3A_768 = arith.constant 48 : index
        %parallel_loop3A_769 = tpu.vector_load %arg11[%parallel_loop3A_767, %parallel_loop3A_768] {strides = array<i32>} : memref<80x144xf32, #tpu.memory_space<vmem>>, vector<16xf32>,
        %parallel_loop3A_770 = arith.mulf %parallel_loop3A_754, %parallel_loop3A_769 : vector<16xf32>
        %parallel_loop3A_771 = arith.index_cast %parallel_loop3A_594 : i32 to index
        %parallel_loop3A_772 = arith.constant 48 : index
        %parallel_loop3A_773 = tpu.vector_load %arg17[%parallel_loop3A_771, %parallel_loop3A_772] {strides = array<i32>} : memref<80x144xf32, #tpu.memory_space<vmem>>, vector<16xf32>,
        tpu.vector_store %arg17[%parallel_loop3A_771, %parallel_loop3A_772], %parallel_loop3A_770 {strides = array<i32>} : memref<80x144xf32, #tpu.memory_space<vmem>>, vector<16xf32>,
        %parallel_loop3A_774 = arith.constant 1 : i32
        %parallel_loop3A_775 = arith.addi %parallel_loop3A_594, %parallel_loop3A_774 : i32
        %parallel_loop3A_776 = arith.index_cast %parallel_loop3A_775 : i32 to index
        %parallel_loop3A_777 = arith.constant 48 : index
        %parallel_loop3A_778 = tpu.vector_load %arg11[%parallel_loop3A_776, %parallel_loop3A_777] {strides = array<i32>} : memref<80x144xf32, #tpu.memory_space<vmem>>, vector<16xf32>,
        %parallel_loop3A_779 = arith.mulf %parallel_loop3A_766, %parallel_loop3A_778 : vector<16xf32>
        %parallel_loop3A_780 = arith.constant 1 : i32
        %parallel_loop3A_781 = arith.addi %parallel_loop3A_594, %parallel_loop3A_780 : i32
        %parallel_loop3A_782 = arith.index_cast %parallel_loop3A_781 : i32 to index
        %parallel_loop3A_783 = arith.constant 48 : index
        %parallel_loop3A_784 = tpu.vector_load %arg17[%parallel_loop3A_782, %parallel_loop3A_783] {strides = array<i32>} : memref<80x144xf32, #tpu.memory_space<vmem>>, vector<16xf32>,
        tpu.vector_store %arg17[%parallel_loop3A_782, %parallel_loop3A_783], %parallel_loop3A_779 {strides = array<i32>} : memref<80x144xf32, #tpu.memory_space<vmem>>, vector<16xf32>,
        %parallel_loop3A_785 = arith.constant 4 : i32
        %parallel_loop3A_786 = vector.broadcast %parallel_loop3A_785 : i32 to vector<16xi32>
        %parallel_loop3A_787 = arith.constant 0 : i32
        %parallel_loop3A_788 = vector.broadcast %parallel_loop3A_787 : i32 to vector<16xi32>
        %parallel_loop3A_789 = arith.cmpi slt, %parallel_loop3A_786, %parallel_loop3A_788 : vector<16xi32>
        %parallel_loop3A_790 = arith.constant 16 : i32
        %parallel_loop3A_791 = vector.broadcast %parallel_loop3A_790 : i32 to vector<16xi32>
        %parallel_loop3A_792 = arith.addi %parallel_loop3A_786, %parallel_loop3A_791 : vector<16xi32>
        %parallel_loop3A_793 = arith.select %parallel_loop3A_789, %parallel_loop3A_792, %parallel_loop3A_786 : vector<16xi1>, vector<16xi32>
        %parallel_loop3A_794 = vector.shape_cast %parallel_loop3A_793 : vector<16xi32> to vector<16x1xi32>
        %parallel_loop3A_795 = vector.shape_cast %parallel_loop3A_794 : vector<16x1xi32> to vector<16xi32>
        %parallel_loop3A_796 = tpu.dynamic_gather %parallel_loop3A_613[%parallel_loop3A_795] in [0] : vector<16xf32>, vector<16xi32> -> vector<16xf32>
        %parallel_loop3A_797 = arith.constant 12 : i32
        %parallel_loop3A_798 = vector.broadcast %parallel_loop3A_797 : i32 to vector<16xi32>
        %parallel_loop3A_799 = arith.constant 0 : i32
        %parallel_loop3A_800 = vector.broadcast %parallel_loop3A_799 : i32 to vector<16xi32>
        %parallel_loop3A_801 = arith.cmpi slt, %parallel_loop3A_798, %parallel_loop3A_800 : vector<16xi32>
        %parallel_loop3A_802 = arith.constant 16 : i32
        %parallel_loop3A_803 = vector.broadcast %parallel_loop3A_802 : i32 to vector<16xi32>
        %parallel_loop3A_804 = arith.addi %parallel_loop3A_798, %parallel_loop3A_803 : vector<16xi32>
        %parallel_loop3A_805 = arith.select %parallel_loop3A_801, %parallel_loop3A_804, %parallel_loop3A_798 : vector<16xi1>, vector<16xi32>
        %parallel_loop3A_806 = vector.shape_cast %parallel_loop3A_805 : vector<16xi32> to vector<16x1xi32>
        %parallel_loop3A_807 = vector.shape_cast %parallel_loop3A_806 : vector<16x1xi32> to vector<16xi32>
        %parallel_loop3A_808 = tpu.dynamic_gather %parallel_loop3A_613[%parallel_loop3A_807] in [0] : vector<16xf32>, vector<16xi32> -> vector<16xf32>
        %parallel_loop3A_809 = arith.index_cast %parallel_loop3A_594 : i32 to index
        %parallel_loop3A_810 = arith.constant 64 : index
        %parallel_loop3A_811 = tpu.vector_load %arg11[%parallel_loop3A_809, %parallel_loop3A_810] {strides = array<i32>} : memref<80x144xf32, #tpu.memory_space<vmem>>, vector<16xf32>,
        %parallel_loop3A_812 = arith.mulf %parallel_loop3A_796, %parallel_loop3A_811 : vector<16xf32>
        %parallel_loop3A_813 = arith.index_cast %parallel_loop3A_594 : i32 to index
        %parallel_loop3A_814 = arith.constant 64 : index
        %parallel_loop3A_815 = tpu.vector_load %arg17[%parallel_loop3A_813, %parallel_loop3A_814] {strides = array<i32>} : memref<80x144xf32, #tpu.memory_space<vmem>>, vector<16xf32>,
        tpu.vector_store %arg17[%parallel_loop3A_813, %parallel_loop3A_814], %parallel_loop3A_812 {strides = array<i32>} : memref<80x144xf32, #tpu.memory_space<vmem>>, vector<16xf32>,
        %parallel_loop3A_816 = arith.constant 1 : i32
        %parallel_loop3A_817 = arith.addi %parallel_loop3A_594, %parallel_loop3A_816 : i32
        %parallel_loop3A_818 = arith.index_cast %parallel_loop3A_817 : i32 to index
        %parallel_loop3A_819 = arith.constant 64 : index
        %parallel_loop3A_820 = tpu.vector_load %arg11[%parallel_loop3A_818, %parallel_loop3A_819] {strides = array<i32>} : memref<80x144xf32, #tpu.memory_space<vmem>>, vector<16xf32>,
        %parallel_loop3A_821 = arith.mulf %parallel_loop3A_808, %parallel_loop3A_820 : vector<16xf32>
        %parallel_loop3A_822 = arith.constant 1 : i32
        %parallel_loop3A_823 = arith.addi %parallel_loop3A_594, %parallel_loop3A_822 : i32
        %parallel_loop3A_824 = arith.index_cast %parallel_loop3A_823 : i32 to index
        %parallel_loop3A_825 = arith.constant 64 : index
        %parallel_loop3A_826 = tpu.vector_load %arg17[%parallel_loop3A_824, %parallel_loop3A_825] {strides = array<i32>} : memref<80x144xf32, #tpu.memory_space<vmem>>, vector<16xf32>,
        tpu.vector_store %arg17[%parallel_loop3A_824, %parallel_loop3A_825], %parallel_loop3A_821 {strides = array<i32>} : memref<80x144xf32, #tpu.memory_space<vmem>>, vector<16xf32>,
        %parallel_loop3A_827 = arith.constant 5 : i32
        %parallel_loop3A_828 = vector.broadcast %parallel_loop3A_827 : i32 to vector<16xi32>
        %parallel_loop3A_829 = arith.constant 0 : i32
        %parallel_loop3A_830 = vector.broadcast %parallel_loop3A_829 : i32 to vector<16xi32>
        %parallel_loop3A_831 = arith.cmpi slt, %parallel_loop3A_828, %parallel_loop3A_830 : vector<16xi32>
        %parallel_loop3A_832 = arith.constant 16 : i32
        %parallel_loop3A_833 = vector.broadcast %parallel_loop3A_832 : i32 to vector<16xi32>
        %parallel_loop3A_834 = arith.addi %parallel_loop3A_828, %parallel_loop3A_833 : vector<16xi32>
        %parallel_loop3A_835 = arith.select %parallel_loop3A_831, %parallel_loop3A_834, %parallel_loop3A_828 : vector<16xi1>, vector<16xi32>
        %parallel_loop3A_836 = vector.shape_cast %parallel_loop3A_835 : vector<16xi32> to vector<16x1xi32>
        %parallel_loop3A_837 = vector.shape_cast %parallel_loop3A_836 : vector<16x1xi32> to vector<16xi32>
        %parallel_loop3A_838 = tpu.dynamic_gather %parallel_loop3A_613[%parallel_loop3A_837] in [0] : vector<16xf32>, vector<16xi32> -> vector<16xf32>
        %parallel_loop3A_839 = arith.constant 13 : i32
        %parallel_loop3A_840 = vector.broadcast %parallel_loop3A_839 : i32 to vector<16xi32>
        %parallel_loop3A_841 = arith.constant 0 : i32
        %parallel_loop3A_842 = vector.broadcast %parallel_loop3A_841 : i32 to vector<16xi32>
        %parallel_loop3A_843 = arith.cmpi slt, %parallel_loop3A_840, %parallel_loop3A_842 : vector<16xi32>
        %parallel_loop3A_844 = arith.constant 16 : i32
        %parallel_loop3A_845 = vector.broadcast %parallel_loop3A_844 : i32 to vector<16xi32>
        %parallel_loop3A_846 = arith.addi %parallel_loop3A_840, %parallel_loop3A_845 : vector<16xi32>
        %parallel_loop3A_847 = arith.select %parallel_loop3A_843, %parallel_loop3A_846, %parallel_loop3A_840 : vector<16xi1>, vector<16xi32>
        %parallel_loop3A_848 = vector.shape_cast %parallel_loop3A_847 : vector<16xi32> to vector<16x1xi32>
        %parallel_loop3A_849 = vector.shape_cast %parallel_loop3A_848 : vector<16x1xi32> to vector<16xi32>
        %parallel_loop3A_850 = tpu.dynamic_gather %parallel_loop3A_613[%parallel_loop3A_849] in [0] : vector<16xf32>, vector<16xi32> -> vector<16xf32>
        %parallel_loop3A_851 = arith.index_cast %parallel_loop3A_594 : i32 to index
        %parallel_loop3A_852 = arith.constant 80 : index
        %parallel_loop3A_853 = tpu.vector_load %arg11[%parallel_loop3A_851, %parallel_loop3A_852] {strides = array<i32>} : memref<80x144xf32, #tpu.memory_space<vmem>>, vector<16xf32>,
        %parallel_loop3A_854 = arith.mulf %parallel_loop3A_838, %parallel_loop3A_853 : vector<16xf32>
        %parallel_loop3A_855 = arith.index_cast %parallel_loop3A_594 : i32 to index
        %parallel_loop3A_856 = arith.constant 80 : index
        %parallel_loop3A_857 = tpu.vector_load %arg17[%parallel_loop3A_855, %parallel_loop3A_856] {strides = array<i32>} : memref<80x144xf32, #tpu.memory_space<vmem>>, vector<16xf32>,
        tpu.vector_store %arg17[%parallel_loop3A_855, %parallel_loop3A_856], %parallel_loop3A_854 {strides = array<i32>} : memref<80x144xf32, #tpu.memory_space<vmem>>, vector<16xf32>,
        %parallel_loop3A_858 = arith.constant 1 : i32
        %parallel_loop3A_859 = arith.addi %parallel_loop3A_594, %parallel_loop3A_858 : i32
        %parallel_loop3A_860 = arith.index_cast %parallel_loop3A_859 : i32 to index
        %parallel_loop3A_861 = arith.constant 80 : index
        %parallel_loop3A_862 = tpu.vector_load %arg11[%parallel_loop3A_860, %parallel_loop3A_861] {strides = array<i32>} : memref<80x144xf32, #tpu.memory_space<vmem>>, vector<16xf32>,
        %parallel_loop3A_863 = arith.mulf %parallel_loop3A_850, %parallel_loop3A_862 : vector<16xf32>
        %parallel_loop3A_864 = arith.constant 1 : i32
        %parallel_loop3A_865 = arith.addi %parallel_loop3A_594, %parallel_loop3A_864 : i32
        %parallel_loop3A_866 = arith.index_cast %parallel_loop3A_865 : i32 to index
        %parallel_loop3A_867 = arith.constant 80 : index
        %parallel_loop3A_868 = tpu.vector_load %arg17[%parallel_loop3A_866, %parallel_loop3A_867] {strides = array<i32>} : memref<80x144xf32, #tpu.memory_space<vmem>>, vector<16xf32>,
        tpu.vector_store %arg17[%parallel_loop3A_866, %parallel_loop3A_867], %parallel_loop3A_863 {strides = array<i32>} : memref<80x144xf32, #tpu.memory_space<vmem>>, vector<16xf32>,
        %parallel_loop3A_869 = arith.constant 6 : i32
        %parallel_loop3A_870 = vector.broadcast %parallel_loop3A_869 : i32 to vector<16xi32>
        %parallel_loop3A_871 = arith.constant 0 : i32
        %parallel_loop3A_872 = vector.broadcast %parallel_loop3A_871 : i32 to vector<16xi32>
        %parallel_loop3A_873 = arith.cmpi slt, %parallel_loop3A_870, %parallel_loop3A_872 : vector<16xi32>
        %parallel_loop3A_874 = arith.constant 16 : i32
        %parallel_loop3A_875 = vector.broadcast %parallel_loop3A_874 : i32 to vector<16xi32>
        %parallel_loop3A_876 = arith.addi %parallel_loop3A_870, %parallel_loop3A_875 : vector<16xi32>
        %parallel_loop3A_877 = arith.select %parallel_loop3A_873, %parallel_loop3A_876, %parallel_loop3A_870 : vector<16xi1>, vector<16xi32>
        %parallel_loop3A_878 = vector.shape_cast %parallel_loop3A_877 : vector<16xi32> to vector<16x1xi32>
        %parallel_loop3A_879 = vector.shape_cast %parallel_loop3A_878 : vector<16x1xi32> to vector<16xi32>
        %parallel_loop3A_880 = tpu.dynamic_gather %parallel_loop3A_613[%parallel_loop3A_879] in [0] : vector<16xf32>, vector<16xi32> -> vector<16xf32>
        %parallel_loop3A_881 = arith.constant 14 : i32
        %parallel_loop3A_882 = vector.broadcast %parallel_loop3A_881 : i32 to vector<16xi32>
        %parallel_loop3A_883 = arith.constant 0 : i32
        %parallel_loop3A_884 = vector.broadcast %parallel_loop3A_883 : i32 to vector<16xi32>
        %parallel_loop3A_885 = arith.cmpi slt, %parallel_loop3A_882, %parallel_loop3A_884 : vector<16xi32>
        %parallel_loop3A_886 = arith.constant 16 : i32
        %parallel_loop3A_887 = vector.broadcast %parallel_loop3A_886 : i32 to vector<16xi32>
        %parallel_loop3A_888 = arith.addi %parallel_loop3A_882, %parallel_loop3A_887 : vector<16xi32>
        %parallel_loop3A_889 = arith.select %parallel_loop3A_885, %parallel_loop3A_888, %parallel_loop3A_882 : vector<16xi1>, vector<16xi32>
        %parallel_loop3A_890 = vector.shape_cast %parallel_loop3A_889 : vector<16xi32> to vector<16x1xi32>
        %parallel_loop3A_891 = vector.shape_cast %parallel_loop3A_890 : vector<16x1xi32> to vector<16xi32>
        %parallel_loop3A_892 = tpu.dynamic_gather %parallel_loop3A_613[%parallel_loop3A_891] in [0] : vector<16xf32>, vector<16xi32> -> vector<16xf32>
        %parallel_loop3A_893 = arith.index_cast %parallel_loop3A_594 : i32 to index
        %parallel_loop3A_894 = arith.constant 96 : index
        %parallel_loop3A_895 = tpu.vector_load %arg11[%parallel_loop3A_893, %parallel_loop3A_894] {strides = array<i32>} : memref<80x144xf32, #tpu.memory_space<vmem>>, vector<16xf32>,
        %parallel_loop3A_896 = arith.mulf %parallel_loop3A_880, %parallel_loop3A_895 : vector<16xf32>
        %parallel_loop3A_897 = arith.index_cast %parallel_loop3A_594 : i32 to index
        %parallel_loop3A_898 = arith.constant 96 : index
        %parallel_loop3A_899 = tpu.vector_load %arg17[%parallel_loop3A_897, %parallel_loop3A_898] {strides = array<i32>} : memref<80x144xf32, #tpu.memory_space<vmem>>, vector<16xf32>,
        tpu.vector_store %arg17[%parallel_loop3A_897, %parallel_loop3A_898], %parallel_loop3A_896 {strides = array<i32>} : memref<80x144xf32, #tpu.memory_space<vmem>>, vector<16xf32>,
        %parallel_loop3A_900 = arith.constant 1 : i32
        %parallel_loop3A_901 = arith.addi %parallel_loop3A_594, %parallel_loop3A_900 : i32
        %parallel_loop3A_902 = arith.index_cast %parallel_loop3A_901 : i32 to index
        %parallel_loop3A_903 = arith.constant 96 : index
        %parallel_loop3A_904 = tpu.vector_load %arg11[%parallel_loop3A_902, %parallel_loop3A_903] {strides = array<i32>} : memref<80x144xf32, #tpu.memory_space<vmem>>, vector<16xf32>,
        %parallel_loop3A_905 = arith.mulf %parallel_loop3A_892, %parallel_loop3A_904 : vector<16xf32>
        %parallel_loop3A_906 = arith.constant 1 : i32
        %parallel_loop3A_907 = arith.addi %parallel_loop3A_594, %parallel_loop3A_906 : i32
        %parallel_loop3A_908 = arith.index_cast %parallel_loop3A_907 : i32 to index
        %parallel_loop3A_909 = arith.constant 96 : index
        %parallel_loop3A_910 = tpu.vector_load %arg17[%parallel_loop3A_908, %parallel_loop3A_909] {strides = array<i32>} : memref<80x144xf32, #tpu.memory_space<vmem>>, vector<16xf32>,
        tpu.vector_store %arg17[%parallel_loop3A_908, %parallel_loop3A_909], %parallel_loop3A_905 {strides = array<i32>} : memref<80x144xf32, #tpu.memory_space<vmem>>, vector<16xf32>,
        %parallel_loop3A_911 = arith.constant 7 : i32
        %parallel_loop3A_912 = vector.broadcast %parallel_loop3A_911 : i32 to vector<16xi32>
        %parallel_loop3A_913 = arith.constant 0 : i32
        %parallel_loop3A_914 = vector.broadcast %parallel_loop3A_913 : i32 to vector<16xi32>
        %parallel_loop3A_915 = arith.cmpi slt, %parallel_loop3A_912, %parallel_loop3A_914 : vector<16xi32>
        %parallel_loop3A_916 = arith.constant 16 : i32
        %parallel_loop3A_917 = vector.broadcast %parallel_loop3A_916 : i32 to vector<16xi32>
        %parallel_loop3A_918 = arith.addi %parallel_loop3A_912, %parallel_loop3A_917 : vector<16xi32>
        %parallel_loop3A_919 = arith.select %parallel_loop3A_915, %parallel_loop3A_918, %parallel_loop3A_912 : vector<16xi1>, vector<16xi32>
        %parallel_loop3A_920 = vector.shape_cast %parallel_loop3A_919 : vector<16xi32> to vector<16x1xi32>
        %parallel_loop3A_921 = vector.shape_cast %parallel_loop3A_920 : vector<16x1xi32> to vector<16xi32>
        %parallel_loop3A_922 = tpu.dynamic_gather %parallel_loop3A_613[%parallel_loop3A_921] in [0] : vector<16xf32>, vector<16xi32> -> vector<16xf32>
        %parallel_loop3A_923 = arith.constant 15 : i32
        %parallel_loop3A_924 = vector.broadcast %parallel_loop3A_923 : i32 to vector<16xi32>
        %parallel_loop3A_925 = arith.constant 0 : i32
        %parallel_loop3A_926 = vector.broadcast %parallel_loop3A_925 : i32 to vector<16xi32>
        %parallel_loop3A_927 = arith.cmpi slt, %parallel_loop3A_924, %parallel_loop3A_926 : vector<16xi32>
        %parallel_loop3A_928 = arith.constant 16 : i32
        %parallel_loop3A_929 = vector.broadcast %parallel_loop3A_928 : i32 to vector<16xi32>
        %parallel_loop3A_930 = arith.addi %parallel_loop3A_924, %parallel_loop3A_929 : vector<16xi32>
        %parallel_loop3A_931 = arith.select %parallel_loop3A_927, %parallel_loop3A_930, %parallel_loop3A_924 : vector<16xi1>, vector<16xi32>
        %parallel_loop3A_932 = vector.shape_cast %parallel_loop3A_931 : vector<16xi32> to vector<16x1xi32>
        %parallel_loop3A_933 = vector.shape_cast %parallel_loop3A_932 : vector<16x1xi32> to vector<16xi32>
        %parallel_loop3A_934 = tpu.dynamic_gather %parallel_loop3A_613[%parallel_loop3A_933] in [0] : vector<16xf32>, vector<16xi32> -> vector<16xf32>
        %parallel_loop3A_935 = arith.index_cast %parallel_loop3A_594 : i32 to index
        %parallel_loop3A_936 = arith.constant 112 : index
        %parallel_loop3A_937 = tpu.vector_load %arg11[%parallel_loop3A_935, %parallel_loop3A_936] {strides = array<i32>} : memref<80x144xf32, #tpu.memory_space<vmem>>, vector<16xf32>,
        %parallel_loop3A_938 = arith.mulf %parallel_loop3A_922, %parallel_loop3A_937 : vector<16xf32>
        %parallel_loop3A_939 = arith.index_cast %parallel_loop3A_594 : i32 to index
        %parallel_loop3A_940 = arith.constant 112 : index
        %parallel_loop3A_941 = tpu.vector_load %arg17[%parallel_loop3A_939, %parallel_loop3A_940] {strides = array<i32>} : memref<80x144xf32, #tpu.memory_space<vmem>>, vector<16xf32>,
        tpu.vector_store %arg17[%parallel_loop3A_939, %parallel_loop3A_940], %parallel_loop3A_938 {strides = array<i32>} : memref<80x144xf32, #tpu.memory_space<vmem>>, vector<16xf32>,
        %parallel_loop3A_942 = arith.constant 1 : i32
        %parallel_loop3A_943 = arith.addi %parallel_loop3A_594, %parallel_loop3A_942 : i32
        %parallel_loop3A_944 = arith.index_cast %parallel_loop3A_943 : i32 to index
        %parallel_loop3A_945 = arith.constant 112 : index
        %parallel_loop3A_946 = tpu.vector_load %arg11[%parallel_loop3A_944, %parallel_loop3A_945] {strides = array<i32>} : memref<80x144xf32, #tpu.memory_space<vmem>>, vector<16xf32>,
        %parallel_loop3A_947 = arith.mulf %parallel_loop3A_934, %parallel_loop3A_946 : vector<16xf32>
        %parallel_loop3A_948 = arith.constant 1 : i32
        %parallel_loop3A_949 = arith.addi %parallel_loop3A_594, %parallel_loop3A_948 : i32
        %parallel_loop3A_950 = arith.index_cast %parallel_loop3A_949 : i32 to index
        %parallel_loop3A_951 = arith.constant 112 : index
        %parallel_loop3A_952 = tpu.vector_load %arg17[%parallel_loop3A_950, %parallel_loop3A_951] {strides = array<i32>} : memref<80x144xf32, #tpu.memory_space<vmem>>, vector<16xf32>,
        tpu.vector_store %arg17[%parallel_loop3A_950, %parallel_loop3A_951], %parallel_loop3A_947 {strides = array<i32>} : memref<80x144xf32, #tpu.memory_space<vmem>>, vector<16xf32>,
      } {sc.loop_unroll_factor = 2 : i64, sc.parallel_access}
      %run_scoped3A_369 = arith.constant 1 : i32
      "tpu.region"() ({
        %run_scoped3A_592 = tpu.sem_alloc : memref<!tpu.dma_semaphore, #tpu.memory_space<semaphore_mem>>
        %dma_start3A_593 = arith.constant 0 : i32
        %dma_start3A_594 = tpu.memref_slice %arg9[%run_scoped3A_369, %dma_start3A_593] : memref<2x80xi32, #tpu.memory_space<vmem>> -> memref<1x80xi32, #tpu.memory_space<vmem>>
        %dma_start3A_595 = tpu.memref_squeeze %dma_start3A_594 : memref<1x80xi32, #tpu.memory_space<vmem>> -> memref<80xi32, #tpu.memory_space<vmem>>
        %dma_start3A_596 = arith.constant 0 : i32
        %dma_start3A_597 = arith.constant 0 : i32
        %dma_start3A_598 = tpu.memref_slice %arg22[%dma_start3A_596, %dma_start3A_597] : memref<10112x144xf32, #tpu.memory_space<vmem_shared>> -> memref<10112x144xf32, #tpu.memory_space<vmem_shared>>
        tpu.enqueue_indirect_dma source(%arg17 : memref<80x144xf32, #tpu.memory_space<vmem>>) target(%dma_start3A_598 : memref<10112x144xf32, #tpu.memory_space<vmem_shared>>) offsets(%dma_start3A_595 : memref<80xi32, #tpu.memory_space<vmem>>) semaphore(%run_scoped3A_592 : memref<!tpu.dma_semaphore, #tpu.memory_space<semaphore_mem>>) {add = true}
        %dma_wait3A_599 = arith.constant 0 : i32
        %dma_wait3A_600 = tpu.memref_slice %arg9[%run_scoped3A_369, %dma_wait3A_599] : memref<2x80xi32, #tpu.memory_space<vmem>> -> memref<1x80xi32, #tpu.memory_space<vmem>>
        %dma_wait3A_601 = tpu.memref_squeeze %dma_wait3A_600 : memref<1x80xi32, #tpu.memory_space<vmem>> -> memref<80xi32, #tpu.memory_space<vmem>>
        %dma_wait3A_602 = arith.constant 0 : i32
        %dma_wait3A_603 = arith.constant 0 : i32
        %dma_wait3A_604 = tpu.memref_slice %arg22[%dma_wait3A_602, %dma_wait3A_603] : memref<10112x144xf32, #tpu.memory_space<vmem_shared>> -> memref<10112x144xf32, #tpu.memory_space<vmem_shared>>
        tpu.wait_indirect_dma semaphore(%run_scoped3A_592 : memref<!tpu.dma_semaphore, #tpu.memory_space<semaphore_mem>>) src(%arg17 : memref<80x144xf32, #tpu.memory_space<vmem>>) dst(%dma_wait3A_604 : memref<10112x144xf32, #tpu.memory_space<vmem_shared>>)
        tpu.yield
      }) : () -> ()
      %add3A_370 = arith.constant 2 : i32
      %add3A_371 = arith.addi %add3A_212, %add3A_370 : i32
      %min3A = arith.constant 124 : i32
      %min3A_372 = arith.minsi %add3A_371, %min3A : i32
      %mul3A_373 = arith.constant 80 : i32
      %mul3A_374 = arith.muli %min3A_372, %mul3A_373 : i32
      %add3A_375 = arith.addi %mul3A_2, %mul3A_374 : i32
      %dma_start3A_376 = arith.constant 0 : i32
      %dma_start3A_377 = arith.constant 0 : i32
      %dma_start3A_378 = arith.constant 0 : i32
      %dma_start3A_379 = tpu.memref_slice %arg9[%dma_start3A_377, %dma_start3A_378] : memref<2x80xi32, #tpu.memory_space<vmem>> -> memref<1x80xi32, #tpu.memory_space<vmem>>
      %dma_start3A_380 = tpu.memref_squeeze %dma_start3A_379 : memref<1x80xi32, #tpu.memory_space<vmem>> -> memref<80xi32, #tpu.memory_space<vmem>>
      %dma_start3A_381 = tpu.memref_slice %arg2[%dma_start3A_376, %add3A_375] : memref<2x320000xi32, #tpu.memory_space<hbm>> -> memref<1x80xi32, #tpu.memory_space<hbm>>
      %dma_start3A_382 = tpu.memref_squeeze %dma_start3A_381 : memref<1x80xi32, #tpu.memory_space<hbm>> -> memref<80xi32, #tpu.memory_space<hbm>>
      %dma_start3A_383 = arith.constant 0 : i32
      %dma_start3A_384 = tpu.memref_slice %arg9[%dma_start3A_377, %dma_start3A_383] : memref<2x80xi32, #tpu.memory_space<vmem>> -> memref<1x80xi32, #tpu.memory_space<vmem>>
      %dma_start3A_385 = tpu.memref_squeeze %dma_start3A_384 : memref<1x80xi32, #tpu.memory_space<vmem>> -> memref<80xi32, #tpu.memory_space<vmem>>
      %dma_start3A_386 = tpu.memref_slice %arg2[%dma_start3A_376, %add3A_375] : memref<2x320000xi32, #tpu.memory_space<hbm>> -> memref<1x80xi32, #tpu.memory_space<hbm>>
      %dma_start3A_387 = tpu.memref_squeeze %dma_start3A_386 : memref<1x80xi32, #tpu.memory_space<hbm>> -> memref<80xi32, #tpu.memory_space<hbm>>
      tpu.enqueue_dma source(%dma_start3A_387 : memref<80xi32, #tpu.memory_space<hbm>>) target(%dma_start3A_385 : memref<80xi32, #tpu.memory_space<vmem>>) target_semaphore(%arg21 : memref<!tpu.dma_semaphore, #tpu.memory_space<semaphore_mem>>)
      %dma_start3A_388 = arith.constant 1 : i32
      %dma_start3A_389 = arith.constant 1 : i32
      %dma_start3A_390 = arith.constant 0 : i32
      %dma_start3A_391 = tpu.memref_slice %arg9[%dma_start3A_389, %dma_start3A_390] : memref<2x80xi32, #tpu.memory_space<vmem>> -> memref<1x80xi32, #tpu.memory_space<vmem>>
      %dma_start3A_392 = tpu.memref_squeeze %dma_start3A_391 : memref<1x80xi32, #tpu.memory_space<vmem>> -> memref<80xi32, #tpu.memory_space<vmem>>
      %dma_start3A_393 = tpu.memref_slice %arg2[%dma_start3A_388, %add3A_375] : memref<2x320000xi32, #tpu.memory_space<hbm>> -> memref<1x80xi32, #tpu.memory_space<hbm>>
      %dma_start3A_394 = tpu.memref_squeeze %dma_start3A_393 : memref<1x80xi32, #tpu.memory_space<hbm>> -> memref<80xi32, #tpu.memory_space<hbm>>
      %dma_start3A_395 = arith.constant 0 : i32
      %dma_start3A_396 = tpu.memref_slice %arg9[%dma_start3A_389, %dma_start3A_395] : memref<2x80xi32, #tpu.memory_space<vmem>> -> memref<1x80xi32, #tpu.memory_space<vmem>>
      %dma_start3A_397 = tpu.memref_squeeze %dma_start3A_396 : memref<1x80xi32, #tpu.memory_space<vmem>> -> memref<80xi32, #tpu.memory_space<vmem>>
      %dma_start3A_398 = tpu.memref_slice %arg2[%dma_start3A_388, %add3A_375] : memref<2x320000xi32, #tpu.memory_space<hbm>> -> memref<1x80xi32, #tpu.memory_space<hbm>>
      %dma_start3A_399 = tpu.memref_squeeze %dma_start3A_398 : memref<1x80xi32, #tpu.memory_space<hbm>> -> memref<80xi32, #tpu.memory_space<hbm>>
      tpu.enqueue_dma source(%dma_start3A_399 : memref<80xi32, #tpu.memory_space<hbm>>) target(%dma_start3A_397 : memref<80xi32, #tpu.memory_space<vmem>>) target_semaphore(%arg21 : memref<!tpu.dma_semaphore, #tpu.memory_space<semaphore_mem>>)
      %mul3A_400 = arith.constant 2 : i32
      %mul3A_401 = arith.muli %scan3A_208, %mul3A_400 : i32
      %add3A_402 = arith.constant 1 : i32
      %add3A_403 = arith.addi %mul3A_401, %add3A_402 : i32
      %dma_wait3A_404 = arith.constant 0 : i32
      %dma_wait3A_405 = arith.constant 0 : i32
      %dma_wait3A_406 = arith.constant 0 : i32
      %dma_wait3A_407 = tpu.memref_slice %arg9[%dma_wait3A_405, %dma_wait3A_406] : memref<2x80xi32, #tpu.memory_space<vmem>> -> memref<1x80xi32, #tpu.memory_space<vmem>>
      %dma_wait3A_408 = tpu.memref_squeeze %dma_wait3A_407 : memref<1x80xi32, #tpu.memory_space<vmem>> -> memref<80xi32, #tpu.memory_space<vmem>>
      %dma_wait3A_409 = arith.constant 0 : i32
      %dma_wait3A_410 = tpu.memref_slice %arg2[%dma_wait3A_404, %dma_wait3A_409] : memref<2x320000xi32, #tpu.memory_space<hbm>> -> memref<1x80xi32, #tpu.memory_space<hbm>>
      %dma_wait3A_411 = tpu.memref_squeeze %dma_wait3A_410 : memref<1x80xi32, #tpu.memory_space<hbm>> -> memref<80xi32, #tpu.memory_space<hbm>>
      %dma_wait3A_412 = arith.constant 0 : i32
      %dma_wait3A_413 = tpu.memref_slice %arg9[%dma_wait3A_405, %dma_wait3A_412] : memref<2x80xi32, #tpu.memory_space<vmem>> -> memref<1x80xi32, #tpu.memory_space<vmem>>
      %dma_wait3A_414 = tpu.memref_squeeze %dma_wait3A_413 : memref<1x80xi32, #tpu.memory_space<vmem>> -> memref<80xi32, #tpu.memory_space<vmem>>
      %dma_wait3A_415 = arith.constant 0 : i32
      %dma_wait3A_416 = tpu.memref_slice %arg2[%dma_wait3A_404, %dma_wait3A_415] : memref<2x320000xi32, #tpu.memory_space<hbm>> -> memref<1x80xi32, #tpu.memory_space<hbm>>
      %dma_wait3A_417 = tpu.memref_squeeze %dma_wait3A_416 : memref<1x80xi32, #tpu.memory_space<hbm>> -> memref<80xi32, #tpu.memory_space<hbm>>
      tpu.wait_dma2 semaphore(%arg21 : memref<!tpu.dma_semaphore, #tpu.memory_space<semaphore_mem>>) src(%dma_wait3A_417 : memref<80xi32, #tpu.memory_space<hbm>>) dst(%dma_wait3A_414 : memref<80xi32, #tpu.memory_space<vmem>>)
      %dma_wait3A_418 = arith.constant 1 : i32
      %dma_wait3A_419 = arith.constant 1 : i32
      %dma_wait3A_420 = arith.constant 0 : i32
      %dma_wait3A_421 = tpu.memref_slice %arg9[%dma_wait3A_419, %dma_wait3A_420] : memref<2x80xi32, #tpu.memory_space<vmem>> -> memref<1x80xi32, #tpu.memory_space<vmem>>
      %dma_wait3A_422 = tpu.memref_squeeze %dma_wait3A_421 : memref<1x80xi32, #tpu.memory_space<vmem>> -> memref<80xi32, #tpu.memory_space<vmem>>
      %dma_wait3A_423 = arith.constant 0 : i32
      %dma_wait3A_424 = tpu.memref_slice %arg2[%dma_wait3A_418, %dma_wait3A_423] : memref<2x320000xi32, #tpu.memory_space<hbm>> -> memref<1x80xi32, #tpu.memory_space<hbm>>
      %dma_wait3A_425 = tpu.memref_squeeze %dma_wait3A_424 : memref<1x80xi32, #tpu.memory_space<hbm>> -> memref<80xi32, #tpu.memory_space<hbm>>
      %dma_wait3A_426 = arith.constant 0 : i32
      %dma_wait3A_427 = tpu.memref_slice %arg9[%dma_wait3A_419, %dma_wait3A_426] : memref<2x80xi32, #tpu.memory_space<vmem>> -> memref<1x80xi32, #tpu.memory_space<vmem>>
      %dma_wait3A_428 = tpu.memref_squeeze %dma_wait3A_427 : memref<1x80xi32, #tpu.memory_space<vmem>> -> memref<80xi32, #tpu.memory_space<vmem>>
      %dma_wait3A_429 = arith.constant 0 : i32
      %dma_wait3A_430 = tpu.memref_slice %arg2[%dma_wait3A_418, %dma_wait3A_429] : memref<2x320000xi32, #tpu.memory_space<hbm>> -> memref<1x80xi32, #tpu.memory_space<hbm>>
      %dma_wait3A_431 = tpu.memref_squeeze %dma_wait3A_430 : memref<1x80xi32, #tpu.memory_space<hbm>> -> memref<80xi32, #tpu.memory_space<hbm>>
      tpu.wait_dma2 semaphore(%arg21 : memref<!tpu.dma_semaphore, #tpu.memory_space<semaphore_mem>>) src(%dma_wait3A_431 : memref<80xi32, #tpu.memory_space<hbm>>) dst(%dma_wait3A_428 : memref<80xi32, #tpu.memory_space<vmem>>)
      %add3A_432 = arith.constant 1 : i32
      %add3A_433 = arith.addi %add3A_403, %add3A_432 : i32
      %dma_start3A_434 = arith.constant 0 : i32
      %dma_start3A_435 = arith.constant 0 : i32
      %dma_start3A_436 = arith.constant 0 : i32
      %dma_start3A_437 = tpu.memref_slice %arg11[%dma_start3A_435, %dma_start3A_436] : memref<80x144xf32, #tpu.memory_space<vmem>> -> memref<16x144xf32, #tpu.memory_space<vmem>>
      %dma_start3A_438 = arith.constant 0 : i32
      %dma_start3A_439 = tpu.memref_slice %arg9[%dma_start3A_434, %dma_start3A_438] : memref<2x80xi32, #tpu.memory_space<vmem>> -> memref<1x16xi32, #tpu.memory_space<vmem>>
      %dma_start3A_440 = tpu.memref_squeeze %dma_start3A_439 : memref<1x16xi32, #tpu.memory_space<vmem>> -> memref<16xi32, #tpu.memory_space<vmem>>
      %dma_start3A_441 = arith.constant 0 : i32
      %dma_start3A_442 = arith.constant 0 : i32
      %dma_start3A_443 = tpu.memref_slice %arg3[%dma_start3A_441, %dma_start3A_442] : memref<10112x144xf32, #tpu.memory_space<hbm>> -> memref<10112x144xf32, #tpu.memory_space<hbm>>
      tpu.enqueue_indirect_dma source(%dma_start3A_443 : memref<10112x144xf32, #tpu.memory_space<hbm>>) target(%dma_start3A_437 : memref<16x144xf32, #tpu.memory_space<vmem>>) offsets(%dma_start3A_440 : memref<16xi32, #tpu.memory_space<vmem>>) semaphore(%arg19 : memref<!tpu.dma_semaphore, #tpu.memory_space<semaphore_mem>>)
      %dma_start3A_444 = arith.constant 0 : i32
      %dma_start3A_445 = arith.constant 16 : i32
      %dma_start3A_446 = arith.constant 0 : i32
      %dma_start3A_447 = tpu.memref_slice %arg11[%dma_start3A_445, %dma_start3A_446] : memref<80x144xf32, #tpu.memory_space<vmem>> -> memref<16x144xf32, #tpu.memory_space<vmem>>
      %dma_start3A_448 = arith.constant 16 : i32
      %dma_start3A_449 = tpu.memref_slice %arg9[%dma_start3A_444, %dma_start3A_448] : memref<2x80xi32, #tpu.memory_space<vmem>> -> memref<1x16xi32, #tpu.memory_space<vmem>>
      %dma_start3A_450 = tpu.memref_squeeze %dma_start3A_449 : memref<1x16xi32, #tpu.memory_space<vmem>> -> memref<16xi32, #tpu.memory_space<vmem>>
      %dma_start3A_451 = arith.constant 0 : i32
      %dma_start3A_452 = arith.constant 0 : i32
      %dma_start3A_453 = tpu.memref_slice %arg3[%dma_start3A_451, %dma_start3A_452] : memref<10112x144xf32, #tpu.memory_space<hbm>> -> memref<10112x144xf32, #tpu.memory_space<hbm>>
      tpu.enqueue_indirect_dma source(%dma_start3A_453 : memref<10112x144xf32, #tpu.memory_space<hbm>>) target(%dma_start3A_447 : memref<16x144xf32, #tpu.memory_space<vmem>>) offsets(%dma_start3A_450 : memref<16xi32, #tpu.memory_space<vmem>>) semaphore(%arg19 : memref<!tpu.dma_semaphore, #tpu.memory_space<semaphore_mem>>)
      %dma_start3A_454 = arith.constant 0 : i32
      %dma_start3A_455 = arith.constant 32 : i32
      %dma_start3A_456 = arith.constant 0 : i32
      %dma_start3A_457 = tpu.memref_slice %arg11[%dma_start3A_455, %dma_start3A_456] : memref<80x144xf32, #tpu.memory_space<vmem>> -> memref<16x144xf32, #tpu.memory_space<vmem>>
      %dma_start3A_458 = arith.constant 32 : i32
      %dma_start3A_459 = tpu.memref_slice %arg9[%dma_start3A_454, %dma_start3A_458] : memref<2x80xi32, #tpu.memory_space<vmem>> -> memref<1x16xi32, #tpu.memory_space<vmem>>
      %dma_start3A_460 = tpu.memref_squeeze %dma_start3A_459 : memref<1x16xi32, #tpu.memory_space<vmem>> -> memref<16xi32, #tpu.memory_space<vmem>>
      %dma_start3A_461 = arith.constant 0 : i32
      %dma_start3A_462 = arith.constant 0 : i32
      %dma_start3A_463 = tpu.memref_slice %arg3[%dma_start3A_461, %dma_start3A_462] : memref<10112x144xf32, #tpu.memory_space<hbm>> -> memref<10112x144xf32, #tpu.memory_space<hbm>>
      tpu.enqueue_indirect_dma source(%dma_start3A_463 : memref<10112x144xf32, #tpu.memory_space<hbm>>) target(%dma_start3A_457 : memref<16x144xf32, #tpu.memory_space<vmem>>) offsets(%dma_start3A_460 : memref<16xi32, #tpu.memory_space<vmem>>) semaphore(%arg19 : memref<!tpu.dma_semaphore, #tpu.memory_space<semaphore_mem>>)
      %dma_start3A_464 = arith.constant 0 : i32
      %dma_start3A_465 = arith.constant 48 : i32
      %dma_start3A_466 = arith.constant 0 : i32
      %dma_start3A_467 = tpu.memref_slice %arg11[%dma_start3A_465, %dma_start3A_466] : memref<80x144xf32, #tpu.memory_space<vmem>> -> memref<16x144xf32, #tpu.memory_space<vmem>>
      %dma_start3A_468 = arith.constant 48 : i32
      %dma_start3A_469 = tpu.memref_slice %arg9[%dma_start3A_464, %dma_start3A_468] : memref<2x80xi32, #tpu.memory_space<vmem>> -> memref<1x16xi32, #tpu.memory_space<vmem>>
      %dma_start3A_470 = tpu.memref_squeeze %dma_start3A_469 : memref<1x16xi32, #tpu.memory_space<vmem>> -> memref<16xi32, #tpu.memory_space<vmem>>
      %dma_start3A_471 = arith.constant 0 : i32
      %dma_start3A_472 = arith.constant 0 : i32
      %dma_start3A_473 = tpu.memref_slice %arg3[%dma_start3A_471, %dma_start3A_472] : memref<10112x144xf32, #tpu.memory_space<hbm>> -> memref<10112x144xf32, #tpu.memory_space<hbm>>
      tpu.enqueue_indirect_dma source(%dma_start3A_473 : memref<10112x144xf32, #tpu.memory_space<hbm>>) target(%dma_start3A_467 : memref<16x144xf32, #tpu.memory_space<vmem>>) offsets(%dma_start3A_470 : memref<16xi32, #tpu.memory_space<vmem>>) semaphore(%arg19 : memref<!tpu.dma_semaphore, #tpu.memory_space<semaphore_mem>>)
      %dma_start3A_474 = arith.constant 0 : i32
      %dma_start3A_475 = arith.constant 64 : i32
      %dma_start3A_476 = arith.constant 0 : i32
      %dma_start3A_477 = tpu.memref_slice %arg11[%dma_start3A_475, %dma_start3A_476] : memref<80x144xf32, #tpu.memory_space<vmem>> -> memref<16x144xf32, #tpu.memory_space<vmem>>
      %dma_start3A_478 = arith.constant 64 : i32
      %dma_start3A_479 = tpu.memref_slice %arg9[%dma_start3A_474, %dma_start3A_478] : memref<2x80xi32, #tpu.memory_space<vmem>> -> memref<1x16xi32, #tpu.memory_space<vmem>>
      %dma_start3A_480 = tpu.memref_squeeze %dma_start3A_479 : memref<1x16xi32, #tpu.memory_space<vmem>> -> memref<16xi32, #tpu.memory_space<vmem>>
      %dma_start3A_481 = arith.constant 0 : i32
      %dma_start3A_482 = arith.constant 0 : i32
      %dma_start3A_483 = tpu.memref_slice %arg3[%dma_start3A_481, %dma_start3A_482] : memref<10112x144xf32, #tpu.memory_space<hbm>> -> memref<10112x144xf32, #tpu.memory_space<hbm>>
      tpu.enqueue_indirect_dma source(%dma_start3A_483 : memref<10112x144xf32, #tpu.memory_space<hbm>>) target(%dma_start3A_477 : memref<16x144xf32, #tpu.memory_space<vmem>>) offsets(%dma_start3A_480 : memref<16xi32, #tpu.memory_space<vmem>>) semaphore(%arg19 : memref<!tpu.dma_semaphore, #tpu.memory_space<semaphore_mem>>)
      %dma_start3A_484 = arith.constant 1 : i32
      %dma_start3A_485 = arith.constant 0 : i32
      %dma_start3A_486 = tpu.memref_slice %arg9[%dma_start3A_484, %dma_start3A_485] : memref<2x80xi32, #tpu.memory_space<vmem>> -> memref<1x80xi32, #tpu.memory_space<vmem>>
      %dma_start3A_487 = tpu.memref_squeeze %dma_start3A_486 : memref<1x80xi32, #tpu.memory_space<vmem>> -> memref<80xi32, #tpu.memory_space<vmem>>
      %dma_start3A_488 = arith.constant 0 : i32
      %dma_start3A_489 = arith.constant 0 : i32
      %dma_start3A_490 = tpu.memref_slice %arg4[%dma_start3A_488, %dma_start3A_489] : memref<10112x16xf32, #tpu.memory_space<hbm>> -> memref<10112x16xf32, #tpu.memory_space<hbm>>
      tpu.enqueue_indirect_dma source(%dma_start3A_490 : memref<10112x16xf32, #tpu.memory_space<hbm>>) target(%arg13 : memref<80x16xf32, #tpu.memory_space<vmem>>) offsets(%dma_start3A_487 : memref<80xi32, #tpu.memory_space<vmem>>) semaphore(%arg19 : memref<!tpu.dma_semaphore, #tpu.memory_space<semaphore_mem>>)
      %mul3A_491 = arith.constant 640 : i32
      %mul3A_492 = arith.muli %add3A_433, %mul3A_491 : i32
      %add3A_493 = arith.addi %mul3A_6, %mul3A_492 : i32
      %dma_start3A_494 = tpu.memref_slice %arg5[%add3A_493] : memref<2560000xf32, #tpu.memory_space<hbm>> -> memref<640xf32, #tpu.memory_space<hbm>>
      %dma_start3A_495 = tpu.memref_slice %arg5[%add3A_493] : memref<2560000xf32, #tpu.memory_space<hbm>> -> memref<640xf32, #tpu.memory_space<hbm>>
      tpu.enqueue_dma source(%dma_start3A_495 : memref<640xf32, #tpu.memory_space<hbm>>) target(%arg15 : memref<640xf32, #tpu.memory_space<vmem>>) target_semaphore(%arg19 : memref<!tpu.dma_semaphore, #tpu.memory_space<semaphore_mem>>)
      %dma_wait3A_496 = arith.constant 0 : i32
      %dma_wait3A_497 = arith.constant 0 : i32
      %dma_wait3A_498 = arith.constant 0 : i32
      %dma_wait3A_499 = tpu.memref_slice %arg12[%dma_wait3A_497, %dma_wait3A_498] : memref<80x144xf32, #tpu.memory_space<vmem>> -> memref<16x144xf32, #tpu.memory_space<vmem>>
      %dma_wait3A_500 = arith.constant 0 : i32
      %dma_wait3A_501 = tpu.memref_slice %arg10[%dma_wait3A_496, %dma_wait3A_500] : memref<2x80xi32, #tpu.memory_space<vmem>> -> memref<1x16xi32, #tpu.memory_space<vmem>>
      %dma_wait3A_502 = tpu.memref_squeeze %dma_wait3A_501 : memref<1x16xi32, #tpu.memory_space<vmem>> -> memref<16xi32, #tpu.memory_space<vmem>>
      %dma_wait3A_503 = arith.constant 0 : i32
      %dma_wait3A_504 = arith.constant 0 : i32
      %dma_wait3A_505 = tpu.memref_slice %arg3[%dma_wait3A_503, %dma_wait3A_504] : memref<10112x144xf32, #tpu.memory_space<hbm>> -> memref<10112x144xf32, #tpu.memory_space<hbm>>
      tpu.wait_indirect_dma semaphore(%arg20 : memref<!tpu.dma_semaphore, #tpu.memory_space<semaphore_mem>>) src(%dma_wait3A_505 : memref<10112x144xf32, #tpu.memory_space<hbm>>) dst(%dma_wait3A_499 : memref<16x144xf32, #tpu.memory_space<vmem>>)
      %dma_wait3A_506 = arith.constant 0 : i32
      %dma_wait3A_507 = arith.constant 16 : i32
      %dma_wait3A_508 = arith.constant 0 : i32
      %dma_wait3A_509 = tpu.memref_slice %arg12[%dma_wait3A_507, %dma_wait3A_508] : memref<80x144xf32, #tpu.memory_space<vmem>> -> memref<16x144xf32, #tpu.memory_space<vmem>>
      %dma_wait3A_510 = arith.constant 16 : i32
      %dma_wait3A_511 = tpu.memref_slice %arg10[%dma_wait3A_506, %dma_wait3A_510] : memref<2x80xi32, #tpu.memory_space<vmem>> -> memref<1x16xi32, #tpu.memory_space<vmem>>
      %dma_wait3A_512 = tpu.memref_squeeze %dma_wait3A_511 : memref<1x16xi32, #tpu.memory_space<vmem>> -> memref<16xi32, #tpu.memory_space<vmem>>
      %dma_wait3A_513 = arith.constant 0 : i32
      %dma_wait3A_514 = arith.constant 0 : i32
      %dma_wait3A_515 = tpu.memref_slice %arg3[%dma_wait3A_513, %dma_wait3A_514] : memref<10112x144xf32, #tpu.memory_space<hbm>> -> memref<10112x144xf32, #tpu.memory_space<hbm>>
      tpu.wait_indirect_dma semaphore(%arg20 : memref<!tpu.dma_semaphore, #tpu.memory_space<semaphore_mem>>) src(%dma_wait3A_515 : memref<10112x144xf32, #tpu.memory_space<hbm>>) dst(%dma_wait3A_509 : memref<16x144xf32, #tpu.memory_space<vmem>>)
      %dma_wait3A_516 = arith.constant 0 : i32
      %dma_wait3A_517 = arith.constant 32 : i32
      %dma_wait3A_518 = arith.constant 0 : i32
      %dma_wait3A_519 = tpu.memref_slice %arg12[%dma_wait3A_517, %dma_wait3A_518] : memref<80x144xf32, #tpu.memory_space<vmem>> -> memref<16x144xf32, #tpu.memory_space<vmem>>
      %dma_wait3A_520 = arith.constant 32 : i32
      %dma_wait3A_521 = tpu.memref_slice %arg10[%dma_wait3A_516, %dma_wait3A_520] : memref<2x80xi32, #tpu.memory_space<vmem>> -> memref<1x16xi32, #tpu.memory_space<vmem>>
      %dma_wait3A_522 = tpu.memref_squeeze %dma_wait3A_521 : memref<1x16xi32, #tpu.memory_space<vmem>> -> memref<16xi32, #tpu.memory_space<vmem>>
      %dma_wait3A_523 = arith.constant 0 : i32
      %dma_wait3A_524 = arith.constant 0 : i32
      %dma_wait3A_525 = tpu.memref_slice %arg3[%dma_wait3A_523, %dma_wait3A_524] : memref<10112x144xf32, #tpu.memory_space<hbm>> -> memref<10112x144xf32, #tpu.memory_space<hbm>>
      tpu.wait_indirect_dma semaphore(%arg20 : memref<!tpu.dma_semaphore, #tpu.memory_space<semaphore_mem>>) src(%dma_wait3A_525 : memref<10112x144xf32, #tpu.memory_space<hbm>>) dst(%dma_wait3A_519 : memref<16x144xf32, #tpu.memory_space<vmem>>)
      %dma_wait3A_526 = arith.constant 0 : i32
      %dma_wait3A_527 = arith.constant 48 : i32
      %dma_wait3A_528 = arith.constant 0 : i32
      %dma_wait3A_529 = tpu.memref_slice %arg12[%dma_wait3A_527, %dma_wait3A_528] : memref<80x144xf32, #tpu.memory_space<vmem>> -> memref<16x144xf32, #tpu.memory_space<vmem>>
      %dma_wait3A_530 = arith.constant 48 : i32
      %dma_wait3A_531 = tpu.memref_slice %arg10[%dma_wait3A_526, %dma_wait3A_530] : memref<2x80xi32, #tpu.memory_space<vmem>> -> memref<1x16xi32, #tpu.memory_space<vmem>>
      %dma_wait3A_532 = tpu.memref_squeeze %dma_wait3A_531 : memref<1x16xi32, #tpu.memory_space<vmem>> -> memref<16xi32, #tpu.memory_space<vmem>>
      %dma_wait3A_533 = arith.constant 0 : i32
      %dma_wait3A_534 = arith.constant 0 : i32
      %dma_wait3A_535 = tpu.memref_slice %arg3[%dma_wait3A_533, %dma_wait3A_534] : memref<10112x144xf32, #tpu.memory_space<hbm>> -> memref<10112x144xf32, #tpu.memory_space<hbm>>
      tpu.wait_indirect_dma semaphore(%arg20 : memref<!tpu.dma_semaphore, #tpu.memory_space<semaphore_mem>>) src(%dma_wait3A_535 : memref<10112x144xf32, #tpu.memory_space<hbm>>) dst(%dma_wait3A_529 : memref<16x144xf32, #tpu.memory_space<vmem>>)
      %dma_wait3A_536 = arith.constant 0 : i32
      %dma_wait3A_537 = arith.constant 64 : i32
      %dma_wait3A_538 = arith.constant 0 : i32
      %dma_wait3A_539 = tpu.memref_slice %arg12[%dma_wait3A_537, %dma_wait3A_538] : memref<80x144xf32, #tpu.memory_space<vmem>> -> memref<16x144xf32, #tpu.memory_space<vmem>>
      %dma_wait3A_540 = arith.constant 64 : i32
      %dma_wait3A_541 = tpu.memref_slice %arg10[%dma_wait3A_536, %dma_wait3A_540] : memref<2x80xi32, #tpu.memory_space<vmem>> -> memref<1x16xi32, #tpu.memory_space<vmem>>
      %dma_wait3A_542 = tpu.memref_squeeze %dma_wait3A_541 : memref<1x16xi32, #tpu.memory_space<vmem>> -> memref<16xi32, #tpu.memory_space<vmem>>
      %dma_wait3A_543 = arith.constant 0 : i32
      %dma_wait3A_544 = arith.constant 0 : i32
      %dma_wait3A_545 = tpu.memref_slice %arg3[%dma_wait3A_543, %dma_wait3A_544] : memref<10112x144xf32, #tpu.memory_space<hbm>> -> memref<10112x144xf32, #tpu.memory_space<hbm>>
      tpu.wait_indirect_dma semaphore(%arg20 : memref<!tpu.dma_semaphore, #tpu.memory_space<semaphore_mem>>) src(%dma_wait3A_545 : memref<10112x144xf32, #tpu.memory_space<hbm>>) dst(%dma_wait3A_539 : memref<16x144xf32, #tpu.memory_space<vmem>>)
      %dma_wait3A_546 = arith.constant 1 : i32
      %dma_wait3A_547 = arith.constant 0 : i32
      %dma_wait3A_548 = tpu.memref_slice %arg10[%dma_wait3A_546, %dma_wait3A_547] : memref<2x80xi32, #tpu.memory_space<vmem>> -> memref<1x80xi32, #tpu.memory_space<vmem>>
      %dma_wait3A_549 = tpu.memref_squeeze %dma_wait3A_548 : memref<1x80xi32, #tpu.memory_space<vmem>> -> memref<80xi32, #tpu.memory_space<vmem>>
      %dma_wait3A_550 = arith.constant 0 : i32
      %dma_wait3A_551 = arith.constant 0 : i32
      %dma_wait3A_552 = tpu.memref_slice %arg4[%dma_wait3A_550, %dma_wait3A_551] : memref<10112x16xf32, #tpu.memory_space<hbm>> -> memref<10112x16xf32, #tpu.memory_space<hbm>>
      tpu.wait_indirect_dma semaphore(%arg20 : memref<!tpu.dma_semaphore, #tpu.memory_space<semaphore_mem>>) src(%dma_wait3A_552 : memref<10112x16xf32, #tpu.memory_space<hbm>>) dst(%arg14 : memref<80x16xf32, #tpu.memory_space<vmem>>)
      %dma_wait3A_553 = arith.constant 0 : i32
      %dma_wait3A_554 = tpu.memref_slice %arg5[%dma_wait3A_553] : memref<2560000xf32, #tpu.memory_space<hbm>> -> memref<640xf32, #tpu.memory_space<hbm>>
      %dma_wait3A_555 = arith.constant 0 : i32
      %dma_wait3A_556 = tpu.memref_slice %arg5[%dma_wait3A_555] : memref<2560000xf32, #tpu.memory_space<hbm>> -> memref<640xf32, #tpu.memory_space<hbm>>
      tpu.wait_dma2 semaphore(%arg20 : memref<!tpu.dma_semaphore, #tpu.memory_space<semaphore_mem>>) src(%dma_wait3A_556 : memref<640xf32, #tpu.memory_space<hbm>>) dst(%arg16 : memref<640xf32, #tpu.memory_space<vmem>>)
      %parallel_loop3A_557 = arith.constant 0 : i32
      %parallel_loop3A_558 = arith.constant 40 : i32
      %parallel_loop3A_559 = arith.constant 1 : i32
      scf.for %parallel_loop3A_592 = %parallel_loop3A_557 to %parallel_loop3A_558 step %parallel_loop3A_559  : i32 {
        %parallel_loop3A_593 = arith.constant 2 : i32
        %parallel_loop3A_594 = arith.muli %parallel_loop3A_592, %parallel_loop3A_593 : i32
        %parallel_loop3A_595 = vector.broadcast %parallel_loop3A_594 : i32 to vector<16xi32>
        %parallel_loop3A_596 = arith.addi %parallel_loop3A_595, %select_n3A : vector<16xi32>
        %parallel_loop3A_597 = arith.constant 128 : i32
        %parallel_loop3A_598 = vector.broadcast %parallel_loop3A_597 : i32 to vector<16xi32>
        %parallel_loop3A_599 = arith.addi %parallel_loop3A_598, %rem3A_16 : vector<16xi32>
        %parallel_loop3A_600 = tpu.vector_load_idx %arg12[%parallel_loop3A_596, %parallel_loop3A_599] : memref<80x144xf32, #tpu.memory_space<vmem>>[vector<16xi32>, vector<16xi32>], vector<16xf32>,
        %parallel_loop3A_601 = tpu.vector_load_idx %arg14[%parallel_loop3A_596, %rem3A_16] : memref<80x16xf32, #tpu.memory_space<vmem>>[vector<16xi32>, vector<16xi32>], vector<16xf32>,
        %parallel_loop3A_602 = arith.constant 8 : i32
        %parallel_loop3A_603 = arith.muli %parallel_loop3A_594, %parallel_loop3A_602 : i32
        %parallel_loop3A_604 = arith.index_cast %parallel_loop3A_603 : i32 to index
        %parallel_loop3A_605 = tpu.vector_load %arg16[%parallel_loop3A_604] {strides = array<i32>} : memref<640xf32, #tpu.memory_space<vmem>>, vector<16xf32>,
        %parallel_loop3A_606 = arith.addf %parallel_loop3A_600, %parallel_loop3A_601 : vector<16xf32>
        %parallel_loop3A_607 = arith.addf %parallel_loop3A_606, %parallel_loop3A_605 : vector<16xf32>
        %parallel_loop3A_608 = arith.constant 2.000000e-01 : f32
        %parallel_loop3A_609 = vector.broadcast %parallel_loop3A_608 : f32 to vector<16xf32>
        %parallel_loop3A_610 = arith.mulf %parallel_loop3A_609, %parallel_loop3A_607 : vector<16xf32>
        %parallel_loop3A_611 = arith.maximumf %parallel_loop3A_607, %parallel_loop3A_610 : vector<16xf32>
        %parallel_loop3A_612 = arith.subf %parallel_loop3A_611, %get3A_14 : vector<16xf32>
        %parallel_loop3A_613 = math.exp %parallel_loop3A_612 : vector<16xf32>
        %parallel_loop3A_614 = arith.constant 128 : i32
        %parallel_loop3A_615 = vector.broadcast %parallel_loop3A_614 : i32 to vector<16xi32>
        %parallel_loop3A_616 = arith.addi %parallel_loop3A_615, %rem3A_16 : vector<16xi32>
        tpu.vector_store_idx %arg17[%parallel_loop3A_596, %parallel_loop3A_616], %parallel_loop3A_613 : memref<80x144xf32, #tpu.memory_space<vmem>>[vector<16xi32>, vector<16xi32>], vector<16xf32>,
        %parallel_loop3A_617 = arith.constant 0 : i32
        %parallel_loop3A_618 = vector.broadcast %parallel_loop3A_617 : i32 to vector<16xi32>
        %parallel_loop3A_619 = arith.constant 0 : i32
        %parallel_loop3A_620 = vector.broadcast %parallel_loop3A_619 : i32 to vector<16xi32>
        %parallel_loop3A_621 = arith.cmpi slt, %parallel_loop3A_618, %parallel_loop3A_620 : vector<16xi32>
        %parallel_loop3A_622 = arith.constant 16 : i32
        %parallel_loop3A_623 = vector.broadcast %parallel_loop3A_622 : i32 to vector<16xi32>
        %parallel_loop3A_624 = arith.addi %parallel_loop3A_618, %parallel_loop3A_623 : vector<16xi32>
        %parallel_loop3A_625 = arith.select %parallel_loop3A_621, %parallel_loop3A_624, %parallel_loop3A_618 : vector<16xi1>, vector<16xi32>
        %parallel_loop3A_626 = vector.shape_cast %parallel_loop3A_625 : vector<16xi32> to vector<16x1xi32>
        %parallel_loop3A_627 = vector.shape_cast %parallel_loop3A_626 : vector<16x1xi32> to vector<16xi32>
        %parallel_loop3A_628 = tpu.dynamic_gather %parallel_loop3A_613[%parallel_loop3A_627] in [0] : vector<16xf32>, vector<16xi32> -> vector<16xf32>
        %parallel_loop3A_629 = arith.constant 8 : i32
        %parallel_loop3A_630 = vector.broadcast %parallel_loop3A_629 : i32 to vector<16xi32>
        %parallel_loop3A_631 = arith.constant 0 : i32
        %parallel_loop3A_632 = vector.broadcast %parallel_loop3A_631 : i32 to vector<16xi32>
        %parallel_loop3A_633 = arith.cmpi slt, %parallel_loop3A_630, %parallel_loop3A_632 : vector<16xi32>
        %parallel_loop3A_634 = arith.constant 16 : i32
        %parallel_loop3A_635 = vector.broadcast %parallel_loop3A_634 : i32 to vector<16xi32>
        %parallel_loop3A_636 = arith.addi %parallel_loop3A_630, %parallel_loop3A_635 : vector<16xi32>
        %parallel_loop3A_637 = arith.select %parallel_loop3A_633, %parallel_loop3A_636, %parallel_loop3A_630 : vector<16xi1>, vector<16xi32>
        %parallel_loop3A_638 = vector.shape_cast %parallel_loop3A_637 : vector<16xi32> to vector<16x1xi32>
        %parallel_loop3A_639 = vector.shape_cast %parallel_loop3A_638 : vector<16x1xi32> to vector<16xi32>
        %parallel_loop3A_640 = tpu.dynamic_gather %parallel_loop3A_613[%parallel_loop3A_639] in [0] : vector<16xf32>, vector<16xi32> -> vector<16xf32>
        %parallel_loop3A_641 = arith.index_cast %parallel_loop3A_594 : i32 to index
        %parallel_loop3A_642 = arith.constant 0 : index
        %parallel_loop3A_643 = tpu.vector_load %arg12[%parallel_loop3A_641, %parallel_loop3A_642] {strides = array<i32>} : memref<80x144xf32, #tpu.memory_space<vmem>>, vector<16xf32>,
        %parallel_loop3A_644 = arith.mulf %parallel_loop3A_628, %parallel_loop3A_643 : vector<16xf32>
        %parallel_loop3A_645 = arith.index_cast %parallel_loop3A_594 : i32 to index
        %parallel_loop3A_646 = arith.constant 0 : index
        %parallel_loop3A_647 = tpu.vector_load %arg17[%parallel_loop3A_645, %parallel_loop3A_646] {strides = array<i32>} : memref<80x144xf32, #tpu.memory_space<vmem>>, vector<16xf32>,
        tpu.vector_store %arg17[%parallel_loop3A_645, %parallel_loop3A_646], %parallel_loop3A_644 {strides = array<i32>} : memref<80x144xf32, #tpu.memory_space<vmem>>, vector<16xf32>,
        %parallel_loop3A_648 = arith.constant 1 : i32
        %parallel_loop3A_649 = arith.addi %parallel_loop3A_594, %parallel_loop3A_648 : i32
        %parallel_loop3A_650 = arith.index_cast %parallel_loop3A_649 : i32 to index
        %parallel_loop3A_651 = arith.constant 0 : index
        %parallel_loop3A_652 = tpu.vector_load %arg12[%parallel_loop3A_650, %parallel_loop3A_651] {strides = array<i32>} : memref<80x144xf32, #tpu.memory_space<vmem>>, vector<16xf32>,
        %parallel_loop3A_653 = arith.mulf %parallel_loop3A_640, %parallel_loop3A_652 : vector<16xf32>
        %parallel_loop3A_654 = arith.constant 1 : i32
        %parallel_loop3A_655 = arith.addi %parallel_loop3A_594, %parallel_loop3A_654 : i32
        %parallel_loop3A_656 = arith.index_cast %parallel_loop3A_655 : i32 to index
        %parallel_loop3A_657 = arith.constant 0 : index
        %parallel_loop3A_658 = tpu.vector_load %arg17[%parallel_loop3A_656, %parallel_loop3A_657] {strides = array<i32>} : memref<80x144xf32, #tpu.memory_space<vmem>>, vector<16xf32>,
        tpu.vector_store %arg17[%parallel_loop3A_656, %parallel_loop3A_657], %parallel_loop3A_653 {strides = array<i32>} : memref<80x144xf32, #tpu.memory_space<vmem>>, vector<16xf32>,
        %parallel_loop3A_659 = arith.constant 1 : i32
        %parallel_loop3A_660 = vector.broadcast %parallel_loop3A_659 : i32 to vector<16xi32>
        %parallel_loop3A_661 = arith.constant 0 : i32
        %parallel_loop3A_662 = vector.broadcast %parallel_loop3A_661 : i32 to vector<16xi32>
        %parallel_loop3A_663 = arith.cmpi slt, %parallel_loop3A_660, %parallel_loop3A_662 : vector<16xi32>
        %parallel_loop3A_664 = arith.constant 16 : i32
        %parallel_loop3A_665 = vector.broadcast %parallel_loop3A_664 : i32 to vector<16xi32>
        %parallel_loop3A_666 = arith.addi %parallel_loop3A_660, %parallel_loop3A_665 : vector<16xi32>
        %parallel_loop3A_667 = arith.select %parallel_loop3A_663, %parallel_loop3A_666, %parallel_loop3A_660 : vector<16xi1>, vector<16xi32>
        %parallel_loop3A_668 = vector.shape_cast %parallel_loop3A_667 : vector<16xi32> to vector<16x1xi32>
        %parallel_loop3A_669 = vector.shape_cast %parallel_loop3A_668 : vector<16x1xi32> to vector<16xi32>
        %parallel_loop3A_670 = tpu.dynamic_gather %parallel_loop3A_613[%parallel_loop3A_669] in [0] : vector<16xf32>, vector<16xi32> -> vector<16xf32>
        %parallel_loop3A_671 = arith.constant 9 : i32
        %parallel_loop3A_672 = vector.broadcast %parallel_loop3A_671 : i32 to vector<16xi32>
        %parallel_loop3A_673 = arith.constant 0 : i32
        %parallel_loop3A_674 = vector.broadcast %parallel_loop3A_673 : i32 to vector<16xi32>
        %parallel_loop3A_675 = arith.cmpi slt, %parallel_loop3A_672, %parallel_loop3A_674 : vector<16xi32>
        %parallel_loop3A_676 = arith.constant 16 : i32
        %parallel_loop3A_677 = vector.broadcast %parallel_loop3A_676 : i32 to vector<16xi32>
        %parallel_loop3A_678 = arith.addi %parallel_loop3A_672, %parallel_loop3A_677 : vector<16xi32>
        %parallel_loop3A_679 = arith.select %parallel_loop3A_675, %parallel_loop3A_678, %parallel_loop3A_672 : vector<16xi1>, vector<16xi32>
        %parallel_loop3A_680 = vector.shape_cast %parallel_loop3A_679 : vector<16xi32> to vector<16x1xi32>
        %parallel_loop3A_681 = vector.shape_cast %parallel_loop3A_680 : vector<16x1xi32> to vector<16xi32>
        %parallel_loop3A_682 = tpu.dynamic_gather %parallel_loop3A_613[%parallel_loop3A_681] in [0] : vector<16xf32>, vector<16xi32> -> vector<16xf32>
        %parallel_loop3A_683 = arith.index_cast %parallel_loop3A_594 : i32 to index
        %parallel_loop3A_684 = arith.constant 16 : index
        %parallel_loop3A_685 = tpu.vector_load %arg12[%parallel_loop3A_683, %parallel_loop3A_684] {strides = array<i32>} : memref<80x144xf32, #tpu.memory_space<vmem>>, vector<16xf32>,
        %parallel_loop3A_686 = arith.mulf %parallel_loop3A_670, %parallel_loop3A_685 : vector<16xf32>
        %parallel_loop3A_687 = arith.index_cast %parallel_loop3A_594 : i32 to index
        %parallel_loop3A_688 = arith.constant 16 : index
        %parallel_loop3A_689 = tpu.vector_load %arg17[%parallel_loop3A_687, %parallel_loop3A_688] {strides = array<i32>} : memref<80x144xf32, #tpu.memory_space<vmem>>, vector<16xf32>,
        tpu.vector_store %arg17[%parallel_loop3A_687, %parallel_loop3A_688], %parallel_loop3A_686 {strides = array<i32>} : memref<80x144xf32, #tpu.memory_space<vmem>>, vector<16xf32>,
        %parallel_loop3A_690 = arith.constant 1 : i32
        %parallel_loop3A_691 = arith.addi %parallel_loop3A_594, %parallel_loop3A_690 : i32
        %parallel_loop3A_692 = arith.index_cast %parallel_loop3A_691 : i32 to index
        %parallel_loop3A_693 = arith.constant 16 : index
        %parallel_loop3A_694 = tpu.vector_load %arg12[%parallel_loop3A_692, %parallel_loop3A_693] {strides = array<i32>} : memref<80x144xf32, #tpu.memory_space<vmem>>, vector<16xf32>,
        %parallel_loop3A_695 = arith.mulf %parallel_loop3A_682, %parallel_loop3A_694 : vector<16xf32>
        %parallel_loop3A_696 = arith.constant 1 : i32
        %parallel_loop3A_697 = arith.addi %parallel_loop3A_594, %parallel_loop3A_696 : i32
        %parallel_loop3A_698 = arith.index_cast %parallel_loop3A_697 : i32 to index
        %parallel_loop3A_699 = arith.constant 16 : index
        %parallel_loop3A_700 = tpu.vector_load %arg17[%parallel_loop3A_698, %parallel_loop3A_699] {strides = array<i32>} : memref<80x144xf32, #tpu.memory_space<vmem>>, vector<16xf32>,
        tpu.vector_store %arg17[%parallel_loop3A_698, %parallel_loop3A_699], %parallel_loop3A_695 {strides = array<i32>} : memref<80x144xf32, #tpu.memory_space<vmem>>, vector<16xf32>,
        %parallel_loop3A_701 = arith.constant 2 : i32
        %parallel_loop3A_702 = vector.broadcast %parallel_loop3A_701 : i32 to vector<16xi32>
        %parallel_loop3A_703 = arith.constant 0 : i32
        %parallel_loop3A_704 = vector.broadcast %parallel_loop3A_703 : i32 to vector<16xi32>
        %parallel_loop3A_705 = arith.cmpi slt, %parallel_loop3A_702, %parallel_loop3A_704 : vector<16xi32>
        %parallel_loop3A_706 = arith.constant 16 : i32
        %parallel_loop3A_707 = vector.broadcast %parallel_loop3A_706 : i32 to vector<16xi32>
        %parallel_loop3A_708 = arith.addi %parallel_loop3A_702, %parallel_loop3A_707 : vector<16xi32>
        %parallel_loop3A_709 = arith.select %parallel_loop3A_705, %parallel_loop3A_708, %parallel_loop3A_702 : vector<16xi1>, vector<16xi32>
        %parallel_loop3A_710 = vector.shape_cast %parallel_loop3A_709 : vector<16xi32> to vector<16x1xi32>
        %parallel_loop3A_711 = vector.shape_cast %parallel_loop3A_710 : vector<16x1xi32> to vector<16xi32>
        %parallel_loop3A_712 = tpu.dynamic_gather %parallel_loop3A_613[%parallel_loop3A_711] in [0] : vector<16xf32>, vector<16xi32> -> vector<16xf32>
        %parallel_loop3A_713 = arith.constant 10 : i32
        %parallel_loop3A_714 = vector.broadcast %parallel_loop3A_713 : i32 to vector<16xi32>
        %parallel_loop3A_715 = arith.constant 0 : i32
        %parallel_loop3A_716 = vector.broadcast %parallel_loop3A_715 : i32 to vector<16xi32>
        %parallel_loop3A_717 = arith.cmpi slt, %parallel_loop3A_714, %parallel_loop3A_716 : vector<16xi32>
        %parallel_loop3A_718 = arith.constant 16 : i32
        %parallel_loop3A_719 = vector.broadcast %parallel_loop3A_718 : i32 to vector<16xi32>
        %parallel_loop3A_720 = arith.addi %parallel_loop3A_714, %parallel_loop3A_719 : vector<16xi32>
        %parallel_loop3A_721 = arith.select %parallel_loop3A_717, %parallel_loop3A_720, %parallel_loop3A_714 : vector<16xi1>, vector<16xi32>
        %parallel_loop3A_722 = vector.shape_cast %parallel_loop3A_721 : vector<16xi32> to vector<16x1xi32>
        %parallel_loop3A_723 = vector.shape_cast %parallel_loop3A_722 : vector<16x1xi32> to vector<16xi32>
        %parallel_loop3A_724 = tpu.dynamic_gather %parallel_loop3A_613[%parallel_loop3A_723] in [0] : vector<16xf32>, vector<16xi32> -> vector<16xf32>
        %parallel_loop3A_725 = arith.index_cast %parallel_loop3A_594 : i32 to index
        %parallel_loop3A_726 = arith.constant 32 : index
        %parallel_loop3A_727 = tpu.vector_load %arg12[%parallel_loop3A_725, %parallel_loop3A_726] {strides = array<i32>} : memref<80x144xf32, #tpu.memory_space<vmem>>, vector<16xf32>,
        %parallel_loop3A_728 = arith.mulf %parallel_loop3A_712, %parallel_loop3A_727 : vector<16xf32>
        %parallel_loop3A_729 = arith.index_cast %parallel_loop3A_594 : i32 to index
        %parallel_loop3A_730 = arith.constant 32 : index
        %parallel_loop3A_731 = tpu.vector_load %arg17[%parallel_loop3A_729, %parallel_loop3A_730] {strides = array<i32>} : memref<80x144xf32, #tpu.memory_space<vmem>>, vector<16xf32>,
        tpu.vector_store %arg17[%parallel_loop3A_729, %parallel_loop3A_730], %parallel_loop3A_728 {strides = array<i32>} : memref<80x144xf32, #tpu.memory_space<vmem>>, vector<16xf32>,
        %parallel_loop3A_732 = arith.constant 1 : i32
        %parallel_loop3A_733 = arith.addi %parallel_loop3A_594, %parallel_loop3A_732 : i32
        %parallel_loop3A_734 = arith.index_cast %parallel_loop3A_733 : i32 to index
        %parallel_loop3A_735 = arith.constant 32 : index
        %parallel_loop3A_736 = tpu.vector_load %arg12[%parallel_loop3A_734, %parallel_loop3A_735] {strides = array<i32>} : memref<80x144xf32, #tpu.memory_space<vmem>>, vector<16xf32>,
        %parallel_loop3A_737 = arith.mulf %parallel_loop3A_724, %parallel_loop3A_736 : vector<16xf32>
        %parallel_loop3A_738 = arith.constant 1 : i32
        %parallel_loop3A_739 = arith.addi %parallel_loop3A_594, %parallel_loop3A_738 : i32
        %parallel_loop3A_740 = arith.index_cast %parallel_loop3A_739 : i32 to index
        %parallel_loop3A_741 = arith.constant 32 : index
        %parallel_loop3A_742 = tpu.vector_load %arg17[%parallel_loop3A_740, %parallel_loop3A_741] {strides = array<i32>} : memref<80x144xf32, #tpu.memory_space<vmem>>, vector<16xf32>,
        tpu.vector_store %arg17[%parallel_loop3A_740, %parallel_loop3A_741], %parallel_loop3A_737 {strides = array<i32>} : memref<80x144xf32, #tpu.memory_space<vmem>>, vector<16xf32>,
        %parallel_loop3A_743 = arith.constant 3 : i32
        %parallel_loop3A_744 = vector.broadcast %parallel_loop3A_743 : i32 to vector<16xi32>
        %parallel_loop3A_745 = arith.constant 0 : i32
        %parallel_loop3A_746 = vector.broadcast %parallel_loop3A_745 : i32 to vector<16xi32>
        %parallel_loop3A_747 = arith.cmpi slt, %parallel_loop3A_744, %parallel_loop3A_746 : vector<16xi32>
        %parallel_loop3A_748 = arith.constant 16 : i32
        %parallel_loop3A_749 = vector.broadcast %parallel_loop3A_748 : i32 to vector<16xi32>
        %parallel_loop3A_750 = arith.addi %parallel_loop3A_744, %parallel_loop3A_749 : vector<16xi32>
        %parallel_loop3A_751 = arith.select %parallel_loop3A_747, %parallel_loop3A_750, %parallel_loop3A_744 : vector<16xi1>, vector<16xi32>
        %parallel_loop3A_752 = vector.shape_cast %parallel_loop3A_751 : vector<16xi32> to vector<16x1xi32>
        %parallel_loop3A_753 = vector.shape_cast %parallel_loop3A_752 : vector<16x1xi32> to vector<16xi32>
        %parallel_loop3A_754 = tpu.dynamic_gather %parallel_loop3A_613[%parallel_loop3A_753] in [0] : vector<16xf32>, vector<16xi32> -> vector<16xf32>
        %parallel_loop3A_755 = arith.constant 11 : i32
        %parallel_loop3A_756 = vector.broadcast %parallel_loop3A_755 : i32 to vector<16xi32>
        %parallel_loop3A_757 = arith.constant 0 : i32
        %parallel_loop3A_758 = vector.broadcast %parallel_loop3A_757 : i32 to vector<16xi32>
        %parallel_loop3A_759 = arith.cmpi slt, %parallel_loop3A_756, %parallel_loop3A_758 : vector<16xi32>
        %parallel_loop3A_760 = arith.constant 16 : i32
        %parallel_loop3A_761 = vector.broadcast %parallel_loop3A_760 : i32 to vector<16xi32>
        %parallel_loop3A_762 = arith.addi %parallel_loop3A_756, %parallel_loop3A_761 : vector<16xi32>
        %parallel_loop3A_763 = arith.select %parallel_loop3A_759, %parallel_loop3A_762, %parallel_loop3A_756 : vector<16xi1>, vector<16xi32>
        %parallel_loop3A_764 = vector.shape_cast %parallel_loop3A_763 : vector<16xi32> to vector<16x1xi32>
        %parallel_loop3A_765 = vector.shape_cast %parallel_loop3A_764 : vector<16x1xi32> to vector<16xi32>
        %parallel_loop3A_766 = tpu.dynamic_gather %parallel_loop3A_613[%parallel_loop3A_765] in [0] : vector<16xf32>, vector<16xi32> -> vector<16xf32>
        %parallel_loop3A_767 = arith.index_cast %parallel_loop3A_594 : i32 to index
        %parallel_loop3A_768 = arith.constant 48 : index
        %parallel_loop3A_769 = tpu.vector_load %arg12[%parallel_loop3A_767, %parallel_loop3A_768] {strides = array<i32>} : memref<80x144xf32, #tpu.memory_space<vmem>>, vector<16xf32>,
        %parallel_loop3A_770 = arith.mulf %parallel_loop3A_754, %parallel_loop3A_769 : vector<16xf32>
        %parallel_loop3A_771 = arith.index_cast %parallel_loop3A_594 : i32 to index
        %parallel_loop3A_772 = arith.constant 48 : index
        %parallel_loop3A_773 = tpu.vector_load %arg17[%parallel_loop3A_771, %parallel_loop3A_772] {strides = array<i32>} : memref<80x144xf32, #tpu.memory_space<vmem>>, vector<16xf32>,
        tpu.vector_store %arg17[%parallel_loop3A_771, %parallel_loop3A_772], %parallel_loop3A_770 {strides = array<i32>} : memref<80x144xf32, #tpu.memory_space<vmem>>, vector<16xf32>,
        %parallel_loop3A_774 = arith.constant 1 : i32
        %parallel_loop3A_775 = arith.addi %parallel_loop3A_594, %parallel_loop3A_774 : i32
        %parallel_loop3A_776 = arith.index_cast %parallel_loop3A_775 : i32 to index
        %parallel_loop3A_777 = arith.constant 48 : index
        %parallel_loop3A_778 = tpu.vector_load %arg12[%parallel_loop3A_776, %parallel_loop3A_777] {strides = array<i32>} : memref<80x144xf32, #tpu.memory_space<vmem>>, vector<16xf32>,
        %parallel_loop3A_779 = arith.mulf %parallel_loop3A_766, %parallel_loop3A_778 : vector<16xf32>
        %parallel_loop3A_780 = arith.constant 1 : i32
        %parallel_loop3A_781 = arith.addi %parallel_loop3A_594, %parallel_loop3A_780 : i32
        %parallel_loop3A_782 = arith.index_cast %parallel_loop3A_781 : i32 to index
        %parallel_loop3A_783 = arith.constant 48 : index
        %parallel_loop3A_784 = tpu.vector_load %arg17[%parallel_loop3A_782, %parallel_loop3A_783] {strides = array<i32>} : memref<80x144xf32, #tpu.memory_space<vmem>>, vector<16xf32>,
        tpu.vector_store %arg17[%parallel_loop3A_782, %parallel_loop3A_783], %parallel_loop3A_779 {strides = array<i32>} : memref<80x144xf32, #tpu.memory_space<vmem>>, vector<16xf32>,
        %parallel_loop3A_785 = arith.constant 4 : i32
        %parallel_loop3A_786 = vector.broadcast %parallel_loop3A_785 : i32 to vector<16xi32>
        %parallel_loop3A_787 = arith.constant 0 : i32
        %parallel_loop3A_788 = vector.broadcast %parallel_loop3A_787 : i32 to vector<16xi32>
        %parallel_loop3A_789 = arith.cmpi slt, %parallel_loop3A_786, %parallel_loop3A_788 : vector<16xi32>
        %parallel_loop3A_790 = arith.constant 16 : i32
        %parallel_loop3A_791 = vector.broadcast %parallel_loop3A_790 : i32 to vector<16xi32>
        %parallel_loop3A_792 = arith.addi %parallel_loop3A_786, %parallel_loop3A_791 : vector<16xi32>
        %parallel_loop3A_793 = arith.select %parallel_loop3A_789, %parallel_loop3A_792, %parallel_loop3A_786 : vector<16xi1>, vector<16xi32>
        %parallel_loop3A_794 = vector.shape_cast %parallel_loop3A_793 : vector<16xi32> to vector<16x1xi32>
        %parallel_loop3A_795 = vector.shape_cast %parallel_loop3A_794 : vector<16x1xi32> to vector<16xi32>
        %parallel_loop3A_796 = tpu.dynamic_gather %parallel_loop3A_613[%parallel_loop3A_795] in [0] : vector<16xf32>, vector<16xi32> -> vector<16xf32>
        %parallel_loop3A_797 = arith.constant 12 : i32
        %parallel_loop3A_798 = vector.broadcast %parallel_loop3A_797 : i32 to vector<16xi32>
        %parallel_loop3A_799 = arith.constant 0 : i32
        %parallel_loop3A_800 = vector.broadcast %parallel_loop3A_799 : i32 to vector<16xi32>
        %parallel_loop3A_801 = arith.cmpi slt, %parallel_loop3A_798, %parallel_loop3A_800 : vector<16xi32>
        %parallel_loop3A_802 = arith.constant 16 : i32
        %parallel_loop3A_803 = vector.broadcast %parallel_loop3A_802 : i32 to vector<16xi32>
        %parallel_loop3A_804 = arith.addi %parallel_loop3A_798, %parallel_loop3A_803 : vector<16xi32>
        %parallel_loop3A_805 = arith.select %parallel_loop3A_801, %parallel_loop3A_804, %parallel_loop3A_798 : vector<16xi1>, vector<16xi32>
        %parallel_loop3A_806 = vector.shape_cast %parallel_loop3A_805 : vector<16xi32> to vector<16x1xi32>
        %parallel_loop3A_807 = vector.shape_cast %parallel_loop3A_806 : vector<16x1xi32> to vector<16xi32>
        %parallel_loop3A_808 = tpu.dynamic_gather %parallel_loop3A_613[%parallel_loop3A_807] in [0] : vector<16xf32>, vector<16xi32> -> vector<16xf32>
        %parallel_loop3A_809 = arith.index_cast %parallel_loop3A_594 : i32 to index
        %parallel_loop3A_810 = arith.constant 64 : index
        %parallel_loop3A_811 = tpu.vector_load %arg12[%parallel_loop3A_809, %parallel_loop3A_810] {strides = array<i32>} : memref<80x144xf32, #tpu.memory_space<vmem>>, vector<16xf32>,
        %parallel_loop3A_812 = arith.mulf %parallel_loop3A_796, %parallel_loop3A_811 : vector<16xf32>
        %parallel_loop3A_813 = arith.index_cast %parallel_loop3A_594 : i32 to index
        %parallel_loop3A_814 = arith.constant 64 : index
        %parallel_loop3A_815 = tpu.vector_load %arg17[%parallel_loop3A_813, %parallel_loop3A_814] {strides = array<i32>} : memref<80x144xf32, #tpu.memory_space<vmem>>, vector<16xf32>,
        tpu.vector_store %arg17[%parallel_loop3A_813, %parallel_loop3A_814], %parallel_loop3A_812 {strides = array<i32>} : memref<80x144xf32, #tpu.memory_space<vmem>>, vector<16xf32>,
        %parallel_loop3A_816 = arith.constant 1 : i32
        %parallel_loop3A_817 = arith.addi %parallel_loop3A_594, %parallel_loop3A_816 : i32
        %parallel_loop3A_818 = arith.index_cast %parallel_loop3A_817 : i32 to index
        %parallel_loop3A_819 = arith.constant 64 : index
        %parallel_loop3A_820 = tpu.vector_load %arg12[%parallel_loop3A_818, %parallel_loop3A_819] {strides = array<i32>} : memref<80x144xf32, #tpu.memory_space<vmem>>, vector<16xf32>,
        %parallel_loop3A_821 = arith.mulf %parallel_loop3A_808, %parallel_loop3A_820 : vector<16xf32>
        %parallel_loop3A_822 = arith.constant 1 : i32
        %parallel_loop3A_823 = arith.addi %parallel_loop3A_594, %parallel_loop3A_822 : i32
        %parallel_loop3A_824 = arith.index_cast %parallel_loop3A_823 : i32 to index
        %parallel_loop3A_825 = arith.constant 64 : index
        %parallel_loop3A_826 = tpu.vector_load %arg17[%parallel_loop3A_824, %parallel_loop3A_825] {strides = array<i32>} : memref<80x144xf32, #tpu.memory_space<vmem>>, vector<16xf32>,
        tpu.vector_store %arg17[%parallel_loop3A_824, %parallel_loop3A_825], %parallel_loop3A_821 {strides = array<i32>} : memref<80x144xf32, #tpu.memory_space<vmem>>, vector<16xf32>,
        %parallel_loop3A_827 = arith.constant 5 : i32
        %parallel_loop3A_828 = vector.broadcast %parallel_loop3A_827 : i32 to vector<16xi32>
        %parallel_loop3A_829 = arith.constant 0 : i32
        %parallel_loop3A_830 = vector.broadcast %parallel_loop3A_829 : i32 to vector<16xi32>
        %parallel_loop3A_831 = arith.cmpi slt, %parallel_loop3A_828, %parallel_loop3A_830 : vector<16xi32>
        %parallel_loop3A_832 = arith.constant 16 : i32
        %parallel_loop3A_833 = vector.broadcast %parallel_loop3A_832 : i32 to vector<16xi32>
        %parallel_loop3A_834 = arith.addi %parallel_loop3A_828, %parallel_loop3A_833 : vector<16xi32>
        %parallel_loop3A_835 = arith.select %parallel_loop3A_831, %parallel_loop3A_834, %parallel_loop3A_828 : vector<16xi1>, vector<16xi32>
        %parallel_loop3A_836 = vector.shape_cast %parallel_loop3A_835 : vector<16xi32> to vector<16x1xi32>
        %parallel_loop3A_837 = vector.shape_cast %parallel_loop3A_836 : vector<16x1xi32> to vector<16xi32>
        %parallel_loop3A_838 = tpu.dynamic_gather %parallel_loop3A_613[%parallel_loop3A_837] in [0] : vector<16xf32>, vector<16xi32> -> vector<16xf32>
        %parallel_loop3A_839 = arith.constant 13 : i32
        %parallel_loop3A_840 = vector.broadcast %parallel_loop3A_839 : i32 to vector<16xi32>
        %parallel_loop3A_841 = arith.constant 0 : i32
        %parallel_loop3A_842 = vector.broadcast %parallel_loop3A_841 : i32 to vector<16xi32>
        %parallel_loop3A_843 = arith.cmpi slt, %parallel_loop3A_840, %parallel_loop3A_842 : vector<16xi32>
        %parallel_loop3A_844 = arith.constant 16 : i32
        %parallel_loop3A_845 = vector.broadcast %parallel_loop3A_844 : i32 to vector<16xi32>
        %parallel_loop3A_846 = arith.addi %parallel_loop3A_840, %parallel_loop3A_845 : vector<16xi32>
        %parallel_loop3A_847 = arith.select %parallel_loop3A_843, %parallel_loop3A_846, %parallel_loop3A_840 : vector<16xi1>, vector<16xi32>
        %parallel_loop3A_848 = vector.shape_cast %parallel_loop3A_847 : vector<16xi32> to vector<16x1xi32>
        %parallel_loop3A_849 = vector.shape_cast %parallel_loop3A_848 : vector<16x1xi32> to vector<16xi32>
        %parallel_loop3A_850 = tpu.dynamic_gather %parallel_loop3A_613[%parallel_loop3A_849] in [0] : vector<16xf32>, vector<16xi32> -> vector<16xf32>
        %parallel_loop3A_851 = arith.index_cast %parallel_loop3A_594 : i32 to index
        %parallel_loop3A_852 = arith.constant 80 : index
        %parallel_loop3A_853 = tpu.vector_load %arg12[%parallel_loop3A_851, %parallel_loop3A_852] {strides = array<i32>} : memref<80x144xf32, #tpu.memory_space<vmem>>, vector<16xf32>,
        %parallel_loop3A_854 = arith.mulf %parallel_loop3A_838, %parallel_loop3A_853 : vector<16xf32>
        %parallel_loop3A_855 = arith.index_cast %parallel_loop3A_594 : i32 to index
        %parallel_loop3A_856 = arith.constant 80 : index
        %parallel_loop3A_857 = tpu.vector_load %arg17[%parallel_loop3A_855, %parallel_loop3A_856] {strides = array<i32>} : memref<80x144xf32, #tpu.memory_space<vmem>>, vector<16xf32>,
        tpu.vector_store %arg17[%parallel_loop3A_855, %parallel_loop3A_856], %parallel_loop3A_854 {strides = array<i32>} : memref<80x144xf32, #tpu.memory_space<vmem>>, vector<16xf32>,
        %parallel_loop3A_858 = arith.constant 1 : i32
        %parallel_loop3A_859 = arith.addi %parallel_loop3A_594, %parallel_loop3A_858 : i32
        %parallel_loop3A_860 = arith.index_cast %parallel_loop3A_859 : i32 to index
        %parallel_loop3A_861 = arith.constant 80 : index
        %parallel_loop3A_862 = tpu.vector_load %arg12[%parallel_loop3A_860, %parallel_loop3A_861] {strides = array<i32>} : memref<80x144xf32, #tpu.memory_space<vmem>>, vector<16xf32>,
        %parallel_loop3A_863 = arith.mulf %parallel_loop3A_850, %parallel_loop3A_862 : vector<16xf32>
        %parallel_loop3A_864 = arith.constant 1 : i32
        %parallel_loop3A_865 = arith.addi %parallel_loop3A_594, %parallel_loop3A_864 : i32
        %parallel_loop3A_866 = arith.index_cast %parallel_loop3A_865 : i32 to index
        %parallel_loop3A_867 = arith.constant 80 : index
        %parallel_loop3A_868 = tpu.vector_load %arg17[%parallel_loop3A_866, %parallel_loop3A_867] {strides = array<i32>} : memref<80x144xf32, #tpu.memory_space<vmem>>, vector<16xf32>,
        tpu.vector_store %arg17[%parallel_loop3A_866, %parallel_loop3A_867], %parallel_loop3A_863 {strides = array<i32>} : memref<80x144xf32, #tpu.memory_space<vmem>>, vector<16xf32>,
        %parallel_loop3A_869 = arith.constant 6 : i32
        %parallel_loop3A_870 = vector.broadcast %parallel_loop3A_869 : i32 to vector<16xi32>
        %parallel_loop3A_871 = arith.constant 0 : i32
        %parallel_loop3A_872 = vector.broadcast %parallel_loop3A_871 : i32 to vector<16xi32>
        %parallel_loop3A_873 = arith.cmpi slt, %parallel_loop3A_870, %parallel_loop3A_872 : vector<16xi32>
        %parallel_loop3A_874 = arith.constant 16 : i32
        %parallel_loop3A_875 = vector.broadcast %parallel_loop3A_874 : i32 to vector<16xi32>
        %parallel_loop3A_876 = arith.addi %parallel_loop3A_870, %parallel_loop3A_875 : vector<16xi32>
        %parallel_loop3A_877 = arith.select %parallel_loop3A_873, %parallel_loop3A_876, %parallel_loop3A_870 : vector<16xi1>, vector<16xi32>
        %parallel_loop3A_878 = vector.shape_cast %parallel_loop3A_877 : vector<16xi32> to vector<16x1xi32>
        %parallel_loop3A_879 = vector.shape_cast %parallel_loop3A_878 : vector<16x1xi32> to vector<16xi32>
        %parallel_loop3A_880 = tpu.dynamic_gather %parallel_loop3A_613[%parallel_loop3A_879] in [0] : vector<16xf32>, vector<16xi32> -> vector<16xf32>
        %parallel_loop3A_881 = arith.constant 14 : i32
        %parallel_loop3A_882 = vector.broadcast %parallel_loop3A_881 : i32 to vector<16xi32>
        %parallel_loop3A_883 = arith.constant 0 : i32
        %parallel_loop3A_884 = vector.broadcast %parallel_loop3A_883 : i32 to vector<16xi32>
        %parallel_loop3A_885 = arith.cmpi slt, %parallel_loop3A_882, %parallel_loop3A_884 : vector<16xi32>
        %parallel_loop3A_886 = arith.constant 16 : i32
        %parallel_loop3A_887 = vector.broadcast %parallel_loop3A_886 : i32 to vector<16xi32>
        %parallel_loop3A_888 = arith.addi %parallel_loop3A_882, %parallel_loop3A_887 : vector<16xi32>
        %parallel_loop3A_889 = arith.select %parallel_loop3A_885, %parallel_loop3A_888, %parallel_loop3A_882 : vector<16xi1>, vector<16xi32>
        %parallel_loop3A_890 = vector.shape_cast %parallel_loop3A_889 : vector<16xi32> to vector<16x1xi32>
        %parallel_loop3A_891 = vector.shape_cast %parallel_loop3A_890 : vector<16x1xi32> to vector<16xi32>
        %parallel_loop3A_892 = tpu.dynamic_gather %parallel_loop3A_613[%parallel_loop3A_891] in [0] : vector<16xf32>, vector<16xi32> -> vector<16xf32>
        %parallel_loop3A_893 = arith.index_cast %parallel_loop3A_594 : i32 to index
        %parallel_loop3A_894 = arith.constant 96 : index
        %parallel_loop3A_895 = tpu.vector_load %arg12[%parallel_loop3A_893, %parallel_loop3A_894] {strides = array<i32>} : memref<80x144xf32, #tpu.memory_space<vmem>>, vector<16xf32>,
        %parallel_loop3A_896 = arith.mulf %parallel_loop3A_880, %parallel_loop3A_895 : vector<16xf32>
        %parallel_loop3A_897 = arith.index_cast %parallel_loop3A_594 : i32 to index
        %parallel_loop3A_898 = arith.constant 96 : index
        %parallel_loop3A_899 = tpu.vector_load %arg17[%parallel_loop3A_897, %parallel_loop3A_898] {strides = array<i32>} : memref<80x144xf32, #tpu.memory_space<vmem>>, vector<16xf32>,
        tpu.vector_store %arg17[%parallel_loop3A_897, %parallel_loop3A_898], %parallel_loop3A_896 {strides = array<i32>} : memref<80x144xf32, #tpu.memory_space<vmem>>, vector<16xf32>,
        %parallel_loop3A_900 = arith.constant 1 : i32
        %parallel_loop3A_901 = arith.addi %parallel_loop3A_594, %parallel_loop3A_900 : i32
        %parallel_loop3A_902 = arith.index_cast %parallel_loop3A_901 : i32 to index
        %parallel_loop3A_903 = arith.constant 96 : index
        %parallel_loop3A_904 = tpu.vector_load %arg12[%parallel_loop3A_902, %parallel_loop3A_903] {strides = array<i32>} : memref<80x144xf32, #tpu.memory_space<vmem>>, vector<16xf32>,
        %parallel_loop3A_905 = arith.mulf %parallel_loop3A_892, %parallel_loop3A_904 : vector<16xf32>
        %parallel_loop3A_906 = arith.constant 1 : i32
        %parallel_loop3A_907 = arith.addi %parallel_loop3A_594, %parallel_loop3A_906 : i32
        %parallel_loop3A_908 = arith.index_cast %parallel_loop3A_907 : i32 to index
        %parallel_loop3A_909 = arith.constant 96 : index
        %parallel_loop3A_910 = tpu.vector_load %arg17[%parallel_loop3A_908, %parallel_loop3A_909] {strides = array<i32>} : memref<80x144xf32, #tpu.memory_space<vmem>>, vector<16xf32>,
        tpu.vector_store %arg17[%parallel_loop3A_908, %parallel_loop3A_909], %parallel_loop3A_905 {strides = array<i32>} : memref<80x144xf32, #tpu.memory_space<vmem>>, vector<16xf32>,
        %parallel_loop3A_911 = arith.constant 7 : i32
        %parallel_loop3A_912 = vector.broadcast %parallel_loop3A_911 : i32 to vector<16xi32>
        %parallel_loop3A_913 = arith.constant 0 : i32
        %parallel_loop3A_914 = vector.broadcast %parallel_loop3A_913 : i32 to vector<16xi32>
        %parallel_loop3A_915 = arith.cmpi slt, %parallel_loop3A_912, %parallel_loop3A_914 : vector<16xi32>
        %parallel_loop3A_916 = arith.constant 16 : i32
        %parallel_loop3A_917 = vector.broadcast %parallel_loop3A_916 : i32 to vector<16xi32>
        %parallel_loop3A_918 = arith.addi %parallel_loop3A_912, %parallel_loop3A_917 : vector<16xi32>
        %parallel_loop3A_919 = arith.select %parallel_loop3A_915, %parallel_loop3A_918, %parallel_loop3A_912 : vector<16xi1>, vector<16xi32>
        %parallel_loop3A_920 = vector.shape_cast %parallel_loop3A_919 : vector<16xi32> to vector<16x1xi32>
        %parallel_loop3A_921 = vector.shape_cast %parallel_loop3A_920 : vector<16x1xi32> to vector<16xi32>
        %parallel_loop3A_922 = tpu.dynamic_gather %parallel_loop3A_613[%parallel_loop3A_921] in [0] : vector<16xf32>, vector<16xi32> -> vector<16xf32>
        %parallel_loop3A_923 = arith.constant 15 : i32
        %parallel_loop3A_924 = vector.broadcast %parallel_loop3A_923 : i32 to vector<16xi32>
        %parallel_loop3A_925 = arith.constant 0 : i32
        %parallel_loop3A_926 = vector.broadcast %parallel_loop3A_925 : i32 to vector<16xi32>
        %parallel_loop3A_927 = arith.cmpi slt, %parallel_loop3A_924, %parallel_loop3A_926 : vector<16xi32>
        %parallel_loop3A_928 = arith.constant 16 : i32
        %parallel_loop3A_929 = vector.broadcast %parallel_loop3A_928 : i32 to vector<16xi32>
        %parallel_loop3A_930 = arith.addi %parallel_loop3A_924, %parallel_loop3A_929 : vector<16xi32>
        %parallel_loop3A_931 = arith.select %parallel_loop3A_927, %parallel_loop3A_930, %parallel_loop3A_924 : vector<16xi1>, vector<16xi32>
        %parallel_loop3A_932 = vector.shape_cast %parallel_loop3A_931 : vector<16xi32> to vector<16x1xi32>
        %parallel_loop3A_933 = vector.shape_cast %parallel_loop3A_932 : vector<16x1xi32> to vector<16xi32>
        %parallel_loop3A_934 = tpu.dynamic_gather %parallel_loop3A_613[%parallel_loop3A_933] in [0] : vector<16xf32>, vector<16xi32> -> vector<16xf32>
        %parallel_loop3A_935 = arith.index_cast %parallel_loop3A_594 : i32 to index
        %parallel_loop3A_936 = arith.constant 112 : index
        %parallel_loop3A_937 = tpu.vector_load %arg12[%parallel_loop3A_935, %parallel_loop3A_936] {strides = array<i32>} : memref<80x144xf32, #tpu.memory_space<vmem>>, vector<16xf32>,
        %parallel_loop3A_938 = arith.mulf %parallel_loop3A_922, %parallel_loop3A_937 : vector<16xf32>
        %parallel_loop3A_939 = arith.index_cast %parallel_loop3A_594 : i32 to index
        %parallel_loop3A_940 = arith.constant 112 : index
        %parallel_loop3A_941 = tpu.vector_load %arg17[%parallel_loop3A_939, %parallel_loop3A_940] {strides = array<i32>} : memref<80x144xf32, #tpu.memory_space<vmem>>, vector<16xf32>,
        tpu.vector_store %arg17[%parallel_loop3A_939, %parallel_loop3A_940], %parallel_loop3A_938 {strides = array<i32>} : memref<80x144xf32, #tpu.memory_space<vmem>>, vector<16xf32>,
        %parallel_loop3A_942 = arith.constant 1 : i32
        %parallel_loop3A_943 = arith.addi %parallel_loop3A_594, %parallel_loop3A_942 : i32
        %parallel_loop3A_944 = arith.index_cast %parallel_loop3A_943 : i32 to index
        %parallel_loop3A_945 = arith.constant 112 : index
        %parallel_loop3A_946 = tpu.vector_load %arg12[%parallel_loop3A_944, %parallel_loop3A_945] {strides = array<i32>} : memref<80x144xf32, #tpu.memory_space<vmem>>, vector<16xf32>,
        %parallel_loop3A_947 = arith.mulf %parallel_loop3A_934, %parallel_loop3A_946 : vector<16xf32>
        %parallel_loop3A_948 = arith.constant 1 : i32
        %parallel_loop3A_949 = arith.addi %parallel_loop3A_594, %parallel_loop3A_948 : i32
        %parallel_loop3A_950 = arith.index_cast %parallel_loop3A_949 : i32 to index
        %parallel_loop3A_951 = arith.constant 112 : index
        %parallel_loop3A_952 = tpu.vector_load %arg17[%parallel_loop3A_950, %parallel_loop3A_951] {strides = array<i32>} : memref<80x144xf32, #tpu.memory_space<vmem>>, vector<16xf32>,
        tpu.vector_store %arg17[%parallel_loop3A_950, %parallel_loop3A_951], %parallel_loop3A_947 {strides = array<i32>} : memref<80x144xf32, #tpu.memory_space<vmem>>, vector<16xf32>,
      } {sc.loop_unroll_factor = 2 : i64, sc.parallel_access}
      %run_scoped3A_560 = arith.constant 1 : i32
      "tpu.region"() ({
        %run_scoped3A_592 = tpu.sem_alloc : memref<!tpu.dma_semaphore, #tpu.memory_space<semaphore_mem>>
        %dma_start3A_593 = arith.constant 0 : i32
        %dma_start3A_594 = tpu.memref_slice %arg10[%run_scoped3A_560, %dma_start3A_593] : memref<2x80xi32, #tpu.memory_space<vmem>> -> memref<1x80xi32, #tpu.memory_space<vmem>>
        %dma_start3A_595 = tpu.memref_squeeze %dma_start3A_594 : memref<1x80xi32, #tpu.memory_space<vmem>> -> memref<80xi32, #tpu.memory_space<vmem>>
        %dma_start3A_596 = arith.constant 0 : i32
        %dma_start3A_597 = arith.constant 0 : i32
        %dma_start3A_598 = tpu.memref_slice %arg22[%dma_start3A_596, %dma_start3A_597] : memref<10112x144xf32, #tpu.memory_space<vmem_shared>> -> memref<10112x144xf32, #tpu.memory_space<vmem_shared>>
        tpu.enqueue_indirect_dma source(%arg17 : memref<80x144xf32, #tpu.memory_space<vmem>>) target(%dma_start3A_598 : memref<10112x144xf32, #tpu.memory_space<vmem_shared>>) offsets(%dma_start3A_595 : memref<80xi32, #tpu.memory_space<vmem>>) semaphore(%run_scoped3A_592 : memref<!tpu.dma_semaphore, #tpu.memory_space<semaphore_mem>>) {add = true}
        %dma_wait3A_599 = arith.constant 0 : i32
        %dma_wait3A_600 = tpu.memref_slice %arg10[%run_scoped3A_560, %dma_wait3A_599] : memref<2x80xi32, #tpu.memory_space<vmem>> -> memref<1x80xi32, #tpu.memory_space<vmem>>
        %dma_wait3A_601 = tpu.memref_squeeze %dma_wait3A_600 : memref<1x80xi32, #tpu.memory_space<vmem>> -> memref<80xi32, #tpu.memory_space<vmem>>
        %dma_wait3A_602 = arith.constant 0 : i32
        %dma_wait3A_603 = arith.constant 0 : i32
        %dma_wait3A_604 = tpu.memref_slice %arg22[%dma_wait3A_602, %dma_wait3A_603] : memref<10112x144xf32, #tpu.memory_space<vmem_shared>> -> memref<10112x144xf32, #tpu.memory_space<vmem_shared>>
        tpu.wait_indirect_dma semaphore(%run_scoped3A_592 : memref<!tpu.dma_semaphore, #tpu.memory_space<semaphore_mem>>) src(%arg17 : memref<80x144xf32, #tpu.memory_space<vmem>>) dst(%dma_wait3A_604 : memref<10112x144xf32, #tpu.memory_space<vmem_shared>>)
        tpu.yield
      }) : () -> ()
      %add3A_561 = arith.constant 2 : i32
      %add3A_562 = arith.addi %add3A_403, %add3A_561 : i32
      %min3A_563 = arith.constant 124 : i32
      %min3A_564 = arith.minsi %add3A_562, %min3A_563 : i32
      %mul3A_565 = arith.constant 80 : i32
      %mul3A_566 = arith.muli %min3A_564, %mul3A_565 : i32
      %add3A_567 = arith.addi %mul3A_2, %mul3A_566 : i32
      %dma_start3A_568 = arith.constant 0 : i32
      %dma_start3A_569 = arith.constant 0 : i32
      %dma_start3A_570 = arith.constant 0 : i32
      %dma_start3A_571 = tpu.memref_slice %arg10[%dma_start3A_569, %dma_start3A_570] : memref<2x80xi32, #tpu.memory_space<vmem>> -> memref<1x80xi32, #tpu.memory_space<vmem>>
      %dma_start3A_572 = tpu.memref_squeeze %dma_start3A_571 : memref<1x80xi32, #tpu.memory_space<vmem>> -> memref<80xi32, #tpu.memory_space<vmem>>
      %dma_start3A_573 = tpu.memref_slice %arg2[%dma_start3A_568, %add3A_567] : memref<2x320000xi32, #tpu.memory_space<hbm>> -> memref<1x80xi32, #tpu.memory_space<hbm>>
      %dma_start3A_574 = tpu.memref_squeeze %dma_start3A_573 : memref<1x80xi32, #tpu.memory_space<hbm>> -> memref<80xi32, #tpu.memory_space<hbm>>
      %dma_start3A_575 = arith.constant 0 : i32
      %dma_start3A_576 = tpu.memref_slice %arg10[%dma_start3A_569, %dma_start3A_575] : memref<2x80xi32, #tpu.memory_space<vmem>> -> memref<1x80xi32, #tpu.memory_space<vmem>>
      %dma_start3A_577 = tpu.memref_squeeze %dma_start3A_576 : memref<1x80xi32, #tpu.memory_space<vmem>> -> memref<80xi32, #tpu.memory_space<vmem>>
      %dma_start3A_578 = tpu.memref_slice %arg2[%dma_start3A_568, %add3A_567] : memref<2x320000xi32, #tpu.memory_space<hbm>> -> memref<1x80xi32, #tpu.memory_space<hbm>>
      %dma_start3A_579 = tpu.memref_squeeze %dma_start3A_578 : memref<1x80xi32, #tpu.memory_space<hbm>> -> memref<80xi32, #tpu.memory_space<hbm>>
      tpu.enqueue_dma source(%dma_start3A_579 : memref<80xi32, #tpu.memory_space<hbm>>) target(%dma_start3A_577 : memref<80xi32, #tpu.memory_space<vmem>>) target_semaphore(%arg21 : memref<!tpu.dma_semaphore, #tpu.memory_space<semaphore_mem>>)
      %dma_start3A_580 = arith.constant 1 : i32
      %dma_start3A_581 = arith.constant 1 : i32
      %dma_start3A_582 = arith.constant 0 : i32
      %dma_start3A_583 = tpu.memref_slice %arg10[%dma_start3A_581, %dma_start3A_582] : memref<2x80xi32, #tpu.memory_space<vmem>> -> memref<1x80xi32, #tpu.memory_space<vmem>>
      %dma_start3A_584 = tpu.memref_squeeze %dma_start3A_583 : memref<1x80xi32, #tpu.memory_space<vmem>> -> memref<80xi32, #tpu.memory_space<vmem>>
      %dma_start3A_585 = tpu.memref_slice %arg2[%dma_start3A_580, %add3A_567] : memref<2x320000xi32, #tpu.memory_space<hbm>> -> memref<1x80xi32, #tpu.memory_space<hbm>>
      %dma_start3A_586 = tpu.memref_squeeze %dma_start3A_585 : memref<1x80xi32, #tpu.memory_space<hbm>> -> memref<80xi32, #tpu.memory_space<hbm>>
      %dma_start3A_587 = arith.constant 0 : i32
      %dma_start3A_588 = tpu.memref_slice %arg10[%dma_start3A_581, %dma_start3A_587] : memref<2x80xi32, #tpu.memory_space<vmem>> -> memref<1x80xi32, #tpu.memory_space<vmem>>
      %dma_start3A_589 = tpu.memref_squeeze %dma_start3A_588 : memref<1x80xi32, #tpu.memory_space<vmem>> -> memref<80xi32, #tpu.memory_space<vmem>>
      %dma_start3A_590 = tpu.memref_slice %arg2[%dma_start3A_580, %add3A_567] : memref<2x320000xi32, #tpu.memory_space<hbm>> -> memref<1x80xi32, #tpu.memory_space<hbm>>
      %dma_start3A_591 = tpu.memref_squeeze %dma_start3A_590 : memref<1x80xi32, #tpu.memory_space<hbm>> -> memref<80xi32, #tpu.memory_space<hbm>>
      tpu.enqueue_dma source(%dma_start3A_591 : memref<80xi32, #tpu.memory_space<hbm>>) target(%dma_start3A_589 : memref<80xi32, #tpu.memory_space<vmem>>) target_semaphore(%arg21 : memref<!tpu.dma_semaphore, #tpu.memory_space<semaphore_mem>>)
    }
    %scan3A_115 = arith.constant 62 : i32
    %dma_wait3A = arith.constant 0 : i32
    %dma_wait3A_116 = arith.constant 0 : i32
    %dma_wait3A_117 = arith.constant 0 : i32
    %dma_wait3A_118 = tpu.memref_slice %arg9[%dma_wait3A_116, %dma_wait3A_117] : memref<2x80xi32, #tpu.memory_space<vmem>> -> memref<1x80xi32, #tpu.memory_space<vmem>>
    %dma_wait3A_119 = tpu.memref_squeeze %dma_wait3A_118 : memref<1x80xi32, #tpu.memory_space<vmem>> -> memref<80xi32, #tpu.memory_space<vmem>>
    %dma_wait3A_120 = arith.constant 0 : i32
    %dma_wait3A_121 = tpu.memref_slice %arg2[%dma_wait3A, %dma_wait3A_120] : memref<2x320000xi32, #tpu.memory_space<hbm>> -> memref<1x80xi32, #tpu.memory_space<hbm>>
    %dma_wait3A_122 = tpu.memref_squeeze %dma_wait3A_121 : memref<1x80xi32, #tpu.memory_space<hbm>> -> memref<80xi32, #tpu.memory_space<hbm>>
    %dma_wait3A_123 = arith.constant 0 : i32
    %dma_wait3A_124 = tpu.memref_slice %arg9[%dma_wait3A_116, %dma_wait3A_123] : memref<2x80xi32, #tpu.memory_space<vmem>> -> memref<1x80xi32, #tpu.memory_space<vmem>>
    %dma_wait3A_125 = tpu.memref_squeeze %dma_wait3A_124 : memref<1x80xi32, #tpu.memory_space<vmem>> -> memref<80xi32, #tpu.memory_space<vmem>>
    %dma_wait3A_126 = arith.constant 0 : i32
    %dma_wait3A_127 = tpu.memref_slice %arg2[%dma_wait3A, %dma_wait3A_126] : memref<2x320000xi32, #tpu.memory_space<hbm>> -> memref<1x80xi32, #tpu.memory_space<hbm>>
    %dma_wait3A_128 = tpu.memref_squeeze %dma_wait3A_127 : memref<1x80xi32, #tpu.memory_space<hbm>> -> memref<80xi32, #tpu.memory_space<hbm>>
    tpu.wait_dma2 semaphore(%arg21 : memref<!tpu.dma_semaphore, #tpu.memory_space<semaphore_mem>>) src(%dma_wait3A_128 : memref<80xi32, #tpu.memory_space<hbm>>) dst(%dma_wait3A_125 : memref<80xi32, #tpu.memory_space<vmem>>)
    %dma_wait3A_129 = arith.constant 1 : i32
    %dma_wait3A_130 = arith.constant 1 : i32
    %dma_wait3A_131 = arith.constant 0 : i32
    %dma_wait3A_132 = tpu.memref_slice %arg9[%dma_wait3A_130, %dma_wait3A_131] : memref<2x80xi32, #tpu.memory_space<vmem>> -> memref<1x80xi32, #tpu.memory_space<vmem>>
    %dma_wait3A_133 = tpu.memref_squeeze %dma_wait3A_132 : memref<1x80xi32, #tpu.memory_space<vmem>> -> memref<80xi32, #tpu.memory_space<vmem>>
    %dma_wait3A_134 = arith.constant 0 : i32
    %dma_wait3A_135 = tpu.memref_slice %arg2[%dma_wait3A_129, %dma_wait3A_134] : memref<2x320000xi32, #tpu.memory_space<hbm>> -> memref<1x80xi32, #tpu.memory_space<hbm>>
    %dma_wait3A_136 = tpu.memref_squeeze %dma_wait3A_135 : memref<1x80xi32, #tpu.memory_space<hbm>> -> memref<80xi32, #tpu.memory_space<hbm>>
    %dma_wait3A_137 = arith.constant 0 : i32
    %dma_wait3A_138 = tpu.memref_slice %arg9[%dma_wait3A_130, %dma_wait3A_137] : memref<2x80xi32, #tpu.memory_space<vmem>> -> memref<1x80xi32, #tpu.memory_space<vmem>>
    %dma_wait3A_139 = tpu.memref_squeeze %dma_wait3A_138 : memref<1x80xi32, #tpu.memory_space<vmem>> -> memref<80xi32, #tpu.memory_space<vmem>>
    %dma_wait3A_140 = arith.constant 0 : i32
    %dma_wait3A_141 = tpu.memref_slice %arg2[%dma_wait3A_129, %dma_wait3A_140] : memref<2x320000xi32, #tpu.memory_space<hbm>> -> memref<1x80xi32, #tpu.memory_space<hbm>>
    %dma_wait3A_142 = tpu.memref_squeeze %dma_wait3A_141 : memref<1x80xi32, #tpu.memory_space<hbm>> -> memref<80xi32, #tpu.memory_space<hbm>>
    tpu.wait_dma2 semaphore(%arg21 : memref<!tpu.dma_semaphore, #tpu.memory_space<semaphore_mem>>) src(%dma_wait3A_142 : memref<80xi32, #tpu.memory_space<hbm>>) dst(%dma_wait3A_139 : memref<80xi32, #tpu.memory_space<vmem>>)
    %dma_wait3A_143 = arith.constant 0 : i32
    %dma_wait3A_144 = arith.constant 0 : i32
    %dma_wait3A_145 = arith.constant 0 : i32
    %dma_wait3A_146 = tpu.memref_slice %arg11[%dma_wait3A_144, %dma_wait3A_145] : memref<80x144xf32, #tpu.memory_space<vmem>> -> memref<16x144xf32, #tpu.memory_space<vmem>>
    %dma_wait3A_147 = arith.constant 0 : i32
    %dma_wait3A_148 = tpu.memref_slice %arg9[%dma_wait3A_143, %dma_wait3A_147] : memref<2x80xi32, #tpu.memory_space<vmem>> -> memref<1x16xi32, #tpu.memory_space<vmem>>
    %dma_wait3A_149 = tpu.memref_squeeze %dma_wait3A_148 : memref<1x16xi32, #tpu.memory_space<vmem>> -> memref<16xi32, #tpu.memory_space<vmem>>
    %dma_wait3A_150 = arith.constant 0 : i32
    %dma_wait3A_151 = arith.constant 0 : i32
    %dma_wait3A_152 = tpu.memref_slice %arg3[%dma_wait3A_150, %dma_wait3A_151] : memref<10112x144xf32, #tpu.memory_space<hbm>> -> memref<10112x144xf32, #tpu.memory_space<hbm>>
    tpu.wait_indirect_dma semaphore(%arg19 : memref<!tpu.dma_semaphore, #tpu.memory_space<semaphore_mem>>) src(%dma_wait3A_152 : memref<10112x144xf32, #tpu.memory_space<hbm>>) dst(%dma_wait3A_146 : memref<16x144xf32, #tpu.memory_space<vmem>>)
    %dma_wait3A_153 = arith.constant 0 : i32
    %dma_wait3A_154 = arith.constant 16 : i32
    %dma_wait3A_155 = arith.constant 0 : i32
    %dma_wait3A_156 = tpu.memref_slice %arg11[%dma_wait3A_154, %dma_wait3A_155] : memref<80x144xf32, #tpu.memory_space<vmem>> -> memref<16x144xf32, #tpu.memory_space<vmem>>
    %dma_wait3A_157 = arith.constant 16 : i32
    %dma_wait3A_158 = tpu.memref_slice %arg9[%dma_wait3A_153, %dma_wait3A_157] : memref<2x80xi32, #tpu.memory_space<vmem>> -> memref<1x16xi32, #tpu.memory_space<vmem>>
    %dma_wait3A_159 = tpu.memref_squeeze %dma_wait3A_158 : memref<1x16xi32, #tpu.memory_space<vmem>> -> memref<16xi32, #tpu.memory_space<vmem>>
    %dma_wait3A_160 = arith.constant 0 : i32
    %dma_wait3A_161 = arith.constant 0 : i32
    %dma_wait3A_162 = tpu.memref_slice %arg3[%dma_wait3A_160, %dma_wait3A_161] : memref<10112x144xf32, #tpu.memory_space<hbm>> -> memref<10112x144xf32, #tpu.memory_space<hbm>>
    tpu.wait_indirect_dma semaphore(%arg19 : memref<!tpu.dma_semaphore, #tpu.memory_space<semaphore_mem>>) src(%dma_wait3A_162 : memref<10112x144xf32, #tpu.memory_space<hbm>>) dst(%dma_wait3A_156 : memref<16x144xf32, #tpu.memory_space<vmem>>)
    %dma_wait3A_163 = arith.constant 0 : i32
    %dma_wait3A_164 = arith.constant 32 : i32
    %dma_wait3A_165 = arith.constant 0 : i32
    %dma_wait3A_166 = tpu.memref_slice %arg11[%dma_wait3A_164, %dma_wait3A_165] : memref<80x144xf32, #tpu.memory_space<vmem>> -> memref<16x144xf32, #tpu.memory_space<vmem>>
    %dma_wait3A_167 = arith.constant 32 : i32
    %dma_wait3A_168 = tpu.memref_slice %arg9[%dma_wait3A_163, %dma_wait3A_167] : memref<2x80xi32, #tpu.memory_space<vmem>> -> memref<1x16xi32, #tpu.memory_space<vmem>>
    %dma_wait3A_169 = tpu.memref_squeeze %dma_wait3A_168 : memref<1x16xi32, #tpu.memory_space<vmem>> -> memref<16xi32, #tpu.memory_space<vmem>>
    %dma_wait3A_170 = arith.constant 0 : i32
    %dma_wait3A_171 = arith.constant 0 : i32
    %dma_wait3A_172 = tpu.memref_slice %arg3[%dma_wait3A_170, %dma_wait3A_171] : memref<10112x144xf32, #tpu.memory_space<hbm>> -> memref<10112x144xf32, #tpu.memory_space<hbm>>
    tpu.wait_indirect_dma semaphore(%arg19 : memref<!tpu.dma_semaphore, #tpu.memory_space<semaphore_mem>>) src(%dma_wait3A_172 : memref<10112x144xf32, #tpu.memory_space<hbm>>) dst(%dma_wait3A_166 : memref<16x144xf32, #tpu.memory_space<vmem>>)
    %dma_wait3A_173 = arith.constant 0 : i32
    %dma_wait3A_174 = arith.constant 48 : i32
    %dma_wait3A_175 = arith.constant 0 : i32
    %dma_wait3A_176 = tpu.memref_slice %arg11[%dma_wait3A_174, %dma_wait3A_175] : memref<80x144xf32, #tpu.memory_space<vmem>> -> memref<16x144xf32, #tpu.memory_space<vmem>>
    %dma_wait3A_177 = arith.constant 48 : i32
    %dma_wait3A_178 = tpu.memref_slice %arg9[%dma_wait3A_173, %dma_wait3A_177] : memref<2x80xi32, #tpu.memory_space<vmem>> -> memref<1x16xi32, #tpu.memory_space<vmem>>
    %dma_wait3A_179 = tpu.memref_squeeze %dma_wait3A_178 : memref<1x16xi32, #tpu.memory_space<vmem>> -> memref<16xi32, #tpu.memory_space<vmem>>
    %dma_wait3A_180 = arith.constant 0 : i32
    %dma_wait3A_181 = arith.constant 0 : i32
    %dma_wait3A_182 = tpu.memref_slice %arg3[%dma_wait3A_180, %dma_wait3A_181] : memref<10112x144xf32, #tpu.memory_space<hbm>> -> memref<10112x144xf32, #tpu.memory_space<hbm>>
    tpu.wait_indirect_dma semaphore(%arg19 : memref<!tpu.dma_semaphore, #tpu.memory_space<semaphore_mem>>) src(%dma_wait3A_182 : memref<10112x144xf32, #tpu.memory_space<hbm>>) dst(%dma_wait3A_176 : memref<16x144xf32, #tpu.memory_space<vmem>>)
    %dma_wait3A_183 = arith.constant 0 : i32
    %dma_wait3A_184 = arith.constant 64 : i32
    %dma_wait3A_185 = arith.constant 0 : i32
    %dma_wait3A_186 = tpu.memref_slice %arg11[%dma_wait3A_184, %dma_wait3A_185] : memref<80x144xf32, #tpu.memory_space<vmem>> -> memref<16x144xf32, #tpu.memory_space<vmem>>
    %dma_wait3A_187 = arith.constant 64 : i32
    %dma_wait3A_188 = tpu.memref_slice %arg9[%dma_wait3A_183, %dma_wait3A_187] : memref<2x80xi32, #tpu.memory_space<vmem>> -> memref<1x16xi32, #tpu.memory_space<vmem>>
    %dma_wait3A_189 = tpu.memref_squeeze %dma_wait3A_188 : memref<1x16xi32, #tpu.memory_space<vmem>> -> memref<16xi32, #tpu.memory_space<vmem>>
    %dma_wait3A_190 = arith.constant 0 : i32
    %dma_wait3A_191 = arith.constant 0 : i32
    %dma_wait3A_192 = tpu.memref_slice %arg3[%dma_wait3A_190, %dma_wait3A_191] : memref<10112x144xf32, #tpu.memory_space<hbm>> -> memref<10112x144xf32, #tpu.memory_space<hbm>>
    tpu.wait_indirect_dma semaphore(%arg19 : memref<!tpu.dma_semaphore, #tpu.memory_space<semaphore_mem>>) src(%dma_wait3A_192 : memref<10112x144xf32, #tpu.memory_space<hbm>>) dst(%dma_wait3A_186 : memref<16x144xf32, #tpu.memory_space<vmem>>)
    %dma_wait3A_193 = arith.constant 1 : i32
    %dma_wait3A_194 = arith.constant 0 : i32
    %dma_wait3A_195 = tpu.memref_slice %arg9[%dma_wait3A_193, %dma_wait3A_194] : memref<2x80xi32, #tpu.memory_space<vmem>> -> memref<1x80xi32, #tpu.memory_space<vmem>>
    %dma_wait3A_196 = tpu.memref_squeeze %dma_wait3A_195 : memref<1x80xi32, #tpu.memory_space<vmem>> -> memref<80xi32, #tpu.memory_space<vmem>>
    %dma_wait3A_197 = arith.constant 0 : i32
    %dma_wait3A_198 = arith.constant 0 : i32
    %dma_wait3A_199 = tpu.memref_slice %arg4[%dma_wait3A_197, %dma_wait3A_198] : memref<10112x16xf32, #tpu.memory_space<hbm>> -> memref<10112x16xf32, #tpu.memory_space<hbm>>
    tpu.wait_indirect_dma semaphore(%arg19 : memref<!tpu.dma_semaphore, #tpu.memory_space<semaphore_mem>>) src(%dma_wait3A_199 : memref<10112x16xf32, #tpu.memory_space<hbm>>) dst(%arg13 : memref<80x16xf32, #tpu.memory_space<vmem>>)
    %dma_wait3A_200 = arith.constant 0 : i32
    %dma_wait3A_201 = tpu.memref_slice %arg5[%dma_wait3A_200] : memref<2560000xf32, #tpu.memory_space<hbm>> -> memref<640xf32, #tpu.memory_space<hbm>>
    %dma_wait3A_202 = arith.constant 0 : i32
    %dma_wait3A_203 = tpu.memref_slice %arg5[%dma_wait3A_202] : memref<2560000xf32, #tpu.memory_space<hbm>> -> memref<640xf32, #tpu.memory_space<hbm>>
    tpu.wait_dma2 semaphore(%arg19 : memref<!tpu.dma_semaphore, #tpu.memory_space<semaphore_mem>>) src(%dma_wait3A_203 : memref<640xf32, #tpu.memory_space<hbm>>) dst(%arg15 : memref<640xf32, #tpu.memory_space<vmem>>)
    %parallel_loop3A = arith.constant 0 : i32
    %parallel_loop3A_204 = arith.constant 40 : i32
    %parallel_loop3A_205 = arith.constant 1 : i32
    scf.for %parallel_loop3A_208 = %parallel_loop3A to %parallel_loop3A_204 step %parallel_loop3A_205  : i32 {
      %parallel_loop3A_209 = arith.constant 2 : i32
      %parallel_loop3A_210 = arith.muli %parallel_loop3A_208, %parallel_loop3A_209 : i32
      %parallel_loop3A_211 = vector.broadcast %parallel_loop3A_210 : i32 to vector<16xi32>
      %parallel_loop3A_212 = arith.addi %parallel_loop3A_211, %select_n3A : vector<16xi32>
      %parallel_loop3A_213 = arith.constant 128 : i32
      %parallel_loop3A_214 = vector.broadcast %parallel_loop3A_213 : i32 to vector<16xi32>
      %parallel_loop3A_215 = arith.addi %parallel_loop3A_214, %rem3A_16 : vector<16xi32>
      %parallel_loop3A_216 = tpu.vector_load_idx %arg11[%parallel_loop3A_212, %parallel_loop3A_215] : memref<80x144xf32, #tpu.memory_space<vmem>>[vector<16xi32>, vector<16xi32>], vector<16xf32>,
      %parallel_loop3A_217 = tpu.vector_load_idx %arg13[%parallel_loop3A_212, %rem3A_16] : memref<80x16xf32, #tpu.memory_space<vmem>>[vector<16xi32>, vector<16xi32>], vector<16xf32>,
      %parallel_loop3A_218 = arith.constant 8 : i32
      %parallel_loop3A_219 = arith.muli %parallel_loop3A_210, %parallel_loop3A_218 : i32
      %parallel_loop3A_220 = arith.index_cast %parallel_loop3A_219 : i32 to index
      %parallel_loop3A_221 = tpu.vector_load %arg15[%parallel_loop3A_220] {strides = array<i32>} : memref<640xf32, #tpu.memory_space<vmem>>, vector<16xf32>,
      %parallel_loop3A_222 = arith.addf %parallel_loop3A_216, %parallel_loop3A_217 : vector<16xf32>
      %parallel_loop3A_223 = arith.addf %parallel_loop3A_222, %parallel_loop3A_221 : vector<16xf32>
      %parallel_loop3A_224 = arith.constant 2.000000e-01 : f32
      %parallel_loop3A_225 = vector.broadcast %parallel_loop3A_224 : f32 to vector<16xf32>
      %parallel_loop3A_226 = arith.mulf %parallel_loop3A_225, %parallel_loop3A_223 : vector<16xf32>
      %parallel_loop3A_227 = arith.maximumf %parallel_loop3A_223, %parallel_loop3A_226 : vector<16xf32>
      %parallel_loop3A_228 = arith.subf %parallel_loop3A_227, %get3A_14 : vector<16xf32>
      %parallel_loop3A_229 = math.exp %parallel_loop3A_228 : vector<16xf32>
      %parallel_loop3A_230 = arith.constant 128 : i32
      %parallel_loop3A_231 = vector.broadcast %parallel_loop3A_230 : i32 to vector<16xi32>
      %parallel_loop3A_232 = arith.addi %parallel_loop3A_231, %rem3A_16 : vector<16xi32>
      tpu.vector_store_idx %arg17[%parallel_loop3A_212, %parallel_loop3A_232], %parallel_loop3A_229 : memref<80x144xf32, #tpu.memory_space<vmem>>[vector<16xi32>, vector<16xi32>], vector<16xf32>,
      %parallel_loop3A_233 = arith.constant 0 : i32
      %parallel_loop3A_234 = vector.broadcast %parallel_loop3A_233 : i32 to vector<16xi32>
      %parallel_loop3A_235 = arith.constant 0 : i32
      %parallel_loop3A_236 = vector.broadcast %parallel_loop3A_235 : i32 to vector<16xi32>
      %parallel_loop3A_237 = arith.cmpi slt, %parallel_loop3A_234, %parallel_loop3A_236 : vector<16xi32>
      %parallel_loop3A_238 = arith.constant 16 : i32
      %parallel_loop3A_239 = vector.broadcast %parallel_loop3A_238 : i32 to vector<16xi32>
      %parallel_loop3A_240 = arith.addi %parallel_loop3A_234, %parallel_loop3A_239 : vector<16xi32>
      %parallel_loop3A_241 = arith.select %parallel_loop3A_237, %parallel_loop3A_240, %parallel_loop3A_234 : vector<16xi1>, vector<16xi32>
      %parallel_loop3A_242 = vector.shape_cast %parallel_loop3A_241 : vector<16xi32> to vector<16x1xi32>
      %parallel_loop3A_243 = vector.shape_cast %parallel_loop3A_242 : vector<16x1xi32> to vector<16xi32>
      %parallel_loop3A_244 = tpu.dynamic_gather %parallel_loop3A_229[%parallel_loop3A_243] in [0] : vector<16xf32>, vector<16xi32> -> vector<16xf32>
      %parallel_loop3A_245 = arith.constant 8 : i32
      %parallel_loop3A_246 = vector.broadcast %parallel_loop3A_245 : i32 to vector<16xi32>
      %parallel_loop3A_247 = arith.constant 0 : i32
      %parallel_loop3A_248 = vector.broadcast %parallel_loop3A_247 : i32 to vector<16xi32>
      %parallel_loop3A_249 = arith.cmpi slt, %parallel_loop3A_246, %parallel_loop3A_248 : vector<16xi32>
      %parallel_loop3A_250 = arith.constant 16 : i32
      %parallel_loop3A_251 = vector.broadcast %parallel_loop3A_250 : i32 to vector<16xi32>
      %parallel_loop3A_252 = arith.addi %parallel_loop3A_246, %parallel_loop3A_251 : vector<16xi32>
      %parallel_loop3A_253 = arith.select %parallel_loop3A_249, %parallel_loop3A_252, %parallel_loop3A_246 : vector<16xi1>, vector<16xi32>
      %parallel_loop3A_254 = vector.shape_cast %parallel_loop3A_253 : vector<16xi32> to vector<16x1xi32>
      %parallel_loop3A_255 = vector.shape_cast %parallel_loop3A_254 : vector<16x1xi32> to vector<16xi32>
      %parallel_loop3A_256 = tpu.dynamic_gather %parallel_loop3A_229[%parallel_loop3A_255] in [0] : vector<16xf32>, vector<16xi32> -> vector<16xf32>
      %parallel_loop3A_257 = arith.index_cast %parallel_loop3A_210 : i32 to index
      %parallel_loop3A_258 = arith.constant 0 : index
      %parallel_loop3A_259 = tpu.vector_load %arg11[%parallel_loop3A_257, %parallel_loop3A_258] {strides = array<i32>} : memref<80x144xf32, #tpu.memory_space<vmem>>, vector<16xf32>,
      %parallel_loop3A_260 = arith.mulf %parallel_loop3A_244, %parallel_loop3A_259 : vector<16xf32>
      %parallel_loop3A_261 = arith.index_cast %parallel_loop3A_210 : i32 to index
      %parallel_loop3A_262 = arith.constant 0 : index
      %parallel_loop3A_263 = tpu.vector_load %arg17[%parallel_loop3A_261, %parallel_loop3A_262] {strides = array<i32>} : memref<80x144xf32, #tpu.memory_space<vmem>>, vector<16xf32>,
      tpu.vector_store %arg17[%parallel_loop3A_261, %parallel_loop3A_262], %parallel_loop3A_260 {strides = array<i32>} : memref<80x144xf32, #tpu.memory_space<vmem>>, vector<16xf32>,
      %parallel_loop3A_264 = arith.constant 1 : i32
      %parallel_loop3A_265 = arith.addi %parallel_loop3A_210, %parallel_loop3A_264 : i32
      %parallel_loop3A_266 = arith.index_cast %parallel_loop3A_265 : i32 to index
      %parallel_loop3A_267 = arith.constant 0 : index
      %parallel_loop3A_268 = tpu.vector_load %arg11[%parallel_loop3A_266, %parallel_loop3A_267] {strides = array<i32>} : memref<80x144xf32, #tpu.memory_space<vmem>>, vector<16xf32>,
      %parallel_loop3A_269 = arith.mulf %parallel_loop3A_256, %parallel_loop3A_268 : vector<16xf32>
      %parallel_loop3A_270 = arith.constant 1 : i32
      %parallel_loop3A_271 = arith.addi %parallel_loop3A_210, %parallel_loop3A_270 : i32
      %parallel_loop3A_272 = arith.index_cast %parallel_loop3A_271 : i32 to index
      %parallel_loop3A_273 = arith.constant 0 : index
      %parallel_loop3A_274 = tpu.vector_load %arg17[%parallel_loop3A_272, %parallel_loop3A_273] {strides = array<i32>} : memref<80x144xf32, #tpu.memory_space<vmem>>, vector<16xf32>,
      tpu.vector_store %arg17[%parallel_loop3A_272, %parallel_loop3A_273], %parallel_loop3A_269 {strides = array<i32>} : memref<80x144xf32, #tpu.memory_space<vmem>>, vector<16xf32>,
      %parallel_loop3A_275 = arith.constant 1 : i32
      %parallel_loop3A_276 = vector.broadcast %parallel_loop3A_275 : i32 to vector<16xi32>
      %parallel_loop3A_277 = arith.constant 0 : i32
      %parallel_loop3A_278 = vector.broadcast %parallel_loop3A_277 : i32 to vector<16xi32>
      %parallel_loop3A_279 = arith.cmpi slt, %parallel_loop3A_276, %parallel_loop3A_278 : vector<16xi32>
      %parallel_loop3A_280 = arith.constant 16 : i32
      %parallel_loop3A_281 = vector.broadcast %parallel_loop3A_280 : i32 to vector<16xi32>
      %parallel_loop3A_282 = arith.addi %parallel_loop3A_276, %parallel_loop3A_281 : vector<16xi32>
      %parallel_loop3A_283 = arith.select %parallel_loop3A_279, %parallel_loop3A_282, %parallel_loop3A_276 : vector<16xi1>, vector<16xi32>
      %parallel_loop3A_284 = vector.shape_cast %parallel_loop3A_283 : vector<16xi32> to vector<16x1xi32>
      %parallel_loop3A_285 = vector.shape_cast %parallel_loop3A_284 : vector<16x1xi32> to vector<16xi32>
      %parallel_loop3A_286 = tpu.dynamic_gather %parallel_loop3A_229[%parallel_loop3A_285] in [0] : vector<16xf32>, vector<16xi32> -> vector<16xf32>
      %parallel_loop3A_287 = arith.constant 9 : i32
      %parallel_loop3A_288 = vector.broadcast %parallel_loop3A_287 : i32 to vector<16xi32>
      %parallel_loop3A_289 = arith.constant 0 : i32
      %parallel_loop3A_290 = vector.broadcast %parallel_loop3A_289 : i32 to vector<16xi32>
      %parallel_loop3A_291 = arith.cmpi slt, %parallel_loop3A_288, %parallel_loop3A_290 : vector<16xi32>
      %parallel_loop3A_292 = arith.constant 16 : i32
      %parallel_loop3A_293 = vector.broadcast %parallel_loop3A_292 : i32 to vector<16xi32>
      %parallel_loop3A_294 = arith.addi %parallel_loop3A_288, %parallel_loop3A_293 : vector<16xi32>
      %parallel_loop3A_295 = arith.select %parallel_loop3A_291, %parallel_loop3A_294, %parallel_loop3A_288 : vector<16xi1>, vector<16xi32>
      %parallel_loop3A_296 = vector.shape_cast %parallel_loop3A_295 : vector<16xi32> to vector<16x1xi32>
      %parallel_loop3A_297 = vector.shape_cast %parallel_loop3A_296 : vector<16x1xi32> to vector<16xi32>
      %parallel_loop3A_298 = tpu.dynamic_gather %parallel_loop3A_229[%parallel_loop3A_297] in [0] : vector<16xf32>, vector<16xi32> -> vector<16xf32>
      %parallel_loop3A_299 = arith.index_cast %parallel_loop3A_210 : i32 to index
      %parallel_loop3A_300 = arith.constant 16 : index
      %parallel_loop3A_301 = tpu.vector_load %arg11[%parallel_loop3A_299, %parallel_loop3A_300] {strides = array<i32>} : memref<80x144xf32, #tpu.memory_space<vmem>>, vector<16xf32>,
      %parallel_loop3A_302 = arith.mulf %parallel_loop3A_286, %parallel_loop3A_301 : vector<16xf32>
      %parallel_loop3A_303 = arith.index_cast %parallel_loop3A_210 : i32 to index
      %parallel_loop3A_304 = arith.constant 16 : index
      %parallel_loop3A_305 = tpu.vector_load %arg17[%parallel_loop3A_303, %parallel_loop3A_304] {strides = array<i32>} : memref<80x144xf32, #tpu.memory_space<vmem>>, vector<16xf32>,
      tpu.vector_store %arg17[%parallel_loop3A_303, %parallel_loop3A_304], %parallel_loop3A_302 {strides = array<i32>} : memref<80x144xf32, #tpu.memory_space<vmem>>, vector<16xf32>,
      %parallel_loop3A_306 = arith.constant 1 : i32
      %parallel_loop3A_307 = arith.addi %parallel_loop3A_210, %parallel_loop3A_306 : i32
      %parallel_loop3A_308 = arith.index_cast %parallel_loop3A_307 : i32 to index
      %parallel_loop3A_309 = arith.constant 16 : index
      %parallel_loop3A_310 = tpu.vector_load %arg11[%parallel_loop3A_308, %parallel_loop3A_309] {strides = array<i32>} : memref<80x144xf32, #tpu.memory_space<vmem>>, vector<16xf32>,
      %parallel_loop3A_311 = arith.mulf %parallel_loop3A_298, %parallel_loop3A_310 : vector<16xf32>
      %parallel_loop3A_312 = arith.constant 1 : i32
      %parallel_loop3A_313 = arith.addi %parallel_loop3A_210, %parallel_loop3A_312 : i32
      %parallel_loop3A_314 = arith.index_cast %parallel_loop3A_313 : i32 to index
      %parallel_loop3A_315 = arith.constant 16 : index
      %parallel_loop3A_316 = tpu.vector_load %arg17[%parallel_loop3A_314, %parallel_loop3A_315] {strides = array<i32>} : memref<80x144xf32, #tpu.memory_space<vmem>>, vector<16xf32>,
      tpu.vector_store %arg17[%parallel_loop3A_314, %parallel_loop3A_315], %parallel_loop3A_311 {strides = array<i32>} : memref<80x144xf32, #tpu.memory_space<vmem>>, vector<16xf32>,
      %parallel_loop3A_317 = arith.constant 2 : i32
      %parallel_loop3A_318 = vector.broadcast %parallel_loop3A_317 : i32 to vector<16xi32>
      %parallel_loop3A_319 = arith.constant 0 : i32
      %parallel_loop3A_320 = vector.broadcast %parallel_loop3A_319 : i32 to vector<16xi32>
      %parallel_loop3A_321 = arith.cmpi slt, %parallel_loop3A_318, %parallel_loop3A_320 : vector<16xi32>
      %parallel_loop3A_322 = arith.constant 16 : i32
      %parallel_loop3A_323 = vector.broadcast %parallel_loop3A_322 : i32 to vector<16xi32>
      %parallel_loop3A_324 = arith.addi %parallel_loop3A_318, %parallel_loop3A_323 : vector<16xi32>
      %parallel_loop3A_325 = arith.select %parallel_loop3A_321, %parallel_loop3A_324, %parallel_loop3A_318 : vector<16xi1>, vector<16xi32>
      %parallel_loop3A_326 = vector.shape_cast %parallel_loop3A_325 : vector<16xi32> to vector<16x1xi32>
      %parallel_loop3A_327 = vector.shape_cast %parallel_loop3A_326 : vector<16x1xi32> to vector<16xi32>
      %parallel_loop3A_328 = tpu.dynamic_gather %parallel_loop3A_229[%parallel_loop3A_327] in [0] : vector<16xf32>, vector<16xi32> -> vector<16xf32>
      %parallel_loop3A_329 = arith.constant 10 : i32
      %parallel_loop3A_330 = vector.broadcast %parallel_loop3A_329 : i32 to vector<16xi32>
      %parallel_loop3A_331 = arith.constant 0 : i32
      %parallel_loop3A_332 = vector.broadcast %parallel_loop3A_331 : i32 to vector<16xi32>
      %parallel_loop3A_333 = arith.cmpi slt, %parallel_loop3A_330, %parallel_loop3A_332 : vector<16xi32>
      %parallel_loop3A_334 = arith.constant 16 : i32
      %parallel_loop3A_335 = vector.broadcast %parallel_loop3A_334 : i32 to vector<16xi32>
      %parallel_loop3A_336 = arith.addi %parallel_loop3A_330, %parallel_loop3A_335 : vector<16xi32>
      %parallel_loop3A_337 = arith.select %parallel_loop3A_333, %parallel_loop3A_336, %parallel_loop3A_330 : vector<16xi1>, vector<16xi32>
      %parallel_loop3A_338 = vector.shape_cast %parallel_loop3A_337 : vector<16xi32> to vector<16x1xi32>
      %parallel_loop3A_339 = vector.shape_cast %parallel_loop3A_338 : vector<16x1xi32> to vector<16xi32>
      %parallel_loop3A_340 = tpu.dynamic_gather %parallel_loop3A_229[%parallel_loop3A_339] in [0] : vector<16xf32>, vector<16xi32> -> vector<16xf32>
      %parallel_loop3A_341 = arith.index_cast %parallel_loop3A_210 : i32 to index
      %parallel_loop3A_342 = arith.constant 32 : index
      %parallel_loop3A_343 = tpu.vector_load %arg11[%parallel_loop3A_341, %parallel_loop3A_342] {strides = array<i32>} : memref<80x144xf32, #tpu.memory_space<vmem>>, vector<16xf32>,
      %parallel_loop3A_344 = arith.mulf %parallel_loop3A_328, %parallel_loop3A_343 : vector<16xf32>
      %parallel_loop3A_345 = arith.index_cast %parallel_loop3A_210 : i32 to index
      %parallel_loop3A_346 = arith.constant 32 : index
      %parallel_loop3A_347 = tpu.vector_load %arg17[%parallel_loop3A_345, %parallel_loop3A_346] {strides = array<i32>} : memref<80x144xf32, #tpu.memory_space<vmem>>, vector<16xf32>,
      tpu.vector_store %arg17[%parallel_loop3A_345, %parallel_loop3A_346], %parallel_loop3A_344 {strides = array<i32>} : memref<80x144xf32, #tpu.memory_space<vmem>>, vector<16xf32>,
      %parallel_loop3A_348 = arith.constant 1 : i32
      %parallel_loop3A_349 = arith.addi %parallel_loop3A_210, %parallel_loop3A_348 : i32
      %parallel_loop3A_350 = arith.index_cast %parallel_loop3A_349 : i32 to index
      %parallel_loop3A_351 = arith.constant 32 : index
      %parallel_loop3A_352 = tpu.vector_load %arg11[%parallel_loop3A_350, %parallel_loop3A_351] {strides = array<i32>} : memref<80x144xf32, #tpu.memory_space<vmem>>, vector<16xf32>,
      %parallel_loop3A_353 = arith.mulf %parallel_loop3A_340, %parallel_loop3A_352 : vector<16xf32>
      %parallel_loop3A_354 = arith.constant 1 : i32
      %parallel_loop3A_355 = arith.addi %parallel_loop3A_210, %parallel_loop3A_354 : i32
      %parallel_loop3A_356 = arith.index_cast %parallel_loop3A_355 : i32 to index
      %parallel_loop3A_357 = arith.constant 32 : index
      %parallel_loop3A_358 = tpu.vector_load %arg17[%parallel_loop3A_356, %parallel_loop3A_357] {strides = array<i32>} : memref<80x144xf32, #tpu.memory_space<vmem>>, vector<16xf32>,
      tpu.vector_store %arg17[%parallel_loop3A_356, %parallel_loop3A_357], %parallel_loop3A_353 {strides = array<i32>} : memref<80x144xf32, #tpu.memory_space<vmem>>, vector<16xf32>,
      %parallel_loop3A_359 = arith.constant 3 : i32
      %parallel_loop3A_360 = vector.broadcast %parallel_loop3A_359 : i32 to vector<16xi32>
      %parallel_loop3A_361 = arith.constant 0 : i32
      %parallel_loop3A_362 = vector.broadcast %parallel_loop3A_361 : i32 to vector<16xi32>
      %parallel_loop3A_363 = arith.cmpi slt, %parallel_loop3A_360, %parallel_loop3A_362 : vector<16xi32>
      %parallel_loop3A_364 = arith.constant 16 : i32
      %parallel_loop3A_365 = vector.broadcast %parallel_loop3A_364 : i32 to vector<16xi32>
      %parallel_loop3A_366 = arith.addi %parallel_loop3A_360, %parallel_loop3A_365 : vector<16xi32>
      %parallel_loop3A_367 = arith.select %parallel_loop3A_363, %parallel_loop3A_366, %parallel_loop3A_360 : vector<16xi1>, vector<16xi32>
      %parallel_loop3A_368 = vector.shape_cast %parallel_loop3A_367 : vector<16xi32> to vector<16x1xi32>
      %parallel_loop3A_369 = vector.shape_cast %parallel_loop3A_368 : vector<16x1xi32> to vector<16xi32>
      %parallel_loop3A_370 = tpu.dynamic_gather %parallel_loop3A_229[%parallel_loop3A_369] in [0] : vector<16xf32>, vector<16xi32> -> vector<16xf32>
      %parallel_loop3A_371 = arith.constant 11 : i32
      %parallel_loop3A_372 = vector.broadcast %parallel_loop3A_371 : i32 to vector<16xi32>
      %parallel_loop3A_373 = arith.constant 0 : i32
      %parallel_loop3A_374 = vector.broadcast %parallel_loop3A_373 : i32 to vector<16xi32>
      %parallel_loop3A_375 = arith.cmpi slt, %parallel_loop3A_372, %parallel_loop3A_374 : vector<16xi32>
      %parallel_loop3A_376 = arith.constant 16 : i32
      %parallel_loop3A_377 = vector.broadcast %parallel_loop3A_376 : i32 to vector<16xi32>
      %parallel_loop3A_378 = arith.addi %parallel_loop3A_372, %parallel_loop3A_377 : vector<16xi32>
      %parallel_loop3A_379 = arith.select %parallel_loop3A_375, %parallel_loop3A_378, %parallel_loop3A_372 : vector<16xi1>, vector<16xi32>
      %parallel_loop3A_380 = vector.shape_cast %parallel_loop3A_379 : vector<16xi32> to vector<16x1xi32>
      %parallel_loop3A_381 = vector.shape_cast %parallel_loop3A_380 : vector<16x1xi32> to vector<16xi32>
      %parallel_loop3A_382 = tpu.dynamic_gather %parallel_loop3A_229[%parallel_loop3A_381] in [0] : vector<16xf32>, vector<16xi32> -> vector<16xf32>
      %parallel_loop3A_383 = arith.index_cast %parallel_loop3A_210 : i32 to index
      %parallel_loop3A_384 = arith.constant 48 : index
      %parallel_loop3A_385 = tpu.vector_load %arg11[%parallel_loop3A_383, %parallel_loop3A_384] {strides = array<i32>} : memref<80x144xf32, #tpu.memory_space<vmem>>, vector<16xf32>,
      %parallel_loop3A_386 = arith.mulf %parallel_loop3A_370, %parallel_loop3A_385 : vector<16xf32>
      %parallel_loop3A_387 = arith.index_cast %parallel_loop3A_210 : i32 to index
      %parallel_loop3A_388 = arith.constant 48 : index
      %parallel_loop3A_389 = tpu.vector_load %arg17[%parallel_loop3A_387, %parallel_loop3A_388] {strides = array<i32>} : memref<80x144xf32, #tpu.memory_space<vmem>>, vector<16xf32>,
      tpu.vector_store %arg17[%parallel_loop3A_387, %parallel_loop3A_388], %parallel_loop3A_386 {strides = array<i32>} : memref<80x144xf32, #tpu.memory_space<vmem>>, vector<16xf32>,
      %parallel_loop3A_390 = arith.constant 1 : i32
      %parallel_loop3A_391 = arith.addi %parallel_loop3A_210, %parallel_loop3A_390 : i32
      %parallel_loop3A_392 = arith.index_cast %parallel_loop3A_391 : i32 to index
      %parallel_loop3A_393 = arith.constant 48 : index
      %parallel_loop3A_394 = tpu.vector_load %arg11[%parallel_loop3A_392, %parallel_loop3A_393] {strides = array<i32>} : memref<80x144xf32, #tpu.memory_space<vmem>>, vector<16xf32>,
      %parallel_loop3A_395 = arith.mulf %parallel_loop3A_382, %parallel_loop3A_394 : vector<16xf32>
      %parallel_loop3A_396 = arith.constant 1 : i32
      %parallel_loop3A_397 = arith.addi %parallel_loop3A_210, %parallel_loop3A_396 : i32
      %parallel_loop3A_398 = arith.index_cast %parallel_loop3A_397 : i32 to index
      %parallel_loop3A_399 = arith.constant 48 : index
      %parallel_loop3A_400 = tpu.vector_load %arg17[%parallel_loop3A_398, %parallel_loop3A_399] {strides = array<i32>} : memref<80x144xf32, #tpu.memory_space<vmem>>, vector<16xf32>,
      tpu.vector_store %arg17[%parallel_loop3A_398, %parallel_loop3A_399], %parallel_loop3A_395 {strides = array<i32>} : memref<80x144xf32, #tpu.memory_space<vmem>>, vector<16xf32>,
      %parallel_loop3A_401 = arith.constant 4 : i32
      %parallel_loop3A_402 = vector.broadcast %parallel_loop3A_401 : i32 to vector<16xi32>
      %parallel_loop3A_403 = arith.constant 0 : i32
      %parallel_loop3A_404 = vector.broadcast %parallel_loop3A_403 : i32 to vector<16xi32>
      %parallel_loop3A_405 = arith.cmpi slt, %parallel_loop3A_402, %parallel_loop3A_404 : vector<16xi32>
      %parallel_loop3A_406 = arith.constant 16 : i32
      %parallel_loop3A_407 = vector.broadcast %parallel_loop3A_406 : i32 to vector<16xi32>
      %parallel_loop3A_408 = arith.addi %parallel_loop3A_402, %parallel_loop3A_407 : vector<16xi32>
      %parallel_loop3A_409 = arith.select %parallel_loop3A_405, %parallel_loop3A_408, %parallel_loop3A_402 : vector<16xi1>, vector<16xi32>
      %parallel_loop3A_410 = vector.shape_cast %parallel_loop3A_409 : vector<16xi32> to vector<16x1xi32>
      %parallel_loop3A_411 = vector.shape_cast %parallel_loop3A_410 : vector<16x1xi32> to vector<16xi32>
      %parallel_loop3A_412 = tpu.dynamic_gather %parallel_loop3A_229[%parallel_loop3A_411] in [0] : vector<16xf32>, vector<16xi32> -> vector<16xf32>
      %parallel_loop3A_413 = arith.constant 12 : i32
      %parallel_loop3A_414 = vector.broadcast %parallel_loop3A_413 : i32 to vector<16xi32>
      %parallel_loop3A_415 = arith.constant 0 : i32
      %parallel_loop3A_416 = vector.broadcast %parallel_loop3A_415 : i32 to vector<16xi32>
      %parallel_loop3A_417 = arith.cmpi slt, %parallel_loop3A_414, %parallel_loop3A_416 : vector<16xi32>
      %parallel_loop3A_418 = arith.constant 16 : i32
      %parallel_loop3A_419 = vector.broadcast %parallel_loop3A_418 : i32 to vector<16xi32>
      %parallel_loop3A_420 = arith.addi %parallel_loop3A_414, %parallel_loop3A_419 : vector<16xi32>
      %parallel_loop3A_421 = arith.select %parallel_loop3A_417, %parallel_loop3A_420, %parallel_loop3A_414 : vector<16xi1>, vector<16xi32>
      %parallel_loop3A_422 = vector.shape_cast %parallel_loop3A_421 : vector<16xi32> to vector<16x1xi32>
      %parallel_loop3A_423 = vector.shape_cast %parallel_loop3A_422 : vector<16x1xi32> to vector<16xi32>
      %parallel_loop3A_424 = tpu.dynamic_gather %parallel_loop3A_229[%parallel_loop3A_423] in [0] : vector<16xf32>, vector<16xi32> -> vector<16xf32>
      %parallel_loop3A_425 = arith.index_cast %parallel_loop3A_210 : i32 to index
      %parallel_loop3A_426 = arith.constant 64 : index
      %parallel_loop3A_427 = tpu.vector_load %arg11[%parallel_loop3A_425, %parallel_loop3A_426] {strides = array<i32>} : memref<80x144xf32, #tpu.memory_space<vmem>>, vector<16xf32>,
      %parallel_loop3A_428 = arith.mulf %parallel_loop3A_412, %parallel_loop3A_427 : vector<16xf32>
      %parallel_loop3A_429 = arith.index_cast %parallel_loop3A_210 : i32 to index
      %parallel_loop3A_430 = arith.constant 64 : index
      %parallel_loop3A_431 = tpu.vector_load %arg17[%parallel_loop3A_429, %parallel_loop3A_430] {strides = array<i32>} : memref<80x144xf32, #tpu.memory_space<vmem>>, vector<16xf32>,
      tpu.vector_store %arg17[%parallel_loop3A_429, %parallel_loop3A_430], %parallel_loop3A_428 {strides = array<i32>} : memref<80x144xf32, #tpu.memory_space<vmem>>, vector<16xf32>,
      %parallel_loop3A_432 = arith.constant 1 : i32
      %parallel_loop3A_433 = arith.addi %parallel_loop3A_210, %parallel_loop3A_432 : i32
      %parallel_loop3A_434 = arith.index_cast %parallel_loop3A_433 : i32 to index
      %parallel_loop3A_435 = arith.constant 64 : index
      %parallel_loop3A_436 = tpu.vector_load %arg11[%parallel_loop3A_434, %parallel_loop3A_435] {strides = array<i32>} : memref<80x144xf32, #tpu.memory_space<vmem>>, vector<16xf32>,
      %parallel_loop3A_437 = arith.mulf %parallel_loop3A_424, %parallel_loop3A_436 : vector<16xf32>
      %parallel_loop3A_438 = arith.constant 1 : i32
      %parallel_loop3A_439 = arith.addi %parallel_loop3A_210, %parallel_loop3A_438 : i32
      %parallel_loop3A_440 = arith.index_cast %parallel_loop3A_439 : i32 to index
      %parallel_loop3A_441 = arith.constant 64 : index
      %parallel_loop3A_442 = tpu.vector_load %arg17[%parallel_loop3A_440, %parallel_loop3A_441] {strides = array<i32>} : memref<80x144xf32, #tpu.memory_space<vmem>>, vector<16xf32>,
      tpu.vector_store %arg17[%parallel_loop3A_440, %parallel_loop3A_441], %parallel_loop3A_437 {strides = array<i32>} : memref<80x144xf32, #tpu.memory_space<vmem>>, vector<16xf32>,
      %parallel_loop3A_443 = arith.constant 5 : i32
      %parallel_loop3A_444 = vector.broadcast %parallel_loop3A_443 : i32 to vector<16xi32>
      %parallel_loop3A_445 = arith.constant 0 : i32
      %parallel_loop3A_446 = vector.broadcast %parallel_loop3A_445 : i32 to vector<16xi32>
      %parallel_loop3A_447 = arith.cmpi slt, %parallel_loop3A_444, %parallel_loop3A_446 : vector<16xi32>
      %parallel_loop3A_448 = arith.constant 16 : i32
      %parallel_loop3A_449 = vector.broadcast %parallel_loop3A_448 : i32 to vector<16xi32>
      %parallel_loop3A_450 = arith.addi %parallel_loop3A_444, %parallel_loop3A_449 : vector<16xi32>
      %parallel_loop3A_451 = arith.select %parallel_loop3A_447, %parallel_loop3A_450, %parallel_loop3A_444 : vector<16xi1>, vector<16xi32>
      %parallel_loop3A_452 = vector.shape_cast %parallel_loop3A_451 : vector<16xi32> to vector<16x1xi32>
      %parallel_loop3A_453 = vector.shape_cast %parallel_loop3A_452 : vector<16x1xi32> to vector<16xi32>
      %parallel_loop3A_454 = tpu.dynamic_gather %parallel_loop3A_229[%parallel_loop3A_453] in [0] : vector<16xf32>, vector<16xi32> -> vector<16xf32>
      %parallel_loop3A_455 = arith.constant 13 : i32
      %parallel_loop3A_456 = vector.broadcast %parallel_loop3A_455 : i32 to vector<16xi32>
      %parallel_loop3A_457 = arith.constant 0 : i32
      %parallel_loop3A_458 = vector.broadcast %parallel_loop3A_457 : i32 to vector<16xi32>
      %parallel_loop3A_459 = arith.cmpi slt, %parallel_loop3A_456, %parallel_loop3A_458 : vector<16xi32>
      %parallel_loop3A_460 = arith.constant 16 : i32
      %parallel_loop3A_461 = vector.broadcast %parallel_loop3A_460 : i32 to vector<16xi32>
      %parallel_loop3A_462 = arith.addi %parallel_loop3A_456, %parallel_loop3A_461 : vector<16xi32>
      %parallel_loop3A_463 = arith.select %parallel_loop3A_459, %parallel_loop3A_462, %parallel_loop3A_456 : vector<16xi1>, vector<16xi32>
      %parallel_loop3A_464 = vector.shape_cast %parallel_loop3A_463 : vector<16xi32> to vector<16x1xi32>
      %parallel_loop3A_465 = vector.shape_cast %parallel_loop3A_464 : vector<16x1xi32> to vector<16xi32>
      %parallel_loop3A_466 = tpu.dynamic_gather %parallel_loop3A_229[%parallel_loop3A_465] in [0] : vector<16xf32>, vector<16xi32> -> vector<16xf32>
      %parallel_loop3A_467 = arith.index_cast %parallel_loop3A_210 : i32 to index
      %parallel_loop3A_468 = arith.constant 80 : index
      %parallel_loop3A_469 = tpu.vector_load %arg11[%parallel_loop3A_467, %parallel_loop3A_468] {strides = array<i32>} : memref<80x144xf32, #tpu.memory_space<vmem>>, vector<16xf32>,
      %parallel_loop3A_470 = arith.mulf %parallel_loop3A_454, %parallel_loop3A_469 : vector<16xf32>
      %parallel_loop3A_471 = arith.index_cast %parallel_loop3A_210 : i32 to index
      %parallel_loop3A_472 = arith.constant 80 : index
      %parallel_loop3A_473 = tpu.vector_load %arg17[%parallel_loop3A_471, %parallel_loop3A_472] {strides = array<i32>} : memref<80x144xf32, #tpu.memory_space<vmem>>, vector<16xf32>,
      tpu.vector_store %arg17[%parallel_loop3A_471, %parallel_loop3A_472], %parallel_loop3A_470 {strides = array<i32>} : memref<80x144xf32, #tpu.memory_space<vmem>>, vector<16xf32>,
      %parallel_loop3A_474 = arith.constant 1 : i32
      %parallel_loop3A_475 = arith.addi %parallel_loop3A_210, %parallel_loop3A_474 : i32
      %parallel_loop3A_476 = arith.index_cast %parallel_loop3A_475 : i32 to index
      %parallel_loop3A_477 = arith.constant 80 : index
      %parallel_loop3A_478 = tpu.vector_load %arg11[%parallel_loop3A_476, %parallel_loop3A_477] {strides = array<i32>} : memref<80x144xf32, #tpu.memory_space<vmem>>, vector<16xf32>,
      %parallel_loop3A_479 = arith.mulf %parallel_loop3A_466, %parallel_loop3A_478 : vector<16xf32>
      %parallel_loop3A_480 = arith.constant 1 : i32
      %parallel_loop3A_481 = arith.addi %parallel_loop3A_210, %parallel_loop3A_480 : i32
      %parallel_loop3A_482 = arith.index_cast %parallel_loop3A_481 : i32 to index
      %parallel_loop3A_483 = arith.constant 80 : index
      %parallel_loop3A_484 = tpu.vector_load %arg17[%parallel_loop3A_482, %parallel_loop3A_483] {strides = array<i32>} : memref<80x144xf32, #tpu.memory_space<vmem>>, vector<16xf32>,
      tpu.vector_store %arg17[%parallel_loop3A_482, %parallel_loop3A_483], %parallel_loop3A_479 {strides = array<i32>} : memref<80x144xf32, #tpu.memory_space<vmem>>, vector<16xf32>,
      %parallel_loop3A_485 = arith.constant 6 : i32
      %parallel_loop3A_486 = vector.broadcast %parallel_loop3A_485 : i32 to vector<16xi32>
      %parallel_loop3A_487 = arith.constant 0 : i32
      %parallel_loop3A_488 = vector.broadcast %parallel_loop3A_487 : i32 to vector<16xi32>
      %parallel_loop3A_489 = arith.cmpi slt, %parallel_loop3A_486, %parallel_loop3A_488 : vector<16xi32>
      %parallel_loop3A_490 = arith.constant 16 : i32
      %parallel_loop3A_491 = vector.broadcast %parallel_loop3A_490 : i32 to vector<16xi32>
      %parallel_loop3A_492 = arith.addi %parallel_loop3A_486, %parallel_loop3A_491 : vector<16xi32>
      %parallel_loop3A_493 = arith.select %parallel_loop3A_489, %parallel_loop3A_492, %parallel_loop3A_486 : vector<16xi1>, vector<16xi32>
      %parallel_loop3A_494 = vector.shape_cast %parallel_loop3A_493 : vector<16xi32> to vector<16x1xi32>
      %parallel_loop3A_495 = vector.shape_cast %parallel_loop3A_494 : vector<16x1xi32> to vector<16xi32>
      %parallel_loop3A_496 = tpu.dynamic_gather %parallel_loop3A_229[%parallel_loop3A_495] in [0] : vector<16xf32>, vector<16xi32> -> vector<16xf32>
      %parallel_loop3A_497 = arith.constant 14 : i32
      %parallel_loop3A_498 = vector.broadcast %parallel_loop3A_497 : i32 to vector<16xi32>
      %parallel_loop3A_499 = arith.constant 0 : i32
      %parallel_loop3A_500 = vector.broadcast %parallel_loop3A_499 : i32 to vector<16xi32>
      %parallel_loop3A_501 = arith.cmpi slt, %parallel_loop3A_498, %parallel_loop3A_500 : vector<16xi32>
      %parallel_loop3A_502 = arith.constant 16 : i32
      %parallel_loop3A_503 = vector.broadcast %parallel_loop3A_502 : i32 to vector<16xi32>
      %parallel_loop3A_504 = arith.addi %parallel_loop3A_498, %parallel_loop3A_503 : vector<16xi32>
      %parallel_loop3A_505 = arith.select %parallel_loop3A_501, %parallel_loop3A_504, %parallel_loop3A_498 : vector<16xi1>, vector<16xi32>
      %parallel_loop3A_506 = vector.shape_cast %parallel_loop3A_505 : vector<16xi32> to vector<16x1xi32>
      %parallel_loop3A_507 = vector.shape_cast %parallel_loop3A_506 : vector<16x1xi32> to vector<16xi32>
      %parallel_loop3A_508 = tpu.dynamic_gather %parallel_loop3A_229[%parallel_loop3A_507] in [0] : vector<16xf32>, vector<16xi32> -> vector<16xf32>
      %parallel_loop3A_509 = arith.index_cast %parallel_loop3A_210 : i32 to index
      %parallel_loop3A_510 = arith.constant 96 : index
      %parallel_loop3A_511 = tpu.vector_load %arg11[%parallel_loop3A_509, %parallel_loop3A_510] {strides = array<i32>} : memref<80x144xf32, #tpu.memory_space<vmem>>, vector<16xf32>,
      %parallel_loop3A_512 = arith.mulf %parallel_loop3A_496, %parallel_loop3A_511 : vector<16xf32>
      %parallel_loop3A_513 = arith.index_cast %parallel_loop3A_210 : i32 to index
      %parallel_loop3A_514 = arith.constant 96 : index
      %parallel_loop3A_515 = tpu.vector_load %arg17[%parallel_loop3A_513, %parallel_loop3A_514] {strides = array<i32>} : memref<80x144xf32, #tpu.memory_space<vmem>>, vector<16xf32>,
      tpu.vector_store %arg17[%parallel_loop3A_513, %parallel_loop3A_514], %parallel_loop3A_512 {strides = array<i32>} : memref<80x144xf32, #tpu.memory_space<vmem>>, vector<16xf32>,
      %parallel_loop3A_516 = arith.constant 1 : i32
      %parallel_loop3A_517 = arith.addi %parallel_loop3A_210, %parallel_loop3A_516 : i32
      %parallel_loop3A_518 = arith.index_cast %parallel_loop3A_517 : i32 to index
      %parallel_loop3A_519 = arith.constant 96 : index
      %parallel_loop3A_520 = tpu.vector_load %arg11[%parallel_loop3A_518, %parallel_loop3A_519] {strides = array<i32>} : memref<80x144xf32, #tpu.memory_space<vmem>>, vector<16xf32>,
      %parallel_loop3A_521 = arith.mulf %parallel_loop3A_508, %parallel_loop3A_520 : vector<16xf32>
      %parallel_loop3A_522 = arith.constant 1 : i32
      %parallel_loop3A_523 = arith.addi %parallel_loop3A_210, %parallel_loop3A_522 : i32
      %parallel_loop3A_524 = arith.index_cast %parallel_loop3A_523 : i32 to index
      %parallel_loop3A_525 = arith.constant 96 : index
      %parallel_loop3A_526 = tpu.vector_load %arg17[%parallel_loop3A_524, %parallel_loop3A_525] {strides = array<i32>} : memref<80x144xf32, #tpu.memory_space<vmem>>, vector<16xf32>,
      tpu.vector_store %arg17[%parallel_loop3A_524, %parallel_loop3A_525], %parallel_loop3A_521 {strides = array<i32>} : memref<80x144xf32, #tpu.memory_space<vmem>>, vector<16xf32>,
      %parallel_loop3A_527 = arith.constant 7 : i32
      %parallel_loop3A_528 = vector.broadcast %parallel_loop3A_527 : i32 to vector<16xi32>
      %parallel_loop3A_529 = arith.constant 0 : i32
      %parallel_loop3A_530 = vector.broadcast %parallel_loop3A_529 : i32 to vector<16xi32>
      %parallel_loop3A_531 = arith.cmpi slt, %parallel_loop3A_528, %parallel_loop3A_530 : vector<16xi32>
      %parallel_loop3A_532 = arith.constant 16 : i32
      %parallel_loop3A_533 = vector.broadcast %parallel_loop3A_532 : i32 to vector<16xi32>
      %parallel_loop3A_534 = arith.addi %parallel_loop3A_528, %parallel_loop3A_533 : vector<16xi32>
      %parallel_loop3A_535 = arith.select %parallel_loop3A_531, %parallel_loop3A_534, %parallel_loop3A_528 : vector<16xi1>, vector<16xi32>
      %parallel_loop3A_536 = vector.shape_cast %parallel_loop3A_535 : vector<16xi32> to vector<16x1xi32>
      %parallel_loop3A_537 = vector.shape_cast %parallel_loop3A_536 : vector<16x1xi32> to vector<16xi32>
      %parallel_loop3A_538 = tpu.dynamic_gather %parallel_loop3A_229[%parallel_loop3A_537] in [0] : vector<16xf32>, vector<16xi32> -> vector<16xf32>
      %parallel_loop3A_539 = arith.constant 15 : i32
      %parallel_loop3A_540 = vector.broadcast %parallel_loop3A_539 : i32 to vector<16xi32>
      %parallel_loop3A_541 = arith.constant 0 : i32
      %parallel_loop3A_542 = vector.broadcast %parallel_loop3A_541 : i32 to vector<16xi32>
      %parallel_loop3A_543 = arith.cmpi slt, %parallel_loop3A_540, %parallel_loop3A_542 : vector<16xi32>
      %parallel_loop3A_544 = arith.constant 16 : i32
      %parallel_loop3A_545 = vector.broadcast %parallel_loop3A_544 : i32 to vector<16xi32>
      %parallel_loop3A_546 = arith.addi %parallel_loop3A_540, %parallel_loop3A_545 : vector<16xi32>
      %parallel_loop3A_547 = arith.select %parallel_loop3A_543, %parallel_loop3A_546, %parallel_loop3A_540 : vector<16xi1>, vector<16xi32>
      %parallel_loop3A_548 = vector.shape_cast %parallel_loop3A_547 : vector<16xi32> to vector<16x1xi32>
      %parallel_loop3A_549 = vector.shape_cast %parallel_loop3A_548 : vector<16x1xi32> to vector<16xi32>
      %parallel_loop3A_550 = tpu.dynamic_gather %parallel_loop3A_229[%parallel_loop3A_549] in [0] : vector<16xf32>, vector<16xi32> -> vector<16xf32>
      %parallel_loop3A_551 = arith.index_cast %parallel_loop3A_210 : i32 to index
      %parallel_loop3A_552 = arith.constant 112 : index
      %parallel_loop3A_553 = tpu.vector_load %arg11[%parallel_loop3A_551, %parallel_loop3A_552] {strides = array<i32>} : memref<80x144xf32, #tpu.memory_space<vmem>>, vector<16xf32>,
      %parallel_loop3A_554 = arith.mulf %parallel_loop3A_538, %parallel_loop3A_553 : vector<16xf32>
      %parallel_loop3A_555 = arith.index_cast %parallel_loop3A_210 : i32 to index
      %parallel_loop3A_556 = arith.constant 112 : index
      %parallel_loop3A_557 = tpu.vector_load %arg17[%parallel_loop3A_555, %parallel_loop3A_556] {strides = array<i32>} : memref<80x144xf32, #tpu.memory_space<vmem>>, vector<16xf32>,
      tpu.vector_store %arg17[%parallel_loop3A_555, %parallel_loop3A_556], %parallel_loop3A_554 {strides = array<i32>} : memref<80x144xf32, #tpu.memory_space<vmem>>, vector<16xf32>,
      %parallel_loop3A_558 = arith.constant 1 : i32
      %parallel_loop3A_559 = arith.addi %parallel_loop3A_210, %parallel_loop3A_558 : i32
      %parallel_loop3A_560 = arith.index_cast %parallel_loop3A_559 : i32 to index
      %parallel_loop3A_561 = arith.constant 112 : index
      %parallel_loop3A_562 = tpu.vector_load %arg11[%parallel_loop3A_560, %parallel_loop3A_561] {strides = array<i32>} : memref<80x144xf32, #tpu.memory_space<vmem>>, vector<16xf32>,
      %parallel_loop3A_563 = arith.mulf %parallel_loop3A_550, %parallel_loop3A_562 : vector<16xf32>
      %parallel_loop3A_564 = arith.constant 1 : i32
      %parallel_loop3A_565 = arith.addi %parallel_loop3A_210, %parallel_loop3A_564 : i32
      %parallel_loop3A_566 = arith.index_cast %parallel_loop3A_565 : i32 to index
      %parallel_loop3A_567 = arith.constant 112 : index
      %parallel_loop3A_568 = tpu.vector_load %arg17[%parallel_loop3A_566, %parallel_loop3A_567] {strides = array<i32>} : memref<80x144xf32, #tpu.memory_space<vmem>>, vector<16xf32>,
      tpu.vector_store %arg17[%parallel_loop3A_566, %parallel_loop3A_567], %parallel_loop3A_563 {strides = array<i32>} : memref<80x144xf32, #tpu.memory_space<vmem>>, vector<16xf32>,
    } {sc.loop_unroll_factor = 2 : i64, sc.parallel_access}
    %run_scoped3A_206 = arith.constant 1 : i32
    "tpu.region"() ({
      %run_scoped3A_208 = tpu.sem_alloc : memref<!tpu.dma_semaphore, #tpu.memory_space<semaphore_mem>>
      %dma_start3A_209 = arith.constant 0 : i32
      %dma_start3A_210 = tpu.memref_slice %arg9[%run_scoped3A_206, %dma_start3A_209] : memref<2x80xi32, #tpu.memory_space<vmem>> -> memref<1x80xi32, #tpu.memory_space<vmem>>
      %dma_start3A_211 = tpu.memref_squeeze %dma_start3A_210 : memref<1x80xi32, #tpu.memory_space<vmem>> -> memref<80xi32, #tpu.memory_space<vmem>>
      %dma_start3A_212 = arith.constant 0 : i32
      %dma_start3A_213 = arith.constant 0 : i32
      %dma_start3A_214 = tpu.memref_slice %arg22[%dma_start3A_212, %dma_start3A_213] : memref<10112x144xf32, #tpu.memory_space<vmem_shared>> -> memref<10112x144xf32, #tpu.memory_space<vmem_shared>>
      tpu.enqueue_indirect_dma source(%arg17 : memref<80x144xf32, #tpu.memory_space<vmem>>) target(%dma_start3A_214 : memref<10112x144xf32, #tpu.memory_space<vmem_shared>>) offsets(%dma_start3A_211 : memref<80xi32, #tpu.memory_space<vmem>>) semaphore(%run_scoped3A_208 : memref<!tpu.dma_semaphore, #tpu.memory_space<semaphore_mem>>) {add = true}
      %dma_wait3A_215 = arith.constant 0 : i32
      %dma_wait3A_216 = tpu.memref_slice %arg9[%run_scoped3A_206, %dma_wait3A_215] : memref<2x80xi32, #tpu.memory_space<vmem>> -> memref<1x80xi32, #tpu.memory_space<vmem>>
      %dma_wait3A_217 = tpu.memref_squeeze %dma_wait3A_216 : memref<1x80xi32, #tpu.memory_space<vmem>> -> memref<80xi32, #tpu.memory_space<vmem>>
      %dma_wait3A_218 = arith.constant 0 : i32
      %dma_wait3A_219 = arith.constant 0 : i32
      %dma_wait3A_220 = tpu.memref_slice %arg22[%dma_wait3A_218, %dma_wait3A_219] : memref<10112x144xf32, #tpu.memory_space<vmem_shared>> -> memref<10112x144xf32, #tpu.memory_space<vmem_shared>>
      tpu.wait_indirect_dma semaphore(%run_scoped3A_208 : memref<!tpu.dma_semaphore, #tpu.memory_space<semaphore_mem>>) src(%arg17 : memref<80x144xf32, #tpu.memory_space<vmem>>) dst(%dma_wait3A_220 : memref<10112x144xf32, #tpu.memory_space<vmem_shared>>)
      tpu.yield
    }) : () -> ()
    %barrier3A_207 = arith.constant 0 : index
    tpu.barrier barrier_id(%barrier3A_207)
    "tpu.region"() ({
      %run_scoped3A_208 = tpu.sem_alloc : memref<!tpu.dma_semaphore, #tpu.memory_space<semaphore_mem>>
      %dma_start3A_209 = arith.constant 0 : i32
      %dma_start3A_210 = tpu.memref_slice %arg8[%arg0, %mul3A_8, %dma_start3A_209] : memref<2x10112x144xf32, #tpu.memory_space<hbm>> -> memref<1x632x144xf32, #tpu.memory_space<hbm>>
      %dma_start3A_211 = tpu.memref_squeeze %dma_start3A_210 : memref<1x632x144xf32, #tpu.memory_space<hbm>> -> memref<632x144xf32, #tpu.memory_space<hbm>>
      %dma_start3A_212 = arith.constant 0 : i32
      %dma_start3A_213 = tpu.memref_slice %arg22[%mul3A_8, %dma_start3A_212] : memref<10112x144xf32, #tpu.memory_space<vmem_shared>> -> memref<632x144xf32, #tpu.memory_space<vmem_shared>>
      tpu.enqueue_dma source(%dma_start3A_213 : memref<632x144xf32, #tpu.memory_space<vmem_shared>>) target(%dma_start3A_211 : memref<632x144xf32, #tpu.memory_space<hbm>>) target_semaphore(%run_scoped3A_208 : memref<!tpu.dma_semaphore, #tpu.memory_space<semaphore_mem>>)
      %dma_wait3A_214 = arith.constant 0 : i32
      %dma_wait3A_215 = tpu.memref_slice %arg8[%arg0, %mul3A_8, %dma_wait3A_214] : memref<2x10112x144xf32, #tpu.memory_space<hbm>> -> memref<1x632x144xf32, #tpu.memory_space<hbm>>
      %dma_wait3A_216 = tpu.memref_squeeze %dma_wait3A_215 : memref<1x632x144xf32, #tpu.memory_space<hbm>> -> memref<632x144xf32, #tpu.memory_space<hbm>>
      %dma_wait3A_217 = arith.constant 0 : i32
      %dma_wait3A_218 = tpu.memref_slice %arg22[%mul3A_8, %dma_wait3A_217] : memref<10112x144xf32, #tpu.memory_space<vmem_shared>> -> memref<632x144xf32, #tpu.memory_space<vmem_shared>>
      tpu.wait_dma2 semaphore(%run_scoped3A_208 : memref<!tpu.dma_semaphore, #tpu.memory_space<semaphore_mem>>) src(%dma_wait3A_218 : memref<632x144xf32, #tpu.memory_space<vmem_shared>>) dst(%dma_wait3A_216 : memref<632x144xf32, #tpu.memory_space<hbm>>)
      tpu.yield
    }) : () -> ()
    return
  }
}

module attributes {stable_mosaic.version = 14 : i64} {
  func.func @_prep_node_body(%arg0: i32, %arg1: memref<1264x128xf32, #tpu.memory_space<vmem>>, %arg2: memref<128x128xf32, #tpu.memory_space<vmem>>, %arg3: memref<128x16xf32, #tpu.memory_space<vmem>>, %arg4: memref<1264x144xf32, #tpu.memory_space<vmem>>, %arg5: memref<1264x16xf32, #tpu.memory_space<vmem>>, %arg6: memref<1x16xf32, #tpu.memory_space<vmem>>) attributes {dimension_semantics = [#tpu.dimension_semantics<arbitrary>], iteration_bounds = array<i64: 8>, scalar_prefetch = 0 : i64, scratch_operands = 0 : i64, tpu.core_type = #tpu.core_type<tc>, window_params = [{transform_indices = @transform_0, window_bounds = array<i64: 1264, 128>}, {pipeline_mode = #tpu.pipeline_mode<synchronous>, transform_indices = @transform_1, window_bounds = array<i64: 128, 128>}, {pipeline_mode = #tpu.pipeline_mode<synchronous>, transform_indices = @transform_2, window_bounds = array<i64: 128, 16>}, {transform_indices = @transform_3, window_bounds = array<i64: 1264, 144>}, {transform_indices = @transform_4, window_bounds = array<i64: 1264, 16>}, {pipeline_mode = #tpu.pipeline_mode<synchronous>, transform_indices = @transform_5, window_bounds = array<i64: 1, 16>}]} {
    %get3A = arith.constant 0 : index
    %get3A_0 = arith.constant 0 : index
    %get3A_1 = vector.load %arg1[%get3A, %get3A_0] : memref<1264x128xf32, #tpu.memory_space<vmem>>, vector<1264x128xf32>
    %get3A_2 = arith.constant 0 : index
    %get3A_3 = arith.constant 0 : index
    %get3A_4 = vector.load %arg2[%get3A_2, %get3A_3] : memref<128x128xf32, #tpu.memory_space<vmem>>, vector<128x128xf32>
    %dot_general3A = arith.constant dense<0.000000e+00> : vector<1264x128xf32>
    %dot_general3A_5 = tpu.matmul %get3A_1, %get3A_4, %dot_general3A {dimension_numbers = #tpu.dot_dimension_numbers<[1], [0], [0], [1], [0, 0, 1, 1], [], []>, transpose_lhs_hint = false} : vector<1264x128xf32>, vector<128x128xf32>, vector<1264x128xf32> -> vector<1264x128xf32>
    %get3A_6 = arith.constant 0 : index
    %get3A_7 = arith.constant 0 : index
    %get3A_8 = vector.load %arg3[%get3A_6, %get3A_7] : memref<128x16xf32, #tpu.memory_space<vmem>>, vector<128x16xf32>
    %dot_general3A_9 = arith.constant dense<0.000000e+00> : vector<1264x16xf32>
    %dot_general3A_10 = tpu.matmul %dot_general3A_5, %get3A_8, %dot_general3A_9 {dimension_numbers = #tpu.dot_dimension_numbers<[1], [0], [0], [1], [0, 0, 1, 1], [], []>, transpose_lhs_hint = false} : vector<1264x128xf32>, vector<128x16xf32>, vector<1264x16xf32> -> vector<1264x16xf32>
    %swap3A = arith.constant 0 : index
    %swap3A_11 = arith.constant 0 : index
    %swap3A_12 = vector.load %arg4[%swap3A, %swap3A_11] : memref<1264x144xf32, #tpu.memory_space<vmem>>, vector<1264x128xf32>
    tpu.vector_store %arg4[%swap3A, %swap3A_11], %dot_general3A_5 {strides = array<i32>} : memref<1264x144xf32, #tpu.memory_space<vmem>>, vector<1264x128xf32>,
    %slice3A = vector.extract_strided_slice %dot_general3A_10 {offsets = [0, 0], sizes = [1264, 8], strides = [1, 1]} : vector<1264x16xf32> to vector<1264x8xf32>
    %swap3A_13 = arith.constant 0 : index
    %swap3A_14 = arith.constant 128 : index
    %swap3A_15 = vector.load %arg4[%swap3A_13, %swap3A_14] : memref<1264x144xf32, #tpu.memory_space<vmem>>, vector<1264x8xf32>
    tpu.vector_store %arg4[%swap3A_13, %swap3A_14], %slice3A {strides = array<i32>} : memref<1264x144xf32, #tpu.memory_space<vmem>>, vector<1264x8xf32>,
    %broadcast_in_dim3A = arith.constant 0.000000e+00 : f32
    %broadcast_in_dim3A_16 = vector.broadcast %broadcast_in_dim3A : f32 to vector<1264x8xf32>
    %swap3A_17 = arith.constant 0 : index
    %swap3A_18 = arith.constant 136 : index
    %swap3A_19 = vector.load %arg4[%swap3A_17, %swap3A_18] : memref<1264x144xf32, #tpu.memory_space<vmem>>, vector<1264x8xf32>
    tpu.vector_store %arg4[%swap3A_17, %swap3A_18], %broadcast_in_dim3A_16 {strides = array<i32>} : memref<1264x144xf32, #tpu.memory_space<vmem>>, vector<1264x8xf32>,
    %slice3A_20 = vector.extract_strided_slice %dot_general3A_10 {offsets = [0, 8], sizes = [1264, 8], strides = [1, 1]} : vector<1264x16xf32> to vector<1264x8xf32>
    %swap3A_21 = arith.constant 0 : index
    %swap3A_22 = arith.constant 0 : index
    %swap3A_23 = vector.load %arg5[%swap3A_21, %swap3A_22] : memref<1264x16xf32, #tpu.memory_space<vmem>>, vector<1264x8xf32>
    tpu.vector_store %arg5[%swap3A_21, %swap3A_22], %slice3A_20 {strides = array<i32>} : memref<1264x16xf32, #tpu.memory_space<vmem>>, vector<1264x8xf32>,
    %broadcast_in_dim3A_24 = arith.constant 0.000000e+00 : f32
    %broadcast_in_dim3A_25 = vector.broadcast %broadcast_in_dim3A_24 : f32 to vector<1264x8xf32>
    %swap3A_26 = arith.constant 0 : index
    %swap3A_27 = arith.constant 8 : index
    %swap3A_28 = vector.load %arg5[%swap3A_26, %swap3A_27] : memref<1264x16xf32, #tpu.memory_space<vmem>>, vector<1264x8xf32>
    tpu.vector_store %arg5[%swap3A_26, %swap3A_27], %broadcast_in_dim3A_25 {strides = array<i32>} : memref<1264x16xf32, #tpu.memory_space<vmem>>, vector<1264x8xf32>,
    %eq3A = arith.constant 0 : i32
    %eq3A_29 = arith.cmpi eq, %arg0, %eq3A : i32
    %convert_element_type3A = arith.extui %eq3A_29 : i1 to i32
    %cond3A = arith.constant 0 : i32
    %cond3A_30 = arith.cmpi ne, %convert_element_type3A, %cond3A : i32
    scf.if %cond3A_30 {
      %broadcast_in_dim3A_39 = arith.constant 0xFF800000 : f32
      %broadcast_in_dim3A_40 = vector.broadcast %broadcast_in_dim3A_39 : f32 to vector<1x16xf32>
      %swap3A_41 = arith.constant 0 : index
      %swap3A_42 = arith.constant 0 : index
      %swap3A_43 = vector.load %arg6[%swap3A_41, %swap3A_42] : memref<1x16xf32, #tpu.memory_space<vmem>>, vector<1x16xf32>
      tpu.vector_store %arg6[%swap3A_41, %swap3A_42], %broadcast_in_dim3A_40 {strides = array<i32>} : memref<1x16xf32, #tpu.memory_space<vmem>>, vector<1x16xf32>,
    } else {
    }
    %get3A_31 = arith.constant 0 : index
    %get3A_32 = arith.constant 0 : index
    %get3A_33 = vector.load %arg6[%get3A_31, %get3A_32] : memref<1x16xf32, #tpu.memory_space<vmem>>, vector<1x16xf32>
    %reduce_max3A = arith.constant dense<0xFF800000> : vector<16xf32>
    %reduce_max3A_34 = vector.multi_reduction <maximumf>, %dot_general3A_10, %reduce_max3A [0] : vector<1264x16xf32> to vector<16xf32>
    %broadcast_in_dim3A_35 = vector.shape_cast %reduce_max3A_34 : vector<16xf32> to vector<1x16xf32>
    %max3A = arith.maximumf %get3A_33, %broadcast_in_dim3A_35 : vector<1x16xf32>
    %swap3A_36 = arith.constant 0 : index
    %swap3A_37 = arith.constant 0 : index
    %swap3A_38 = vector.load %arg6[%swap3A_36, %swap3A_37] : memref<1x16xf32, #tpu.memory_space<vmem>>, vector<1x16xf32>
    tpu.vector_store %arg6[%swap3A_36, %swap3A_37], %max3A {strides = array<i32>} : memref<1x16xf32, #tpu.memory_space<vmem>>, vector<1x16xf32>,
    return
  }
  func.func @transform_0(%arg0: i32) -> (i32, i32) {
    %c0_i32 = arith.constant 0 : i32
    %c0_i32_0 = arith.constant 0 : i32
    return %arg0, %c0_i32 : i32, i32
  }
  func.func @transform_1(%arg0: i32) -> (i32, i32) {
    %c0_i32 = arith.constant 0 : i32
    %c0_i32_0 = arith.constant 0 : i32
    %c0_i32_1 = arith.constant 0 : i32
    return %c0_i32, %c0_i32_0 : i32, i32
  }
  func.func @transform_2(%arg0: i32) -> (i32, i32) {
    %c0_i32 = arith.constant 0 : i32
    %c0_i32_0 = arith.constant 0 : i32
    %c0_i32_1 = arith.constant 0 : i32
    return %c0_i32, %c0_i32_0 : i32, i32
  }
  func.func @transform_3(%arg0: i32) -> (i32, i32) {
    %c0_i32 = arith.constant 0 : i32
    %c0_i32_0 = arith.constant 0 : i32
    return %arg0, %c0_i32 : i32, i32
  }
  func.func @transform_4(%arg0: i32) -> (i32, i32) {
    %c0_i32 = arith.constant 0 : i32
    %c0_i32_0 = arith.constant 0 : i32
    return %arg0, %c0_i32 : i32, i32
  }
  func.func @transform_5(%arg0: i32) -> (i32, i32) {
    %c0_i32 = arith.constant 0 : i32
    %c0_i32_0 = arith.constant 0 : i32
    %c0_i32_1 = arith.constant 0 : i32
    return %c0_i32, %c0_i32_0 : i32, i32
  }
}

module attributes {stable_mosaic.version = 14 : i64} {
  func.func @_prep_et_body(%arg0: i32, %arg1: memref<6400x4xf32, #tpu.memory_space<vmem>>, %arg2: memref<4x8xf32, #tpu.memory_space<vmem>>, %arg3: memref<6400x8xf32, #tpu.memory_space<vmem>>, %arg4: memref<1x8xf32, #tpu.memory_space<vmem>>) attributes {dimension_semantics = [#tpu.dimension_semantics<arbitrary>], iteration_bounds = array<i64: 50>, scalar_prefetch = 0 : i64, scratch_operands = 0 : i64, tpu.core_type = #tpu.core_type<tc>, window_params = [{transform_indices = @transform_0, window_bounds = array<i64: 6400, 4>}, {pipeline_mode = #tpu.pipeline_mode<synchronous>, transform_indices = @transform_1, window_bounds = array<i64: 4, 8>}, {transform_indices = @transform_2, window_bounds = array<i64: 6400, 8>}, {pipeline_mode = #tpu.pipeline_mode<synchronous>, transform_indices = @transform_3, window_bounds = array<i64: 1, 8>}]} {
    %get3A = arith.constant 0 : index
    %get3A_0 = arith.constant 0 : index
    %get3A_1 = vector.load %arg1[%get3A, %get3A_0] : memref<6400x4xf32, #tpu.memory_space<vmem>>, vector<6400x4xf32>
    %get3A_2 = arith.constant 0 : index
    %get3A_3 = arith.constant 0 : index
    %get3A_4 = vector.load %arg2[%get3A_2, %get3A_3] : memref<4x8xf32, #tpu.memory_space<vmem>>, vector<4x8xf32>
    %dot_general3A = arith.constant dense<0.000000e+00> : vector<6400x8xf32>
    %dot_general3A_5 = tpu.matmul %get3A_1, %get3A_4, %dot_general3A {dimension_numbers = #tpu.dot_dimension_numbers<[1], [0], [0], [1], [0, 0, 1, 1], [], []>, transpose_lhs_hint = false} : vector<6400x4xf32>, vector<4x8xf32>, vector<6400x8xf32> -> vector<6400x8xf32>
    %swap3A = arith.constant 0 : index
    %swap3A_6 = arith.constant 0 : index
    %swap3A_7 = vector.load %arg3[%swap3A, %swap3A_6] : memref<6400x8xf32, #tpu.memory_space<vmem>>, vector<6400x8xf32>
    tpu.vector_store %arg3[%swap3A, %swap3A_6], %dot_general3A_5 {strides = array<i32>} : memref<6400x8xf32, #tpu.memory_space<vmem>>, vector<6400x8xf32>,
    %eq3A = arith.constant 0 : i32
    %eq3A_8 = arith.cmpi eq, %arg0, %eq3A : i32
    %convert_element_type3A = arith.extui %eq3A_8 : i1 to i32
    %cond3A = arith.constant 0 : i32
    %cond3A_9 = arith.cmpi ne, %convert_element_type3A, %cond3A : i32
    scf.if %cond3A_9 {
      %broadcast_in_dim3A_17 = arith.constant 0xFF800000 : f32
      %broadcast_in_dim3A_18 = vector.broadcast %broadcast_in_dim3A_17 : f32 to vector<1x8xf32>
      %swap3A_19 = arith.constant 0 : index
      %swap3A_20 = arith.constant 0 : index
      %swap3A_21 = vector.load %arg4[%swap3A_19, %swap3A_20] : memref<1x8xf32, #tpu.memory_space<vmem>>, vector<1x8xf32>
      tpu.vector_store %arg4[%swap3A_19, %swap3A_20], %broadcast_in_dim3A_18 {strides = array<i32>} : memref<1x8xf32, #tpu.memory_space<vmem>>, vector<1x8xf32>,
    } else {
    }
    %get3A_10 = arith.constant 0 : index
    %get3A_11 = arith.constant 0 : index
    %get3A_12 = vector.load %arg4[%get3A_10, %get3A_11] : memref<1x8xf32, #tpu.memory_space<vmem>>, vector<1x8xf32>
    %reduce_max3A = arith.constant dense<0xFF800000> : vector<8xf32>
    %reduce_max3A_13 = vector.multi_reduction <maximumf>, %dot_general3A_5, %reduce_max3A [0] : vector<6400x8xf32> to vector<8xf32>
    %broadcast_in_dim3A = vector.shape_cast %reduce_max3A_13 : vector<8xf32> to vector<1x8xf32>
    %max3A = arith.maximumf %get3A_12, %broadcast_in_dim3A : vector<1x8xf32>
    %swap3A_14 = arith.constant 0 : index
    %swap3A_15 = arith.constant 0 : index
    %swap3A_16 = vector.load %arg4[%swap3A_14, %swap3A_15] : memref<1x8xf32, #tpu.memory_space<vmem>>, vector<1x8xf32>
    tpu.vector_store %arg4[%swap3A_14, %swap3A_15], %max3A {strides = array<i32>} : memref<1x8xf32, #tpu.memory_space<vmem>>, vector<1x8xf32>,
    return
  }
  func.func @transform_0(%arg0: i32) -> (i32, i32) {
    %c0_i32 = arith.constant 0 : i32
    %c0_i32_0 = arith.constant 0 : i32
    return %arg0, %c0_i32 : i32, i32
  }
  func.func @transform_1(%arg0: i32) -> (i32, i32) {
    %c0_i32 = arith.constant 0 : i32
    %c0_i32_0 = arith.constant 0 : i32
    %c0_i32_1 = arith.constant 0 : i32
    return %c0_i32, %c0_i32_0 : i32, i32
  }
  func.func @transform_2(%arg0: i32) -> (i32, i32) {
    %c0_i32 = arith.constant 0 : i32
    %c0_i32_0 = arith.constant 0 : i32
    return %arg0, %c0_i32 : i32, i32
  }
  func.func @transform_3(%arg0: i32) -> (i32, i32) {
    %c0_i32 = arith.constant 0 : i32
    %c0_i32_0 = arith.constant 0 : i32
    %c0_i32_1 = arith.constant 0 : i32
    return %c0_i32, %c0_i32_0 : i32, i32
  }
}

module attributes {stable_mosaic.version = 14 : i64} {
  func.func @_finalize_body(%arg0: i32, %arg1: memref<2x1264x144xf32, #tpu.memory_space<vmem>>, %arg2: memref<1264x16xf32, #tpu.memory_space<vmem>>) attributes {dimension_semantics = [#tpu.dimension_semantics<arbitrary>], iteration_bounds = array<i64: 8>, scalar_prefetch = 0 : i64, scratch_operands = 0 : i64, tpu.core_type = #tpu.core_type<tc>, window_params = [{transform_indices = @transform_0, window_bounds = array<i64: 2, 1264, 144>}, {transform_indices = @transform_1, window_bounds = array<i64: 1264, 16>}]} {
    %get3A = arith.constant 0 : index
    %get3A_0 = arith.constant 0 : index
    %get3A_1 = arith.constant 0 : index
    %get3A_2 = vector.load %arg1[%get3A, %get3A_0, %get3A_1] : memref<2x1264x144xf32, #tpu.memory_space<vmem>>, vector<1x1264x144xf32>
    %get3A_3 = vector.shape_cast %get3A_2 : vector<1x1264x144xf32> to vector<1264x144xf32>
    %get3A_4 = arith.constant 1 : index
    %get3A_5 = arith.constant 0 : index
    %get3A_6 = arith.constant 0 : index
    %get3A_7 = vector.load %arg1[%get3A_4, %get3A_5, %get3A_6] : memref<2x1264x144xf32, #tpu.memory_space<vmem>>, vector<1x1264x144xf32>
    %get3A_8 = vector.shape_cast %get3A_7 : vector<1x1264x144xf32> to vector<1264x144xf32>
    %add3A = arith.addf %get3A_3, %get3A_8 : vector<1264x144xf32>
    %slice3A = vector.extract_strided_slice %add3A {offsets = [0, 128], sizes = [1264, 8], strides = [1, 1]} : vector<1264x144xf32> to vector<1264x8xf32>
    %jit3A = arith.constant 9.99999996E-13 : f32
    %max3A = vector.broadcast %jit3A : f32 to vector<1264x8xf32>
    %max3A_9 = arith.maximumf %max3A, %slice3A : vector<1264x8xf32>
    %broadcast_in_dim3A = arith.constant 0.000000e+00 : f32
    %broadcast_in_dim3A_10 = vector.broadcast %broadcast_in_dim3A : f32 to vector<1264x16xf32>
    %slice3A_11 = vector.extract_strided_slice %add3A {offsets = [0, 0], sizes = [1264, 16], strides = [1, 1]} : vector<1264x144xf32> to vector<1264x16xf32>
    %slice3A_12 = vector.extract_strided_slice %max3A_9 {offsets = [0, 0], sizes = [1264, 1], strides = [1, 1]} : vector<1264x8xf32> to vector<1264x1xf32>
    %div3A = vector.broadcast %slice3A_12 : vector<1264x1xf32> to vector<1264x16xf32>
    %div3A_13 = arith.divf %slice3A_11, %div3A : vector<1264x16xf32>
    %add3A_14 = arith.addf %broadcast_in_dim3A_10, %div3A_13 : vector<1264x16xf32>
    %slice3A_15 = vector.extract_strided_slice %add3A {offsets = [0, 16], sizes = [1264, 16], strides = [1, 1]} : vector<1264x144xf32> to vector<1264x16xf32>
    %slice3A_16 = vector.extract_strided_slice %max3A_9 {offsets = [0, 1], sizes = [1264, 1], strides = [1, 1]} : vector<1264x8xf32> to vector<1264x1xf32>
    %div3A_17 = vector.broadcast %slice3A_16 : vector<1264x1xf32> to vector<1264x16xf32>
    %div3A_18 = arith.divf %slice3A_15, %div3A_17 : vector<1264x16xf32>
    %add3A_19 = arith.addf %add3A_14, %div3A_18 : vector<1264x16xf32>
    %slice3A_20 = vector.extract_strided_slice %add3A {offsets = [0, 32], sizes = [1264, 16], strides = [1, 1]} : vector<1264x144xf32> to vector<1264x16xf32>
    %slice3A_21 = vector.extract_strided_slice %max3A_9 {offsets = [0, 2], sizes = [1264, 1], strides = [1, 1]} : vector<1264x8xf32> to vector<1264x1xf32>
    %div3A_22 = vector.broadcast %slice3A_21 : vector<1264x1xf32> to vector<1264x16xf32>
    %div3A_23 = arith.divf %slice3A_20, %div3A_22 : vector<1264x16xf32>
    %add3A_24 = arith.addf %add3A_19, %div3A_23 : vector<1264x16xf32>
    %slice3A_25 = vector.extract_strided_slice %add3A {offsets = [0, 48], sizes = [1264, 16], strides = [1, 1]} : vector<1264x144xf32> to vector<1264x16xf32>
    %slice3A_26 = vector.extract_strided_slice %max3A_9 {offsets = [0, 3], sizes = [1264, 1], strides = [1, 1]} : vector<1264x8xf32> to vector<1264x1xf32>
    %div3A_27 = vector.broadcast %slice3A_26 : vector<1264x1xf32> to vector<1264x16xf32>
    %div3A_28 = arith.divf %slice3A_25, %div3A_27 : vector<1264x16xf32>
    %add3A_29 = arith.addf %add3A_24, %div3A_28 : vector<1264x16xf32>
    %slice3A_30 = vector.extract_strided_slice %add3A {offsets = [0, 64], sizes = [1264, 16], strides = [1, 1]} : vector<1264x144xf32> to vector<1264x16xf32>
    %slice3A_31 = vector.extract_strided_slice %max3A_9 {offsets = [0, 4], sizes = [1264, 1], strides = [1, 1]} : vector<1264x8xf32> to vector<1264x1xf32>
    %div3A_32 = vector.broadcast %slice3A_31 : vector<1264x1xf32> to vector<1264x16xf32>
    %div3A_33 = arith.divf %slice3A_30, %div3A_32 : vector<1264x16xf32>
    %add3A_34 = arith.addf %add3A_29, %div3A_33 : vector<1264x16xf32>
    %slice3A_35 = vector.extract_strided_slice %add3A {offsets = [0, 80], sizes = [1264, 16], strides = [1, 1]} : vector<1264x144xf32> to vector<1264x16xf32>
    %slice3A_36 = vector.extract_strided_slice %max3A_9 {offsets = [0, 5], sizes = [1264, 1], strides = [1, 1]} : vector<1264x8xf32> to vector<1264x1xf32>
    %div3A_37 = vector.broadcast %slice3A_36 : vector<1264x1xf32> to vector<1264x16xf32>
    %div3A_38 = arith.divf %slice3A_35, %div3A_37 : vector<1264x16xf32>
    %add3A_39 = arith.addf %add3A_34, %div3A_38 : vector<1264x16xf32>
    %slice3A_40 = vector.extract_strided_slice %add3A {offsets = [0, 96], sizes = [1264, 16], strides = [1, 1]} : vector<1264x144xf32> to vector<1264x16xf32>
    %slice3A_41 = vector.extract_strided_slice %max3A_9 {offsets = [0, 6], sizes = [1264, 1], strides = [1, 1]} : vector<1264x8xf32> to vector<1264x1xf32>
    %div3A_42 = vector.broadcast %slice3A_41 : vector<1264x1xf32> to vector<1264x16xf32>
    %div3A_43 = arith.divf %slice3A_40, %div3A_42 : vector<1264x16xf32>
    %add3A_44 = arith.addf %add3A_39, %div3A_43 : vector<1264x16xf32>
    %slice3A_45 = vector.extract_strided_slice %add3A {offsets = [0, 112], sizes = [1264, 16], strides = [1, 1]} : vector<1264x144xf32> to vector<1264x16xf32>
    %slice3A_46 = vector.extract_strided_slice %max3A_9 {offsets = [0, 7], sizes = [1264, 1], strides = [1, 1]} : vector<1264x8xf32> to vector<1264x1xf32>
    %div3A_47 = vector.broadcast %slice3A_46 : vector<1264x1xf32> to vector<1264x16xf32>
    %div3A_48 = arith.divf %slice3A_45, %div3A_47 : vector<1264x16xf32>
    %add3A_49 = arith.addf %add3A_44, %div3A_48 : vector<1264x16xf32>
    %mul3A = arith.constant 1.250000e-01 : f32
    %mul3A_50 = vector.broadcast %mul3A : f32 to vector<1264x16xf32>
    %mul3A_51 = arith.mulf %add3A_49, %mul3A_50 : vector<1264x16xf32>
    %swap3A = arith.constant 0 : index
    %swap3A_52 = arith.constant 0 : index
    %swap3A_53 = vector.load %arg2[%swap3A, %swap3A_52] : memref<1264x16xf32, #tpu.memory_space<vmem>>, vector<1264x16xf32>
    tpu.vector_store %arg2[%swap3A, %swap3A_52], %mul3A_51 {strides = array<i32>} : memref<1264x16xf32, #tpu.memory_space<vmem>>, vector<1264x16xf32>,
    return
  }
  func.func @transform_0(%arg0: i32) -> (i32, i32, i32) {
    %c0_i32 = arith.constant 0 : i32
    %c0_i32_0 = arith.constant 0 : i32
    %c0_i32_1 = arith.constant 0 : i32
    return %c0_i32, %arg0, %c0_i32_0 : i32, i32, i32
  }
  func.func @transform_1(%arg0: i32) -> (i32, i32) {
    %c0_i32 = arith.constant 0 : i32
    %c0_i32_0 = arith.constant 0 : i32
    return %arg0, %c0_i32 : i32, i32
  }
}

</mosaic_0001>

<sc_bundles>
// kernel: kernel.6.cloned.1.call-start
scs
__scs_entry_jumppad:
0x0: {  	(pc) =	sbr.rel $0x88, $3  }
0x1: {  	(tag) =	ssettag $0x0;
	lr =	simm.s32 $0x1  }
0x2: {  	[smem:$0x3F9A] =	sst lr;
	_ =	strace $0xD0000000  }
0x3: {  	_ = 	snop  }
0x4: {  	_ = 	snop  }
0x5: {  	_ = 	snop  }
0x6: {  	_ = 	snop  }
0x7: {  	_ = 	snop  }
__scs_overlays_trampoline_lowered:
0x8: {  	[smem:$0x3FA9] =	sst s0  }
0x9: {  	[smem:$0x3FAA] =	sst s1  }
0xa: {  	[smem:$0x3FAB] =	sst s2  }
0xb: {  	[smem:$0x3FAC] =	sst s3  }
0xc: {  	[smem:$0x3FAD] =	sst s4  }
0xd: {  	[smem:$0x3FAE] =	sst s5  }
0xe: {  	[smem:$0x3FAF] =	sst s6  }
0xf: {  	[smem:$0x3FB0] =	sst s7  }
0x10: {  	[smem:$0x3FB1] =	sst s8  }
0x11: {  	[smem:$0x3FB2] =	sst s9;
	s0 =	simm.s32 @!p0 $0x0  }
0x12: {  	s1 =	sld [smem:$0x3F98];
	s0 =	simm.s32 @p0 $0x1  }
0x13: {  	[smem:$0x3FB3] =	sst s0;
	s0 =	simm.s32 @!p1 $0x0  }
0x14: {  	s2 =	sld [smem:$0x3F97];
	s0 =	simm.s32 @p1 $0x1  }
0x15: {  	[smem:$0x3FB4] =	sst s0;
	s0 =	simm.s32 @!p2 $0x0  }
0x16: {  	s3 =	sld [smem:$0x3FDB];
	s0 =	simm.s32 @p2 $0x1  }
0x17: {  	s4 =	simm.s32 $0x1BF5;
	[smem:$0x3FB6] =	sst s0  }
0x18: {  	s0 =	sld [smem:$0x3F99];
	_ =	swait.ge [sflag:s4], $0x0  }
0x19: {  	s7 =	sld [smem:$0x3F9A]  }
0x1a: {  	s8 =	sadd.s32 $0xFFFFE003, lr  }
0x1b: {  	s9 =	sadd.s32 $0xFFFFFEF7, lr;
	s5 =	simm.s32 $0xFFFFFFFF;
	p2 =	slt.u32 s8, $0xFFFFF086  }
0x1c: {  	p1 =	slt.u32 s9, $0xF7A;
	s5 =	simm.s32 @!p2 $0x0  }
0x1d: {  	s5 =	simm.s32 @p1 $0x1;
	p0 =	seq.s32 s7, s2  }
0x1e: {  	s7 =	smul.u32 @!p0 $0xF7A, s2;
	p2 =	seq.s32 @!p0 s5, $0x0  }
0x1f: {  	s9 =	smul.u32 $0xF7A, s1;
	s8 =	simm.s32 @!p0 $0x1BF5;
	p2 =	por !p2, p0  }
0x20: {  	[sflag:s8] =	ssyncset.s32 @!p0 $0xFFFFF086;
	s6 =	sadd.s32 @!p0 s3, s7;
	s7 =	simm.s32 @!p0 $0x108  }
0x21: {  	s3 =	sadd.s32 s3, s9;
	s6 =	sadd.s32 @!p0 $0x88, s6;
	s7 =	simm.s32 @p2 $0x1082  }
0x22: {  	[simem:s7], [sflag:s8] =	dma.local @!p0 [hbm:s6], $0xF7A  }
0x23: {  	s9 =	sor.u32 $0xD0000000, s2;
	s6 =	simm.s32 $0x108;
	_ =	swait.ge @!p0 [sflag:s8], $0x0  }
0x24: {  	s3 =	sadd.s32 $0x88, s3;
	s6 =	simm.s32 @!p1 $0x1082;
	[sflag:s4] =	ssyncset.s32 $0xFFFFF086  }
0x25: {  	[simem:s6], [sflag:s4] =	dma.local [hbm:s3], $0xF7A  }
0x26: {  	[smem:$0x3F9A] =	sst s1;
	(tag) =	ssettag s2;
	_ =	strace s9  }
0x27: {  	s1 =	sld [smem:$0x3FAA]  }
0x28: {  	s2 =	sld [smem:$0x3FAB]  }
0x29: {  	s4 =	sld [smem:$0x3FAD]  }
0x2a: {  	p0 =	seq.s32 s5, $0x0;
	s5 =	sld [smem:$0x3FAE]  }
0x2b: {  	s6 =	sld [smem:$0x3FAF]  }
0x2c: {  	s7 =	sld [smem:$0x3FB0]  }
0x2d: {  	s3 =	simm.s32 $0x108;
	s8 =	sld [smem:$0x3FB1]  }
0x2e: {  	s3 =	simm.s32 @!p0 $0x1082;
	s9 =	sld [smem:$0x3FB2]  }
0x2f: {  	lr =	sadd.s32 s0, s3;
	s0 =	sld [smem:$0x3FA9]  }
0x30: {  	s3 =	sld [smem:$0x3FAC]  }
0x31: {  	[smem:$0x3FB5] =	sst s10  }
0x32: {  	s10 =	sld [smem:$0x3FB3];
	_ =	sdelay $0x3  }
0x33: {  	p0 =	seq.s32 s10, $0x1;
	s10 =	sld [smem:$0x3FB5];
	_ =	sdelay $0x3  }
0x34: {  	[smem:$0x3FB5] =	sst s10  }
0x35: {  	s10 =	sld [smem:$0x3FB4];
	_ =	sdelay $0x3  }
0x36: {  	p1 =	seq.s32 s10, $0x1;
	s10 =	sld [smem:$0x3FB5];
	_ =	sdelay $0x3  }
0x37: {  	[smem:$0x3FB5] =	sst s10  }
0x38: {  	s10 =	sld [smem:$0x3FB6]  }
0x39: {  	_ = 	snop;
	(pc) =	sbr.ind lr, $3  }
0x3a: {  	_ = 	snop  }
0x3b: {  	_ = 	snop  }
0x3c: {  	p2 =	seq.s32 s10, $0x1;
	s10 =	sld [smem:$0x3FB5]  }
0x3d: {  	_ =	shalt  }
0x3e: {  	_ =	shalt  }
0x3f: {  	_ =	shalt  }
0x40: {  	_ =	shalt  }
0x41: {  	_ =	shalt  }
0x42: {  	_ =	shalt  }
0x43: {  	_ =	shalt  }
0x44: {  	_ =	shalt  }
0x45: {  	_ =	shalt  }
0x46: {  	_ =	shalt  }
0x47: {  	_ =	shalt  }
0x48: {  	_ =	shalt  }
0x49: {  	_ =	shalt  }
0x4a: {  	_ =	shalt  }
0x4b: {  	_ =	shalt  }
0x4c: {  	_ =	shalt  }
0x4d: {  	_ =	shalt  }
0x4e: {  	_ =	shalt  }
0x4f: {  	_ =	shalt  }
0x50: {  	_ =	shalt  }
0x51: {  	_ =	shalt  }
0x52: {  	_ =	shalt  }
0x53: {  	_ =	shalt  }
0x54: {  	_ =	shalt  }
0x55: {  	_ =	shalt  }
0x56: {  	_ =	shalt  }
0x57: {  	_ =	shalt  }
0x58: {  	_ =	shalt  }
0x59: {  	_ =	shalt  }
0x5a: {  	_ =	shalt  }
0x5b: {  	_ =	shalt  }
0x5c: {  	_ =	shalt  }
0x5d: {  	_ =	shalt  }
0x5e: {  	_ =	shalt  }
0x5f: {  	_ =	shalt  }
0x60: {  	_ =	shalt  }
0x61: {  	_ =	shalt  }
0x62: {  	_ =	shalt  }
0x63: {  	_ =	shalt  }
0x64: {  	_ =	shalt  }
0x65: {  	_ =	shalt  }
0x66: {  	_ =	shalt  }
0x67: {  	_ =	shalt  }
0x68: {  	_ =	shalt  }
0x69: {  	_ =	shalt  }
0x6a: {  	_ =	shalt  }
0x6b: {  	_ =	shalt  }
0x6c: {  	_ =	shalt  }
0x6d: {  	_ =	shalt  }
0x6e: {  	_ =	shalt  }
0x6f: {  	_ =	shalt  }
0x70: {  	_ =	shalt  }
0x71: {  	_ =	shalt  }
0x72: {  	_ =	shalt  }
0x73: {  	_ =	shalt  }
0x74: {  	_ =	shalt  }
0x75: {  	_ =	shalt  }
0x76: {  	_ =	shalt  }
0x77: {  	_ =	shalt  }
0x78: {  	_ =	shalt  }
0x79: {  	_ =	shalt  }
0x7a: {  	_ =	shalt  }
0x7b: {  	_ =	shalt  }
0x7c: {  	_ =	shalt  }
0x7d: {  	_ =	shalt  }
0x7e: {  	_ =	shalt  }
0x7f: {  	_ =	shalt  }
0x80: {  	_ =	shalt  }
0x81: {  	_ =	shalt  }
0x82: {  	_ =	shalt  }
0x83: {  	_ =	shalt  }
0x84: {  	_ =	shalt  }
0x85: {  	_ =	shalt  }
0x86: {  	_ =	shalt  }
0x87: {  	_ =	shalt  }
.Lfunc_end0:
.L_simem_size_0:
called_computation_lowered:
.L_overlay_start_0:
0x88: {  	s2 =	sld [smem:$0x3FD9]  }
0x89: {  	s3 =	sld [smem:$0x3FFE];
	_ =	sdelay $0x1  }
0x8a: {  	s1 =	srdreg.scid  }
0x8b: {  	s0 =	sand.u32 $0x1, s1  }
0x8c: {  	s17 =	sshll.u32 s0, $0xA;
	s2 =	sadd.s32 s3, s2  }
0x8d: {  	s2 =	sadd.s32 s2, s17  }
0x8e: {  	[smem:$0x3FC1] =	sst s2  }
0x8f: {  	_ = 	snop  }
0x90: {  	s2 =	sld [smem:$0x3FD0];
	(tm) =	ssettm $0x1  }
0x91: {  	s18 =	sld [smem:$0x3FFB];
	_ =	sdelay $0x3  }
0x92: {  	_ =	strace s18  }
0x93: {  	s3 =	sld [smem:$0x3FFC];
	_ =	sdelay $0x3  }
0x94: {  	_ =	strace s3  }
0x95: {  	s3 =	sld [smem:$0x3FFD];
	_ =	sdelay $0x3  }
0x96: {  	_ =	strace s3  }
0x97: {  	_ =	strace $0x8FFFFFFF  }
0x98: {  	s19 =	sld [smem:$0x3FDB];
	_ =	sdelay $0x1  }
0x99: {  	s4 =	simm.s32 $_scs_section_size  }
0x9a: {  	s5 =	simm.s32 $_size__tile_overlayer_lowered;
	s6 =	simm.s32 $_tile_overlayer_lowered  }
0x9b: {  	s22 =	simm.s32 $0x1BFF;
	s21 =	sshll.u32 s6, $0x1;
	s3 =	sadd.s32 s4, s19  }
0x9c: {  	s7 =	simm.s32 $0x0;
	s20 =	sshll.u32 s5, $0x1;
	s5 =	sadd.s32 s21, s3  }
0x9d: {  	[timem:s7], [sflag:s22] =	dma.local [hbm:s5], s20  }
0x9e: {  	_ =	swait.ge [sflag:s22], s20  }
0x9f: {  	s4 =	ssub.s32 $0x0, s20;
	[sflag:s22] =	ssyncset.done $0x0  }
0xa0: {  	[sflag:s22] =	ssyncadd.s32 s4;
	_ =	sdelay $0x1  }
0xa1: {  	s23 =	simm.s32 $0x1B8B  }
0xa2: {  	_ =	swait.ge [sflag:s23], $0x1  }
0xa3: {  	[sflag:s23] =	ssyncset.done $0x0  }
0xa4: {  	s25 =	simm.s32 $0x1B8E;
	s24 =	sld [smem:$0x3FFE];
	[sflag:s23] =	ssyncadd.s32 $0xFFFFFFFF  }
0xa5: {  	s26 =	simm.s32 $execute0_lowered;
	[smem:$0x3FD2] =	sst s25  }
0xa6: {  	s5 =	sshll.u32 s26, $0x1;
	_ =	strace $0x80000046;
	[dreg:$0x1] =	wrdreg $0xFFFFFFFF  }
0xa7: {  	s28 =	simm.s32 $_size_execute0_lowered;
	s3 =	sadd.s32 s3, s5;
	[dreg:$0x0] =	wrdreg $0x0  }
0xa8: {  	s5 =	sshll.u32 s28, $0x1;
	[dreg:$0x2] =	wrdreg s3  }
0xa9: {  	[dreg:$0x3] =	wrdreg s5  }
0xaa: {  	[dreg:$0x4] =	wrdreg $0xC0  }
0xab: {  	_ =	task [dreg:s7], $0x5FFFF  }
0xac: {  	[dreg:$0x1] =	wrdreg $0xFFFFFFFF  }
0xad: {  	[dreg:$0x0] =	wrdreg $0x60  }
0xae: {  	[dreg:$0x2] =	wrdreg s24  }
0xaf: {  	[dreg:$0x3] =	wrdreg s2  }
0xb0: {  	[dreg:$0x4] =	wrdreg $0x97500  }
0xb1: {  	[dreg:$0x5] =	wrdreg $0x9  }
0xb2: {  	_ =	task.clear_ibuf [dreg:s7], $0x6FFFF;
	_ =	strace $0x90000046  }
0xb3: {  	s29 =	simm.s32 $0x9;
	_ =	strace $0x80000048  }
0xb4: {  	_ =	swait.ge [sflag:s29], $0x1  }
0xb5: {  	[sflag:s29] =	ssyncadd.s32 $0xFFFFFFFF  }
0xb6: {  	_ =	strace $0x90000048  }
0xb7: {  	_ =	sfence  }
0xb8: {  	s30 =	sld [smem:$0x0];
	_ =	sdelay $0x2  }
0xb9: {  	s31 =	sshll.u32 s1, $0xD;
	s1 =	sshrl.u32 s1, $0x2  }
0xba: {  	s3 =	sand.u32 $0x4000, s31;
	s1 =	sadd.s32 s1, s30  }
0xbb: {  	s0 =	sor.u32 s3, s0;
	s1 =	sshll.u32 s1, $0x11  }
0xbc: {  	s0 =	sor.u32 s1, s0  }
0xbd: {  	s0 =	sadd.s32 $0x8F2B, s0  }
0xbe: {  	[sflag:s0] =	ssyncadd.remote.s32 $0x1  }
0xbf: {  	_ =	sfence.sel $0xFFFF  }
0xc0: {  	[dreg:$0x0] =	wrdreg $0xFFFFFFFF;
	(pc) =	sbr.abs _section_cstart, $3  }
0xc1: {  	[dreg:$0x1] =	wrdreg $0xFFFFFFFF  }
0xc2: {  	_ =	task.clear_ibuf [dreg:s7], $0x2FFFF;
	_ =	strace $0x9FFFFFFF  }
0xc3: {  	(tm) =	ssettm $0x7FFFFFFF  }
tec
execute0_lowered:
.L_overlay_start_1:
0x0: {  	(tag) =	ssettag $0x1  }
0x1: {  	s0 =	rddreg [dreg:$0x0]  }
0x2: {  	s9 =	rddreg [dreg:$0x2]  }
0x3: {  	s1 =	simm.s32 $0x0;
	s31 =	simm.s32 $0x0;
	s8 =	stileid.u32  }
0x4: {  	s2 =	srdreg.scid;
	s28 =	simm.s32 $0x140;
	[smem:$0x7FF] =	sst s1  }
0x5: {  	s13 =	smul.u32 $0x16380, s8;
	s10 =	sadd.s32 $0x1800, s0;
	s6 =	sadd.s32 $0x15200, s0  }
0x6: {  	s2 =	sand.u32 $0x1, s2;
	s11 =	sadd.s32 $0x41A00, s0;
	s5 =	sadd.s32 $0x8FC00, s0  }
0x7: {  	s14 =	sshll.u32 s8, $0x1;
	_ =	strace $0x80000047;
	[dreg:$0x6] =	wrdreg s5  }
0x8: {  	s20 =	sshll.u32 s8, $0x6;
	s4 =	smul.u32 $0x163800, s2;
	[dreg:$0x4] =	wrdreg s10  }
0x9: {  	s7 =	ssub.s32 $0x2, s2;
	s2 =	sor.u32 s2, s14;
	[dreg:$0x5] =	wrdreg s11  }
0xa: {  	s5 =	simm.s32 $0xF0;
	s3 =	sshrl.u32 s13, $0x3;
	s12 =	smul.u32 $0x2710, s2  }
0xb: {  	s15 =	sshrl.u32 s7, $0x1;
	s17 =	smul.u32 $0x13880, s2;
	s1 =	sadd.s32 s13, s9  }
0xc: {  	s3 =	sadd.s32 s3, s0;
	s4 =	sadd.s32 s13, s4;
	s16 =	ssub.s32 s7, s15  }
0xd: {  	s1 =	sshrl.u32 s1, $0x3;
	s13 =	simm.s32 $0x1;
	[dreg:$0x8] =	wrdreg s17  }
0xe: {  	s7 =	simm.s32 $0x0;
	s4 =	sshrl.u32 s4, $0x3;
	[dreg:$0x7] =	wrdreg s12  }
0xf: {  	s18 =	sadd.s32 $0x8FE00, s3;
	s19 =	sshrl.u32 s12, $0x3;
	[dreg:$0x14] =	wrdreg s1  }
0x10: {  	s22 =	sshrl.u32 s17, $0x3;
	s26 =	sadd.s32 $0x280, s17;
	[dreg:$0x9] =	wrdreg s18  }
0x11: {  	s3 =	sor.u32 $0x1C04, s20;
	s29 =	sadd.s32 $0xF0, s12;
	[dreg:$0x10] =	wrdreg s26  }
0x12: {  	s30 =	smax.u32 s16, $0x1;
	s17 =	simm.s32 $0x3;
	[dreg:$0x11] =	wrdreg s29  }
0x13: {  	s20 =	simm.s32 $0x2E40;
	s12 =	simm.s32 $0x2;
	[dreg:$0x13] =	wrdreg s30  }
0x14: {  	v0 =	vlaneseq.u32;
	v1 =	vimm.f32 $0.0e+00;
	v34 =	vimm.s32 $0x4;
	s0 =	sadd.s32 s4, s0;
	s2 =	sadd.s32 s11, s22;
	[dreg:$0xb] =	wrdreg s3  }
0x15: {  	v15 =	vimm.s32 $0x0;
	v17 =	vimm.s32 $0x8;
	v18 =	vimm.s32 $0x1;
	s21 =	sadd.s32 s10, s19;
	s26 =	simm.s32 $0x10;
	[dreg:$0xd] =	wrdreg s2  }
0x16: {  	v35 =	vimm.s32 $0x9;
	v12 =	vimm.s32 $0x2;
	v13 =	vimm.s32 $0xA;
	s11 =	simm.s32 $0x5B40;
	s23 =	sadd.s32 $0x9C40, s21;
	[dreg:$0xa] =	wrdreg s21  }
0x17: {  	v14 =	vimm.s32 $0x3;
	v19 =	vimm.s32 $0xB;
	v16 =	vshrl.u32 v0, $0x3;
	s4 =	simm.s32 $0xA0;
	s24 =	sadd.s32 $0xA, s21;
	[dreg:$0xc] =	wrdreg s23  }
0x18: {  	v49 =	vimm.s32 $0xC;
	v51 =	vimm.s32 $0x5;
	v20 =	vand.u32 $0x7, v0;
	[tilespmem:$0x1FFE0] =	vst v16;
	s22 =	simm.s32 $0x6A40;
	s25 =	sadd.s32 $0x9C4A, s21;
	[dreg:$0xe] =	wrdreg s24  }
0x19: {  	v47 =	vimm.s32 $0xD;
	v36 =	vimm.s32 $0x6;
	v21 =	vor.u32 $0x80, v20;
	[tilespmem:$0x1FFF0] =	vst v20;
	s0 =	sadd.s32 $0xBC600, s0;
	s2 =	simm.s32 $0x50;
	[dreg:$0xf] =	wrdreg s25  }
0x1a: {  	v37 =	vimm.s32 $0xE;
	v56 =	vimm.s32 $0x7;
	v46 =	vimm.s32 $0xF;
	[tilespmem:$0x1FFD0] =	vst v21;
	s21 =	simm.s32 $0x6040;
	[dreg:$0x12] =	wrdreg s0;
	s23 =	simm.s32 $0x4  }
.LBB2_1:
0x1b: {  	s0 =	rddreg [dreg:$0x9]  }
0x1c: {  	[spmem:s1], [sflag:s3] =	dma.local [hbm:s0], $0x2C70  }
0x1d: {  	_ =	swait.ge [sflag:s23], $0x2C70  }
0x1e: {  	[sflag:s23] =	ssyncset.done $0x0  }
0x1f: {  	s30 =	simm.s32 $0x9740;
	s29 =	rddreg [dreg:$0x6];
	[sflag:s23] =	ssyncadd.s32 $0xFFFFD390  }
0x20: {  	[tilespmem:s30], [sflag:$0x4] =	stream.linear.gather [hbm4b:s29+s31], $0x10, $0x38;
	[tilespmem:$0x1FAD0] =	vst v63  }
0x21: {  	_ =	swait.ge [sflag:s23], $0x10  }
0x22: {  	[sflag:s23] =	ssyncset.done $0x0  }
0x23: {  	s0 =	simm.s32 $0x440;
	s1 =	simm.s32 $0x80;
	[sflag:s23] =	ssyncadd.s32 $0xFFFFFFF0  }
.LBB2_2:
0x24: {  	p0 =	sne.s32 s0, $0xB3C0;
	[tilespmem:s1+$0x6A40] =	vst v1;
	s1 =	smov.u32 s0;
	s0 =	sadd.s32 $0x240, s0  }
.Ltmp0:
0x25: {  	(pc) =	sbr.rel @p0 .LBB2_2-.Ltmp0, $2  }
0x26: {  	_ =	sdelay $0x2  }
0x27: {  	s1 =	sshra.s32 s1, $0x2  }
0x28: {  	[dreg:$0x15] =	wrdreg s7;
	[tilespmem:s1+$0x6A40] =	vst v1  }
0x29: {  	v48 =	vld [tilespmem:$0x9740];
	[bflag:$0x0] =	sbarrier.arrive $0xFFFF  }
0x2a: {  	s3 =	simm.s32 $0x0;
	s0 =	rddreg [dreg:$0xa]  }
0x2b: {  	[tilespmem:s3], [sflag:$0x4] =	stream.linear.gather [hbm4b:s0+s3], $0x50, $0x38;
	[tilespmem:$0x1FAD0] =	vst v63  }
0x2c: {  	_ =	swait.ge [sflag:s23], $0x50  }
0x2d: {  	[sflag:s23] =	ssyncset.done $0x0  }
0x2e: {  	s7 =	rddreg [dreg:$0xc];
	[sflag:s23] =	ssyncadd.s32 $0xFFFFFFB0  }
0x2f: {  	[tilespmem:s2], [sflag:$0x4] =	stream.linear.gather [hbm4b:s7+s3], $0x50, $0x38;
	[tilespmem:$0x1FAD0] =	vst v63  }
0x30: {  	_ =	swait.ge [sflag:s23], $0x50  }
0x31: {  	[sflag:s23] =	ssyncset.done $0x0  }
0x32: {  	[sflag:s23] =	ssyncadd.s32 $0xFFFFFFB0  }
0x33: {  	[tilespmem:s28], [sflag:$0x1] =	stream.indirect.gather [hbm4b:s6+s26], $0x90, s3, s26, $0xb8;
	[tilespmem:$0x1FAD0] =	vst v63  }
0x34: {  	s8 =	simm.s32 $0xA40  }
0x35: {  	[tilespmem:s8], [sflag:$0x1] =	stream.indirect.gather [hbm4b:s6+s26], $0x90, s26, s26, $0xb8;
	[tilespmem:$0x1FAD0] =	vst v63  }
0x36: {  	s9 =	simm.s32 $0x20;
	s10 =	simm.s32 $0x1340  }
0x37: {  	[tilespmem:s10], [sflag:$0x1] =	stream.indirect.gather [hbm4b:s6+s26], $0x90, s9, s26, $0xb8;
	[tilespmem:$0x1FAD0] =	vst v63  }
0x38: {  	s14 =	simm.s32 $0x30;
	s15 =	simm.s32 $0x1C40  }
0x39: {  	[tilespmem:s15], [sflag:$0x1] =	stream.indirect.gather [hbm4b:s6+s26], $0x90, s14, s26, $0xb8;
	[tilespmem:$0x1FAD0] =	vst v63  }
0x3a: {  	s16 =	simm.s32 $0x40;
	s18 =	simm.s32 $0x2540  }
0x3b: {  	[tilespmem:s18], [sflag:$0x1] =	stream.indirect.gather [hbm4b:s6+s26], $0x90, s16, s26, $0xb8;
	[tilespmem:$0x1FAD0] =	vst v63  }
0x3c: {  	s19 =	rddreg [dreg:$0x1]  }
0x3d: {  	[tilespmem:s11], [sflag:$0x1] =	stream.indirect.gather [hbm4b:s19+s2], $0x10, s2, s2, $0xb8;
	[tilespmem:$0x1FAD0] =	vst v63  }
0x3e: {  	s25 =	simm.s32 $0x6540;
	s24 =	rddreg [dreg:$0xd]  }
0x3f: {  	[tilespmem:s25], [sflag:$0x1] =	stream.linear.gather [hbm4b:s24+s3], $0x280, $0x38;
	[tilespmem:$0x1FAD0] =	vst v63  }
0x40: {  	s29 =	rddreg [dreg:$0xe]  }
0x41: {  	[tilespmem:s4], [sflag:$0x3] =	stream.linear.gather [hbm4b:s29+s3], $0x50, $0x38;
	[tilespmem:$0x1FAD0] =	vst v63  }
0x42: {  	s30 =	simm.s32 $0x0;
	s31 =	rddreg [dreg:$0xf];
	[tilespmem:$0x1FFC0] =	vst v48  }
0x43: {  	[tilespmem:s5], [sflag:$0x3] =	stream.linear.gather [hbm4b:s31+s3], $0x50, $0x38;
	[tilespmem:$0x1FAD0] =	vst v63  }
.LBB2_4:
0x44: {  	_ =	swait.ge [sflag:s17], $0x50  }
0x45: {  	[sflag:s17] =	ssyncset.done $0x0  }
0x46: {  	[sflag:s17] =	ssyncadd.s32 $0xFFFFFFB0  }
0x47: {  	_ =	swait.ge [sflag:s17], $0x50  }
0x48: {  	[sflag:s17] =	ssyncset.done $0x0  }
0x49: {  	[sflag:s17] =	ssyncadd.s32 $0xFFFFFFB0  }
0x4a: {  	[tilespmem:s20], [sflag:$0x2] =	stream.indirect.gather [hbm4b:s6+s26], $0x90, s4, s26, $0xb8;
	[tilespmem:$0x1FAD0] =	vst v63  }
0x4b: {  	s0 =	simm.s32 $0xB0;
	s1 =	simm.s32 $0x3740  }
0x4c: {  	[tilespmem:s1], [sflag:$0x2] =	stream.indirect.gather [hbm4b:s6+s26], $0x90, s0, s26, $0xb8;
	[tilespmem:$0x1FAD0] =	vst v63  }
0x4d: {  	s3 =	simm.s32 $0x4040;
	s1 =	simm.s32 $0xC0  }
0x4e: {  	[tilespmem:s3], [sflag:$0x2] =	stream.indirect.gather [hbm4b:s6+s26], $0x90, s1, s26, $0xb8;
	[tilespmem:$0x1FAD0] =	vst v63  }
0x4f: {  	s7 =	simm.s32 $0x4940;
	s4 =	simm.s32 $0xD0  }
0x50: {  	[tilespmem:s7], [sflag:$0x2] =	stream.indirect.gather [hbm4b:s6+s26], $0x90, s4, s26, $0xb8;
	[tilespmem:$0x1FAD0] =	vst v63  }
0x51: {  	s8 =	simm.s32 $0xE0;
	s9 =	simm.s32 $0x5240  }
0x52: {  	[tilespmem:s9], [sflag:$0x2] =	stream.indirect.gather [hbm4b:s6+s26], $0x90, s8, s26, $0xb8;
	[tilespmem:$0x1FAD0] =	vst v63  }
0x53: {  	s1 =	rddreg [dreg:$0x1]  }
0x54: {  	s10 =	smul.u32 $0x500, s30;
	s14 =	rddreg [dreg:$0x10]  }
0x55: {  	[tilespmem:s21], [sflag:$0x2] =	stream.indirect.gather [hbm4b:s1+s2], $0x10, s5, s2, $0xb8;
	[tilespmem:$0x1FAD0] =	vst v63  }
0x56: {  	s0 =	sadd.s32 s10, s14  }
0x57: {  	s15 =	rddreg [dreg:$0x5];
	s0 =	sshrl.u32 s0, $0x3  }
0x58: {  	s16 =	simm.s32 $0x67C0;
	s18 =	simm.s32 $0x0;
	s0 =	sadd.s32 s15, s0  }
0x59: {  	[tilespmem:s16], [sflag:$0x2] =	stream.linear.gather [hbm4b:s0+s18], $0x280, $0x38;
	[tilespmem:$0x1FAD0] =	vst v63  }
0x5a: {  	_ =	swait.ge [sflag:s13], $0x900  }
0x5b: {  	[sflag:s13] =	ssyncset.done $0x0  }
0x5c: {  	[sflag:s13] =	ssyncadd.s32 $0xFFFFF700  }
0x5d: {  	_ =	swait.ge [sflag:s13], $0x900  }
0x5e: {  	[sflag:s13] =	ssyncset.done $0x0  }
0x5f: {  	[sflag:s13] =	ssyncadd.s32 $0xFFFFF700  }
0x60: {  	_ =	swait.ge [sflag:s13], $0x900  }
0x61: {  	[sflag:s13] =	ssyncset.done $0x0  }
0x62: {  	[sflag:s13] =	ssyncadd.s32 $0xFFFFF700  }
0x63: {  	_ =	swait.ge [sflag:s13], $0x900  }
0x64: {  	[sflag:s13] =	ssyncset.done $0x0  }
0x65: {  	[sflag:s13] =	ssyncadd.s32 $0xFFFFF700  }
0x66: {  	_ =	swait.ge [sflag:s13], $0x900  }
0x67: {  	s19 =	simm.s32 $0x2;
	[sflag:s13] =	ssyncset.done $0x0  }
0x68: {  	v0 =	vor.u32 s19, v16;
	[sflag:s13] =	ssyncadd.s32 $0xFFFFF700  }
0x69: {  	v4 =	vshll.u32 v0, $0x4;
	v0 =	vmul.u32 $0x90, v0;
	_ =	swait.ge [sflag:s13], $0x500  }
0x6a: {  	v4 =	vor.u32 v20, v4;
	[sflag:s13] =	ssyncset.done $0x0  }
0x6b: {  	v0 =	vadd.s32 v21, v0;
	[sflag:s13] =	ssyncadd.s32 $0xFFFFFB00  }
0x6c: {  	_ =	swait.ge [sflag:s13], $0x280  }
0x6d: {  	[sflag:s13] =	ssyncset.done $0x0  }
0x6e: {  	[sflag:s13] =	ssyncadd.s32 $0xFFFFFD80  }
0x6f: {  	v4 =	vld.idx.msk [tilespmem:v4+s11+$0x0], $0xffff  }
0x70: {  	v5 =	vld.idx.msk [tilespmem:v0+s28+$0x0], $0xffff  }
0x71: {  	s24 =	simm.s32 $0x6550  }
0x72: {  	v6 =	vld [tilespmem:s24+$0x0];
	_ =	sdelay $0x2  }
0x73: {  	v4 =	vadd.f32 v4, v5;
	_ =	sdelay $0x1  }
0x74: {  	v4 =	vadd.f32 v6, v4;
	_ =	sdelay $0x1  }
0x75: {  	v5 =	vmul.f32 $2.000000030e-01, v4;
	_ =	sdelay $0x1  }
0x76: {  	v4 =	vmax.f32 v4, v5  }
0x77: {  	v4 =	vsub.f32 v4, v48;
	_ =	sdelay $0x1  }
0x78: {  	v4 =	vmul.f32 $1.442695020e+00, v4;
	_ =	sdelay $0x1  }
0x79: {  	(erf) = vpow2.f32 v4;
	_ =	sdelay $0x4  }
0x7a: {  	v4 =	vor.u32 s18, v16  }
0x7b: {  	v5 =	vmul.u32 $0x90, v4;
	v4 =	vshll.u32 v4, $0x4  }
0x7c: {  	v4 =	vor.u32 v20, v4  }
0x7d: {  	v5 =	vadd.s32 v21, v5  }
0x7e: {  	s25 =	simm.s32 $0x6;
	v24 =	vpop (erf)  }
0x7f: {  	s19 =	simm.s32 $0x260;
	v44 =	vor.u32 s25, v16;
	[tilespmem:v0+s22+$0x0] =	vst.idx.msk $0xffff, v24  }
0x80: {  	v7 =	vshll.u32 v44, $0x4;
	v0 =	vmul.u32 $0x90, v44;
	v6 =	vld [tilespmem:s19+$0x0]  }
0x81: {  	v7 =	vor.u32 v20, v7;
	v4 =	vld.idx.msk [tilespmem:v4+s11+$0x0], $0xffff  }
0x82: {  	v8 =	vld.idx.msk [tilespmem:v5+s28+$0x0], $0xffff;
	v10 =	vadd.s32 v21, v0  }
0x83: {  	v9 =	vperm.xlane v24, v15;
	_ =	sdelay $0x1  }
0x84: {  	v45 =	vmul.f32 v6, v9;
	v6 =	vld [tilespmem:s24+$0xFFFFFFF0]  }
0x85: {  	s8 =	simm.s32 $0x6B60;
	v7 =	vld.idx.msk [tilespmem:v7+s11+$0x0], $0xffff  }
0x86: {  	v4 =	vadd.f32 v4, v8;
	v8 =	vld.idx.msk [tilespmem:v10+s28+$0x0], $0xffff;
	[tilespmem:s8+$0x0] =	vst v45  }
0x87: {  	v0 =	vld [tilespmem:s19+$0x90]  }
0x88: {  	s2 =	simm.s32 $0x6570  }
0x89: {  	v4 =	vadd.f32 v6, v4;
	v6 =	vld [tilespmem:s2+$0x0]  }
0x8a: {  	v9 =	vperm.xlane v24, v17  }
0x8b: {  	v11 =	vmul.f32 $2.000000030e-01, v4  }
0x8c: {  	v7 =	vadd.f32 v7, v8;
	v0 =	vmul.f32 v0, v9  }
0x8d: {  	v4 =	vmax.f32 v4, v11  }
0x8e: {  	v4 =	vsub.f32 v4, v48;
	[tilespmem:s8+$0x90] =	vst v0;
	v50 =	vadd.f32 v6, v7  }
0x8f: {  	v6 =	vld [tilespmem:s19+$0x10]  }
0x90: {  	v4 =	vmul.f32 $1.442695020e+00, v4;
	v7 =	vmul.f32 $2.000000030e-01, v50;
	_ =	sdelay $0x1  }
0x91: {  	s3 =	simm.s32 $0x4;
	(erf) = vpow2.f32 v4;
	v4 =	vperm.xlane v24, v18;
	v0 =	vmax.f32 v50, v7  }
0x92: {  	v7 =	vor.u32 s3, v16;
	v0 =	vsub.f32 v0, v48  }
0x93: {  	v8 =	vmul.u32 $0x90, v7;
	v4 =	vmul.f32 v6, v4  }
0x94: {  	v0 =	vmul.f32 $1.442695020e+00, v0  }
0x95: {  	v6 =	vshll.u32 v7, $0x4;
	v7 =	vadd.s32 v21, v8;
	[tilespmem:s8+$0x10] =	vst v4  }
0x96: {  	v4 =	vor.u32 v20, v6;
	v6 =	vld [tilespmem:s19+$0xA0];
	(erf) = vpow2.f32 v0;
	_ =	sdelay $0x2  }
0x97: {  	v8 =	vperm.xlane v24, v35  }
0x98: {  	v9 =	vld.idx.msk [tilespmem:v7+s28+$0x0], $0xffff;
	v52 =	vpop (erf)  }
0x99: {  	v4 =	vld.idx.msk [tilespmem:v4+s11+$0x0], $0xffff;
	[tilespmem:v5+s22+$0x0] =	vst.idx.msk $0xffff, v52;
	v5 =	vmul.f32 v6, v8  }
0x9a: {  	v8 =	vld [tilespmem:s2+$0xFFFFFFF0]  }
0x9b: {  	v6 =	vld [tilespmem:s19+$0xFFFFFEE0];
	[tilespmem:s8+$0xA0] =	vst v5  }
0x9c: {  	v5 =	vld [tilespmem:s19+$0x20]  }
0x9d: {  	v29 =	vpop (erf)  }
0x9e: {  	v11 =	vperm.xlane v52, v15;
	s2 =	simm.s32 $0x4A0;
	[tilespmem:v10+s22+$0x0] =	vst.idx.msk $0xffff, v29  }
0x9f: {  	v4 =	vadd.f32 v4, v9;
	v9 =	vperm.xlane v24, v12;
	v12 =	vld [tilespmem:s2+$0x0]  }
0xa0: {  	s4 =	simm.s32 $0xA;
	v6 =	vmul.f32 v6, v11  }
0xa1: {  	v10 =	vor.u32 s4, v16;
	v4 =	vadd.f32 v8, v4;
	v5 =	vmul.f32 v5, v9  }
0xa2: {  	v8 =	vshll.u32 v10, $0x4;
	v9 =	vmul.u32 $0x90, v10;
	[tilespmem:s8+$0xFFFFFEE0] =	vst v6;
	v6 =	vperm.xlane v29, v15  }
0xa3: {  	v8 =	vor.u32 v20, v8;
	v11 =	vmul.f32 $2.000000030e-01, v4;
	v10 =	vld [tilespmem:s19+$0xFFFFFF70];
	[tilespmem:s8+$0x20] =	vst v5  }
0xa4: {  	v9 =	vadd.s32 v21, v9;
	v5 =	vld [tilespmem:s19+$0xB0];
	v6 =	vmul.f32 v12, v6  }
0xa5: {  	s0 =	simm.s32 $0x6DA0;
	v4 =	vmax.f32 v4, v11  }
0xa6: {  	v11 =	vperm.xlane v52, v17;
	v4 =	vsub.f32 v4, v48;
	[tilespmem:s0+$0x0] =	vst v6  }
0xa7: {  	v6 =	vperm.xlane v24, v13;
	v12 =	vld [tilespmem:s2+$0x90]  }
0xa8: {  	v8 =	vld.idx.msk [tilespmem:v8+s11+$0x0], $0xffff;
	v4 =	vmul.f32 $1.442695020e+00, v4;
	v10 =	vmul.f32 v10, v11  }
0xa9: {  	s5 =	simm.s32 $0x6590;
	v11 =	vld.idx.msk [tilespmem:v9+s28+$0x0], $0xffff;
	v5 =	vmul.f32 v5, v6  }
0xaa: {  	(erf) = vpow2.f32 v4;
	v4 =	vperm.xlane v29, v17;
	[tilespmem:s8+$0xFFFFFF70] =	vst v10;
	v6 =	vld [tilespmem:s5+$0x0]  }
0xab: {  	v10 =	vld [tilespmem:s19+$0xFFFFFEF0];
	[tilespmem:s8+$0xB0] =	vst v5  }
0xac: {  	v5 =	vld [tilespmem:s19+$0x30];
	v4 =	vmul.f32 v12, v4;
	_ =	sdelay $0x1  }
0xad: {  	v8 =	vadd.f32 v8, v11;
	v11 =	vperm.xlane v52, v18;
	[tilespmem:s0+$0x90] =	vst v4  }
0xae: {  	s3 =	simm.s32 $0x8;
	v13 =	vperm.xlane v24, v14;
	v14 =	vld [tilespmem:s2+$0x10]  }
0xaf: {  	v12 =	vor.u32 s3, v16;
	v6 =	vadd.f32 v6, v8;
	v8 =	vmul.f32 v10, v11  }
0xb0: {  	v4 =	vmul.u32 $0x90, v12;
	v10 =	vmul.f32 v5, v13;
	v5 =	vshll.u32 v12, $0x4  }
0xb1: {  	v11 =	vmul.f32 $2.000000030e-01, v6;
	[tilespmem:s8+$0xFFFFFEF0] =	vst v8;
	v8 =	vperm.xlane v29, v18  }
0xb2: {  	v4 =	vadd.s32 v21, v4  }
0xb3: {  	v12 =	vld [tilespmem:s19+$0xFFFFFF80];
	v13 =	vor.u32 v20, v5;
	[tilespmem:s8+$0x30] =	vst v10;
	v6 =	vmax.f32 v6, v11;
	v5 =	vpop (erf);
	v8 =	vmul.f32 v14, v8  }
0xb4: {  	v6 =	vsub.f32 v6, v48;
	[tilespmem:v7+s22+$0x0] =	vst.idx.msk $0xffff, v5;
	v7 =	vld [tilespmem:s19+$0xC0]  }
0xb5: {  	v10 =	vld [tilespmem:s2+$0xFFFFFEE0];
	[tilespmem:s0+$0x10] =	vst v8  }
0xb6: {  	v6 =	vmul.f32 $1.442695020e+00, v6;
	v14 =	vld [tilespmem:s2+$0xA0]  }
0xb7: {  	v11 =	vld.idx.msk [tilespmem:v4+s28+$0x0], $0xffff;
	v8 =	vperm.xlane v24, v19  }
0xb8: {  	v13 =	vld.idx.msk [tilespmem:v13+s11+$0x0], $0xffff;
	(erf) = vpow2.f32 v6;
	v6 =	vperm.xlane v5, v15  }
0xb9: {  	v21 =	vperm.xlane v29, v35;
	v7 =	vmul.f32 v7, v8  }
0xba: {  	v8 =	vld [tilespmem:s5+$0xFFFFFFF0];
	v6 =	vmul.f32 v10, v6  }
0xbb: {  	v22 =	vperm.xlane v52, v35;
	[tilespmem:s8+$0xC0] =	vst v7;
	v10 =	vmul.f32 v14, v21  }
0xbc: {  	v7 =	vld [tilespmem:s19+$0x40];
	[tilespmem:s0+$0xFFFFFEE0] =	vst v6  }
0xbd: {  	v12 =	vmul.f32 v12, v22;
	v6 =	vadd.f32 v13, v11;
	[tilespmem:s0+$0xA0] =	vst v10  }
0xbe: {  	v10 =	vld [tilespmem:s2+$0x20]  }
0xbf: {  	[tilespmem:s8+$0xFFFFFF80] =	vst v12;
	v11 =	vld [tilespmem:s2+$0xFFFFFF70];
	v6 =	vadd.f32 v8, v6;
	v8 =	vperm.xlane v24, v34  }
0xc0: {  	v30 =	vimm.s32 $0x2;
	v13 =	vld [tilespmem:s19+$0xFFFFFF00]  }
0xc1: {  	v22 =	vperm.xlane v29, v30;
	v38 =	vpop (erf);
	v7 =	vmul.f32 v7, v8  }
0xc2: {  	v12 =	vperm.xlane v52, v30;
	[tilespmem:v9+s22+$0x0] =	vst.idx.msk $0xffff, v38;
	v9 =	vperm.xlane v5, v17  }
0xc3: {  	v14 =	vmul.f32 $2.000000030e-01, v6;
	[tilespmem:s8+$0x40] =	vst v7;
	v7 =	vmul.f32 v10, v22  }
0xc4: {  	s14 =	simm.s32 $0x6E0;
	v9 =	vmul.f32 v11, v9  }
0xc5: {  	v6 =	vmax.f32 v6, v14;
	v14 =	vld [tilespmem:s14+$0x0];
	v10 =	vmul.f32 v13, v12;
	[tilespmem:s0+$0x20] =	vst v7  }
0xc6: {  	v25 =	vld [tilespmem:s19+$0xD0];
	[tilespmem:s0+$0xFFFFFF70] =	vst v9  }
0xc7: {  	v6 =	vsub.f32 v6, v48;
	[tilespmem:s8+$0xFFFFFF00] =	vst v10  }
0xc8: {  	s7 =	simm.s32 $0xE;
	v12 =	vperm.xlane v38, v15;
	v53 =	vld [tilespmem:$0x1FFD0]  }
0xc9: {  	v11 =	vor.u32 s7, v16;
	v13 =	vperm.xlane v24, v49;
	v6 =	vmul.f32 $1.442695020e+00, v6  }
0xca: {  	v22 =	vshll.u32 v11, $0x4;
	v12 =	vmul.f32 v14, v12  }
0xcb: {  	s24 =	simm.s32 $0x6FE0;
	v11 =	vmul.u32 $0x90, v11;
	v28 =	vld [tilespmem:s2+$0xB0];
	(erf) = vpow2.f32 v6;
	v6 =	vmul.f32 v25, v13  }
0xcc: {  	v54 =	vperm.xlane v52, v36;
	v9 =	vor.u32 v20, v22;
	v14 =	vld [tilespmem:s2+$0xFFFFFEF0];
	[tilespmem:s24+$0x0] =	vst v12  }
0xcd: {  	v3 =	vimm.s32 $0xA;
	v55 =	vperm.xlane v52, v37;
	v22 =	vadd.s32 v53, v11;
	v11 =	vld [tilespmem:s19+$0xFFFFFF90];
	[tilespmem:s8+$0xD0] =	vst v6  }
0xce: {  	v57 =	vperm.xlane v52, v56;
	v10 =	vperm.xlane v29, v3;
	v6 =	vld [tilespmem:s14+$0x90];
	[tilespmem:$0x1FE20] =	vst v54  }
0xcf: {  	v0 =	vperm.xlane v52, v46;
	v12 =	vld [tilespmem:s19+$0x50];
	[tilespmem:$0x1FE60] =	vst v55  }
0xd0: {  	v13 =	vperm.xlane v5, v18;
	v10 =	vmul.f32 v28, v10;
	[tilespmem:$0x1FEE0] =	vst v57  }
0xd1: {  	v21 =	vperm.xlane v52, v3;
	v9 =	vld.idx.msk [tilespmem:v9+s11+$0x0], $0xffff;
	[tilespmem:$0x1FFB0] =	vst v0  }
0xd2: {  	v13 =	vmul.f32 v14, v13;
	[tilespmem:s0+$0xB0] =	vst v10;
	v10 =	vperm.xlane v38, v17;
	_ =	sdelay $0x1  }
0xd3: {  	v1 =	vimm.s32 $0x3;
	[tilespmem:s0+$0xFFFFFEF0] =	vst v13;
	v0 =	vld.idx.msk [tilespmem:v22+s28+$0x0], $0xffff;
	v21 =	vmul.f32 v11, v21;
	v11 =	vpop (erf);
	v6 =	vmul.f32 v6, v10  }
0xd4: {  	s9 =	simm.s32 $0x65B0;
	v59 =	vperm.xlane v24, v51;
	v23 =	vperm.xlane v52, v1;
	v32 =	vld [tilespmem:s2+$0x30];
	[tilespmem:v4+s22+$0x0] =	vst.idx.msk $0xffff, v11  }
0xd5: {  	v27 =	vperm.xlane v52, v49;
	v26 =	vperm.xlane v52, v51;
	v33 =	vld [tilespmem:s9+$0x0];
	[tilespmem:s24+$0x90] =	vst v6  }
0xd6: {  	s10 =	simm.s32 $0xC;
	v61 =	vperm.xlane v52, v47;
	v36 =	vperm.xlane v5, v49;
	v25 =	vimm.s32 $0x3;
	v60 =	vld [tilespmem:$0x1FFD0]  }
0xd7: {  	v8 =	vperm.xlane v52, v19;
	v14 =	vor.u32 s10, v16;
	v4 =	vperm.xlane v29, v25;
	v39 =	vld [tilespmem:s14+$0x10]  }
0xd8: {  	v58 =	vmul.u32 $0x90, v14;
	v12 =	vmul.f32 v12, v59;
	v6 =	vshll.u32 v14, $0x4  }
0xd9: {  	v62 =	vld [tilespmem:s2+$0xFFFFFF80];
	[tilespmem:s8+$0xFFFFFF90] =	vst v21;
	v21 =	vor.u32 v20, v6;
	v0 =	vadd.f32 v9, v0;
	v4 =	vmul.f32 v32, v4  }
0xda: {  	v7 =	vperm.xlane v52, v34;
	v14 =	vld [tilespmem:s14+$0xFFFFFEE0];
	[tilespmem:s8+$0x50] =	vst v12;
	v12 =	vperm.xlane v38, v18  }
0xdb: {  	v34 =	vperm.xlane v5, v30;
	v50 =	vld [tilespmem:s19+$0xE0];
	v0 =	vadd.f32 v33, v0;
	[tilespmem:s0+$0x30] =	vst v4;
	v13 =	vadd.s32 v60, v58  }
0xdc: {  	v28 =	vperm.xlane v5, v35;
	v41 =	vld [tilespmem:s2+$0xC0];
	v12 =	vmul.f32 v39, v12  }
0xdd: {  	v31 =	vimm.s32 $0x9;
	v45 =	vperm.xlane v11, v15;
	v63 =	vld [tilespmem:s19+$0xFFFFFF10];
	v40 =	vmul.f32 $2.000000030e-01, v0  }
0xde: {  	v53 =	vperm.xlane v24, v47;
	v54 =	vperm.xlane v38, v31;
	v21 =	vld.idx.msk [tilespmem:v21+s11+$0x0], $0xffff;
	[tilespmem:s24+$0x10] =	vst v12  }
0xdf: {  	v14 =	vmul.f32 v14, v45;
	v0 =	vmax.f32 v0, v40;
	v12 =	vperm.xlane v29, v19;
	v42 =	vld [tilespmem:s14+$0xA0]  }
0xe0: {  	v10 =	vperm.xlane v5, v3;
	v32 =	vmul.f32 v50, v53;
	v40 =	vsub.f32 v0, v48;
	v52 =	vld.idx.msk [tilespmem:v13+s28+$0x0], $0xffff  }
0xe1: {  	v6 =	vperm.xlane v5, v19;
	v58 =	vimm.s32 $0x6;
	[tilespmem:s24+$0xFFFFFEE0] =	vst v14;
	v14 =	vld [tilespmem:s9+$0xFFFFFFF0];
	v12 =	vmul.f32 v41, v12  }
0xe2: {  	v59 =	vperm.xlane v5, v58;
	v43 =	vld [tilespmem:s14+$0xFFFFFF70];
	[tilespmem:s8+$0xE0] =	vst v32;
	v40 =	vmul.f32 $1.442695020e+00, v40  }
0xe3: {  	v28 =	vmul.f32 v62, v28;
	v33 =	vperm.xlane v5, v51;
	v55 =	vld [tilespmem:s19+$0x60];
	[tilespmem:s0+$0xC0] =	vst v12  }
0xe4: {  	v23 =	vmul.f32 v63, v23;
	(erf) = vpow2.f32 v40;
	v57 =	vld [tilespmem:s2+$0x40];
	[tilespmem:$0x1FE80] =	vst v59  }
0xe5: {  	v63 =	vimm.s32 $0xE;
	v40 =	vmul.f32 v42, v54;
	[tilespmem:s0+$0xFFFFFF80] =	vst v28;
	v21 =	vadd.f32 v21, v52  }
0xe6: {  	v3 =	vimm.s32 $0x4;
	v50 =	vperm.xlane v5, v63;
	v12 =	vperm.xlane v11, v17;
	[tilespmem:s8+$0xFFFFFF10] =	vst v23  }
0xe7: {  	v51 =	vperm.xlane v5, v56;
	v60 =	vperm.xlane v29, v3;
	v28 =	vld [tilespmem:s2+$0xFFFFFF00];
	[tilespmem:s24+$0xA0] =	vst v40;
	v14 =	vadd.f32 v14, v21  }
0xe8: {  	v12 =	vmul.f32 v43, v12;
	v62 =	vld [tilespmem:s14+$0x20];
	[tilespmem:$0x1FED0] =	vst v50;
	v21 =	vperm.xlane v24, v58  }
0xe9: {  	v52 =	vperm.xlane v5, v46;
	v44 =	vld [tilespmem:s19+$0xFFFFFFA0];
	[tilespmem:$0x1FF90] =	vst v51;
	v23 =	vmul.f32 $2.000000030e-01, v14  }
0xea: {  	v9 =	vperm.xlane v5, v25;
	v35 =	vmul.f32 v55, v21;
	v21 =	vld [tilespmem:$0x1FFD0];
	[tilespmem:s24+$0xFFFFFF70] =	vst v12  }
0xeb: {  	v4 =	vperm.xlane v5, v3;
	[tilespmem:$0x1FDD0] =	vst v52;
	v12 =	vmax.f32 v14, v23;
	v14 =	vmul.f32 v57, v60  }
0xec: {  	v32 =	vperm.xlane v5, v47;
	v5 =	vld [tilespmem:s14+$0xFFFFFEF0];
	[tilespmem:s8+$0x60] =	vst v35;
	v23 =	vperm.xlane v38, v30;
	v12 =	vsub.f32 v12, v48  }
0xed: {  	v2 =	vmov v48;
	v53 =	vperm.xlane v11, v18;
	v54 =	vld [tilespmem:s19+$0xF0];
	v48 =	vpop (erf);
	[tilespmem:s0+$0x40] =	vst v14  }
0xee: {  	s31 =	simm.s32 $0x920;
	[tilespmem:v22+s22+$0x0] =	vst.idx.msk $0xffff, v48;
	v22 =	vmul.f32 v62, v23;
	v12 =	vmul.f32 $1.442695020e+00, v12;
	v14 =	vld [tilespmem:s2+$0xD0]  }
0xef: {  	v55 =	vperm.xlane v24, v63;
	v23 =	vmul.f32 v28, v34;
	v28 =	vld [tilespmem:s31+$0x0]  }
0xf0: {  	v8 =	vmul.f32 v44, v8;
	[tilespmem:s24+$0x20] =	vst v22;
	(erf) = vpow2.f32 v12  }
0xf1: {  	s15 =	simm.s32 $0x12;
	[tilespmem:s0+$0xFFFFFF00] =	vst v23;
	v5 =	vmul.f32 v5, v53;
	v12 =	vperm.xlane v29, v49;
	v23 =	vld [tilespmem:s14+$0xB0]  }
0xf2: {  	v57 =	vperm.xlane v48, v15;
	[tilespmem:s8+$0xFFFFFFA0] =	vst v8;
	v22 =	vor.u32 s15, v16;
	v8 =	vmul.f32 v54, v55  }
0xf3: {  	v58 =	vimm.s32 $0xA;
	v56 =	vshll.u32 v22, $0x4;
	[tilespmem:s24+$0xFFFFFEF0] =	vst v5;
	v5 =	vmul.f32 v14, v12  }
0xf4: {  	v12 =	vmul.u32 $0x90, v22;
	[tilespmem:s8+$0xF0] =	vst v8;
	v8 =	vmul.f32 v28, v57;
	v22 =	vperm.xlane v38, v58  }
0xf5: {  	s9 =	simm.s32 $0x7220  }
0xf6: {  	v39 =	vld [tilespmem:s19+$0xFFFFFF20];
	[tilespmem:s9+$0x0] =	vst v8;
	v8 =	vmul.f32 v23, v22  }
0xf7: {  	v46 =	vld [tilespmem:s2+$0xFFFFFF90];
	v14 =	vor.u32 v20, v56;
	[tilespmem:s0+$0xD0] =	vst v5;
	v5 =	vimm.s32 $0xC  }
0xf8: {  	v47 =	vld [tilespmem:s14+$0xFFFFFF80];
	[tilespmem:s24+$0xB0] =	vst v8;
	v8 =	vperm.xlane v11, v5  }
0xf9: {  	v52 =	vld [tilespmem:s19+$0x70];
	v53 =	vadd.s32 v21, v12  }
0xfa: {  	s16 =	simm.s32 $0x10;
	v60 =	vld [tilespmem:s2+$0x50]  }
0xfb: {  	v25 =	vimm.s32 $0x5;
	v59 =	vor.u32 s16, v16;
	v40 =	vimm.s32 $0xD;
	v22 =	vld [tilespmem:s31+$0x90]  }
0xfc: {  	v51 =	vperm.xlane v11, v30;
	v30 =	vperm.xlane v11, v25;
	v12 =	vmul.u32 $0x90, v59;
	v14 =	vld.idx.msk [tilespmem:v14+s11+$0x0], $0xffff;
	[tilespmem:$0x1FE70] =	vst v8;
	v8 =	vpop (erf)  }
0xfd: {  	v41 =	vimm.s32 $0x6;
	v63 =	vperm.xlane v11, v40;
	v54 =	vld [tilespmem:s14+$0x30];
	[tilespmem:v13+s22+$0x0] =	vst.idx.msk $0xffff, v8  }
0xfe: {  	v43 =	vshll.u32 v59, $0x4;
	v23 =	vperm.xlane v29, v25;
	v12 =	vadd.s32 v21, v12;
	v13 =	vld.idx.msk [tilespmem:v53+s28+$0x0], $0xffff;
	[tilespmem:$0x1FE90] =	vst v30  }
0xff: {  	s18 =	simm.s32 $0x65D0;
	v55 =	vor.u32 v20, v43;
	v43 =	vperm.xlane v11, v41;
	v56 =	vld [tilespmem:s31+$0xFFFFFEE0]  }
0x100: {  	v42 =	vimm.s32 $0xE;
	v50 =	vperm.xlane v48, v17;
	v23 =	vmul.f32 v60, v23;
	v57 =	vld [tilespmem:s18+$0x0];
	[tilespmem:$0x1FEB0] =	vst v63  }
0x101: {  	v44 =	vperm.xlane v11, v42;
	v62 =	vimm.s32 $0x3;
	v28 =	vperm.xlane v11, v58;
	[tilespmem:$0x1FF20] =	vst v43  }
0x102: {  	v45 =	vimm.s32 $0x7;
	v58 =	vperm.xlane v38, v62;
	v22 =	vmul.f32 v22, v50;
	[tilespmem:s0+$0x50] =	vst v23  }
0x103: {  	v1 =	vimm.s32 $0xF;
	v37 =	vperm.xlane v11, v31;
	v49 =	vperm.xlane v11, v45;
	v59 =	vld.idx.msk [tilespmem:v12+s28+$0x0], $0xffff;
	[tilespmem:$0x1FF60] =	vst v44  }
0x104: {  	v54 =	vmul.f32 v54, v58;
	v58 =	vperm.xlane v11, v1;
	[tilespmem:s9+$0x90] =	vst v22  }
0x105: {  	v35 =	vperm.xlane v11, v19;
	v34 =	vperm.xlane v11, v3;
	v60 =	vld [tilespmem:s2+$0xE0];
	[tilespmem:$0x1FDE0] =	vst v49  }
0x106: {  	v31 =	vperm.xlane v11, v62;
	v10 =	vmul.f32 v46, v10;
	v13 =	vadd.f32 v14, v13;
	v14 =	vld [tilespmem:s31+$0x10];
	[tilespmem:$0x1FDF0] =	vst v58  }
0x107: {  	v7 =	vmul.f32 v39, v7;
	v62 =	vperm.xlane v8, v15;
	v11 =	vld.idx.msk [tilespmem:v55+s11+$0x0], $0xffff;
	[tilespmem:s24+$0x30] =	vst v54  }
0x108: {  	v13 =	vadd.f32 v57, v13;
	[tilespmem:s0+$0xFFFFFF90] =	vst v10;
	v63 =	vld [tilespmem:s18+$0xFFFFFFF0]  }
0x109: {  	[tilespmem:s8+$0xFFFFFF20] =	vst v7;
	v7 =	vmul.f32 v56, v62;
	v54 =	vld [tilespmem:s14+$0xC0]  }
0x10a: {  	v0 =	vperm.xlane v48, v18;
	v42 =	vld [tilespmem:s2+$0xFFFFFF10];
	v43 =	vmul.f32 $2.000000030e-01, v13  }
0x10b: {  	v10 =	vmul.f32 v47, v37;
	[tilespmem:s9+$0xFFFFFEE0] =	vst v7;
	v7 =	vperm.xlane v29, v40  }
0x10c: {  	v58 =	vperm.xlane v38, v19;
	v49 =	vld [tilespmem:s19+$0xFFFFFFB0];
	v13 =	vmax.f32 v13, v43;
	v14 =	vmul.f32 v14, v0  }
0x10d: {  	[tilespmem:s24+$0xFFFFFF80] =	vst v10;
	v13 =	vsub.f32 v13, v2;
	v7 =	vmul.f32 v60, v7;
	v11 =	vadd.f32 v11, v59  }
0x10e: {  	v39 =	vperm.xlane v24, v45;
	v59 =	vld [tilespmem:s31+$0xFFFFFF70];
	[tilespmem:s9+$0x10] =	vst v14;
	v14 =	vmul.f32 v54, v58  }
0x10f: {  	v9 =	vmul.f32 v42, v9;
	v13 =	vmul.f32 $1.442695020e+00, v13;
	[tilespmem:s0+$0xE0] =	vst v7;
	v10 =	vadd.f32 v63, v11;
	v11 =	vld [tilespmem:s31+$0xA0]  }
0x110: {  	v39 =	vmul.f32 v52, v39;
	v62 =	vperm.xlane v8, v17;
	v63 =	vld [tilespmem:s14+$0xFFFFFF00];
	[tilespmem:s24+$0xC0] =	vst v14  }
0x111: {  	v42 =	vimm.s32 $0x9;
	v14 =	vmul.f32 v49, v27;
	[tilespmem:s0+$0xFFFFFF10] =	vst v9;
	v9 =	vld [tilespmem:s2+$0x60];
	(erf) = vpow2.f32 v13  }
0x112: {  	[tilespmem:s8+$0x70] =	vst v39;
	v13 =	vperm.xlane v48, v42;
	v7 =	vmul.f32 $2.000000030e-01, v10;
	v27 =	vld [tilespmem:s14+$0x40]  }
0x113: {  	[tilespmem:s8+$0xFFFFFFB0] =	vst v14;
	v14 =	vld [tilespmem:s2+$0xFFFFFFA0];
	v46 =	vmul.f32 v59, v62  }
0x114: {  	v56 =	vperm.xlane v29, v41;
	v7 =	vmax.f32 v10, v7;
	v10 =	vmul.f32 v11, v13;
	v13 =	vld [tilespmem:s19+$0x100]  }
0x115: {  	v55 =	vld [tilespmem:s19+$0xFFFFFF30];
	v11 =	vperm.xlane v38, v3;
	[tilespmem:s9+$0xFFFFFF70] =	vst v46;
	v37 =	vmul.f32 v63, v51  }
0x116: {  	v9 =	vmul.f32 v9, v56;
	[tilespmem:s9+$0xA0] =	vst v10  }
0x117: {  	v24 =	vperm.xlane v24, v1;
	v7 =	vsub.f32 v7, v2;
	v46 =	vld [tilespmem:s31+$0xFFFFFEF0];
	v10 =	vmul.f32 v27, v11;
	[tilespmem:s24+$0xFFFFFF00] =	vst v37  }
0x118: {  	v11 =	vld [tilespmem:s31+$0x20];
	v6 =	vmul.f32 v14, v6;
	[tilespmem:s0+$0x60] =	vst v9  }
0x119: {  	v7 =	vmul.f32 $1.442695020e+00, v7;
	v14 =	vld [tilespmem:s14+$0xFFFFFF90];
	[tilespmem:s24+$0x40] =	vst v10;
	v58 =	vmul.f32 v13, v24  }
0x11a: {  	v43 =	vperm.xlane v8, v18;
	v9 =	vmul.f32 v55, v26;
	v26 =	vld [tilespmem:s2+$0xF0];
	[tilespmem:s0+$0xFFFFFFA0] =	vst v6  }
0x11b: {  	v57 =	vimm.s32 $0x2;
	(erf) = vpow2.f32 v7;
	v10 =	vld [tilespmem:s14+$0xD0];
	[tilespmem:$0x1FEF0] =	vst v58  }
0x11c: {  	v6 =	vperm.xlane v48, v57;
	v27 =	vpop (erf);
	v24 =	vmul.f32 v46, v43;
	v13 =	vld [tilespmem:s2+$0xFFFFFF20]  }
0x11d: {  	s10 =	simm.s32 $0xB60;
	[tilespmem:v53+s22+$0x0] =	vst.idx.msk $0xffff, v27  }
0x11e: {  	v40 =	vimm.s32 $0xE;
	v59 =	vperm.xlane v38, v5;
	v11 =	vmul.f32 v11, v6;
	[tilespmem:s9+$0xFFFFFEF0] =	vst v24;
	v24 =	vld [tilespmem:s10+$0x0]  }
0x11f: {  	v60 =	vperm.xlane v29, v40;
	[tilespmem:s8+$0xFFFFFF30] =	vst v9;
	v14 =	vmul.f32 v14, v28  }
0x120: {  	v63 =	vperm.xlane v27, v15;
	v9 =	vld [tilespmem:s19+$0xFFFFFFC0];
	[tilespmem:s9+$0x20] =	vst v11;
	v10 =	vmul.f32 v10, v59  }
0x121: {  	s25 =	simm.s32 $0x16;
	v52 =	vld [tilespmem:s31+$0xFFFFFF80];
	v11 =	vmul.f32 v26, v60;
	[tilespmem:s24+$0xFFFFFF90] =	vst v14;
	v4 =	vmul.f32 v13, v4  }
0x122: {  	v14 =	vor.u32 s25, v16;
	v26 =	vld [tilespmem:s31+$0xB0];
	[tilespmem:s24+$0xD0] =	vst v10  }
0x123: {  	v50 =	vimm.s32 $0x3;
	v28 =	vshll.u32 v14, $0x4;
	[tilespmem:s0+$0xF0] =	vst v11;
	v13 =	vld [tilespmem:s14+$0xFFFFFF10];
	v24 =	vmul.f32 v24, v63  }
0x124: {  	v44 =	vperm.xlane v8, v25;
	s18 =	simm.s32 $0x7460;
	v10 =	vmul.u32 $0x90, v14;
	v14 =	vor.u32 v20, v28;
	v28 =	vld [tilespmem:s14+$0x50];
	[tilespmem:s0+$0xFFFFFF20] =	vst v4  }
0x125: {  	v47 =	vperm.xlane v8, v50;
	v62 =	vimm.s32 $0xA;
	v43 =	vperm.xlane v8, v5;
	v39 =	vld [tilespmem:s2+$0x70];
	[tilespmem:s18+$0x0] =	vst v24;
	v4 =	vpop (erf)  }
0x126: {  	v30 =	vperm.xlane v8, v62;
	v51 =	vperm.xlane v8, v42;
	v53 =	vld [tilespmem:s2+$0xFFFFFFB0];
	[tilespmem:v12+s22+$0x0] =	vst.idx.msk $0xffff, v4  }
0x127: {  	v42 =	vperm.xlane v48, v62;
	v7 =	vperm.xlane v8, v57;
	v6 =	vimm.s32 $0xD;
	v57 =	vld [tilespmem:s10+$0xFFFFFEE0];
	[tilespmem:$0x1FF10] =	vst v43  }
0x128: {  	v55 =	vperm.xlane v8, v3;
	v62 =	vperm.xlane v8, v6;
	[tilespmem:$0x1FF50] =	vst v44  }
0x129: {  	v46 =	vperm.xlane v8, v19;
	v11 =	vadd.s32 v21, v10;
	v10 =	vmul.f32 v26, v42;
	v54 =	vld [tilespmem:s10+$0x90]  }
0x12a: {  	v63 =	vperm.xlane v8, v41;
	v24 =	vperm.xlane v38, v25;
	[tilespmem:$0x1FFA0] =	vst v62  }
0x12b: {  	v9 =	vmul.f32 v9, v61;
	v42 =	vperm.xlane v8, v40;
	[tilespmem:s9+$0xB0] =	vst v10  }
0x12c: {  	s3 =	simm.s32 $0x14;
	v24 =	vmul.f32 v28, v24;
	v62 =	vperm.xlane v27, v17;
	v14 =	vld.idx.msk [tilespmem:v14+s11+$0x0], $0xffff;
	[tilespmem:$0x1FE00] =	vst v63  }
0x12d: {  	v26 =	vperm.xlane v8, v1;
	v12 =	vor.u32 s3, v16;
	v28 =	vperm.xlane v8, v45;
	[tilespmem:$0x1FE10] =	vst v42  }
0x12e: {  	v49 =	vmul.u32 $0x90, v12;
	v12 =	vshll.u32 v12, $0x4;
	v43 =	vld [tilespmem:s31+$0x30];
	[tilespmem:s24+$0x50] =	vst v24;
	v58 =	vmul.f32 v54, v62  }
0x12f: {  	v8 =	vperm.xlane v4, v15;
	v13 =	vmul.f32 v13, v31;
	v12 =	vor.u32 v20, v12;
	v0 =	vld [tilespmem:s14+$0xE0]  }
0x130: {  	v10 =	vadd.s32 v21, v49;
	v63 =	vperm.xlane v29, v45;
	v44 =	vld.idx.msk [tilespmem:v11+s28+$0x0], $0xffff;
	[tilespmem:s18+$0x90] =	vst v58  }
0x131: {  	s4 =	simm.s32 $0x65F0;
	v49 =	vperm.xlane v48, v50;
	[tilespmem:s8+$0xFFFFFFC0] =	vst v9;
	v57 =	vmul.f32 v57, v8;
	v61 =	vld [tilespmem:s10+$0x10]  }
0x132: {  	v9 =	vld [tilespmem:s4+$0x0];
	[tilespmem:s24+$0xFFFFFF10] =	vst v13;
	v39 =	vmul.f32 v39, v63;
	v54 =	vperm.xlane v38, v6  }
0x133: {  	v5 =	vld [tilespmem:s19+$0xFFFFFF40];
	[tilespmem:s18+$0xFFFFFEE0] =	vst v57;
	v37 =	vmul.f32 v43, v49  }
0x134: {  	v12 =	vld.idx.msk [tilespmem:v12+s11+$0x0], $0xffff;
	v62 =	vperm.xlane v27, v18;
	[tilespmem:s0+$0x70] =	vst v39;
	v0 =	vmul.f32 v0, v54  }
0x135: {  	v63 =	vld.idx.msk [tilespmem:v10+s28+$0x0], $0xffff;
	v14 =	vadd.f32 v14, v44;
	[tilespmem:s9+$0x30] =	vst v37;
	v37 =	vmul.f32 v52, v51  }
0x136: {  	v57 =	vld [tilespmem:s10+$0xFFFFFF70];
	[tilespmem:s24+$0xE0] =	vst v0;
	v52 =	vmul.f32 v61, v62  }
0x137: {  	v9 =	vadd.f32 v9, v14;
	v14 =	vld [tilespmem:s31+$0xC0];
	[tilespmem:s9+$0xFFFFFF80] =	vst v37  }
0x138: {  	v51 =	vld [tilespmem:s4+$0xFFFFFFF0];
	[tilespmem:s18+$0x10] =	vst v52  }
0x139: {  	v13 =	vld [tilespmem:$0x1FE20]  }
0x13a: {  	v29 =	vperm.xlane v29, v1;
	v54 =	vperm.xlane v48, v19;
	v31 =	vld [tilespmem:s31+$0xFFFFFF00]  }
0x13b: {  	v58 =	vperm.xlane v4, v17;
	v42 =	vmul.f32 $2.000000030e-01, v9;
	v44 =	vld [tilespmem:s14+$0x60]  }
0x13c: {  	v8 =	vimm.s32 $0x9;
	v60 =	vld [tilespmem:s14+$0xFFFFFFA0];
	v12 =	vadd.f32 v12, v63;
	v14 =	vmul.f32 v14, v54  }
0x13d: {  	v62 =	vld [tilespmem:s2+$0x100];
	v61 =	vmul.f32 v57, v58;
	v0 =	vmax.f32 v9, v42;
	v9 =	vmul.f32 v53, v36  }
0x13e: {  	v0 =	vsub.f32 v0, v2;
	v56 =	vld [tilespmem:s10+$0xA0];
	[tilespmem:s9+$0xC0] =	vst v14;
	v5 =	vmul.f32 v5, v13;
	v13 =	vperm.xlane v38, v41  }
0x13f: {  	v12 =	vadd.f32 v51, v12;
	v51 =	vperm.xlane v27, v8;
	[tilespmem:s0+$0xFFFFFFB0] =	vst v9;
	v7 =	vmul.f32 v31, v7;
	v63 =	vld [tilespmem:s31+$0x40]  }
0x140: {  	[tilespmem:s18+$0xFFFFFF70] =	vst v61;
	v0 =	vmul.f32 $1.442695020e+00, v0;
	v49 =	vld [tilespmem:s2+$0xFFFFFF30];
	v13 =	vmul.f32 v44, v13  }
0x141: {  	v14 =	vmul.f32 $2.000000030e-01, v12;
	[tilespmem:s9+$0xFFFFFF00] =	vst v7;
	v7 =	vmul.f32 v60, v35  }
0x142: {  	v31 =	vld [tilespmem:s10+$0xFFFFFEF0];
	(erf) = vpow2.f32 v0;
	[tilespmem:s24+$0x60] =	vst v13;
	v13 =	vperm.xlane v48, v3  }
0x143: {  	v57 =	vmul.f32 v62, v29;
	v12 =	vmax.f32 v12, v14;
	v0 =	vmul.f32 v56, v51;
	v29 =	vld [tilespmem:s31+$0xFFFFFF90];
	[tilespmem:s24+$0xFFFFFFA0] =	vst v7  }
0x144: {  	[tilespmem:s8+$0xFFFFFF40] =	vst v5;
	v5 =	vsub.f32 v12, v2;
	v12 =	vld [tilespmem:s14+$0xF0];
	v53 =	vmul.f32 v63, v13  }
0x145: {  	v6 =	vperm.xlane v4, v18;
	[tilespmem:s18+$0xA0] =	vst v0;
	v58 =	vld [tilespmem:s14+$0xFFFFFF20];
	v13 =	vmul.f32 v49, v33  }
0x146: {  	v59 =	vimm.s32 $0xE;
	v7 =	vperm.xlane v4, v50;
	v14 =	vld [tilespmem:s19+$0xFFFFFFD0];
	v5 =	vmul.f32 $1.442695020e+00, v5;
	[tilespmem:s9+$0x40] =	vst v53  }
0x147: {  	v54 =	vperm.xlane v38, v59;
	v6 =	vmul.f32 v31, v6;
	v56 =	vld [tilespmem:s10+$0x20];
	[tilespmem:s0+$0xFFFFFF30] =	vst v13  }
0x148: {  	(erf) = vpow2.f32 v5;
	v5 =	vld [tilespmem:s31+$0xD0];
	[tilespmem:$0x1FF00] =	vst v7;
	v7 =	vperm.xlane v4, v19  }
0x149: {  	v60 =	vmul.f32 v12, v54;
	[tilespmem:s18+$0xFFFFFEF0] =	vst v6  }
0x14a: {  	v12 =	vld [tilespmem:s2+$0xFFFFFFC0];
	[tilespmem:$0x1FF40] =	vst v7  }
0x14b: {  	v43 =	vperm.xlane v4, v8;
	v8 =	vimm.s32 $0x2;
	v3 =	vperm.xlane v4, v3;
	v31 =	vpop (erf);
	[tilespmem:s24+$0xF0] =	vst v60  }
0x14c: {  	v61 =	vimm.s32 $0xC;
	v13 =	vmul.f32 v29, v30;
	v6 =	vperm.xlane v27, v8;
	v40 =	vld [tilespmem:s10+$0xFFFFFF80];
	[tilespmem:v11+s22+$0x0] =	vst.idx.msk $0xffff, v31  }
0x14d: {  	v0 =	vperm.xlane v4, v61;
	v29 =	vld [tilespmem:s14+$0x70];
	[tilespmem:$0x1FF80] =	vst v3  }
0x14e: {  	s1 =	simm.s32 $0xDA0;
	v6 =	vmul.f32 v56, v6;
	[tilespmem:s9+$0xFFFFFF90] =	vst v13  }
0x14f: {  	v11 =	vperm.xlane v48, v61;
	v13 =	vmul.f32 v58, v34;
	v30 =	vld [tilespmem:s1+$0x0];
	[tilespmem:$0x1FE30] =	vst v0  }
0x150: {  	v62 =	vperm.xlane v4, v25;
	[tilespmem:s18+$0x20] =	vst v6;
	v6 =	vmul.f32 v12, v32  }
0x151: {  	s5 =	simm.s32 $0x1A;
	v5 =	vmul.f32 v5, v11;
	v41 =	vld [tilespmem:s31+$0xFFFFFF10];
	[tilespmem:s24+$0xFFFFFF20] =	vst v13  }
0x152: {  	v11 =	vor.u32 s5, v16;
	v12 =	vperm.xlane v38, v45;
	v13 =	vld [tilespmem:s10+$0xB0];
	[tilespmem:$0x1FE40] =	vst v62  }
0x153: {  	v22 =	vimm.s32 $0xA;
	v63 =	vshll.u32 v11, $0x4;
	v0 =	vperm.xlane v31, v15;
	[tilespmem:s9+$0xD0] =	vst v5  }
0x154: {  	v33 =	vor.u32 v20, v63;
	v52 =	vld [tilespmem:s14+$0xFFFFFFB0];
	[tilespmem:s0+$0xFFFFFFC0] =	vst v6;
	v5 =	vmul.u32 $0x90, v11;
	v11 =	vmul.f32 v29, v12;
	v6 =	vpop (erf)  }
0x155: {  	v3 =	vimm.s32 $0x6;
	v29 =	vld [tilespmem:s31+$0x50];
	[tilespmem:v10+s22+$0x0] =	vst.idx.msk $0xffff, v6;
	v10 =	vmul.f32 v30, v0;
	v30 =	vperm.xlane v27, v22  }
0x156: {  	s3 =	simm.s32 $0x76A0;
	v32 =	vperm.xlane v4, v3;
	v58 =	vld [tilespmem:s2+$0xFFFFFF40];
	[tilespmem:s24+$0x70] =	vst v11  }
0x157: {  	v62 =	vld [tilespmem:s14+$0x100];
	[tilespmem:s3+$0x0] =	vst v10;
	v10 =	vmul.f32 v13, v30  }
0x158: {  	v12 =	vld [tilespmem:s1+$0xFFFFFEE0];
	[tilespmem:$0x1FE50] =	vst v32  }
0x159: {  	v13 =	vperm.xlane v48, v25;
	v53 =	vld.idx.msk [tilespmem:v33+s11+$0x0], $0xffff;
	[tilespmem:s18+$0xB0] =	vst v10  }
0x15a: {  	v24 =	vimm.s32 $0xD;
	v33 =	vld [tilespmem:$0x1FE60]  }
0x15b: {  	s7 =	simm.s32 $0x18;
	v39 =	vperm.xlane v4, v59;
	v36 =	vadd.s32 v21, v5;
	v5 =	vld [tilespmem:s1+$0x90];
	v10 =	vmul.f32 v29, v13  }
0x15c: {  	v37 =	vperm.xlane v4, v24;
	v42 =	vperm.xlane v4, v8;
	v56 =	vor.u32 s7, v16  }
0x15d: {  	v44 =	vperm.xlane v4, v22;
	v61 =	vshll.u32 v56, $0x4;
	v34 =	vperm.xlane v31, v17;
	[tilespmem:s9+$0x50] =	vst v10  }
0x15e: {  	v11 =	vmul.u32 $0x90, v56;
	v30 =	vperm.xlane v4, v1;
	v32 =	vperm.xlane v4, v45;
	v4 =	vld [tilespmem:s31+$0xE0]  }
0x15f: {  	v13 =	vmul.f32 v14, v33;
	v14 =	vor.u32 v20, v61;
	v61 =	vld [tilespmem:s10+$0x30]  }
0x160: {  	v49 =	vadd.s32 v21, v11;
	v5 =	vmul.f32 v5, v34  }
0x161: {  	v7 =	vld.idx.msk [tilespmem:v36+s28+$0x0], $0xffff  }
0x162: {  	s15 =	simm.s32 $0x6610;
	v51 =	vperm.xlane v27, v50;
	[tilespmem:s3+$0x90] =	vst v5;
	v5 =	vperm.xlane v48, v24  }
0x163: {  	v40 =	vmul.f32 v40, v43;
	v8 =	vld [tilespmem:s15+$0x0];
	v10 =	vperm.xlane v6, v15  }
0x164: {  	v43 =	vld [tilespmem:s15+$0xFFFFFFF0];
	v60 =	vmul.f32 v4, v5;
	v5 =	vimm.s32 $0x2;
	v0 =	vmul.f32 v61, v51  }
0x165: {  	v9 =	vld.idx.msk [tilespmem:v49+s28+$0x0], $0xffff;
	v61 =	vperm.xlane v6, v5  }
0x166: {  	v12 =	vmul.f32 v12, v10;
	v7 =	vadd.f32 v53, v7;
	v53 =	vld [tilespmem:s1+$0x10];
	[tilespmem:s18+$0x30] =	vst v0  }
0x167: {  	v14 =	vld.idx.msk [tilespmem:v14+s11+$0x0], $0xffff;
	[tilespmem:$0x1FF30] =	vst v61  }
0x168: {  	[tilespmem:s3+$0xFFFFFEE0] =	vst v12  }
0x169: {  	[tilespmem:s9+$0xE0] =	vst v60  }
0x16a: {  	v47 =	vmul.f32 v41, v47;
	[tilespmem:s18+$0xFFFFFF80] =	vst v40  }
0x16b: {  	[tilespmem:s8+$0xFFFFFFD0] =	vst v13  }
0x16c: {  	v38 =	vperm.xlane v38, v1;
	v7 =	vadd.f32 v8, v7;
	v8 =	vld [tilespmem:s10+$0xC0];
	[tilespmem:s9+$0xFFFFFF10] =	vst v47  }
0x16d: {  	v63 =	vperm.xlane v31, v18;
	v0 =	vld [tilespmem:$0x1FE70]  }
0x16e: {  	v56 =	vmul.f32 v62, v38  }
0x16f: {  	v38 =	vmul.f32 v53, v63;
	v53 =	vperm.xlane v27, v19;
	_ =	sdelay $0x1  }
0x170: {  	v12 =	vld [tilespmem:s1+$0xFFFFFF70];
	v8 =	vmul.f32 v8, v53  }
0x171: {  	v9 =	vadd.f32 v14, v9;
	v14 =	vmul.f32 $2.000000030e-01, v7;
	v51 =	vld [tilespmem:s31+$0x60];
	[tilespmem:s3+$0x10] =	vst v38;
	v0 =	vmul.f32 v52, v0  }
0x172: {  	v13 =	vld [tilespmem:s10+$0xFFFFFF00];
	[tilespmem:s18+$0xC0] =	vst v8  }
0x173: {  	v11 =	vperm.xlane v6, v17;
	v7 =	vmax.f32 v7, v14;
	v14 =	vld [tilespmem:s31+$0xFFFFFFA0];
	[tilespmem:s24+$0xFFFFFFB0] =	vst v0  }
0x174: {  	v61 =	vperm.xlane v48, v3;
	v53 =	vld [tilespmem:$0x1FE80]  }
0x175: {  	v63 =	vmul.f32 v12, v11  }
0x176: {  	v8 =	vmul.f32 v51, v61  }
0x177: {  	v7 =	vsub.f32 v7, v2;
	v61 =	vmul.f32 v13, v42;
	[tilespmem:s3+$0xFFFFFF70] =	vst v63  }
0x178: {  	v9 =	vadd.f32 v43, v9;
	v12 =	vld [tilespmem:s1+$0xA0];
	v42 =	vmul.f32 v14, v46;
	[tilespmem:s9+$0x60] =	vst v8  }
0x179: {  	v7 =	vmul.f32 $1.442695020e+00, v7;
	v13 =	vld [tilespmem:s10+$0x40];
	[tilespmem:s18+$0xFFFFFF00] =	vst v61;
	v60 =	vmul.f32 v58, v53  }
0x17a: {  	v23 =	vimm.s32 $0x9;
	v11 =	vmul.f32 $2.000000030e-01, v9;
	v47 =	vld [tilespmem:s14+$0xFFFFFF30];
	[tilespmem:s9+$0xFFFFFFA0] =	vst v42  }
0x17b: {  	(erf) = vpow2.f32 v7;
	v7 =	vperm.xlane v31, v23;
	v63 =	vld [tilespmem:s1+$0xFFFFFEF0];
	[tilespmem:s0+$0xFFFFFF40] =	vst v60  }
0x17c: {  	v3 =	vimm.s32 $0x4;
	v9 =	vmax.f32 v9, v11;
	v0 =	vld [tilespmem:$0x1FE90]  }
0x17d: {  	v8 =	vsub.f32 v9, v2;
	v9 =	vld [tilespmem:s31+$0xF0];
	v7 =	vmul.f32 v12, v7;
	v12 =	vperm.xlane v27, v3  }
0x17e: {  	v33 =	vperm.xlane v6, v18;
	v11 =	vld [tilespmem:s10+$0xFFFFFF90]  }
0x17f: {  	v62 =	vld [tilespmem:s19+$0xFFFFFF50];
	[tilespmem:s3+$0xA0] =	vst v7;
	v7 =	vmul.f32 v13, v12  }
0x180: {  	v52 =	vperm.xlane v6, v50;
	v43 =	vld [tilespmem:s31+$0xFFFFFF20];
	v13 =	vmul.f32 v63, v33  }
0x181: {  	v35 =	vimm.s32 $0xC;
	v14 =	vld [tilespmem:s2+$0xFFFFFFD0];
	v12 =	vperm.xlane v48, v59;
	[tilespmem:s18+$0x40] =	vst v7;
	v0 =	vmul.f32 v47, v0  }
0x182: {  	v51 =	vperm.xlane v6, v35;
	v8 =	vmul.f32 $1.442695020e+00, v8;
	v50 =	vld [tilespmem:s1+$0x20];
	[tilespmem:s3+$0xFFFFFEF0] =	vst v13  }
0x183: {  	v7 =	vmul.f32 v9, v12;
	v9 =	vmul.f32 v11, v44;
	v11 =	vld [tilespmem:s10+$0xD0];
	[tilespmem:s24+$0xFFFFFF30] =	vst v0  }
0x184: {  	(erf) = vpow2.f32 v8;
	v8 =	vld [tilespmem:s14+$0xFFFFFFC0];
	[tilespmem:$0x1FEA0] =	vst v51  }
0x185: {  	[tilespmem:s9+$0xF0] =	vst v7  }
0x186: {  	v42 =	vpop (erf);
	[tilespmem:s18+$0xFFFFFF90] =	vst v9;
	v7 =	vmul.f32 v43, v55  }
0x187: {  	[tilespmem:v36+s22+$0x0] =	vst.idx.msk $0xffff, v42  }
0x188: {  	[tilespmem:s9+$0xFFFFFF20] =	vst v7  }
0x189: {  	v13 =	vperm.xlane v31, v5;
	v55 =	vld [tilespmem:$0x1FEB0]  }
0x18a: {  	v9 =	vld [tilespmem:s31+$0x70]  }
0x18b: {  	v4 =	vimm.s32 $0x6;
	v0 =	vmul.f32 v50, v13;
	v13 =	vperm.xlane v27, v35  }
0x18c: {  	v4 =	vperm.xlane v6, v4;
	v12 =	vld [tilespmem:s1+$0xFFFFFF80]  }
0x18d: {  	s15 =	simm.s32 $0xFE0;
	v61 =	vmul.f32 v11, v13;
	v11 =	vperm.xlane v48, v45;
	v60 =	vld [tilespmem:s10+$0xFFFFFF10]  }
0x18e: {  	v36 =	vld [tilespmem:s15+$0x0];
	[tilespmem:s3+$0x20] =	vst v0;
	v7 =	vmul.f32 v8, v55  }
0x18f: {  	v51 =	vld [tilespmem:s31+$0xFFFFFFB0];
	[tilespmem:$0x1FEC0] =	vst v4;
	v43 =	vmul.f32 v9, v11  }
0x190: {  	[tilespmem:s18+$0xD0] =	vst v61  }
0x191: {  	s16 =	simm.s32 $0x1E;
	v54 =	vperm.xlane v6, v23;
	[tilespmem:s9+$0x70] =	vst v43  }
0x192: {  	v34 =	vperm.xlane v6, v22;
	v40 =	vperm.xlane v6, v45;
	v8 =	vor.u32 s16, v16;
	[tilespmem:s24+$0xFFFFFFC0] =	vst v7;
	v7 =	vpop (erf)  }
0x193: {  	v63 =	vperm.xlane v42, v15;
	v55 =	vld [tilespmem:s1+$0xB0];
	v58 =	vshll.u32 v8, $0x4;
	v8 =	vmul.u32 $0x90, v8;
	[tilespmem:v49+s22+$0x0] =	vst.idx.msk $0xffff, v7  }
0x194: {  	v38 =	vperm.xlane v6, v59;
	v46 =	vperm.xlane v6, v25;
	v0 =	vld [tilespmem:$0x1FED0]  }
0x195: {  	v53 =	vperm.xlane v6, v19;
	v36 =	vmul.f32 v36, v63;
	v33 =	vadd.s32 v21, v8;
	v8 =	vld [tilespmem:s10+$0x50]  }
0x196: {  	v59 =	vperm.xlane v31, v22;
	v44 =	vperm.xlane v6, v24;
	s16 =	simm.s32 $0x78E0  }
0x197: {  	s25 =	simm.s32 $0x1C;
	v47 =	vperm.xlane v6, v3;
	v63 =	vperm.xlane v27, v25;
	[tilespmem:s16+$0x0] =	vst v36  }
0x198: {  	v13 =	vor.u32 v20, v58;
	v58 =	vor.u32 s25, v16;
	v49 =	vmul.f32 v55, v59;
	v41 =	vld [tilespmem:$0x1FEE0]  }
0x199: {  	v11 =	vld [tilespmem:s15+$0xFFFFFEE0];
	v10 =	vmul.f32 v14, v0;
	v14 =	vshll.u32 v58, $0x4;
	v0 =	vimm.s32 $0xF  }
0x19a: {  	v8 =	vmul.f32 v8, v63;
	v36 =	vperm.xlane v6, v0;
	v6 =	vor.u32 v20, v14;
	v14 =	vld [tilespmem:s15+$0x90]  }
0x19b: {  	[tilespmem:s3+$0xB0] =	vst v49  }
0x19c: {  	v12 =	vmul.f32 v12, v54;
	v43 =	vperm.xlane v7, v15;
	v55 =	vld [tilespmem:s1+$0x30];
	[tilespmem:s18+$0x50] =	vst v8  }
0x19d: {  	v8 =	vperm.xlane v42, v17;
	v59 =	vmul.f32 v62, v41;
	v41 =	vld [tilespmem:$0x1FEF0];
	[tilespmem:s0+$0x100] =	vst v57  }
0x19e: {  	v1 =	vimm.s32 $0x3;
	v11 =	vmul.f32 v11, v43;
	[tilespmem:s24+$0x100] =	vst v56  }
0x19f: {  	[tilespmem:s3+$0xFFFFFF80] =	vst v12;
	v8 =	vmul.f32 v14, v8;
	v14 =	vperm.xlane v31, v1  }
0x1a0: {  	[tilespmem:s16+$0xFFFFFEE0] =	vst v11  }
0x1a1: {  	[tilespmem:s16+$0x90] =	vst v8;
	v8 =	vmul.f32 v55, v14  }
0x1a2: {  	[tilespmem:s8+$0x100] =	vst v41  }
0x1a3: {  	v9 =	vmul.u32 $0x90, v58;
	v48 =	vperm.xlane v48, v0;
	v0 =	vld [tilespmem:s10+$0xE0];
	[tilespmem:s3+$0x30] =	vst v8  }
0x1a4: {  	v43 =	vld [tilespmem:$0x1FF00]  }
0x1a5: {  	v61 =	vadd.s32 v21, v9;
	v9 =	vld [tilespmem:s31+$0x100]  }
0x1a6: {  	v14 =	vperm.xlane v27, v24  }
0x1a7: {  	v50 =	vld [tilespmem:s14+$0xFFFFFF40]  }
0x1a8: {  	v13 =	vld.idx.msk [tilespmem:v13+s11+$0x0], $0xffff;
	v0 =	vmul.f32 v0, v14  }
0x1a9: {  	v5 =	vld.idx.msk [tilespmem:v33+s28+$0x0], $0xffff;
	v12 =	vmul.f32 v60, v43  }
0x1aa: {  	v41 =	vmul.f32 v9, v48;
	v48 =	vld [tilespmem:$0x1FF10];
	[tilespmem:s18+$0xE0] =	vst v0  }
0x1ab: {  	v11 =	vld [tilespmem:s15+$0x10];
	[tilespmem:s18+$0xFFFFFF10] =	vst v12  }
0x1ac: {  	s29 =	simm.s32 $0x6630;
	v60 =	vld [tilespmem:$0x1FF20]  }
0x1ad: {  	v4 =	vld [tilespmem:s29+$0x0]  }
0x1ae: {  	v14 =	vperm.xlane v42, v18  }
0x1af: {  	v5 =	vadd.f32 v13, v5;
	v13 =	vmul.f32 v51, v48  }
0x1b0: {  	v54 =	vld.idx.msk [tilespmem:v61+s28+$0x0], $0xffff;
	[tilespmem:s0+$0xFFFFFFD0] =	vst v10;
	v10 =	vmul.f32 v11, v14  }
0x1b1: {  	v8 =	vld [tilespmem:s15+$0xFFFFFF70];
	[tilespmem:s9+$0xFFFFFFB0] =	vst v13;
	v43 =	vmul.f32 v50, v60  }
0x1b2: {  	v4 =	vadd.f32 v4, v5;
	v5 =	vld [tilespmem:s1+$0xC0];
	[tilespmem:s16+$0x10] =	vst v10  }
0x1b3: {  	v0 =	vld [tilespmem:s1+$0xFFFFFF00];
	[tilespmem:s24+$0xFFFFFF40] =	vst v43  }
0x1b4: {  	v49 =	vperm.xlane v7, v17;
	v43 =	vld [tilespmem:$0x1FF30]  }
0x1b5: {  	v6 =	vld.idx.msk [tilespmem:v6+s11+$0x0], $0xffff;
	v11 =	vperm.xlane v31, v19  }
0x1b6: {  	v9 =	vld [tilespmem:s29+$0xFFFFFFF0];
	v8 =	vmul.f32 v8, v49;
	v12 =	vmul.f32 $2.000000030e-01, v4  }
0x1b7: {  	v14 =	vld [tilespmem:s10+$0xFFFFFFA0];
	v5 =	vmul.f32 v5, v11  }
0x1b8: {  	v4 =	vmax.f32 v4, v12;
	v12 =	vld [tilespmem:s31+$0xFFFFFF30];
	[tilespmem:s16+$0xFFFFFF70] =	vst v8  }
0x1b9: {  	v60 =	vld [tilespmem:s10+$0x60];
	[tilespmem:s3+$0xC0] =	vst v5;
	v0 =	vmul.f32 v0, v43  }
0x1ba: {  	v6 =	vadd.f32 v6, v54;
	v48 =	vld [tilespmem:$0x1FF40];
	[tilespmem:s8+$0xFFFFFF50] =	vst v59  }
0x1bb: {  	v15 =	vimm.s32 $0x6;
	v4 =	vsub.f32 v4, v2;
	v10 =	vld [tilespmem:s15+$0xA0];
	[tilespmem:s3+$0xFFFFFF00] =	vst v0  }
0x1bc: {  	v6 =	vadd.f32 v9, v6;
	v11 =	vperm.xlane v27, v15;
	v0 =	vld [tilespmem:$0x1FF50]  }
0x1bd: {  	v4 =	vmul.f32 $1.442695020e+00, v4;
	v9 =	vld [tilespmem:s14+$0xFFFFFFD0]  }
0x1be: {  	v5 =	vmul.f32 $2.000000030e-01, v6;
	v13 =	vld [tilespmem:s15+$0xFFFFFEF0];
	v8 =	vmul.f32 v60, v11  }
0x1bf: {  	(erf) = vpow2.f32 v4;
	v4 =	vld [tilespmem:s1+$0x40];
	v11 =	vmul.f32 v14, v48  }
0x1c0: {  	v5 =	vmax.f32 v6, v5;
	[tilespmem:s18+$0x60] =	vst v8;
	v8 =	vld [tilespmem:s1+$0xFFFFFF90]  }
0x1c1: {  	v5 =	vsub.f32 v5, v2;
	v49 =	vld [tilespmem:$0x1FF60];
	[tilespmem:s18+$0xFFFFFFA0] =	vst v11;
	v6 =	vmul.f32 v12, v0;
	v12 =	vperm.xlane v42, v23  }
0x1c2: {  	v63 =	vperm.xlane v7, v18;
	v50 =	vperm.xlane v7, v15;
	v59 =	vld [tilespmem:s2+$0xFFFFFF50];
	[tilespmem:s9+$0x100] =	vst v41  }
0x1c3: {  	v3 =	vimm.s32 $0x4;
	v5 =	vmul.f32 $1.442695020e+00, v5;
	v11 =	vld [tilespmem:s10+$0xF0];
	v10 =	vmul.f32 v10, v12;
	[tilespmem:s9+$0xFFFFFF30] =	vst v6  }
0x1c4: {  	v13 =	vmul.f32 v13, v63;
	v41 =	vld [tilespmem:s10+$0xFFFFFF20];
	v12 =	vperm.xlane v31, v3;
	[tilespmem:$0x1FF70] =	vst v50  }
0x1c5: {  	(erf) = vpow2.f32 v5;
	v5 =	vmul.f32 v8, v34;
	[tilespmem:s16+$0xA0] =	vst v10  }
0x1c6: {  	v4 =	vmul.f32 v4, v12;
	[tilespmem:s16+$0xFFFFFEF0] =	vst v13  }
0x1c7: {  	[tilespmem:s3+$0xFFFFFF90] =	vst v5  }
0x1c8: {  	[tilespmem:s3+$0x40] =	vst v4  }
0x1c9: {  	v51 =	vperm.xlane v7, v35;
	v35 =	vld [tilespmem:$0x1FF80]  }
0x1ca: {  	v63 =	vimm.s32 $0xE  }
0x1cb: {  	v6 =	vperm.xlane v27, v63;
	_ =	sdelay $0x1  }
0x1cc: {  	v4 =	vmul.f32 v11, v6  }
0x1cd: {  	v2 =	vld [tilespmem:s19+$0xFFFFFFE0];
	v8 =	vmul.f32 v41, v35  }
0x1ce: {  	v29 =	vimm.s32 $0x2;
	v43 =	vld [tilespmem:$0x1FF90];
	[tilespmem:s18+$0xF0] =	vst v4  }
0x1cf: {  	v58 =	vperm.xlane v7, v29;
	v9 =	vmul.f32 v9, v49;
	v0 =	vld [tilespmem:s31+$0xFFFFFFC0];
	[tilespmem:s18+$0xFFFFFF20] =	vst v8  }
0x1d0: {  	v49 =	vperm.xlane v7, v63;
	v63 =	vperm.xlane v7, v45;
	v45 =	vld [tilespmem:$0x1FFA0]  }
0x1d1: {  	v62 =	vperm.xlane v7, v23;
	v57 =	vperm.xlane v7, v22;
	v50 =	vld [tilespmem:$0x1FFB0]  }
0x1d2: {  	v56 =	vperm.xlane v7, v1;
	v55 =	vperm.xlane v7, v19;
	v14 =	vld [tilespmem:s15+$0x20]  }
0x1d3: {  	v54 =	vperm.xlane v7, v3;
	v60 =	vperm.xlane v7, v24;
	v10 =	vld [tilespmem:s15+$0xFFFFFF80]  }
0x1d4: {  	v17 =	vimm.s32 $0xF;
	v48 =	vperm.xlane v7, v25;
	v5 =	vperm.xlane v42, v29;
	v6 =	vld [tilespmem:s1+$0xFFFFFF10]  }
0x1d5: {  	s4 =	simm.s32 $0x78E0;
	v13 =	vld [tilespmem:s1+$0xD0];
	v12 =	vmul.f32 v59, v43;
	v41 =	vperm.xlane v7, v17  }
0x1d6: {  	s7 =	simm.s32 $0x20;
	s5 =	simm.s32 $0xE;
	s19 =	simm.s32 $0xFE0;
	v59 =	vpop (erf);
	v8 =	vld [tilespmem:s10+$0x70];
	v4 =	vmul.f32 v0, v45;
	v11 =	vmul.f32 v2, v50  }
.LBB2_5:
0x1d7: {  	v25 =	vimm.s32 $0xC;
	v24 =	vld [tilespmem:$0x1FDF0]  }
0x1d8: {  	[tilespmem:v33+s22+$0x0] =	vst.idx.msk $0xffff, v59;
	v7 =	vperm.xlane v31, v25  }
0x1d9: {  	v43 =	vimm.s32 $0x7;
	v5 =	vmul.f32 v14, v5;
	v14 =	vld [tilespmem:s10+$0xFFFFFFB0];
	[tilespmem:s9+$0xFFFFFFC0] =	vst v4  }
0x1da: {  	v1 =	vor.u32 s7, v16;
	s25 =	sadd.s32 $0x2, s7;
	s15 =	sadd.s32 $0x240, s15;
	v7 =	vmul.f32 v13, v7;
	v13 =	vperm.xlane v27, v43;
	v18 =	vld [tilespmem:s31+$0xFFFFFF40];
	[tilespmem:s24+$0xFFFFFFD0] =	vst v9  }
0x1db: {  	v23 =	vmov v16;
	v50 =	vmul.u32 $0x90, v1;
	v16 =	vor.u32 s25, v16;
	v17 =	vld [tilespmem:s15+$0x0];
	[tilespmem:s16+$0x20] =	vst v5  }
0x1dc: {  	v35 =	vshll.u32 v16, $0x4;
	v16 =	vmul.u32 $0x90, v16;
	v45 =	vld [tilespmem:s19+$0xB0];
	[tilespmem:s3+$0xD0] =	vst v7;
	v3 =	vmul.f32 v8, v13;
	v24 =	vmovc v24  }
0x1dd: {  	v0 =	vmovc v44;
	v44 =	vmov v60;
	v2 =	vimm.s32 $0x0;
	v19 =	vadd.s32 v21, v50;
	v50 =	vld [tilespmem:$0x1FDD0];
	[tilespmem:$0x1FDD0] =	vst v24  }
0x1de: {  	v15 =	vshll.u32 v1, $0x4;
	v60 =	vor.u32 v20, v35;
	v33 =	vadd.s32 v21, v16;
	v16 =	vld [tilespmem:s1+$0x50];
	[tilespmem:s18+$0x70] =	vst v3;
	v5 =	vpop (erf)  }
0x1df: {  	v9 =	vor.u32 v20, v15;
	v15 =	vperm.xlane v59, v2;
	v8 =	vld [tilespmem:s14+$0xFFFFFF50];
	[tilespmem:v61+s22+$0x0] =	vst.idx.msk $0xffff, v5  }
0x1e0: {  	v21 =	vimm.s32 $0xA;
	v61 =	vmov v19;
	v19 =	vld [tilespmem:s15+$0xFFFFFEE0];
	[tilespmem:s0+$0xFFFFFF50] =	vst v12  }
0x1e1: {  	s16 =	sadd.s32 $0x240, s16;
	v15 =	vmul.f32 v17, v15;
	v17 =	vperm.xlane v42, v21;
	v12 =	vmov v26;
	[tilespmem:s8+$0xFFFFFFE0] =	vst v11  }
0x1e2: {  	v10 =	vmul.f32 v10, v62;
	v24 =	vimm.s32 $0x5;
	v3 =	vld [tilespmem:s10+$0x100];
	s8 =	smov.u32 s0;
	s0 =	smov.u32 s24;
	s24 =	smov.u32 s9;
	[tilespmem:$0x1FDF0] =	vst v12  }
0x1e3: {  	v1 =	vmul.f32 v45, v17;
	s9 =	smov.u32 s18;
	s18 =	smov.u32 s3;
	s3 =	smov.u32 s4;
	v12 =	vld.idx.msk [tilespmem:v60+s11+$0x0], $0xffff;
	[tilespmem:s16+$0x0] =	vst v15;
	v15 =	vperm.xlane v31, v24  }
0x1e4: {  	v13 =	vperm.xlane v5, v2;
	[tilespmem:s3+$0xFFFFFF80] =	vst v10;
	v17 =	vld [tilespmem:s15+$0x90]  }
0x1e5: {  	v22 =	vimm.s32 $0x8;
	v29 =	vimm.s32 $0xF;
	v11 =	vld.idx.msk [tilespmem:v33+s28+$0x0], $0xffff;
	[tilespmem:s4+$0xB0] =	vst v1;
	v60 =	vmul.f32 v16, v15  }
0x1e6: {  	v15 =	vperm.xlane v27, v29;
	v27 =	vmovc v31;
	v31 =	vmovc v42;
	v42 =	vmov v59;
	v13 =	vmul.f32 v19, v13;
	v19 =	vld [tilespmem:s19+$0x30]  }
0x1e7: {  	v45 =	vmovc v38;
	v38 =	vmov v36;
	v36 =	vmov v41;
	v41 =	vld.idx.msk [tilespmem:v61+s28+$0x0], $0xffff;
	v59 =	vperm.xlane v42, v22;
	[tilespmem:s18+$0x50] =	vst v60  }
0x1e8: {  	v10 =	vperm.xlane v5, v21;
	v21 =	vimm.s32 $0x3;
	v34 =	vmul.f32 v3, v15;
	[tilespmem:s16+$0xFFFFFEE0] =	vst v13;
	v13 =	vld [tilespmem:s1+$0xE0]  }
0x1e9: {  	s29 =	sadd.s32 $0x20, s29;
	v60 =	vperm.xlane v31, v21;
	v17 =	vmul.f32 v17, v59  }
0x1ea: {  	v3 =	vperm.xlane v5, v21;
	v21 =	vimm.s32 $0xD;
	v15 =	vld [tilespmem:s29+$0x0];
	[tilespmem:s9+$0x100] =	vst v34  }
0x1eb: {  	v1 =	vld.idx.msk [tilespmem:v9+s11+$0x0], $0xffff;
	[tilespmem:s16+$0x90] =	vst v17;
	v17 =	vperm.xlane v27, v21;
	v9 =	vmul.f32 v19, v60  }
0x1ec: {  	v59 =	vld [tilespmem:s15+$0x10]  }
0x1ed: {  	v6 =	vmul.f32 v6, v52;
	[tilespmem:s3+$0x30] =	vst v9;
	v9 =	vmul.f32 v13, v17;
	v13 =	vld [tilespmem:$0x1FE30];
	_ =	sdelay $0x1  }
0x1ee: {  	v52 =	vmov v56;
	v56 =	vmov v3;
	v3 =	vld [tilespmem:s29+$0xFFFFFFF0];
	[tilespmem:s18+$0xFFFFFF10] =	vst v6  }
0x1ef: {  	v6 =	vld [tilespmem:s15+$0xFFFFFF70]  }
0x1f0: {  	v60 =	vperm.xlane v5, v21;
	v21 =	vld [tilespmem:s19+$0xFFFFFF00]  }
0x1f1: {  	v17 =	vld [tilespmem:$0x1FEA0];
	v13 =	vmul.f32 v14, v13;
	v14 =	vmov v51  }
0x1f2: {  	[tilespmem:$0x1FEA0] =	vst v14;
	v14 =	vperm.xlane v5, v24;
	v24 =	vld [tilespmem:$0x1FE50]  }
0x1f3: {  	[tilespmem:s9+$0xFFFFFFB0] =	vst v13;
	v13 =	vld [tilespmem:$0x1FE00];
	_ =	sdelay $0x1  }
0x1f4: {  	v11 =	vadd.f32 v12, v11  }
0x1f5: {  	v35 =	vimm.s32 $0x1  }
0x1f6: {  	v2 =	vperm.xlane v5, v22;
	v12 =	vperm.xlane v5, v25;
	v11 =	vadd.f32 v15, v11;
	v17 =	vmovc v17  }
0x1f7: {  	v34 =	vimm.s32 $0xB;
	v15 =	vld [tilespmem:s19+$0xC0];
	[tilespmem:$0x1FE30] =	vst v17;
	v17 =	vperm.xlane v42, v35;
	v13 =	vmul.f32 v18, v13;
	v18 =	vmovc v24  }
0x1f8: {  	v22 =	vperm.xlane v5, v34;
	[tilespmem:$0x1FE00] =	vst v18;
	v18 =	vperm.xlane v31, v34;
	v34 =	vld [tilespmem:$0x1FEC0]  }
0x1f9: {  	v25 =	vimm.s32 $0x6;
	[tilespmem:s18+$0xE0] =	vst v9;
	v17 =	vmul.f32 v59, v17  }
0x1fa: {  	v4 =	vmovc v32;
	v1 =	vadd.f32 v1, v41;
	v9 =	vmul.f32 $2.000000030e-01, v11;
	v41 =	vld [tilespmem:s1+$0x60];
	v51 =	vmovc v12;
	v12 =	vperm.xlane v5, v25  }
0x1fb: {  	v32 =	vmovc v40;
	v40 =	vmov v63;
	v63 =	vperm.xlane v5, v35;
	v2 =	vmul.f32 v6, v2;
	v59 =	vld [tilespmem:s1+$0xFFFFFFA0];
	[tilespmem:s16+$0x10] =	vst v17  }
0x1fc: {  	v1 =	vadd.f32 v3, v1;
	v3 =	vmax.f32 v11, v9;
	v6 =	vld [tilespmem:s10+$0xFFFFFF30];
	v24 =	vmov v12;
	[tilespmem:s24+$0xFFFFFF40] =	vst v13  }
0x1fd: {  	v11 =	vperm.xlane v27, v25;
	v9 =	vmul.f32 v15, v18;
	v35 =	vmov v34;
	v34 =	vld [tilespmem:$0x1FF70];
	[tilespmem:$0x1FF70] =	vst v24  }
0x1fe: {  	v13 =	vmul.f32 $2.000000030e-01, v1;
	v24 =	vld [tilespmem:$0x1FFC0];
	[tilespmem:$0x1FE50] =	vst v35  }
0x1ff: {  	v35 =	vld [tilespmem:s15+$0xA0];
	[tilespmem:s3+$0xC0] =	vst v9;
	v9 =	vmul.f32 v41, v11  }
0x200: {  	v1 =	vmax.f32 v1, v13;
	v13 =	vld [tilespmem:s19+$0x40]  }
0x201: {  	[tilespmem:s18+$0x60] =	vst v9;
	v9 =	vld [tilespmem:$0x1FE40];
	_ =	sdelay $0x2  }
0x202: {  	v43 =	vimm.s32 $0x2;
	v3 =	vsub.f32 v3, v24  }
0x203: {  	v16 =	vperm.xlane v5, v43;
	v12 =	vld [tilespmem:s31+$0xFFFFFFD0];
	v15 =	vmul.f32 v21, v58  }
0x204: {  	[tilespmem:s16+$0xFFFFFF70] =	vst v2;
	v3 =	vmul.f32 $1.442695020e+00, v3;
	v6 =	vmul.f32 v6, v9;
	v9 =	vld [tilespmem:$0x1FE10]  }
0x205: {  	v7 =	vmovc v50;
	v50 =	vimm.s32 $0x9;
	v58 =	vmov v16;
	v16 =	vld [tilespmem:s15+$0xFFFFFEF0];
	[tilespmem:s3+$0xFFFFFF00] =	vst v15;
	v15 =	vmul.f32 v59, v53  }
0x206: {  	(erf) = vpow2.f32 v3;
	v3 =	vperm.xlane v42, v50  }
0x207: {  	v17 =	vld [tilespmem:s19+$0xFFFFFF90]  }
0x208: {  	v26 =	vmovc v30;
	v30 =	vimm.s32 $0x4;
	[tilespmem:s18+$0xFFFFFFA0] =	vst v15;
	v15 =	vld [tilespmem:s1+$0xF0];
	v34 =	vmov v34;
	v2 =	vmul.f32 v35, v3  }
0x209: {  	[tilespmem:$0x1FEC0] =	vst v34;
	v3 =	vperm.xlane v31, v30;
	v9 =	vmul.f32 v12, v9;
	v12 =	vmov v46  }
0x20a: {  	v62 =	vperm.xlane v5, v50;
	v21 =	vld [tilespmem:$0x1FFD0];
	v18 =	vimm.s32 $0xE;
	v1 =	vsub.f32 v1, v24;
	v46 =	vmovc v48;
	[tilespmem:$0x1FE40] =	vst v12  }
0x20b: {  	v48 =	vmovc v14;
	v14 =	vmov v39;
	v41 =	vmul.f32 v13, v3;
	v3 =	vperm.xlane v27, v18;
	v12 =	vld [tilespmem:s1+$0xFFFFFF20];
	[tilespmem:s9+$0xFFFFFF30] =	vst v6  }
0x20c: {  	s5 =	sadd.s32 $0x2, s5;
	v11 =	vperm.xlane v5, v18;
	[tilespmem:$0x1FE10] =	vst v14;
	v14 =	vmul.f32 v16, v63;
	v16 =	vld [tilespmem:s2+$0xFFFFFFE0]  }
0x20d: {  	v59 =	vmov v28;
	v1 =	vmul.f32 $1.442695020e+00, v1;
	[tilespmem:s16+$0xA0] =	vst v2;
	s2 =	smov.u32 s14;
	s14 =	smov.u32 s31;
	s31 =	smov.u32 s10;
	v15 =	vmul.f32 v15, v3;
	v3 =	vld [tilespmem:$0x1FDE0]  }
0x20e: {  	p0 =	slt.u32 s5, $0x26;
	v19 =	vperm.xlane v5, v30;
	v30 =	vmovc v38;
	v38 =	vmov v49;
	v49 =	vmov v11;
	[tilespmem:$0x1FDE0] =	vst v59;
	v11 =	vld [tilespmem:s31+$0xFFFFFFC0]  }
.Ltmp1:
0x20f: {  	(erf) = vpow2.f32 v1;
	v39 =	vmovc v45;
	v45 =	vmul.f32 v17, v57;
	v6 =	vimm.s32 $0x7;
	[tilespmem:s16+$0xFFFFFEF0] =	vst v14;
	v14 =	vld [tilespmem:s15+$0x20];
	(pc) =	sbr.rel @p0 .LBB2_5-.Ltmp1, $4  }
0x210: {  	v53 =	vmovc v55;
	v57 =	vmov v10;
	s10 =	smov.u32 s1;
	s1 =	smov.u32 s19;
	v63 =	vperm.xlane v5, v6;
	[tilespmem:s3+$0x40] =	vst v41;
	v41 =	vperm.xlane v5, v29;
	v10 =	vld [tilespmem:s15+$0xFFFFFF80]  }
0x211: {  	v55 =	vmovc v22;
	v28 =	vmov v4;
	v5 =	vperm.xlane v42, v43;
	[tilespmem:s3+$0xFFFFFF90] =	vst v45;
	v13 =	vld [tilespmem:s1+$0xD0];
	v50 =	vmul.f32 v12, v47  }
0x212: {  	[tilespmem:s18+$0xF0] =	vst v15;
	v6 =	vld [tilespmem:s1+$0xFFFFFF10];
	v59 =	vpop (erf);
	v47 =	vmov v54;
	v54 =	vmov v19;
	v12 =	vmul.f32 v8, v3  }
0x213: {  	s7 =	sadd.s32 $0x4, s7;
	s4 =	smov.u32 s16;
	s19 =	smov.u32 s15;
	v8 =	vld [tilespmem:s10+$0x70];
	[tilespmem:s18+$0xFFFFFF20] =	vst v50;
	v4 =	vmul.f32 v11, v37;
	v11 =	vmul.f32 v16, v7;
	v16 =	vmovc v23;
	v37 =	vmov v0  }
0x214: {  	_ =	sdelay $0x3  }
0x215: {  	[tilespmem:v33+s22+$0x0] =	vst.idx.msk $0xffff, v59;
	s15 =	sadd.s32 $0x240, s15  }
0x216: {  	v0 =	vld [tilespmem:s15+$0x0];
	_ =	sdelay $0x1  }
0x217: {  	v1 =	vimm.s32 $0x0  }
0x218: {  	v1 =	vperm.xlane v59, v1;
	_ =	sdelay $0x1  }
0x219: {  	v0 =	vmul.f32 v0, v1  }
0x21a: {  	s5 =	sadd.s32 $0x240, s16  }
0x21b: {  	[tilespmem:s5+$0x0] =	vst v0  }
0x21c: {  	v0 =	vld [tilespmem:s15+$0x90]  }
0x21d: {  	v45 =	vmul.f32 v14, v5  }
0x21e: {  	v34 =	vimm.s32 $0x8  }
0x21f: {  	v2 =	vperm.xlane v59, v34;
	[tilespmem:s16+$0x20] =	vst v45  }
0x220: {  	v1 =	vld [tilespmem:s19+$0xB0]  }
0x221: {  	v0 =	vmul.f32 v0, v2  }
0x222: {  	v19 =	vimm.s32 $0xA  }
0x223: {  	v50 =	vperm.xlane v42, v19;
	[tilespmem:s5+$0x90] =	vst v0  }
0x224: {  	v17 =	vld [tilespmem:s15+$0x10]  }
0x225: {  	v0 =	vmul.f32 v1, v50  }
0x226: {  	v18 =	vimm.s32 $0x1  }
0x227: {  	v1 =	vperm.xlane v59, v18;
	[tilespmem:s4+$0xB0] =	vst v0  }
0x228: {  	v0 =	vld [tilespmem:s19+$0x30]  }
0x229: {  	v1 =	vmul.f32 v17, v1  }
0x22a: {  	v33 =	vimm.s32 $0x3  }
0x22b: {  	[tilespmem:s5+$0x10] =	vst v1;
	v1 =	vperm.xlane v42, v33  }
0x22c: {  	v35 =	vld [tilespmem:s15+$0xA0]  }
0x22d: {  	v0 =	vmul.f32 v0, v1  }
0x22e: {  	v14 =	vimm.s32 $0x9  }
0x22f: {  	v45 =	vperm.xlane v59, v14;
	[tilespmem:s4+$0x30] =	vst v0  }
0x230: {  	v0 =	vld [tilespmem:s19+$0xC0]  }
0x231: {  	v1 =	vmul.f32 v35, v45  }
0x232: {  	v50 =	vimm.s32 $0xB  }
0x233: {  	[tilespmem:s5+$0xA0] =	vst v1;
	v1 =	vperm.xlane v42, v50  }
0x234: {  	v18 =	vld [tilespmem:s15+$0x20]  }
0x235: {  	v0 =	vmul.f32 v0, v1  }
0x236: {  	v35 =	vimm.s32 $0x2  }
0x237: {  	v33 =	vperm.xlane v59, v35  }
0x238: {  	[tilespmem:s4+$0xC0] =	vst v0  }
0x239: {  	v45 =	vimm.s32 $0xC;
	v3 =	vld [tilespmem:s19+$0x40];
	v1 =	vmul.f32 v18, v33;
	v0 =	vpop (erf)  }
0x23a: {  	v50 =	vperm.xlane v31, v45;
	[tilespmem:v61+s22+$0x0] =	vst.idx.msk $0xffff, v0  }
0x23b: {  	v33 =	vimm.s32 $0x4;
	[tilespmem:s5+$0x20] =	vst v1;
	v7 =	vld [tilespmem:s15+$0xFFFFFEE0]  }
0x23c: {  	v18 =	vmul.f32 v13, v50;
	v2 =	vperm.xlane v42, v33;
	v5 =	vld [tilespmem:s15+$0xB0]  }
0x23d: {  	v22 =	vimm.s32 $0x0;
	[tilespmem:s24+$0xFFFFFFD0] =	vst v9  }
0x23e: {  	v13 =	vperm.xlane v0, v22;
	[tilespmem:s3+$0xD0] =	vst v18;
	v45 =	vmul.f32 v3, v2  }
0x23f: {  	[tilespmem:s0+$0xFFFFFF50] =	vst v12;
	v50 =	vld [tilespmem:s1+$0x50];
	v3 =	vperm.xlane v59, v19  }
0x240: {  	[tilespmem:s4+$0x40] =	vst v45;
	v7 =	vmul.f32 v7, v13  }
0x241: {  	[tilespmem:s9+$0xFFFFFFC0] =	vst v4;
	v33 =	vimm.s32 $0x5;
	v4 =	vld [tilespmem:s19+$0xD0];
	v3 =	vmul.f32 v5, v3  }
0x242: {  	v61 =	vimm.s32 $0x7;
	v5 =	vperm.xlane v31, v33;
	[tilespmem:s5+$0xFFFFFEE0] =	vst v7  }
0x243: {  	v25 =	vimm.s32 $0xC;
	v6 =	vmul.f32 v6, v52;
	v18 =	vperm.xlane v27, v61;
	[tilespmem:s5+$0xB0] =	vst v3;
	v45 =	vld [tilespmem:s15+$0xFFFFFF70]  }
0x244: {  	[tilespmem:s8+$0xFFFFFFE0] =	vst v11;
	v2 =	vmul.f32 v50, v5;
	v3 =	vperm.xlane v42, v25;
	v5 =	vld [tilespmem:s15+$0x30]  }
0x245: {  	[tilespmem:s3+$0xFFFFFF10] =	vst v6;
	v1 =	vmul.f32 v8, v18  }
0x246: {  	v17 =	vimm.s32 $0x3;
	v9 =	vperm.xlane v0, v34;
	[tilespmem:s3+$0x50] =	vst v2;
	v50 =	vmul.f32 v4, v3  }
0x247: {  	[tilespmem:s18+$0x70] =	vst v1;
	v7 =	vperm.xlane v59, v17;
	v3 =	vmul.f32 v10, v62;
	v4 =	vld [tilespmem:s1+$0xE0]  }
0x248: {  	[tilespmem:s4+$0xD0] =	vst v50;
	v1 =	vmul.f32 v45, v9  }
0x249: {  	[tilespmem:s4+$0xFFFFFF80] =	vst v3;
	v3 =	vmul.f32 v5, v7;
	v5 =	vimm.s32 $0xD  }
0x24a: {  	v8 =	vld [tilespmem:s10+$0xFFFFFFB0];
	v5 =	vperm.xlane v31, v5;
	[tilespmem:s5+$0xFFFFFF70] =	vst v1  }
0x24b: {  	v2 =	vld [tilespmem:s19+$0x50];
	[tilespmem:s5+$0x30] =	vst v3  }
0x24c: {  	v3 =	vmul.f32 v4, v5;
	v5 =	vld [tilespmem:$0x1FE30]  }
0x24d: {  	v6 =	vld [tilespmem:s19+$0xFFFFFF00]  }
0x24e: {  	v52 =	vperm.xlane v42, v33;
	v7 =	vld [tilespmem:s1+$0xFFFFFFA0]  }
0x24f: {  	v9 =	vld [tilespmem:s10+$0x100]  }
0x250: {  	v4 =	vld [tilespmem:s15+$0xC0];
	v1 =	vmul.f32 v2, v52  }
0x251: {  	v12 =	vimm.s32 $0xF;
	[tilespmem:s3+$0xE0] =	vst v3;
	v5 =	vmul.f32 v8, v5;
	v8 =	vld [tilespmem:s15+$0xFFFFFEF0]  }
0x252: {  	v15 =	vimm.s32 $0xB;
	v45 =	vperm.xlane v27, v12;
	v3 =	vmul.f32 v6, v58;
	[tilespmem:s4+$0x50] =	vst v1  }
0x253: {  	v43 =	vimm.s32 $0x1;
	v7 =	vmul.f32 v7, v53;
	[tilespmem:s18+$0xFFFFFFB0] =	vst v5;
	v5 =	vperm.xlane v59, v15  }
0x254: {  	v6 =	vperm.xlane v0, v43;
	v62 =	vld [tilespmem:s1+$0x60];
	v1 =	vmul.f32 v9, v45;
	[tilespmem:s4+$0xFFFFFF00] =	vst v3  }
0x255: {  	v3 =	vld [tilespmem:s19+$0xE0];
	[tilespmem:s3+$0xFFFFFFA0] =	vst v7;
	v4 =	vmul.f32 v4, v5  }
0x256: {  	v11 =	vld [tilespmem:s19+$0xFFFFFF90];
	[tilespmem:s18+$0x100] =	vst v1;
	v6 =	vmul.f32 v8, v6  }
0x257: {  	v23 =	vimm.s32 $0x6;
	v7 =	vld [tilespmem:s1+$0xFFFFFF20];
	[tilespmem:s5+$0xC0] =	vst v4  }
0x258: {  	v10 =	vld [tilespmem:s10+$0xFFFFFF30];
	v5 =	vperm.xlane v31, v23;
	[tilespmem:s5+$0xFFFFFEF0] =	vst v6  }
0x259: {  	v1 =	vld [tilespmem:$0x1FE40]  }
0x25a: {  	v18 =	vimm.s32 $0xD;
	v2 =	vmul.f32 v62, v5  }
0x25b: {  	v52 =	vmul.f32 v11, v57;
	v4 =	vperm.xlane v42, v18  }
0x25c: {  	v7 =	vmul.f32 v7, v47;
	[tilespmem:s3+$0x60] =	vst v2  }
0x25d: {  	v8 =	vld [tilespmem:s31+$0xFFFFFF40];
	v50 =	vmul.f32 v3, v4;
	[tilespmem:s4+$0xFFFFFF90] =	vst v52  }
0x25e: {  	v5 =	vld [tilespmem:s15+$0x40];
	[tilespmem:s3+$0xFFFFFF20] =	vst v7;
	v1 =	vmul.f32 v10, v1  }
0x25f: {  	v6 =	vld [tilespmem:s15+$0xFFFFFF80];
	[tilespmem:s4+$0xE0] =	vst v50  }
0x260: {  	v24 =	vimm.s32 $0x4;
	v3 =	vld [tilespmem:s1+$0xF0];
	[tilespmem:s18+$0xFFFFFF30] =	vst v1  }
0x261: {  	v4 =	vperm.xlane v59, v24;
	v7 =	vld [tilespmem:$0x1FE00]  }
0x262: {  	v9 =	vperm.xlane v0, v14;
	v11 =	vimm.s32 $0xE;
	v10 =	vld [tilespmem:s10+$0xFFFFFFC0]  }
0x263: {  	v57 =	vmul.f32 v5, v4;
	v4 =	vperm.xlane v31, v11  }
0x264: {  	v6 =	vmul.f32 v6, v9  }
0x265: {  	v58 =	vmul.f32 v3, v4;
	[tilespmem:s5+$0x40] =	vst v57  }
0x266: {  	[tilespmem:s5+$0xFFFFFF80] =	vst v6;
	v7 =	vmul.f32 v8, v7  }
0x267: {  	v53 =	vld [tilespmem:s19+$0x60];
	[tilespmem:s3+$0xF0] =	vst v58;
	v6 =	vmul.f32 v10, v37  }
0x268: {  	v5 =	vld [tilespmem:s19+$0xFFFFFF10];
	[tilespmem:s9+$0xFFFFFF40] =	vst v7  }
0x269: {  	v8 =	vld [tilespmem:s1+$0xFFFFFFB0];
	[tilespmem:s18+$0xFFFFFFC0] =	vst v6  }
0x26a: {  	v13 =	vld [tilespmem:$0x1FEA0]  }
0x26b: {  	v3 =	vperm.xlane v42, v23  }
0x26c: {  	v4 =	vld [tilespmem:s15+$0xD0]  }
0x26d: {  	v1 =	vmul.f32 v53, v3;
	v7 =	vld [tilespmem:s15+$0xFFFFFF00]  }
0x26e: {  	v3 =	vmul.f32 v5, v56  }
0x26f: {  	v2 =	vld [tilespmem:s1+$0x70];
	v5 =	vperm.xlane v59, v25;
	[tilespmem:s4+$0x60] =	vst v1;
	v8 =	vmul.f32 v8, v13  }
0x270: {  	v10 =	vperm.xlane v0, v35;
	v6 =	vld [tilespmem:s14+$0xFFFFFF50];
	[tilespmem:s4+$0xFFFFFF10] =	vst v3  }
0x271: {  	v9 =	vld [tilespmem:s31+$0xFFFFFFD0];
	v3 =	vmul.f32 v4, v5;
	[tilespmem:s3+$0xFFFFFFB0] =	vst v8  }
0x272: {  	v7 =	vmul.f32 v7, v10;
	v8 =	vld [tilespmem:$0x1FE10]  }
0x273: {  	v1 =	vld [tilespmem:s19+$0xF0];
	[tilespmem:s5+$0xD0] =	vst v3  }
0x274: {  	v5 =	vld [tilespmem:s19+$0xFFFFFFA0];
	[tilespmem:s5+$0xFFFFFF00] =	vst v7  }
0x275: {  	v4 =	vperm.xlane v31, v61;
	v7 =	vld [tilespmem:$0x1FDE0]  }
0x276: {  	v3 =	vperm.xlane v42, v11  }
0x277: {  	v2 =	vmul.f32 v2, v4;
	v8 =	vmul.f32 v9, v8;
	v9 =	vld [tilespmem:s1+$0xFFFFFF30]  }
0x278: {  	v1 =	vmul.f32 v1, v3  }
0x279: {  	v4 =	vld [tilespmem:s15+$0x50];
	[tilespmem:s3+$0x70] =	vst v2;
	v3 =	vmul.f32 v5, v55  }
0x27a: {  	[tilespmem:s4+$0xF0] =	vst v1;
	v6 =	vmul.f32 v6, v7;
	v7 =	vld [tilespmem:s15+$0xFFFFFF90]  }
0x27b: {  	[tilespmem:s4+$0xFFFFFFA0] =	vst v3  }
0x27c: {  	[tilespmem:s9+$0xFFFFFFD0] =	vst v8;
	v9 =	vmul.f32 v9, v46  }
0x27d: {  	v5 =	vperm.xlane v59, v33;
	v10 =	vld [tilespmem:s1+$0x100];
	[tilespmem:s24+$0xFFFFFF50] =	vst v6;
	v6 =	vperm.xlane v0, v19  }
0x27e: {  	v8 =	vld [tilespmem:s10+$0xFFFFFF40];
	[tilespmem:s3+$0xFFFFFF30] =	vst v9  }
0x27f: {  	v3 =	vmul.f32 v4, v5;
	v5 =	vmul.f32 v7, v6;
	v7 =	vld [tilespmem:$0x1FE50]  }
0x280: {  	v62 =	vld [tilespmem:s2+$0xFFFFFFE0]  }
0x281: {  	v4 =	vld [tilespmem:s19+$0xFFFFFF20];
	v6 =	vperm.xlane v31, v12;
	[tilespmem:s5+$0x50] =	vst v3  }
0x282: {  	v3 =	vld [tilespmem:$0x1FDD0]  }
0x283: {  	v6 =	vmul.f32 v10, v6;
	[tilespmem:s5+$0xFFFFFF90] =	vst v5;
	v5 =	vld [tilespmem:s15+$0xE0]  }
0x284: {  	v1 =	vld [tilespmem:s19+$0x70];
	v7 =	vmul.f32 v8, v7  }
0x285: {  	[tilespmem:s3+$0x100] =	vst v6;
	v8 =	vld [tilespmem:s1+$0xFFFFFFC0]  }
0x286: {  	v4 =	vmul.f32 v4, v54;
	v6 =	vperm.xlane v59, v18;
	[tilespmem:s18+$0xFFFFFF40] =	vst v7;
	v7 =	vld [tilespmem:s15+$0xFFFFFF10]  }
0x287: {  	v2 =	vmul.f32 v62, v3;
	v3 =	vperm.xlane v42, v61  }
0x288: {  	[tilespmem:s4+$0xFFFFFF20] =	vst v4;
	v4 =	vmul.f32 v5, v6  }
0x289: {  	v9 =	vperm.xlane v0, v17;
	[tilespmem:s0+$0xFFFFFFE0] =	vst v2;
	v1 =	vmul.f32 v1, v3  }
0x28a: {  	v10 =	vld [tilespmem:s14+$0xFFFFFFE0];
	[tilespmem:s5+$0xE0] =	vst v4;
	v8 =	vmul.f32 v8, v44  }
0x28b: {  	v37 =	vld [tilespmem:s10+$0xFFFFFFD0];
	[tilespmem:s4+$0x70] =	vst v1;
	v6 =	vmul.f32 v7, v9  }
0x28c: {  	v3 =	vld [tilespmem:s31+$0xFFFFFF50];
	[tilespmem:s3+$0xFFFFFFC0] =	vst v8  }
0x28d: {  	v1 =	vld [tilespmem:s19+$0x100];
	[tilespmem:s5+$0xFFFFFF10] =	vst v6  }
0x28e: {  	v8 =	vld [tilespmem:$0x1FDF0];
	_ =	sdelay $0x1  }
0x28f: {  	v4 =	vperm.xlane v42, v12;
	v2 =	vmul.f32 v37, v39  }
0x290: {  	v3 =	vmul.f32 v3, v28  }
0x291: {  	[tilespmem:s18+$0xFFFFFFD0] =	vst v2;
	v1 =	vmul.f32 v1, v4  }
0x292: {  	v5 =	vld [tilespmem:s19+$0xFFFFFFB0];
	[tilespmem:s9+$0xFFFFFF50] =	vst v3;
	v8 =	vmul.f32 v10, v8  }
0x293: {  	v7 =	vld [tilespmem:s1+$0xFFFFFF40];
	[tilespmem:s4+$0x100] =	vst v1  }
0x294: {  	v44 =	vld [tilespmem:s15+$0xFFFFFFA0];
	[tilespmem:s24+$0xFFFFFFE0] =	vst v8  }
0x295: {  	v1 =	vld [tilespmem:$0x1FEC0];
	_ =	sdelay $0x1  }
0x296: {  	v3 =	vmul.f32 v5, v51;
	v5 =	vperm.xlane v0, v15  }
0x297: {  	v6 =	vld [tilespmem:s15+$0x60]  }
0x298: {  	v45 =	vmul.f32 v44, v5  }
0x299: {  	v1 =	vmul.f32 v7, v1  }
0x29a: {  	v4 =	vperm.xlane v59, v23;
	[tilespmem:s5+$0xFFFFFFA0] =	vst v45  }
0x29b: {  	[tilespmem:s3+$0xFFFFFF40] =	vst v1;
	v1 =	vld [tilespmem:s15+$0xFFFFFF20]  }
0x29c: {  	[tilespmem:s4+$0xFFFFFFB0] =	vst v3;
	v3 =	vmul.f32 v6, v4;
	_ =	sdelay $0x1  }
0x29d: {  	[tilespmem:s5+$0x60] =	vst v3;
	v3 =	vperm.xlane v0, v24;
	_ =	sdelay $0x1  }
0x29e: {  	v1 =	vmul.f32 v1, v3;
	_ =	sdelay $0x1  }
0x29f: {  	[tilespmem:s5+$0xFFFFFF20] =	vst v1  }
0x2a0: {  	v1 =	vld [tilespmem:s15+$0xFFFFFFB0];
	_ =	sdelay $0x2  }
0x2a1: {  	v3 =	vperm.xlane v0, v25;
	_ =	sdelay $0x1  }
0x2a2: {  	v1 =	vmul.f32 v1, v3;
	_ =	sdelay $0x1  }
0x2a3: {  	v4 =	vld [tilespmem:s19+$0xFFFFFF30];
	[tilespmem:s5+$0xFFFFFFB0] =	vst v1  }
0x2a4: {  	v1 =	vld [tilespmem:s15+$0xFFFFFF30];
	_ =	sdelay $0x2  }
0x2a5: {  	v3 =	vperm.xlane v0, v33  }
0x2a6: {  	v4 =	vmul.f32 v4, v48  }
0x2a7: {  	v1 =	vmul.f32 v1, v3  }
0x2a8: {  	[tilespmem:s4+$0xFFFFFF30] =	vst v4  }
0x2a9: {  	v3 =	vld [tilespmem:s19+$0xFFFFFFC0];
	[tilespmem:s5+$0xFFFFFF30] =	vst v1  }
0x2aa: {  	v1 =	vld [tilespmem:s15+$0xFFFFFFC0];
	_ =	sdelay $0x2  }
0x2ab: {  	v4 =	vperm.xlane v0, v18  }
0x2ac: {  	v3 =	vmul.f32 v3, v60  }
0x2ad: {  	v1 =	vmul.f32 v1, v4  }
0x2ae: {  	[tilespmem:s4+$0xFFFFFFC0] =	vst v3  }
0x2af: {  	v3 =	vld [tilespmem:s19+$0xFFFFFF40];
	[tilespmem:s5+$0xFFFFFFC0] =	vst v1  }
0x2b0: {  	v6 =	vld [tilespmem:$0x1FF70]  }
0x2b1: {  	v1 =	vld [tilespmem:s15+$0xFFFFFF40];
	_ =	sdelay $0x1  }
0x2b2: {  	v46 =	vld [tilespmem:s1+$0xFFFFFFD0]  }
0x2b3: {  	v4 =	vperm.xlane v0, v23  }
0x2b4: {  	v5 =	vld [tilespmem:s15+$0xF0];
	v3 =	vmul.f32 v3, v6  }
0x2b5: {  	v1 =	vmul.f32 v1, v4  }
0x2b6: {  	v6 =	vimm.s32 $0xE;
	[tilespmem:s4+$0xFFFFFF40] =	vst v3  }
0x2b7: {  	v2 =	vmul.f32 v46, v38;
	v3 =	vperm.xlane v59, v6;
	[tilespmem:s5+$0xFFFFFF40] =	vst v1;
	v4 =	vld [tilespmem:s19+$0xFFFFFFD0]  }
0x2b8: {  	v1 =	vld [tilespmem:s15+$0xFFFFFFD0]  }
0x2b9: {  	[tilespmem:s3+$0xFFFFFFD0] =	vst v2;
	v3 =	vmul.f32 v5, v3  }
0x2ba: {  	v2 =	vld [tilespmem:s1+$0xFFFFFF50]  }
0x2bb: {  	v5 =	vperm.xlane v0, v6;
	[tilespmem:s5+$0xF0] =	vst v3  }
0x2bc: {  	v3 =	vld [tilespmem:s15+$0x70];
	v4 =	vmul.f32 v4, v49  }
0x2bd: {  	v7 =	vld [tilespmem:s10+$0xFFFFFF50];
	v1 =	vmul.f32 v1, v5  }
0x2be: {  	[tilespmem:s4+$0xFFFFFFD0] =	vst v4  }
0x2bf: {  	v2 =	vmul.f32 v2, v40;
	v4 =	vperm.xlane v59, v61;
	[tilespmem:s5+$0xFFFFFFD0] =	vst v1;
	v5 =	vld [tilespmem:s19+$0xFFFFFF50]  }
0x2c0: {  	v1 =	vld [tilespmem:s15+$0xFFFFFF50]  }
0x2c1: {  	[tilespmem:s3+$0xFFFFFF50] =	vst v2;
	v3 =	vmul.f32 v3, v4  }
0x2c2: {  	v2 =	vld [tilespmem:s1+$0xFFFFFFE0];
	v4 =	vmul.f32 v7, v32  }
0x2c3: {  	v6 =	vperm.xlane v0, v61;
	v7 =	vld [tilespmem:s31+$0xFFFFFFE0];
	[tilespmem:s5+$0x70] =	vst v3  }
0x2c4: {  	[tilespmem:s18+$0xFFFFFF50] =	vst v4;
	v4 =	vmul.f32 v5, v63  }
0x2c5: {  	v3 =	vld [tilespmem:s15+$0x100];
	v1 =	vmul.f32 v1, v6  }
0x2c6: {  	v5 =	vld [tilespmem:s10+$0xFFFFFFE0];
	[tilespmem:s4+$0xFFFFFF50] =	vst v4  }
0x2c7: {  	v8 =	vimm.s32 $0xF;
	v2 =	vmul.f32 v2, v36;
	[tilespmem:s5+$0xFFFFFF50] =	vst v1;
	v6 =	vld [tilespmem:s19+$0xFFFFFFE0]  }
0x2c8: {  	v47 =	vmul.f32 v7, v26;
	v4 =	vperm.xlane v59, v8;
	v7 =	vld [tilespmem:s15+$0xFFFFFFE0];
	_ =	sdelay $0x1  }
0x2c9: {  	[tilespmem:s3+$0xFFFFFFE0] =	vst v2;
	v3 =	vmul.f32 v3, v4  }
0x2ca: {  	v0 =	vperm.xlane v0, v8;
	[tilespmem:s9+$0xFFFFFFE0] =	vst v47;
	v48 =	vmul.f32 v5, v30  }
0x2cb: {  	[tilespmem:s5+$0x100] =	vst v3;
	v49 =	vmul.f32 v6, v41  }
0x2cc: {  	[tilespmem:s18+$0xFFFFFFE0] =	vst v48;
	v0 =	vmul.f32 v7, v0  }
0x2cd: {  	s31 =	sshll.u32 s30, $0x1;
	[tilespmem:s4+$0xFFFFFFE0] =	vst v49  }
0x2ce: {  	s25 =	simm.s32 $0x50;
	s3 =	sadd.s32 $0x2, s31;
	[tilespmem:s5+$0xFFFFFFE0] =	vst v0;
	s24 =	rddreg [dreg:$0x2]  }
0x2cf: {  	[spmem:s24] =	stream.indirect.scatter.add.f32 [tilespmem:s22], [sflag:$0x4], $0x90, s25, s25, $0xb8;
	[tilespmem:$0x1FAD0] =	vst v63  }
0x2d0: {  	s19 =	smul.u32 $0x50, s3;
	_ =	swait.ge [sflag:s23], $0x2D00  }
0x2d1: {  	s4 =	rddreg [dreg:$0x7]  }
0x2d2: {  	s1 =	sadd.s32 s4, s19  }
0x2d3: {  	[sflag:s23] =	ssyncset.done $0x0;
	s5 =	rddreg [dreg:$0x4];
	s1 =	sshrl.u32 s1, $0x3  }
0x2d4: {  	s7 =	simm.s32 $0x0;
	[sflag:s23] =	ssyncadd.s32 $0xFFFFD300;
	s1 =	sadd.s32 s5, s1  }
0x2d5: {  	[tilespmem:s7], [sflag:$0x3] =	stream.linear.gather [hbm4b:s1+s7], $0x50, $0x38;
	[tilespmem:$0x1FAD0] =	vst v63  }
0x2d6: {  	s1 =	sadd.s32 $0x9C40, s1  }
0x2d7: {  	[tilespmem:s25], [sflag:$0x3] =	stream.linear.gather [hbm4b:s1+s7], $0x50, $0x38;
	[tilespmem:$0x1FAD0] =	vst v63  }
0x2d8: {  	_ =	swait.ge [sflag:s17], $0x50  }
0x2d9: {  	[sflag:s17] =	ssyncset.done $0x0  }
0x2da: {  	[sflag:s17] =	ssyncadd.s32 $0xFFFFFFB0  }
0x2db: {  	_ =	swait.ge [sflag:s17], $0x50  }
0x2dc: {  	[sflag:s17] =	ssyncset.done $0x0  }
0x2dd: {  	[sflag:s17] =	ssyncadd.s32 $0xFFFFFFB0  }
0x2de: {  	[tilespmem:s28], [sflag:$0x1] =	stream.indirect.gather [hbm4b:s6+s26], $0x90, s7, s26, $0xb8;
	[tilespmem:$0x1FAD0] =	vst v63  }
0x2df: {  	s8 =	simm.s32 $0xA40;
	s16 =	simm.s32 $0x40  }
0x2e0: {  	[tilespmem:s8], [sflag:$0x1] =	stream.indirect.gather [hbm4b:s6+s26], $0x90, s26, s26, $0xb8;
	[tilespmem:$0x1FAD0] =	vst v63  }
0x2e1: {  	s14 =	simm.s32 $0x30;
	s10 =	simm.s32 $0x1340;
	s9 =	simm.s32 $0x20  }
0x2e2: {  	[tilespmem:s10], [sflag:$0x1] =	stream.indirect.gather [hbm4b:s6+s26], $0x90, s9, s26, $0xb8;
	[tilespmem:$0x1FAD0] =	vst v63  }
0x2e3: {  	s0 =	smul.u32 $0x280, s3;
	s15 =	simm.s32 $0x1C40;
	s23 =	rddreg [dreg:$0x8]  }
0x2e4: {  	[tilespmem:s15], [sflag:$0x1] =	stream.indirect.gather [hbm4b:s6+s26], $0x90, s14, s26, $0xb8;
	[tilespmem:$0x1FAD0] =	vst v63  }
0x2e5: {  	s18 =	simm.s32 $0x2540;
	s24 =	rddreg [dreg:$0x5];
	s0 =	sadd.s32 s23, s0  }
0x2e6: {  	[tilespmem:s18], [sflag:$0x1] =	stream.indirect.gather [hbm4b:s6+s26], $0x90, s16, s26, $0xb8;
	[tilespmem:$0x1FAD0] =	vst v63  }
0x2e7: {  	s19 =	rddreg [dreg:$0x1];
	s0 =	sshrl.u32 s0, $0x3  }
0x2e8: {  	[tilespmem:s11], [sflag:$0x1] =	stream.indirect.gather [hbm4b:s19+s25], $0x10, s25, s25, $0xb8;
	[tilespmem:$0x1FAD0] =	vst v63  }
0x2e9: {  	s0 =	sadd.s32 s24, s0;
	s25 =	simm.s32 $0x6540  }
0x2ea: {  	[tilespmem:s25], [sflag:$0x1] =	stream.linear.gather [hbm4b:s0+s7], $0x280, $0x38;
	[tilespmem:$0x1FAD0] =	vst v63  }
0x2eb: {  	_ =	swait.ge [sflag:s12], $0x900  }
0x2ec: {  	[sflag:s12] =	ssyncset.done $0x0  }
0x2ed: {  	[sflag:s12] =	ssyncadd.s32 $0xFFFFF700  }
0x2ee: {  	_ =	swait.ge [sflag:s12], $0x900  }
0x2ef: {  	[sflag:s12] =	ssyncset.done $0x0  }
0x2f0: {  	[sflag:s12] =	ssyncadd.s32 $0xFFFFF700  }
0x2f1: {  	_ =	swait.ge [sflag:s12], $0x900  }
0x2f2: {  	[sflag:s12] =	ssyncset.done $0x0  }
0x2f3: {  	[sflag:s12] =	ssyncadd.s32 $0xFFFFF700  }
0x2f4: {  	_ =	swait.ge [sflag:s12], $0x900  }
0x2f5: {  	[sflag:s12] =	ssyncset.done $0x0  }
0x2f6: {  	[sflag:s12] =	ssyncadd.s32 $0xFFFFF700  }
0x2f7: {  	_ =	swait.ge [sflag:s12], $0x900  }
0x2f8: {  	s1 =	simm.s32 $0x2;
	[sflag:s12] =	ssyncset.done $0x0  }
0x2f9: {  	v50 =	vor.u32 s1, v16;
	[sflag:s12] =	ssyncadd.s32 $0xFFFFF700  }
0x2fa: {  	v51 =	vshll.u32 v50, $0x4;
	v0 =	vmul.u32 $0x90, v50;
	_ =	swait.ge [sflag:s12], $0x500  }
0x2fb: {  	v1 =	vor.u32 v20, v51;
	[sflag:s12] =	ssyncset.done $0x0  }
0x2fc: {  	v0 =	vadd.s32 v21, v0;
	[sflag:s12] =	ssyncadd.s32 $0xFFFFFB00  }
0x2fd: {  	_ =	swait.ge [sflag:s12], $0x280  }
0x2fe: {  	[sflag:s12] =	ssyncset.done $0x0  }
0x2ff: {  	[sflag:s12] =	ssyncadd.s32 $0xFFFFFD80  }
0x300: {  	v1 =	vld.idx.msk [tilespmem:v1+s21+$0x0], $0xffff  }
0x301: {  	v52 =	vld.idx.msk [tilespmem:v0+s20+$0x0], $0xffff  }
0x302: {  	s3 =	simm.s32 $0x67D0  }
0x303: {  	v3 =	vld [tilespmem:s3+$0x0];
	_ =	sdelay $0x2  }
0x304: {  	v1 =	vadd.f32 v1, v52;
	_ =	sdelay $0x1  }
0x305: {  	v48 =	vld [tilespmem:$0x1FFC0];
	v1 =	vadd.f32 v3, v1;
	_ =	sdelay $0x1  }
0x306: {  	v54 =	vmul.f32 $2.000000030e-01, v1;
	_ =	sdelay $0x1  }
0x307: {  	v1 =	vmax.f32 v1, v54  }
0x308: {  	v1 =	vsub.f32 v1, v48;
	_ =	sdelay $0x1  }
0x309: {  	v1 =	vmul.f32 $1.442695020e+00, v1;
	_ =	sdelay $0x1  }
0x30a: {  	(erf) = vpow2.f32 v1;
	_ =	sdelay $0x3  }
0x30b: {  	v55 =	vor.u32 s7, v16  }
0x30c: {  	v56 =	vmul.u32 $0x90, v55;
	_ =	sdelay $0x1  }
0x30d: {  	v2 =	vadd.s32 v21, v56;
	v1 =	vshll.u32 v55, $0x4  }
0x30e: {  	v1 =	vor.u32 v20, v1  }
0x30f: {  	s4 =	simm.s32 $0x6;
	v24 =	vpop (erf)  }
0x310: {  	v57 =	vor.u32 s4, v16;
	s1 =	simm.s32 $0x2F60;
	[tilespmem:v0+s22+$0x0] =	vst.idx.msk $0xffff, v24  }
0x311: {  	v4 =	vshll.u32 v57, $0x4;
	v0 =	vmul.u32 $0x90, v57;
	v3 =	vld [tilespmem:s1+$0x0]  }
0x312: {  	v4 =	vor.u32 v20, v4;
	v5 =	vld.idx.msk [tilespmem:v2+s20+$0x0], $0xffff  }
0x313: {  	v1 =	vld.idx.msk [tilespmem:v1+s21+$0x0], $0xffff;
	v7 =	vadd.s32 v21, v0  }
0x314: {  	v6 =	vperm.xlane v24, v22;
	_ =	sdelay $0x1  }
0x315: {  	v58 =	vmul.f32 v3, v6;
	v3 =	vld [tilespmem:s3+$0xFFFFFFF0]  }
0x316: {  	s24 =	simm.s32 $0x6B60;
	v4 =	vld.idx.msk [tilespmem:v4+s21+$0x0], $0xffff  }
0x317: {  	v1 =	vadd.f32 v1, v5;
	v5 =	vld.idx.msk [tilespmem:v7+s20+$0x0], $0xffff;
	[tilespmem:s24+$0x0] =	vst v58  }
0x318: {  	v0 =	vld [tilespmem:s1+$0x90]  }
0x319: {  	s5 =	simm.s32 $0x67F0  }
0x31a: {  	v1 =	vadd.f32 v3, v1;
	v3 =	vld [tilespmem:s5+$0x0]  }
0x31b: {  	v6 =	vperm.xlane v24, v34  }
0x31c: {  	v8 =	vmul.f32 $2.000000030e-01, v1  }
0x31d: {  	v4 =	vadd.f32 v4, v5;
	v0 =	vmul.f32 v0, v6  }
0x31e: {  	v1 =	vmax.f32 v1, v8  }
0x31f: {  	v1 =	vsub.f32 v1, v48;
	[tilespmem:s24+$0x90] =	vst v0;
	v59 =	vadd.f32 v3, v4  }
0x320: {  	v3 =	vld [tilespmem:s1+$0x10]  }
0x321: {  	v1 =	vmul.f32 $1.442695020e+00, v1;
	v4 =	vmul.f32 $2.000000030e-01, v59;
	_ =	sdelay $0x1  }
0x322: {  	s7 =	simm.s32 $0x4;
	v60 =	vperm.xlane v24, v43;
	(erf) = vpow2.f32 v1;
	v0 =	vmax.f32 v59, v4  }
0x323: {  	v4 =	vor.u32 s7, v16;
	v0 =	vsub.f32 v0, v48  }
0x324: {  	v5 =	vmul.u32 $0x90, v4;
	v1 =	vmul.f32 v3, v60  }
0x325: {  	v0 =	vmul.f32 $1.442695020e+00, v0  }
0x326: {  	v3 =	vshll.u32 v4, $0x4;
	v4 =	vadd.s32 v21, v5;
	[tilespmem:s24+$0x10] =	vst v1  }
0x327: {  	v62 =	vor.u32 v20, v3;
	v3 =	vld [tilespmem:s1+$0xA0];
	(erf) = vpow2.f32 v0;
	_ =	sdelay $0x2  }
0x328: {  	v5 =	vperm.xlane v24, v14  }
0x329: {  	v6 =	vld.idx.msk [tilespmem:v4+s20+$0x0], $0xffff;
	v0 =	vpop (erf)  }
0x32a: {  	v1 =	vld.idx.msk [tilespmem:v62+s21+$0x0], $0xffff;
	[tilespmem:v2+s22+$0x0] =	vst.idx.msk $0xffff, v0;
	v63 =	vmul.f32 v3, v5  }
0x32b: {  	v3 =	vld [tilespmem:s1+$0xFFFFFEE0]  }
0x32c: {  	v5 =	vld [tilespmem:s5+$0xFFFFFFF0];
	[tilespmem:s24+$0xA0] =	vst v63  }
0x32d: {  	v10 =	vimm.s32 $0x0;
	v2 =	vld [tilespmem:s1+$0x20]  }
0x32e: {  	v8 =	vperm.xlane v0, v10;
	v29 =	vpop (erf)  }
0x32f: {  	s2 =	simm.s32 $0x31A0;
	s8 =	simm.s32 $0xA;
	v1 =	vadd.f32 v1, v6;
	[tilespmem:v7+s22+$0x0] =	vst.idx.msk $0xffff, v29  }
0x330: {  	v6 =	vperm.xlane v24, v35;
	v7 =	vor.u32 s8, v16;
	v9 =	vld [tilespmem:s2+$0x0];
	v3 =	vmul.f32 v3, v8  }
0x331: {  	v1 =	vadd.f32 v5, v1;
	v5 =	vshll.u32 v7, $0x4  }
0x332: {  	v5 =	vor.u32 v20, v5;
	v2 =	vmul.f32 v2, v6;
	v6 =	vmul.u32 $0x90, v7;
	[tilespmem:s24+$0xFFFFFEE0] =	vst v3  }
0x333: {  	v3 =	vperm.xlane v29, v10;
	v7 =	vld [tilespmem:s1+$0xFFFFFF70]  }
0x334: {  	v8 =	vmul.f32 $2.000000030e-01, v1;
	[tilespmem:s24+$0x20] =	vst v2;
	v32 =	vadd.s32 v21, v6  }
0x335: {  	v6 =	vld [tilespmem:s1+$0xB0];
	v3 =	vmul.f32 v9, v3  }
0x336: {  	s0 =	simm.s32 $0x6DA0;
	v1 =	vmax.f32 v1, v8;
	v8 =	vperm.xlane v0, v34  }
0x337: {  	v5 =	vld.idx.msk [tilespmem:v5+s21+$0x0], $0xffff;
	[tilespmem:s0+$0x0] =	vst v3  }
0x338: {  	v1 =	vsub.f32 v1, v48;
	v3 =	vperm.xlane v24, v19;
	v9 =	vld [tilespmem:s2+$0x90];
	v7 =	vmul.f32 v7, v8  }
0x339: {  	s9 =	simm.s32 $0x6810;
	v8 =	vld.idx.msk [tilespmem:v32+s20+$0x0], $0xffff  }
0x33a: {  	v1 =	vmul.f32 $1.442695020e+00, v1;
	v3 =	vmul.f32 v6, v3;
	[tilespmem:s24+$0xFFFFFF70] =	vst v7;
	v6 =	vld [tilespmem:s9+$0x0]  }
0x33b: {  	v7 =	vld [tilespmem:s1+$0xFFFFFEF0]  }
0x33c: {  	v39 =	vperm.xlane v29, v34;
	(erf) = vpow2.f32 v1  }
0x33d: {  	v12 =	vimm.s32 $0x1;
	[tilespmem:s24+$0xB0] =	vst v3  }
0x33e: {  	s10 =	simm.s32 $0x8;
	v3 =	vld [tilespmem:s1+$0x30];
	v1 =	vmul.f32 v9, v39;
	v5 =	vadd.f32 v5, v8;
	v8 =	vperm.xlane v0, v12  }
0x33f: {  	v9 =	vor.u32 s10, v16  }
0x340: {  	v41 =	vmul.u32 $0x90, v9;
	[tilespmem:s0+$0x90] =	vst v1;
	v6 =	vadd.f32 v6, v5;
	v5 =	vmul.f32 v7, v8  }
0x341: {  	v10 =	vperm.xlane v24, v17;
	v11 =	vld [tilespmem:s2+$0x10]  }
0x342: {  	v1 =	vadd.s32 v21, v41;
	[tilespmem:s24+$0xFFFFFEF0] =	vst v5;
	v5 =	vshll.u32 v9, $0x4  }
0x343: {  	v3 =	vmul.f32 v3, v10;
	v7 =	vmul.f32 $2.000000030e-01, v6  }
0x344: {  	v8 =	vperm.xlane v29, v12  }
0x345: {  	v9 =	vld [tilespmem:s1+$0xFFFFFF80];
	v10 =	vor.u32 v20, v5;
	[tilespmem:s24+$0x30] =	vst v3;
	v3 =	vmax.f32 v6, v7;
	v5 =	vpop (erf)  }
0x346: {  	v6 =	vmul.f32 v11, v8;
	v3 =	vsub.f32 v3, v48;
	[tilespmem:v4+s22+$0x0] =	vst.idx.msk $0xffff, v5;
	v4 =	vld [tilespmem:s1+$0xC0]  }
0x347: {  	v8 =	vld.idx.msk [tilespmem:v1+s20+$0x0], $0xffff  }
0x348: {  	v7 =	vld [tilespmem:s2+$0xFFFFFEE0];
	[tilespmem:s0+$0x10] =	vst v6;
	v3 =	vmul.f32 $1.442695020e+00, v3  }
0x349: {  	v6 =	vperm.xlane v24, v15;
	v11 =	vld [tilespmem:s2+$0xA0]  }
0x34a: {  	v30 =	vimm.s32 $0x0;
	v10 =	vld.idx.msk [tilespmem:v10+s21+$0x0], $0xffff;
	(erf) = vpow2.f32 v3  }
0x34b: {  	v13 =	vimm.s32 $0x9;
	v3 =	vperm.xlane v5, v30;
	v4 =	vmul.f32 v4, v6  }
0x34c: {  	v12 =	vperm.xlane v29, v13;
	v13 =	vperm.xlane v0, v13;
	v6 =	vld [tilespmem:s9+$0xFFFFFFF0]  }
0x34d: {  	v3 =	vmul.f32 v7, v3;
	[tilespmem:s24+$0xC0] =	vst v4  }
0x34e: {  	v9 =	vmul.f32 v9, v13;
	v4 =	vld [tilespmem:s1+$0x40]  }
0x34f: {  	v7 =	vmul.f32 v11, v12;
	[tilespmem:s0+$0xFFFFFEE0] =	vst v3;
	v3 =	vadd.f32 v10, v8  }
0x350: {  	v42 =	vimm.s32 $0xC;
	v22 =	vimm.s32 $0x4;
	[tilespmem:s24+$0xFFFFFF80] =	vst v9  }
0x351: {  	v47 =	vperm.xlane v0, v42;
	v11 =	vld [tilespmem:s1+$0xFFFFFF00];
	[tilespmem:s0+$0xA0] =	vst v7;
	v3 =	vadd.f32 v6, v3;
	v6 =	vperm.xlane v24, v22  }
0x352: {  	v26 =	vperm.xlane v0, v33;
	v49 =	vperm.xlane v0, v18;
	v7 =	vld [tilespmem:s2+$0x20]  }
0x353: {  	v56 =	vperm.xlane v0, v23;
	v10 =	vld [tilespmem:s2+$0xFFFFFF70];
	v38 =	vpop (erf);
	v4 =	vmul.f32 v4, v6  }
0x354: {  	v53 =	vimm.s32 $0xE;
	s8 =	simm.s32 $0x33E0;
	v9 =	vperm.xlane v0, v35;
	v8 =	vmul.f32 $2.000000030e-01, v3;
	[tilespmem:v32+s22+$0x0] =	vst.idx.msk $0xffff, v38  }
0x355: {  	v58 =	vperm.xlane v0, v53;
	v12 =	vperm.xlane v29, v35;
	[tilespmem:s24+$0x40] =	vst v4;
	v4 =	vld [tilespmem:s8+$0x0]  }
0x356: {  	v13 =	vperm.xlane v5, v34;
	v9 =	vmul.f32 v11, v9;
	v3 =	vmax.f32 v3, v8;
	v14 =	vld [tilespmem:s1+$0xD0]  }
0x357: {  	v8 =	vperm.xlane v0, v15;
	v3 =	vsub.f32 v3, v48;
	v7 =	vmul.f32 v7, v12  }
0x358: {  	s14 =	simm.s32 $0xE;
	v10 =	vmul.f32 v10, v13;
	v12 =	vperm.xlane v38, v30  }
0x359: {  	v11 =	vor.u32 s14, v16;
	v13 =	vperm.xlane v24, v42;
	v3 =	vmul.f32 $1.442695020e+00, v3;
	[tilespmem:s0+$0x20] =	vst v7  }
0x35a: {  	v15 =	vshll.u32 v11, $0x4;
	v11 =	vmul.u32 $0x90, v11;
	[tilespmem:s24+$0xFFFFFF00] =	vst v9;
	v43 =	vld [tilespmem:s2+$0xB0];
	v4 =	vmul.f32 v4, v12  }
0x35b: {  	s14 =	simm.s32 $0x6FE0;
	[tilespmem:s0+$0xFFFFFF70] =	vst v10;
	v10 =	vor.u32 v20, v15;
	(erf) = vpow2.f32 v3;
	v3 =	vmul.f32 v14, v13  }
0x35c: {  	v2 =	vperm.xlane v0, v17;
	v6 =	vperm.xlane v0, v19;
	v9 =	vld [tilespmem:s1+$0xFFFFFF90];
	v14 =	vadd.s32 v21, v11;
	[tilespmem:s14+$0x0] =	vst v4  }
0x35d: {  	v40 =	vimm.s32 $0xF;
	v11 =	vperm.xlane v29, v19;
	v13 =	vperm.xlane v0, v61;
	[tilespmem:s24+$0xD0] =	vst v3;
	v3 =	vld [tilespmem:s8+$0x90]  }
0x35e: {  	v7 =	vperm.xlane v0, v22;
	v12 =	vld [tilespmem:s2+$0xFFFFFEF0];
	v0 =	vperm.xlane v0, v40  }
0x35f: {  	v11 =	vmul.f32 v43, v11;
	v4 =	vld [tilespmem:s1+$0x50];
	[tilespmem:$0x1FD20] =	vst v13  }
0x360: {  	v13 =	vld.idx.msk [tilespmem:v10+s21+$0x0], $0xffff;
	[tilespmem:$0x1FDC0] =	vst v0;
	v10 =	vperm.xlane v38, v34  }
0x361: {  	v54 =	vimm.s32 $0x1;
	v0 =	vld.idx.msk [tilespmem:v14+s20+$0x0], $0xffff;
	[tilespmem:s0+$0xB0] =	vst v11  }
0x362: {  	s15 =	simm.s32 $0x6830;
	v11 =	vperm.xlane v5, v54;
	v52 =	vld [tilespmem:s2+$0x30];
	v3 =	vmul.f32 v3, v10  }
0x363: {  	v6 =	vmul.f32 v9, v6;
	v60 =	vld [tilespmem:s15+$0x0]  }
0x364: {  	s16 =	simm.s32 $0xC;
	v55 =	vmovc v16;
	v59 =	vmovc v20;
	v20 =	vperm.xlane v24, v33;
	v22 =	vimm.s32 $0x3;
	v12 =	vmul.f32 v12, v11;
	[tilespmem:s14+$0x90] =	vst v3  }
0x365: {  	v62 =	vor.u32 s16, v55;
	v32 =	vperm.xlane v29, v22;
	[tilespmem:s24+$0xFFFFFF90] =	vst v6;
	v3 =	vld [tilespmem:s8+$0x10]  }
0x366: {  	v4 =	vmul.f32 v4, v20;
	v11 =	vpop (erf);
	[tilespmem:s0+$0xFFFFFEF0] =	vst v12;
	v12 =	vshll.u32 v62, $0x4;
	v0 =	vadd.f32 v13, v0  }
0x367: {  	v9 =	vmul.u32 $0x90, v62;
	v37 =	vld [tilespmem:s1+$0xFFFFFF10];
	[tilespmem:v1+s22+$0x0] =	vst.idx.msk $0xffff, v11;
	v12 =	vor.u32 v59, v12;
	v1 =	vmul.f32 v52, v32  }
0x368: {  	[tilespmem:s24+$0x50] =	vst v4;
	v4 =	vperm.xlane v38, v54;
	v36 =	vld [tilespmem:s8+$0xFFFFFEE0];
	v0 =	vadd.f32 v60, v0  }
0x369: {  	v13 =	vadd.s32 v21, v9;
	v9 =	vperm.xlane v5, v22;
	v21 =	vld [tilespmem:s1+$0xE0];
	[tilespmem:s0+$0x30] =	vst v1  }
0x36a: {  	v63 =	vimm.s32 $0x9;
	v41 =	vmul.f32 $2.000000030e-01, v0;
	v22 =	vld [tilespmem:s2+$0xC0];
	v3 =	vmul.f32 v3, v4  }
0x36b: {  	v44 =	vimm.s32 $0xD;
	v15 =	vperm.xlane v5, v63;
	v20 =	vld [tilespmem:s2+$0xFFFFFF80];
	v39 =	vperm.xlane v11, v30  }
0x36c: {  	v25 =	vimm.s32 $0xB;
	v43 =	vld.idx.msk [tilespmem:v12+s21+$0x0], $0xffff;
	v12 =	vperm.xlane v24, v44;
	v0 =	vmax.f32 v0, v41;
	[tilespmem:s14+$0x10] =	vst v3  }
0x36d: {  	v18 =	vmul.f32 v36, v39;
	v23 =	vsub.f32 v0, v48;
	v3 =	vperm.xlane v29, v25;
	v28 =	vld [tilespmem:s8+$0xA0]  }
0x36e: {  	v45 =	vld [tilespmem:s15+$0xFFFFFFF0];
	v2 =	vmul.f32 v37, v2;
	v12 =	vmul.f32 v21, v12  }
0x36f: {  	v42 =	vld.idx.msk [tilespmem:v13+s20+$0x0], $0xffff;
	[tilespmem:s14+$0xFFFFFEE0] =	vst v18;
	v21 =	vmul.f32 $1.442695020e+00, v23;
	v3 =	vmul.f32 v22, v3  }
0x370: {  	v15 =	vmul.f32 v20, v15;
	v23 =	vld [tilespmem:s8+$0xFFFFFF70];
	[tilespmem:s24+$0xE0] =	vst v12;
	v12 =	vperm.xlane v38, v63;
	v22 =	vimm.s32 $0x6  }
0x371: {  	v41 =	vperm.xlane v5, v22;
	(erf) = vpow2.f32 v21;
	v21 =	vld [tilespmem:$0x1FFD0];
	[tilespmem:s0+$0xC0] =	vst v3  }
0x372: {  	v46 =	vld [tilespmem:s1+$0x60];
	v50 =	vperm.xlane v24, v22;
	[tilespmem:s0+$0xFFFFFF80] =	vst v15;
	v12 =	vmul.f32 v28, v12  }
0x373: {  	v22 =	vperm.xlane v5, v53;
	v3 =	vperm.xlane v11, v34;
	[tilespmem:s24+$0xFFFFFF10] =	vst v2;
	v20 =	vld [tilespmem:s2+$0x40]  }
0x374: {  	v17 =	vperm.xlane v5, v35;
	v37 =	vperm.xlane v5, v61;
	v15 =	vld [tilespmem:s2+$0xFFFFFF00];
	[tilespmem:s14+$0xA0] =	vst v12  }
0x375: {  	v6 =	vperm.xlane v5, v25;
	v1 =	vadd.f32 v43, v42;
	v3 =	vmul.f32 v23, v3;
	v36 =	vld [tilespmem:s8+$0x20];
	[tilespmem:$0x1FD10] =	vst v22  }
0x376: {  	v27 =	vimm.s32 $0x4;
	v10 =	vperm.xlane v5, v19;
	v62 =	vperm.xlane v5, v33;
	v22 =	vld [tilespmem:s1+$0xFFFFFFA0];
	[tilespmem:$0x1FDA0] =	vst v37  }
0x377: {  	v1 =	vadd.f32 v45, v1;
	v12 =	vperm.xlane v29, v27;
	[tilespmem:s14+$0xFFFFFF70] =	vst v3;
	v3 =	vperm.xlane v5, v40  }
0x378: {  	v60 =	vperm.xlane v5, v44;
	v16 =	vmul.f32 v46, v50  }
0x379: {  	v51 =	vimm.s32 $0xC;
	v52 =	vmul.f32 $2.000000030e-01, v1;
	v39 =	vmul.f32 v20, v12;
	[tilespmem:$0x1FC70] =	vst v3  }
0x37a: {  	v4 =	vperm.xlane v5, v27;
	v0 =	vperm.xlane v5, v51;
	v3 =	vld [tilespmem:s8+$0xFFFFFEF0];
	[tilespmem:s24+$0x60] =	vst v16  }
0x37b: {  	v42 =	vperm.xlane v24, v53;
	v1 =	vmax.f32 v1, v52;
	v5 =	vperm.xlane v38, v35;
	v50 =	vpop (erf);
	[tilespmem:s0+$0x40] =	vst v39;
	v19 =	vld [tilespmem:s1+$0xF0]  }
0x37c: {  	s9 =	simm.s32 $0x3620;
	v1 =	vsub.f32 v1, v48;
	v12 =	vperm.xlane v11, v54;
	[tilespmem:v14+s22+$0x0] =	vst.idx.msk $0xffff, v50;
	v2 =	vld [tilespmem:s2+$0xD0]  }
0x37d: {  	v5 =	vmul.f32 v36, v5;
	v14 =	vmul.f32 v15, v17;
	v15 =	vld [tilespmem:s9+$0x0]  }
0x37e: {  	v1 =	vmul.f32 $1.442695020e+00, v1;
	v8 =	vmul.f32 v22, v8  }
0x37f: {  	s18 =	simm.s32 $0x12;
	[tilespmem:s14+$0x20] =	vst v5;
	v43 =	vmul.f32 v3, v12;
	v3 =	vperm.xlane v29, v51  }
0x380: {  	v45 =	vperm.xlane v50, v30;
	v5 =	vor.u32 s18, v55;
	[tilespmem:s24+$0xFFFFFFA0] =	vst v8;
	v8 =	vmul.f32 v19, v42  }
0x381: {  	(erf) = vpow2.f32 v1;
	[tilespmem:s0+$0xFFFFFF00] =	vst v14;
	v44 =	vshll.u32 v5, $0x4;
	v12 =	vld [tilespmem:s8+$0xB0];
	v46 =	vmul.f32 v2, v3  }
0x382: {  	v14 =	vld [tilespmem:s2+$0xFFFFFF90];
	v52 =	vmul.u32 $0x90, v5;
	v5 =	vmul.f32 v15, v45;
	v3 =	vor.u32 v59, v44;
	[tilespmem:s24+$0xF0] =	vst v8  }
0x383: {  	s10 =	simm.s32 $0x7220;
	v22 =	vimm.s32 $0xA;
	v19 =	vld [tilespmem:s1+$0xFFFFFF20];
	[tilespmem:s0+$0xD0] =	vst v46  }
0x384: {  	v28 =	vperm.xlane v11, v22;
	v8 =	vperm.xlane v38, v22;
	[tilespmem:s10+$0x0] =	vst v5;
	v22 =	vld [tilespmem:s2+$0x50]  }
0x385: {  	[tilespmem:s14+$0xFFFFFEF0] =	vst v43;
	v23 =	vld [tilespmem:s9+$0x90]  }
0x386: {  	s19 =	simm.s32 $0x10;
	v1 =	vadd.s32 v21, v52;
	v17 =	vld [tilespmem:s8+$0xFFFFFF80];
	v8 =	vmul.f32 v12, v8  }
0x387: {  	v20 =	vor.u32 s19, v55;
	v2 =	vld.idx.msk [tilespmem:v3+s21+$0x0], $0xffff;
	v3 =	vperm.xlane v29, v33  }
0x388: {  	s23 =	simm.s32 $0x6850;
	v37 =	vperm.xlane v50, v34;
	v15 =	vperm.xlane v11, v35;
	v35 =	vmul.u32 $0x90, v20;
	v18 =	vld [tilespmem:s1+$0x70]  }
0x389: {  	v32 =	vimm.s32 $0x6;
	v25 =	vimm.s32 $0xB;
	v46 =	vld [tilespmem:s23+$0x0];
	[tilespmem:s14+$0xB0] =	vst v8;
	v3 =	vmul.f32 v22, v3  }
0x38a: {  	v12 =	vadd.s32 v21, v35;
	v35 =	vld [tilespmem:s8+$0x30];
	v8 =	vpop (erf);
	v22 =	vmul.f32 v23, v37;
	v37 =	vperm.xlane v11, v32  }
0x38b: {  	v31 =	vimm.s32 $0x3;
	v16 =	vperm.xlane v11, v63;
	v36 =	vperm.xlane v11, v25;
	[tilespmem:v13+s22+$0x0] =	vst.idx.msk $0xffff, v8;
	v13 =	vld.idx.msk [tilespmem:v1+s20+$0x0], $0xffff  }
0x38c: {  	v57 =	vimm.s32 $0xD;
	v39 =	vperm.xlane v11, v27;
	v45 =	vperm.xlane v11, v51;
	v42 =	vld [tilespmem:s9+$0xFFFFFEE0];
	[tilespmem:$0x1FD50] =	vst v37  }
0x38d: {  	v20 =	vshll.u32 v20, $0x4;
	v44 =	vperm.xlane v11, v33;
	[tilespmem:s0+$0x50] =	vst v3;
	v3 =	vperm.xlane v11, v53  }
0x38e: {  	v20 =	vor.u32 v59, v20;
	v43 =	vperm.xlane v11, v57;
	v10 =	vmul.f32 v14, v10  }
0x38f: {  	v14 =	vperm.xlane v11, v61;
	v23 =	vperm.xlane v38, v31;
	v37 =	vld.idx.msk [tilespmem:v12+s20+$0x0], $0xffff;
	[tilespmem:$0x1FD80] =	vst v3  }
0x390: {  	v5 =	vperm.xlane v11, v31;
	v11 =	vperm.xlane v11, v40;
	[tilespmem:s10+$0x90] =	vst v22  }
0x391: {  	v35 =	vmul.f32 v35, v23;
	v3 =	vld [tilespmem:s2+$0xE0];
	[tilespmem:$0x1FC80] =	vst v14  }
0x392: {  	v2 =	vadd.f32 v2, v13;
	v13 =	vld [tilespmem:s9+$0x10];
	[tilespmem:$0x1FC90] =	vst v11  }
0x393: {  	v7 =	vmul.f32 v19, v7;
	v19 =	vperm.xlane v8, v30;
	v11 =	vld.idx.msk [tilespmem:v20+s21+$0x0], $0xffff;
	[tilespmem:s14+$0x30] =	vst v35  }
0x394: {  	v14 =	vperm.xlane v24, v61;
	v61 =	vperm.xlane v50, v54;
	[tilespmem:s0+$0xFFFFFF90] =	vst v10;
	v20 =	vld [tilespmem:s8+$0xC0]  }
0x395: {  	v2 =	vadd.f32 v46, v2;
	v10 =	vmul.f32 v17, v16;
	v16 =	vld [tilespmem:s23+$0xFFFFFFF0];
	[tilespmem:s24+$0xFFFFFF20] =	vst v7;
	v7 =	vmul.f32 v42, v19  }
0x396: {  	v46 =	vperm.xlane v38, v25;
	v35 =	vld [tilespmem:s2+$0xFFFFFF10]  }
0x397: {  	v33 =	vmul.f32 $2.000000030e-01, v2;
	v42 =	vld [tilespmem:s1+$0xFFFFFFB0];
	[tilespmem:s10+$0xFFFFFEE0] =	vst v7;
	v13 =	vmul.f32 v13, v61  }
0x398: {  	v14 =	vmul.f32 v18, v14;
	v7 =	vperm.xlane v29, v57;
	[tilespmem:s14+$0xFFFFFF80] =	vst v10  }
0x399: {  	v2 =	vmax.f32 v2, v33;
	v61 =	vld [tilespmem:s9+$0xFFFFFF70];
	v11 =	vadd.f32 v11, v37;
	[tilespmem:s10+$0x10] =	vst v13;
	v13 =	vmul.f32 v20, v46  }
0x39a: {  	[tilespmem:s24+$0x70] =	vst v14;
	v2 =	vsub.f32 v2, v48;
	v3 =	vmul.f32 v3, v7;
	v10 =	vld [tilespmem:s9+$0xA0]  }
0x39b: {  	v33 =	vperm.xlane v8, v34;
	v9 =	vmul.f32 v35, v9;
	v7 =	vadd.f32 v16, v11;
	v11 =	vld [tilespmem:s8+$0xFFFFFF00];
	[tilespmem:s14+$0xC0] =	vst v13  }
0x39c: {  	v2 =	vmul.f32 $1.442695020e+00, v2;
	[tilespmem:s0+$0xE0] =	vst v3;
	v13 =	vmul.f32 v42, v47;
	v35 =	vld [tilespmem:s8+$0x40]  }
0x39d: {  	v37 =	vperm.xlane v50, v63;
	[tilespmem:s0+$0xFFFFFF10] =	vst v9;
	v9 =	vld [tilespmem:s2+$0x60];
	v3 =	vmul.f32 $2.000000030e-01, v7  }
0x39e: {  	(erf) = vpow2.f32 v2;
	v17 =	vmul.f32 v61, v33;
	[tilespmem:s24+$0xFFFFFFB0] =	vst v13;
	v13 =	vld [tilespmem:s2+$0xFFFFFFA0]  }
0x39f: {  	v3 =	vmax.f32 v7, v3;
	v7 =	vperm.xlane v38, v27;
	v2 =	vmul.f32 v10, v37;
	v10 =	vld [tilespmem:s1+$0x100]  }
0x3a0: {  	v46 =	vperm.xlane v29, v32;
	[tilespmem:s10+$0xFFFFFF70] =	vst v17;
	v11 =	vmul.f32 v11, v15  }
0x3a1: {  	v14 =	vld [tilespmem:s1+$0xFFFFFF30];
	v3 =	vsub.f32 v3, v48;
	[tilespmem:s10+$0xA0] =	vst v2;
	v47 =	vmul.f32 v35, v7  }
0x3a2: {  	v17 =	vld [tilespmem:s9+$0xFFFFFEF0];
	v7 =	vmul.f32 v9, v46;
	[tilespmem:s14+$0xFFFFFF00] =	vst v11;
	v11 =	vperm.xlane v24, v40  }
0x3a3: {  	v3 =	vmul.f32 $1.442695020e+00, v3;
	v9 =	vld [tilespmem:s9+$0x20];
	v13 =	vmul.f32 v13, v6;
	[tilespmem:s14+$0x40] =	vst v47  }
0x3a4: {  	v42 =	vperm.xlane v8, v54;
	v54 =	vld [tilespmem:s8+$0xFFFFFF90];
	[tilespmem:s0+$0x60] =	vst v7;
	v10 =	vmul.f32 v10, v11  }
0x3a5: {  	(erf) = vpow2.f32 v3;
	v3 =	vld [tilespmem:s8+$0xD0];
	[tilespmem:s0+$0xFFFFFFA0] =	vst v13  }
0x3a6: {  	v57 =	vmul.f32 v14, v26;
	v14 =	vimm.s32 $0x2;
	v7 =	vld [tilespmem:s2+$0xF0];
	[tilespmem:$0x1FD30] =	vst v10  }
0x3a7: {  	v26 =	vpop (erf);
	v6 =	vperm.xlane v8, v14;
	v13 =	vperm.xlane v50, v14;
	v10 =	vld [tilespmem:s2+$0xFFFFFF20]  }
0x3a8: {  	s18 =	simm.s32 $0x3860;
	v11 =	vmul.f32 v17, v42;
	v14 =	vperm.xlane v29, v53;
	[tilespmem:v1+s22+$0x0] =	vst.idx.msk $0xffff, v26  }
0x3a9: {  	[tilespmem:s24+$0xFFFFFF30] =	vst v57;
	v61 =	vmul.f32 v9, v13;
	v13 =	vperm.xlane v38, v51;
	v33 =	vld [tilespmem:s18+$0x0]  }
0x3aa: {  	[tilespmem:s10+$0xFFFFFEF0] =	vst v11;
	v11 =	vmul.f32 v54, v28  }
0x3ab: {  	s25 =	simm.s32 $0x16;
	v2 =	vld [tilespmem:s1+$0xFFFFFFC0];
	[tilespmem:s10+$0x20] =	vst v61;
	v35 =	vmul.f32 v3, v13;
	v3 =	vmul.f32 v7, v14  }
0x3ac: {  	v17 =	vld [tilespmem:s9+$0xFFFFFF80];
	[tilespmem:s14+$0xFFFFFF90] =	vst v11;
	v7 =	vor.u32 s25, v55;
	v11 =	vperm.xlane v26, v30;
	v4 =	vmul.f32 v10, v4  }
0x3ad: {  	v13 =	vld [tilespmem:s9+$0xB0];
	[tilespmem:s14+$0xD0] =	vst v35;
	v10 =	vshll.u32 v7, $0x4  }
0x3ae: {  	v14 =	vld [tilespmem:s8+$0xFFFFFF10];
	[tilespmem:s0+$0xF0] =	vst v3;
	v3 =	vor.u32 v59, v10;
	v10 =	vmul.f32 v33, v11  }
0x3af: {  	s19 =	simm.s32 $0x7460;
	v37 =	vmul.u32 $0x90, v7;
	v7 =	vld [tilespmem:s8+$0x50];
	[tilespmem:s0+$0xFFFFFF20] =	vst v4  }
0x3b0: {  	v52 =	vimm.s32 $0xA;
	v20 =	vperm.xlane v8, v51;
	v57 =	vimm.s32 $0x5;
	v18 =	vld [tilespmem:s2+$0x70];
	[tilespmem:s19+$0x0] =	vst v10;
	v4 =	vpop (erf)  }
0x3b1: {  	v23 =	vimm.s32 $0xD;
	v42 =	vperm.xlane v50, v52;
	v16 =	vperm.xlane v8, v57;
	v19 =	vld [tilespmem:s2+$0xFFFFFFB0];
	[tilespmem:v12+s22+$0x0] =	vst.idx.msk $0xffff, v4  }
0x3b2: {  	v22 =	vperm.xlane v8, v23;
	v12 =	vld [tilespmem:s18+$0xFFFFFEE0];
	[tilespmem:$0x1FD40] =	vst v20  }
0x3b3: {  	v10 =	vmul.f32 v13, v42;
	[tilespmem:$0x1FD70] =	vst v16  }
0x3b4: {  	v20 =	vld [tilespmem:s18+$0x90];
	[tilespmem:$0x1FDB0] =	vst v22  }
0x3b5: {  	[tilespmem:s10+$0xB0] =	vst v10;
	v10 =	vperm.xlane v8, v32  }
0x3b6: {  	v13 =	vperm.xlane v38, v57  }
0x3b7: {  	v3 =	vld.idx.msk [tilespmem:v3+s21+$0x0], $0xffff;
	[tilespmem:$0x1FCA0] =	vst v10;
	v10 =	vperm.xlane v8, v53  }
0x3b8: {  	s4 =	simm.s32 $0x14;
	v15 =	vperm.xlane v8, v63;
	v11 =	vadd.s32 v21, v37;
	v7 =	vmul.f32 v7, v13  }
0x3b9: {  	v46 =	vperm.xlane v8, v25;
	v47 =	vperm.xlane v8, v31;
	v54 =	vor.u32 s4, v55;
	[tilespmem:$0x1FCB0] =	vst v10  }
0x3ba: {  	v24 =	vperm.xlane v26, v34;
	v61 =	vmul.u32 $0x90, v54;
	[tilespmem:s14+$0x50] =	vst v7;
	v7 =	vimm.s32 $0x7  }
0x3bb: {  	v9 =	vperm.xlane v8, v52;
	v1 =	vshll.u32 v54, $0x4;
	v22 =	vperm.xlane v8, v7  }
0x3bc: {  	v1 =	vor.u32 v59, v1;
	v2 =	vmul.f32 v2, v49;
	v10 =	vadd.s32 v21, v61;
	v13 =	vld [tilespmem:s9+$0x30]  }
0x3bd: {  	v35 =	vperm.xlane v8, v27;
	v16 =	vld.idx.msk [tilespmem:v11+s20+$0x0], $0xffff;
	v8 =	vperm.xlane v8, v40;
	[tilespmem:$0x1FCC0] =	vst v22  }
0x3be: {  	s5 =	simm.s32 $0x6870;
	v7 =	vperm.xlane v29, v7;
	v37 =	vld [tilespmem:s8+$0xE0];
	[tilespmem:s24+$0xFFFFFFC0] =	vst v2  }
0x3bf: {  	v54 =	vperm.xlane v50, v31;
	v20 =	vmul.f32 v20, v24;
	v33 =	vld [tilespmem:s5+$0x0];
	[tilespmem:$0x1FCD0] =	vst v8  }
0x3c0: {  	v18 =	vmul.f32 v18, v7;
	v7 =	vperm.xlane v4, v30;
	v8 =	vld [tilespmem:s1+$0xFFFFFF40]  }
0x3c1: {  	v13 =	vmul.f32 v13, v54;
	v49 =	vld.idx.msk [tilespmem:v10+s20+$0x0], $0xffff  }
0x3c2: {  	v12 =	vmul.f32 v12, v7;
	[tilespmem:s19+$0x90] =	vst v20;
	v1 =	vld.idx.msk [tilespmem:v1+s21+$0x0], $0xffff  }
0x3c3: {  	v57 =	vperm.xlane v38, v23;
	v5 =	vmul.f32 v14, v5;
	v3 =	vadd.f32 v3, v16;
	v16 =	vld [tilespmem:s18+$0x10];
	[tilespmem:s10+$0x30] =	vst v13  }
0x3c4: {  	v15 =	vmul.f32 v17, v15;
	[tilespmem:s19+$0xFFFFFEE0] =	vst v12;
	v12 =	vld [tilespmem:s5+$0xFFFFFFF0]  }
0x3c5: {  	v22 =	vimm.s32 $0x1;
	[tilespmem:s14+$0xFFFFFF10] =	vst v5;
	v13 =	vmul.f32 v37, v57;
	v2 =	vadd.f32 v33, v3;
	v3 =	vld [tilespmem:s9+$0xC0]  }
0x3c6: {  	v0 =	vmul.f32 v19, v0;
	v14 =	vld [tilespmem:s8+$0xFFFFFFA0];
	v33 =	vperm.xlane v26, v22  }
0x3c7: {  	v20 =	vperm.xlane v4, v34;
	v34 =	vld [tilespmem:s18+$0xFFFFFF70];
	[tilespmem:s14+$0xE0] =	vst v13;
	v13 =	vmul.f32 $2.000000030e-01, v2  }
0x3c8: {  	[tilespmem:s0+$0x70] =	vst v18;
	v57 =	vld [tilespmem:s8+$0x60];
	v16 =	vmul.f32 v16, v33;
	v33 =	vperm.xlane v50, v25  }
0x3c9: {  	[tilespmem:s10+$0xFFFFFF80] =	vst v15;
	v2 =	vmax.f32 v2, v13  }
0x3ca: {  	[tilespmem:s0+$0xFFFFFFB0] =	vst v0;
	v1 =	vadd.f32 v1, v49;
	v13 =	vld [tilespmem:s9+$0xFFFFFF00];
	v2 =	vsub.f32 v2, v48;
	v3 =	vmul.f32 v3, v33  }
0x3cb: {  	v42 =	vld [tilespmem:s2+$0x100];
	v5 =	vmul.f32 v8, v56;
	v8 =	vperm.xlane v38, v32;
	[tilespmem:s19+$0x10] =	vst v16  }
0x3cc: {  	v1 =	vadd.f32 v12, v1;
	v15 =	vmul.f32 v34, v20;
	v12 =	vld [tilespmem:s18+$0xA0];
	v2 =	vmul.f32 $1.442695020e+00, v2;
	[tilespmem:s10+$0xC0] =	vst v3  }
0x3cd: {  	[tilespmem:s24+$0xFFFFFF40] =	vst v5;
	v5 =	vmul.f32 v14, v36;
	v3 =	vmul.f32 v57, v8;
	v37 =	vld [tilespmem:s9+$0x40]  }
0x3ce: {  	v49 =	vld [tilespmem:s2+$0xFFFFFF30];
	v34 =	vmul.f32 $2.000000030e-01, v1;
	[tilespmem:s19+$0xFFFFFF70] =	vst v15;
	(erf) = vpow2.f32 v2  }
0x3cf: {  	v57 =	vperm.xlane v26, v63;
	v6 =	vmul.f32 v13, v6;
	v13 =	vld [tilespmem:s18+$0xFFFFFEF0];
	[tilespmem:s14+$0x60] =	vst v3  }
0x3d0: {  	v29 =	vperm.xlane v29, v40;
	v0 =	vmax.f32 v1, v34;
	v3 =	vperm.xlane v50, v27;
	v34 =	vld [tilespmem:s8+$0xF0]  }
0x3d1: {  	v51 =	vperm.xlane v4, v22;
	[tilespmem:s14+$0xFFFFFFA0] =	vst v5;
	v2 =	vmul.f32 v12, v57  }
0x3d2: {  	v5 =	vperm.xlane v38, v53;
	v0 =	vsub.f32 v0, v48;
	v12 =	vld [tilespmem:s1+$0xFFFFFFD0];
	[tilespmem:s10+$0xFFFFFF00] =	vst v6;
	v36 =	vmul.f32 v37, v3  }
0x3d3: {  	v57 =	vmul.f32 v42, v29;
	v14 =	vld [tilespmem:s9+$0xFFFFFF90];
	[tilespmem:s19+$0xA0] =	vst v2;
	v3 =	vmul.f32 v49, v62  }
0x3d4: {  	v0 =	vmul.f32 $1.442695020e+00, v0;
	v37 =	vld [tilespmem:s8+$0xFFFFFF20];
	v13 =	vmul.f32 v13, v51;
	[tilespmem:s10+$0x40] =	vst v36  }
0x3d5: {  	v15 =	vld [tilespmem:s18+$0x20];
	[tilespmem:s0+$0xFFFFFF30] =	vst v3;
	v42 =	vmul.f32 v34, v5;
	v5 =	vperm.xlane v4, v25  }
0x3d6: {  	v49 =	vld [tilespmem:s9+$0xD0];
	[tilespmem:s19+$0xFFFFFEF0] =	vst v13  }
0x3d7: {  	v33 =	vimm.s32 $0x2;
	(erf) = vpow2.f32 v0;
	v51 =	vld [tilespmem:s2+$0xFFFFFFC0];
	[tilespmem:$0x1FD60] =	vst v5;
	v29 =	vpop (erf)  }
0x3d8: {  	v3 =	vperm.xlane v26, v33;
	[tilespmem:v11+s22+$0x0] =	vst.idx.msk $0xffff, v29;
	v11 =	vperm.xlane v4, v27  }
0x3d9: {  	v5 =	vmul.f32 v14, v9;
	v13 =	vld [tilespmem:s18+$0xFFFFFF80];
	[tilespmem:s14+$0xF0] =	vst v42  }
0x3da: {  	v14 =	vimm.s32 $0xC;
	v3 =	vmul.f32 v15, v3;
	v0 =	vld [tilespmem:s8+$0x70];
	[tilespmem:$0x1FD90] =	vst v11  }
0x3db: {  	s3 =	simm.s32 $0x3AA0;
	s7 =	simm.s32 $0x1A;
	v9 =	vperm.xlane v50, v14;
	[tilespmem:s10+$0xFFFFFF90] =	vst v5;
	v5 =	vmul.f32 v37, v39  }
0x3dc: {  	v11 =	vld [tilespmem:s3+$0x0];
	[tilespmem:s19+$0x20] =	vst v3;
	v3 =	vor.u32 s7, v55  }
0x3dd: {  	v61 =	vimm.s32 $0x7;
	v1 =	vmul.f32 v49, v9;
	[tilespmem:s14+$0xFFFFFF20] =	vst v5;
	v5 =	vshll.u32 v3, $0x4  }
0x3de: {  	v2 =	vmul.f32 v51, v60;
	v9 =	vperm.xlane v38, v61;
	v15 =	vld [tilespmem:s18+$0xB0]  }
0x3df: {  	v7 =	vperm.xlane v4, v63;
	v60 =	vperm.xlane v29, v30;
	[tilespmem:s10+$0xD0] =	vst v1  }
0x3e0: {  	v37 =	vperm.xlane v4, v14;
	v14 =	vld [tilespmem:s9+$0xFFFFFF10];
	[tilespmem:s0+$0xFFFFFFC0] =	vst v2;
	v39 =	vor.u32 v59, v5;
	v0 =	vmul.f32 v0, v9;
	v5 =	vpop (erf)  }
0x3e1: {  	v62 =	vmul.u32 $0x90, v3;
	v3 =	vld [tilespmem:s9+$0x50];
	v9 =	vmul.f32 v11, v60;
	[tilespmem:v10+s22+$0x0] =	vst.idx.msk $0xffff, v5;
	v10 =	vperm.xlane v26, v52  }
0x3e2: {  	s4 =	simm.s32 $0x76A0;
	v56 =	vperm.xlane v4, v31;
	v8 =	vperm.xlane v4, v33;
	v18 =	vld [tilespmem:s2+$0xFFFFFF40];
	[tilespmem:s14+$0x70] =	vst v0  }
0x3e3: {  	v20 =	vimm.s32 $0x5;
	v16 =	vld [tilespmem:s8+$0xFFFFFFB0];
	[tilespmem:s4+$0x0] =	vst v9;
	v9 =	vmul.f32 v15, v10;
	v10 =	vperm.xlane v4, v53  }
0x3e4: {  	s15 =	simm.s32 $0x18;
	v28 =	vimm.s32 $0xD;
	v6 =	vperm.xlane v4, v52;
	v36 =	vperm.xlane v4, v20;
	v19 =	vld [tilespmem:s8+$0x100]  }
0x3e5: {  	v33 =	vperm.xlane v4, v32;
	v49 =	vor.u32 s15, v55;
	v11 =	vadd.s32 v21, v62;
	v1 =	vld [tilespmem:s3+$0xFFFFFEE0];
	[tilespmem:$0x1FCE0] =	vst v10  }
0x3e6: {  	v51 =	vmul.u32 $0x90, v49;
	v15 =	vperm.xlane v50, v20;
	[tilespmem:s19+$0xB0] =	vst v9;
	v9 =	vperm.xlane v4, v61  }
0x3e7: {  	v34 =	vperm.xlane v4, v28;
	v20 =	vld [tilespmem:s3+$0x90];
	v4 =	vperm.xlane v4, v40  }
0x3e8: {  	v17 =	vshll.u32 v49, $0x4;
	v10 =	vadd.s32 v21, v51;
	v60 =	vmul.f32 v3, v15;
	v0 =	vld.idx.msk [tilespmem:v39+s21+$0x0], $0xffff;
	[tilespmem:$0x1FCF0] =	vst v9  }
0x3e9: {  	v62 =	vimm.s32 $0x8;
	v3 =	vmul.f32 v12, v58;
	v12 =	vor.u32 v59, v17;
	v15 =	vld [tilespmem:s18+$0x30];
	[tilespmem:$0x1FD00] =	vst v4  }
0x3ea: {  	v9 =	vperm.xlane v29, v62;
	v4 =	vld.idx.msk [tilespmem:v11+s20+$0x0], $0xffff;
	[tilespmem:s10+$0x50] =	vst v60  }
0x3eb: {  	s16 =	simm.s32 $0x6890;
	v49 =	vld [tilespmem:s9+$0xE0]  }
0x3ec: {  	v39 =	vperm.xlane v26, v31;
	v51 =	vld [tilespmem:s16+$0x0];
	v20 =	vmul.f32 v20, v9  }
0x3ed: {  	v2 =	vperm.xlane v5, v30;
	v61 =	vld.idx.msk [tilespmem:v10+s20+$0x0], $0xffff  }
0x3ee: {  	v12 =	vld.idx.msk [tilespmem:v12+s21+$0x0], $0xffff;
	[tilespmem:s4+$0x90] =	vst v20;
	v20 =	vperm.xlane v50, v28;
	v15 =	vmul.f32 v15, v39  }
0x3ef: {  	v38 =	vperm.xlane v38, v40;
	v1 =	vmul.f32 v1, v2;
	v40 =	vld [tilespmem:s3+$0x10];
	v0 =	vadd.f32 v0, v4  }
0x3f0: {  	v54 =	vimm.s32 $0x1;
	v13 =	vmul.f32 v13, v7;
	v58 =	vld [tilespmem:s16+$0xFFFFFFF0];
	[tilespmem:s19+$0x30] =	vst v15;
	v15 =	vmul.f32 v49, v20  }
0x3f1: {  	v17 =	vperm.xlane v5, v62;
	v7 =	vmul.f32 v19, v38;
	[tilespmem:s4+$0xFFFFFEE0] =	vst v1;
	v49 =	vadd.f32 v51, v0;
	v51 =	vld [tilespmem:s18+$0xC0]  }
0x3f2: {  	v62 =	vperm.xlane v29, v54;
	v60 =	vperm.xlane v5, v54;
	v20 =	vld [tilespmem:s3+$0xFFFFFF70];
	[tilespmem:s10+$0xE0] =	vst v15  }
0x3f3: {  	[tilespmem:s19+$0xFFFFFF80] =	vst v13;
	v13 =	vmul.f32 v14, v47;
	v12 =	vadd.f32 v12, v61;
	v14 =	vmul.f32 $2.000000030e-01, v49;
	v15 =	vld [tilespmem:s9+$0x60]  }
0x3f4: {  	[tilespmem:s24+$0xFFFFFFD0] =	vst v3;
	v3 =	vld [tilespmem:s18+$0xFFFFFF00];
	v2 =	vmul.f32 v40, v62;
	v40 =	vperm.xlane v26, v25  }
0x3f5: {  	[tilespmem:s10+$0xFFFFFF10] =	vst v13;
	v13 =	vmul.f32 v16, v45;
	v12 =	vadd.f32 v58, v12;
	v1 =	vmax.f32 v49, v14  }
0x3f6: {  	v14 =	vld [tilespmem:s9+$0xFFFFFFA0];
	[tilespmem:s4+$0x10] =	vst v2;
	v49 =	vperm.xlane v50, v32;
	v1 =	vsub.f32 v1, v48;
	v47 =	vmul.f32 v51, v40  }
0x3f7: {  	[tilespmem:s14+$0xFFFFFFB0] =	vst v13;
	v13 =	vmul.f32 v20, v17;
	v51 =	vmul.f32 $2.000000030e-01, v12;
	v58 =	vld [tilespmem:s3+$0xA0]  }
0x3f8: {  	v20 =	vld [tilespmem:s8+$0xFFFFFF30];
	v1 =	vmul.f32 $1.442695020e+00, v1;
	[tilespmem:s19+$0xC0] =	vst v47;
	v61 =	vmul.f32 v15, v49  }
0x3f9: {  	v3 =	vmul.f32 v3, v8;
	[tilespmem:s4+$0xFFFFFF70] =	vst v13;
	v15 =	vmul.f32 v18, v41;
	v8 =	vld [tilespmem:s18+$0x40]  }
0x3fa: {  	v13 =	vld [tilespmem:s3+$0xFFFFFEF0];
	v12 =	vmax.f32 v12, v51;
	v18 =	vperm.xlane v29, v63;
	(erf) = vpow2.f32 v1;
	[tilespmem:s10+$0x60] =	vst v61  }
0x3fb: {  	v39 =	vimm.s32 $0x4;
	[tilespmem:s19+$0xFFFFFF00] =	vst v3;
	v3 =	vsub.f32 v12, v48;
	v38 =	vmul.f32 v14, v46;
	v12 =	vld [tilespmem:s9+$0xF0]  }
0x3fc: {  	[tilespmem:s0+$0xFFFFFF40] =	vst v15;
	v14 =	vld [tilespmem:s18+$0xFFFFFF90];
	v15 =	vperm.xlane v26, v39;
	v1 =	vmul.f32 v58, v18  }
0x3fd: {  	v40 =	vmul.f32 v20, v44;
	v3 =	vmul.f32 $1.442695020e+00, v3;
	[tilespmem:s10+$0xFFFFFFA0] =	vst v38  }
0x3fe: {  	v41 =	vld [tilespmem:s9+$0xFFFFFF20];
	[tilespmem:s4+$0xA0] =	vst v1;
	v58 =	vmul.f32 v8, v15;
	v8 =	vperm.xlane v50, v53  }
0x3ff: {  	[tilespmem:s14+$0xFFFFFF30] =	vst v40;
	v13 =	vmul.f32 v13, v60;
	(erf) = vpow2.f32 v3;
	v60 =	vld [tilespmem:s3+$0x20]  }
0x400: {  	v23 =	vimm.s32 $0x2;
	v3 =	vld [tilespmem:s8+$0xFFFFFFC0];
	[tilespmem:s19+$0x40] =	vst v58;
	v61 =	vmul.f32 v12, v8  }
0x401: {  	v27 =	vimm.s32 $0x5;
	v9 =	vperm.xlane v5, v63;
	[tilespmem:s4+$0xFFFFFEF0] =	vst v13;
	v6 =	vmul.f32 v14, v6;
	v8 =	vld [tilespmem:s18+$0xD0]  }
0x402: {  	v45 =	vperm.xlane v5, v27;
	v62 =	vld [tilespmem:s1+$0xFFFFFF50];
	v13 =	vperm.xlane v29, v23;
	[tilespmem:s10+$0xF0] =	vst v61  }
0x403: {  	v42 =	vimm.s32 $0xC;
	v4 =	vperm.xlane v5, v23;
	[tilespmem:s19+$0xFFFFFF90] =	vst v6;
	v19 =	vmul.f32 v41, v35;
	v38 =	vpop (erf);
	v14 =	vld [tilespmem:s9+$0x70]  }
0x404: {  	s29 =	simm.s32 $0x3CE0;
	s23 =	simm.s32 $0x1E;
	v16 =	vld [tilespmem:s2+$0xFFFFFFD0];
	v6 =	vperm.xlane v26, v42;
	v2 =	vmul.f32 v60, v13;
	[tilespmem:v11+s22+$0x0] =	vst.idx.msk $0xffff, v38  }
0x405: {  	v35 =	vmul.f32 v3, v43;
	v3 =	vor.u32 s23, v55;
	v61 =	vimm.s32 $0x7;
	[tilespmem:s10+$0xFFFFFF20] =	vst v19;
	v11 =	vld [tilespmem:s29+$0x0]  }
0x406: {  	v12 =	vld [tilespmem:s3+$0xFFFFFF80];
	v58 =	vshll.u32 v3, $0x4;
	[tilespmem:s4+$0x20] =	vst v2;
	v60 =	vmul.f32 v8, v6;
	v8 =	vperm.xlane v50, v61  }
0x407: {  	v0 =	vperm.xlane v5, v52;
	[tilespmem:s14+$0xFFFFFFC0] =	vst v35;
	v35 =	vmul.u32 $0x90, v3;
	v3 =	vor.u32 v59, v58;
	v17 =	vld [tilespmem:s3+$0xB0]  }
0x408: {  	v15 =	vld [tilespmem:s18+$0xFFFFFF10];
	v20 =	vperm.xlane v38, v30;
	v6 =	vpop (erf);
	[tilespmem:s19+$0xD0] =	vst v60;
	v58 =	vmul.f32 v14, v8  }
0x409: {  	v49 =	vperm.xlane v5, v31;
	v51 =	vperm.xlane v5, v25;
	[tilespmem:v10+s22+$0x0] =	vst.idx.msk $0xffff, v6;
	v1 =	vld [tilespmem:s18+$0x50]  }
0x40a: {  	s25 =	simm.s32 $0x1C;
	v35 =	vadd.s32 v21, v35;
	v10 =	vld [tilespmem:s29+$0xFFFFFEE0];
	v14 =	vperm.xlane v29, v52;
	v11 =	vmul.f32 v11, v20;
	[tilespmem:s10+$0x70] =	vst v58  }
0x40b: {  	s16 =	simm.s32 $0x78E0;
	v47 =	vperm.xlane v5, v39;
	v46 =	vperm.xlane v5, v42;
	v18 =	vor.u32 s25, v55;
	v2 =	vld [tilespmem:$0x1FD10]  }
0x40c: {  	v8 =	vmul.u32 $0x90, v18;
	v3 =	vld.idx.msk [tilespmem:v3+s21+$0x0], $0xffff;
	[tilespmem:s16+$0x0] =	vst v11;
	v11 =	vmul.f32 v17, v14;
	v14 =	vperm.xlane v26, v27  }
0x40d: {  	v44 =	vperm.xlane v5, v28;
	v41 =	vperm.xlane v5, v53;
	v53 =	vimm.s32 $0xF;
	v58 =	vld [tilespmem:$0x1FD20]  }
0x40e: {  	v40 =	vperm.xlane v5, v61;
	v61 =	vadd.s32 v21, v8;
	v8 =	vld [tilespmem:s9+$0x100];
	v1 =	vmul.f32 v1, v14  }
0x40f: {  	v43 =	vperm.xlane v5, v32;
	v39 =	vperm.xlane v5, v53;
	v60 =	vshll.u32 v18, $0x4;
	v20 =	vld.idx.msk [tilespmem:v35+s20+$0x0], $0xffff  }
0x410: {  	v5 =	vor.u32 v59, v60;
	v60 =	vperm.xlane v6, v30;
	v2 =	vmul.f32 v16, v2;
	v16 =	vld [tilespmem:s29+$0x90];
	[tilespmem:s19+$0x50] =	vst v1  }
0x411: {  	[tilespmem:s4+$0xB0] =	vst v11;
	v18 =	vld [tilespmem:s18+$0xE0]  }
0x412: {  	v22 =	vimm.s32 $0x8;
	v10 =	vmul.f32 v10, v60;
	v17 =	vmul.f32 v62, v58;
	v58 =	vld [tilespmem:s3+$0x30]  }
0x413: {  	v11 =	vperm.xlane v6, v22;
	v62 =	vperm.xlane v38, v22;
	v22 =	vld [tilespmem:$0x1FD30];
	[tilespmem:s0+$0x100] =	vst v57  }
0x414: {  	s5 =	simm.s32 $0x68B0;
	v13 =	vld [tilespmem:s9+$0xFFFFFFB0];
	v9 =	vmul.f32 v12, v9;
	v50 =	vperm.xlane v50, v53;
	[tilespmem:s14+$0x100] =	vst v7  }
0x415: {  	v53 =	vld [tilespmem:s5+$0x0];
	v59 =	vperm.xlane v29, v31;
	[tilespmem:s16+$0xFFFFFEE0] =	vst v10;
	v1 =	vmul.f32 v16, v62  }
0x416: {  	v19 =	vld [tilespmem:s8+$0xFFFFFF40];
	v7 =	vmul.f32 v8, v50;
	v50 =	vperm.xlane v26, v28;
	[tilespmem:s4+$0xFFFFFF80] =	vst v9  }
0x417: {  	v5 =	vld.idx.msk [tilespmem:v5+s21+$0x0], $0xffff;
	[tilespmem:s16+$0x90] =	vst v1;
	v1 =	vmul.f32 v58, v59  }
0x418: {  	v12 =	vld.idx.msk [tilespmem:v61+s20+$0x0], $0xffff;
	v3 =	vadd.f32 v3, v20;
	v50 =	vmul.f32 v18, v50;
	[tilespmem:s24+$0x100] =	vst v22  }
0x419: {  	v9 =	vmul.f32 v15, v56;
	v58 =	vperm.xlane v6, v52;
	v52 =	vld [tilespmem:s29+$0xFFFFFF70];
	[tilespmem:s4+$0x30] =	vst v1  }
0x41a: {  	v3 =	vadd.f32 v53, v3;
	v53 =	vld [tilespmem:$0x1FD40];
	[tilespmem:s19+$0xE0] =	vst v50  }
0x41b: {  	v10 =	vld [tilespmem:s29+$0x10];
	[tilespmem:s19+$0xFFFFFF10] =	vst v9  }
0x41c: {  	v20 =	vld [tilespmem:$0x1FD50]  }
0x41d: {  	v15 =	vld [tilespmem:s3+$0xC0];
	v9 =	vmul.f32 $2.000000030e-01, v3  }
0x41e: {  	v14 =	vperm.xlane v6, v54;
	v54 =	vperm.xlane v38, v54  }
0x41f: {  	v8 =	vld [tilespmem:s5+$0xFFFFFFF0];
	v3 =	vmax.f32 v3, v9;
	v9 =	vmul.f32 v52, v11  }
0x420: {  	v59 =	vadd.f32 v5, v12;
	v50 =	vld [tilespmem:s3+$0xFFFFFF00];
	[tilespmem:s0+$0xFFFFFFD0] =	vst v2;
	v5 =	vmul.f32 v10, v54;
	v10 =	vperm.xlane v29, v25  }
0x421: {  	[tilespmem:s16+$0xFFFFFF70] =	vst v9;
	v13 =	vmul.f32 v13, v53;
	v19 =	vmul.f32 v19, v20;
	v20 =	vld [tilespmem:s18+$0x60]  }
0x422: {  	v10 =	vmul.f32 v15, v10;
	[tilespmem:s16+$0x10] =	vst v5  }
0x423: {  	[tilespmem:s10+$0xFFFFFFB0] =	vst v13  }
0x424: {  	v12 =	vld [tilespmem:s18+$0xFFFFFFA0];
	v2 =	vadd.f32 v8, v59;
	v13 =	vperm.xlane v26, v32;
	[tilespmem:s4+$0xC0] =	vst v10  }
0x425: {  	v1 =	vmul.f32 v50, v4;
	[tilespmem:s14+$0xFFFFFF40] =	vst v19;
	v11 =	vld [tilespmem:s9+$0xFFFFFF30]  }
0x426: {  	v9 =	vmul.f32 $2.000000030e-01, v2;
	v10 =	vld [tilespmem:$0x1FD60];
	[tilespmem:s24+$0xFFFFFF50] =	vst v17;
	v5 =	vmul.f32 v20, v13  }
0x427: {  	v4 =	vld [tilespmem:s8+$0xFFFFFFD0];
	[tilespmem:s4+$0xFFFFFF00] =	vst v1  }
0x428: {  	v2 =	vmax.f32 v2, v9;
	v9 =	vld [tilespmem:$0x1FD70];
	[tilespmem:s19+$0x60] =	vst v5  }
0x429: {  	v3 =	vsub.f32 v3, v48;
	v5 =	vld [tilespmem:$0x1FD80];
	_ =	sdelay $0x1  }
0x42a: {  	v3 =	vmul.f32 $1.442695020e+00, v3;
	v8 =	vld [tilespmem:s29+$0xA0]  }
0x42b: {  	v10 =	vmul.f32 v12, v10;
	v12 =	vld [tilespmem:s29+$0xFFFFFEF0]  }
0x42c: {  	(erf) = vpow2.f32 v3;
	v3 =	vld [tilespmem:s3+$0x40];
	v9 =	vmul.f32 v11, v9  }
0x42d: {  	v11 =	vperm.xlane v38, v63;
	v4 =	vmul.f32 v4, v5;
	v5 =	vld [tilespmem:s3+$0xFFFFFF90]  }
0x42e: {  	v24 =	vimm.s32 $0x4;
	[tilespmem:s10+$0x100] =	vst v7  }
0x42f: {  	[tilespmem:s19+$0xFFFFFFA0] =	vst v10;
	v8 =	vmul.f32 v8, v11;
	v11 =	vperm.xlane v29, v24  }
0x430: {  	[tilespmem:s10+$0xFFFFFF30] =	vst v9;
	v7 =	vmul.f32 v12, v14  }
0x431: {  	v3 =	vmul.f32 v3, v11;
	[tilespmem:s16+$0xA0] =	vst v8  }
0x432: {  	[tilespmem:s16+$0xFFFFFEF0] =	vst v7;
	v0 =	vmul.f32 v5, v0  }
0x433: {  	v10 =	vld [tilespmem:s18+$0xF0];
	[tilespmem:s4+$0x40] =	vst v3  }
0x434: {  	v12 =	vld [tilespmem:s18+$0xFFFFFF20];
	[tilespmem:s4+$0xFFFFFF90] =	vst v0  }
0x435: {  	v0 =	vld [tilespmem:$0x1FD90]  }
0x436: {  	v9 =	vimm.s32 $0xE  }
0x437: {  	v8 =	vperm.xlane v26, v9;
	_ =	sdelay $0x1  }
0x438: {  	v18 =	vld [tilespmem:s2+$0xFFFFFF50];
	v3 =	vmul.f32 v10, v8  }
0x439: {  	v23 =	vimm.s32 $0x2;
	v19 =	vld [tilespmem:s9+$0xFFFFFFC0];
	v0 =	vmul.f32 v12, v0  }
0x43a: {  	v60 =	vperm.xlane v6, v23;
	v57 =	vperm.xlane v6, v31;
	v5 =	vld [tilespmem:$0x1FDA0];
	[tilespmem:s19+$0xF0] =	vst v3  }
0x43b: {  	v56 =	vperm.xlane v6, v25;
	v62 =	vperm.xlane v6, v63;
	v2 =	vsub.f32 v2, v48;
	v11 =	vld [tilespmem:s1+$0xFFFFFFE0];
	[tilespmem:s19+$0xFFFFFF20] =	vst v0  }
0x43c: {  	v59 =	vperm.xlane v6, v28;
	v52 =	vperm.xlane v6, v27;
	v0 =	vld [tilespmem:$0x1FDB0]  }
0x43d: {  	v50 =	vperm.xlane v6, v32;
	v2 =	vmul.f32 $1.442695020e+00, v2;
	v32 =	vld [tilespmem:$0x1FDC0]  }
0x43e: {  	v22 =	vimm.s32 $0xF;
	v54 =	vperm.xlane v6, v24;
	v53 =	vperm.xlane v6, v42;
	v14 =	vld [tilespmem:s29+$0x20]  }
0x43f: {  	v55 =	vimm.s32 $0x7;
	v42 =	vperm.xlane v6, v22;
	(erf) = vpow2.f32 v2;
	v13 =	vld [tilespmem:s29+$0xFFFFFF80]  }
0x440: {  	v63 =	vperm.xlane v6, v55;
	v48 =	vperm.xlane v6, v9;
	v8 =	vld [tilespmem:s3+$0xFFFFFF10]  }
0x441: {  	s15 =	simm.s32 $0x3CE0;
	v9 =	vperm.xlane v38, v23;
	v12 =	vld [tilespmem:s3+$0xD0];
	v7 =	vmul.f32 v18, v5  }
0x442: {  	s7 =	simm.s32 $0xE;
	s25 =	simm.s32 $0x20;
	v55 =	vpop (erf);
	s1 =	simm.s32 $0x78E0;
	v5 =	vmul.f32 v19, v0;
	v6 =	vmul.f32 v11, v32;
	v11 =	vld [tilespmem:s18+$0x70]  }
.LBB2_7:
0x443: {  	v15 =	vld [tilespmem:$0x1FFE0]  }
0x444: {  	v23 =	vimm.s32 $0xC  }
0x445: {  	v2 =	vperm.xlane v29, v23;
	_ =	sdelay $0x1  }
0x446: {  	s23 =	sadd.s32 $0x2, s25;
	[tilespmem:v35+s22+$0x0] =	vst.idx.msk $0xffff, v55;
	s29 =	sadd.s32 $0x240, s29;
	v32 =	vmul.f32 v12, v2;
	v12 =	vld [tilespmem:$0x1FCF0]  }
0x447: {  	v1 =	vmul.f32 v14, v9;
	v16 =	vor.u32 s25, v15;
	v14 =	vor.u32 s23, v15;
	v15 =	vld [tilespmem:s29+$0x0];
	_ =	sdelay $0x1  }
0x448: {  	v19 =	vimm.s32 $0x0;
	v9 =	vmul.u32 $0x90, v16  }
0x449: {  	v3 =	vld [tilespmem:s18+$0xFFFFFFB0];
	v22 =	vperm.xlane v55, v19  }
0x44a: {  	[tilespmem:s10+$0xFFFFFFC0] =	vst v5;
	v5 =	vmov v12;
	v12 =	vadd.s32 v21, v9;
	v9 =	vld [tilespmem:$0x1FFF0]  }
0x44b: {  	v15 =	vmul.f32 v15, v22;
	v22 =	vld [tilespmem:$0x1FC90];
	_ =	sdelay $0x1  }
0x44c: {  	v27 =	vimm.s32 $0x7  }
0x44d: {  	v0 =	vmovc v44;
	v44 =	vmovc v59;
	v35 =	vperm.xlane v26, v27;
	v17 =	vld [tilespmem:s9+$0xFFFFFF40];
	[tilespmem:s14+$0xFFFFFFD0] =	vst v4;
	v4 =	vmov v40;
	v59 =	vshll.u32 v14, $0x4  }
0x44e: {  	[tilespmem:$0x1FCF0] =	vst v4;
	v10 =	vshll.u32 v16, $0x4;
	v16 =	vor.u32 v9, v59;
	v59 =	vld [tilespmem:$0x1FC70]  }
0x44f: {  	v40 =	vmul.f32 v11, v35;
	[tilespmem:s16+$0x20] =	vst v1;
	v14 =	vmul.u32 $0x90, v14;
	v24 =	vmov v22;
	v22 =	vld [tilespmem:$0x1FCD0]  }
0x450: {  	v18 =	vld [tilespmem:s15+$0xB0];
	[tilespmem:s4+$0xD0] =	vst v32  }
0x451: {  	v35 =	vadd.s32 v21, v14;
	v14 =	vld [tilespmem:s3+$0x50];
	[tilespmem:s19+$0x70] =	vst v40;
	v4 =	vor.u32 v9, v10;
	v9 =	vpop (erf)  }
0x452: {  	v11 =	vld [tilespmem:s8+$0xFFFFFF50];
	[tilespmem:v61+s22+$0x0] =	vst.idx.msk $0xffff, v9  }
0x453: {  	v21 =	vimm.s32 $0xA;
	v2 =	vperm.xlane v9, v19;
	v19 =	vld [tilespmem:s29+$0xFFFFFEE0];
	[tilespmem:s0+$0xFFFFFF50] =	vst v7  }
0x454: {  	v20 =	vperm.xlane v38, v21;
	[tilespmem:s24+$0xFFFFFFE0] =	vst v6;
	v10 =	vmov v59;
	v59 =	vld [tilespmem:s18+$0x100];
	v7 =	vmov v22  }
0x455: {  	s16 =	sadd.s32 $0x240, s16;
	v61 =	vmov v12;
	[tilespmem:$0x1FC90] =	vst v7;
	v7 =	vld.idx.msk [tilespmem:v16+s21+$0x0], $0xffff  }
0x456: {  	v13 =	vmul.f32 v13, v62;
	s24 =	smov.u32 s0;
	s0 =	smov.u32 s14;
	s14 =	smov.u32 s10;
	[tilespmem:s16+$0x0] =	vst v15;
	v15 =	vmul.f32 v18, v20;
	v20 =	vld [tilespmem:$0x1FD00]  }
0x457: {  	s10 =	smov.u32 s19;
	s19 =	smov.u32 s4;
	s4 =	smov.u32 s1;
	[tilespmem:$0x1FC70] =	vst v24;
	v22 =	vimm.s32 $0x5  }
0x458: {  	v6 =	vmov v39;
	[tilespmem:s4+$0xFFFFFF80] =	vst v13;
	v2 =	vmul.f32 v19, v2;
	v16 =	vperm.xlane v29, v22  }
0x459: {  	[tilespmem:$0x1FD00] =	vst v6;
	v18 =	vld [tilespmem:s29+$0x90]  }
0x45a: {  	v6 =	vmul.f32 v14, v16;
	v16 =	vld.idx.msk [tilespmem:v61+s20+$0x0], $0xffff;
	[tilespmem:s16+$0xFFFFFEE0] =	vst v2  }
0x45b: {  	v8 =	vmul.f32 v8, v49;
	v40 =	vmovc v63;
	v24 =	vimm.s32 $0xF;
	v63 =	vmov v20;
	v20 =	vld.idx.msk [tilespmem:v35+s20+$0x0], $0xffff;
	[tilespmem:s1+$0xB0] =	vst v15  }
0x45c: {  	v28 =	vimm.s32 $0x8;
	v14 =	vperm.xlane v26, v24;
	v26 =	vmovc v29;
	v29 =	vmovc v38;
	v38 =	vmov v55;
	[tilespmem:$0x1FCD0] =	vst v63;
	v13 =	vld [tilespmem:s15+$0x30]  }
0x45d: {  	v4 =	vld.idx.msk [tilespmem:v4+s21+$0x0], $0xffff;
	v63 =	vperm.xlane v38, v28;
	[tilespmem:s19+$0x50] =	vst v6;
	v6 =	vperm.xlane v9, v21;
	v21 =	vimm.s32 $0x3  }
0x45e: {  	s5 =	sadd.s32 $0x20, s5;
	v39 =	vmov v42;
	v14 =	vmul.f32 v59, v14;
	v59 =	vperm.xlane v9, v21;
	v42 =	vld [tilespmem:s3+$0xE0]  }
0x45f: {  	v2 =	vld [tilespmem:s5+$0xFFFFFFF0];
	[tilespmem:s19+$0xFFFFFF10] =	vst v8;
	v18 =	vmul.f32 v18, v63;
	v63 =	vperm.xlane v29, v21  }
0x460: {  	v55 =	vld [tilespmem:s5+$0x0];
	[tilespmem:s10+$0x100] =	vst v14;
	v21 =	vimm.s32 $0xD  }
0x461: {  	v49 =	vmovc v57;
	v8 =	vld [tilespmem:s29+$0xFFFFFF70];
	v57 =	vmov v59;
	v59 =	vperm.xlane v26, v21;
	[tilespmem:s16+$0x90] =	vst v18;
	v13 =	vmul.f32 v13, v63  }
0x462: {  	v3 =	vmul.f32 v3, v37;
	v63 =	vld [tilespmem:s29+$0x10]  }
0x463: {  	[tilespmem:s4+$0x30] =	vst v13;
	v13 =	vmul.f32 v42, v59;
	v59 =	vperm.xlane v9, v21;
	v21 =	vld [tilespmem:s15+$0xFFFFFF00]  }
0x464: {  	v7 =	vadd.f32 v7, v20;
	[tilespmem:s10+$0xFFFFFFB0] =	vst v3;
	v3 =	vld [tilespmem:$0x1FCA0]  }
0x465: {  	v25 =	vimm.s32 $0x2;
	v32 =	vimm.s32 $0x1;
	v1 =	vperm.xlane v9, v28  }
0x466: {  	v12 =	vperm.xlane v9, v32;
	v18 =	vperm.xlane v9, v22;
	v22 =	vld [tilespmem:$0x1FFC0];
	v7 =	vadd.f32 v55, v7  }
0x467: {  	v15 =	vperm.xlane v9, v25;
	v4 =	vadd.f32 v4, v16;
	v20 =	vperm.xlane v9, v23;
	v42 =	vld [tilespmem:s15+$0xC0]  }
0x468: {  	v31 =	vimm.s32 $0xB;
	v55 =	vperm.xlane v38, v32;
	[tilespmem:s19+$0xE0] =	vst v13;
	v13 =	vmul.f32 $2.000000030e-01, v7  }
0x469: {  	v23 =	vimm.s32 $0x6;
	v2 =	vadd.f32 v2, v4;
	v16 =	vld [tilespmem:s3+$0x60];
	v3 =	vmul.f32 v17, v3  }
0x46a: {  	v37 =	vmovc v46;
	v4 =	vmax.f32 v7, v13;
	v7 =	vld [tilespmem:s18+$0xFFFFFF30];
	v17 =	vmul.f32 v63, v55;
	v55 =	vperm.xlane v29, v31  }
0x46b: {  	v46 =	vmovc v53;
	v1 =	vmul.f32 v8, v1;
	v53 =	vmov v20;
	v20 =	vperm.xlane v9, v23;
	v63 =	vld [tilespmem:s3+$0xFFFFFFA0];
	[tilespmem:s14+$0xFFFFFF40] =	vst v3  }
0x46c: {  	v8 =	vperm.xlane v26, v23;
	v3 =	vsub.f32 v4, v22;
	[tilespmem:s16+$0x10] =	vst v17;
	v4 =	vmul.f32 v42, v55;
	v13 =	vld [tilespmem:s9+$0xFFFFFFD0]  }
0x46d: {  	v32 =	vmovc v33;
	v33 =	vmovc v43;
	v43 =	vmov v50;
	v50 =	vmov v20;
	v20 =	vmul.f32 v21, v60;
	[tilespmem:s16+$0xFFFFFF70] =	vst v1;
	v1 =	vld [tilespmem:s29+$0xA0]  }
0x46e: {  	v60 =	vmov v15;
	v3 =	vmul.f32 $1.442695020e+00, v3;
	v15 =	vld [tilespmem:s29+$0xFFFFFEF0];
	[tilespmem:s4+$0xC0] =	vst v4;
	v4 =	vmul.f32 v16, v8  }
0x46f: {  	v30 =	vimm.s32 $0x9;
	[tilespmem:s4+$0xFFFFFF00] =	vst v20;
	v16 =	vld [tilespmem:s15+$0x40]  }
0x470: {  	v20 =	vld [tilespmem:s15+$0xFFFFFF90];
	(erf) = vpow2.f32 v3;
	v3 =	vperm.xlane v38, v30;
	[tilespmem:s19+$0x60] =	vst v4  }
0x471: {  	v28 =	vimm.s32 $0x4;
	v14 =	vperm.xlane v9, v31;
	[tilespmem:$0x1FCA0] =	vst v32;
	v55 =	vmul.f32 $2.000000030e-01, v2;
	v32 =	vld [tilespmem:s3+$0xF0]  }
0x472: {  	v1 =	vmul.f32 v1, v3;
	v3 =	vperm.xlane v29, v28  }
0x473: {  	v42 =	vimm.s32 $0xE;
	v2 =	vmax.f32 v2, v55;
	v63 =	vmul.f32 v63, v51  }
0x474: {  	v51 =	vmovc v56;
	v56 =	vmov v14;
	v14 =	vld [tilespmem:$0x1FCE0];
	v55 =	vmul.f32 v16, v3;
	v3 =	vperm.xlane v26, v42  }
0x475: {  	v2 =	vsub.f32 v2, v22;
	v22 =	vmul.f32 v7, v36;
	v36 =	vmovc v45;
	v45 =	vmovc v52;
	v7 =	vmov v41;
	v4 =	vld [tilespmem:$0x1FCB0]  }
0x476: {  	v52 =	vmovc v18;
	[tilespmem:$0x1FCE0] =	vst v7;
	v18 =	vmul.f32 v20, v58;
	v58 =	vmov v6;
	v6 =	vmul.f32 v32, v3;
	v3 =	vld [tilespmem:$0x1FC80]  }
0x477: {  	[tilespmem:s19+$0xFFFFFFA0] =	vst v63  }
0x478: {  	v21 =	vld [tilespmem:s3+$0xFFFFFF20];
	[tilespmem:s10+$0xFFFFFF30] =	vst v22;
	v12 =	vmul.f32 v15, v12  }
0x479: {  	v15 =	vld [tilespmem:s2+$0xFFFFFFE0];
	s2 =	smov.u32 s8;
	s8 =	smov.u32 s9;
	s9 =	smov.u32 s18;
	[tilespmem:s16+$0xA0] =	vst v1  }
0x47a: {  	v16 =	vld [tilespmem:s9+$0xFFFFFFC0];
	v4 =	vmul.f32 v13, v4;
	v13 =	vmov v14;
	[tilespmem:s16+$0xFFFFFEF0] =	vst v12  }
0x47b: {  	s7 =	sadd.s32 $0x2, s7;
	[tilespmem:$0x1FCB0] =	vst v13;
	v7 =	vmul.f32 v11, v3;
	v3 =	vld [tilespmem:$0x1FCC0]  }
0x47c: {  	p0 =	slt.u32 s7, $0x26;
	v62 =	vperm.xlane v9, v30;
	v14 =	vld [tilespmem:s29+$0x20];
	[tilespmem:s4+$0x40] =	vst v55  }
.Ltmp2:
0x47d: {  	v8 =	vperm.xlane v9, v42;
	s18 =	smov.u32 s3;
	s3 =	smov.u32 s15;
	v13 =	vld [tilespmem:s29+$0xFFFFFF80];
	[tilespmem:s4+$0xFFFFFF90] =	vst v18;
	v32 =	vmul.f32 v21, v47;
	(pc) =	sbr.rel @p0 .LBB2_7-.Ltmp2, $4  }
0x47e: {  	v19 =	vperm.xlane v9, v28;
	v2 =	vmul.f32 $1.442695020e+00, v2;
	v12 =	vld [tilespmem:s3+$0xD0];
	[tilespmem:s19+$0xF0] =	vst v6;
	v55 =	vmov v5  }
0x47f: {  	v41 =	vmovc v48;
	v48 =	vmov v8;
	v63 =	vperm.xlane v9, v27;
	v42 =	vperm.xlane v9, v24;
	v8 =	vld [tilespmem:s3+$0xFFFFFF10];
	[tilespmem:s19+$0xFFFFFF20] =	vst v32  }
0x480: {  	(erf) = vpow2.f32 v2;
	v9 =	vperm.xlane v38, v25;
	v21 =	vld [tilespmem:$0x1FFD0];
	v47 =	vmovc v54;
	v54 =	vmovc v19;
	[tilespmem:$0x1FCC0] =	vst v55;
	v3 =	vmov v3  }
0x481: {  	s25 =	sadd.s32 $0x4, s25;
	s1 =	smov.u32 s16;
	s15 =	smov.u32 s29;
	v6 =	vmul.f32 v15, v10;
	v5 =	vmul.f32 v16, v34;
	v34 =	vmov v0;
	v55 =	vpop (erf);
	v11 =	vld [tilespmem:s18+$0x70];
	[tilespmem:$0x1FC80] =	vst v3  }
0x482: {  	_ =	sdelay $0x3  }
0x483: {  	[tilespmem:v35+s22+$0x0] =	vst.idx.msk $0xffff, v55;
	s29 =	sadd.s32 $0x240, s29  }
0x484: {  	v1 =	vld [tilespmem:s29+$0x0];
	_ =	sdelay $0x1  }
0x485: {  	v10 =	vimm.s32 $0x0;
	v0 =	vpop (erf)  }
0x486: {  	v2 =	vperm.xlane v55, v10;
	[tilespmem:v61+s22+$0x0] =	vst.idx.msk $0xffff, v0  }
0x487: {  	v3 =	vld [tilespmem:s29+$0xFFFFFEE0]  }
0x488: {  	v1 =	vmul.f32 v1, v2  }
0x489: {  	s5 =	sadd.s32 $0x240, s16  }
0x48a: {  	v24 =	vperm.xlane v0, v10;
	[tilespmem:s5+$0x0] =	vst v1  }
0x48b: {  	v1 =	vld [tilespmem:s29+$0x90]  }
0x48c: {  	v2 =	vmul.f32 v3, v24  }
0x48d: {  	v25 =	vimm.s32 $0x8  }
0x48e: {  	v27 =	vperm.xlane v55, v25;
	[tilespmem:s5+$0xFFFFFEE0] =	vst v2  }
0x48f: {  	v2 =	vld [tilespmem:s29+$0xFFFFFF70]  }
0x490: {  	v1 =	vmul.f32 v1, v27;
	_ =	sdelay $0x1  }
0x491: {  	v28 =	vperm.xlane v0, v25;
	[tilespmem:s5+$0x90] =	vst v1  }
0x492: {  	v1 =	vld [tilespmem:s29+$0x10]  }
0x493: {  	v2 =	vmul.f32 v2, v28  }
0x494: {  	v30 =	vimm.s32 $0x1  }
0x495: {  	v31 =	vperm.xlane v55, v30;
	[tilespmem:s5+$0xFFFFFF70] =	vst v2  }
0x496: {  	v2 =	vld [tilespmem:s29+$0xFFFFFEF0]  }
0x497: {  	v1 =	vmul.f32 v1, v31;
	_ =	sdelay $0x1  }
0x498: {  	v32 =	vperm.xlane v0, v30;
	[tilespmem:s5+$0x10] =	vst v1  }
0x499: {  	v1 =	vld [tilespmem:s29+$0xA0]  }
0x49a: {  	v2 =	vmul.f32 v2, v32  }
0x49b: {  	v35 =	vimm.s32 $0x9  }
0x49c: {  	v61 =	vperm.xlane v55, v35;
	[tilespmem:s5+$0xFFFFFEF0] =	vst v2  }
0x49d: {  	v2 =	vld [tilespmem:s29+$0xFFFFFF80]  }
0x49e: {  	v1 =	vmul.f32 v1, v61;
	_ =	sdelay $0x1  }
0x49f: {  	v25 =	vmul.f32 v13, v62;
	v24 =	vperm.xlane v0, v35;
	[tilespmem:s5+$0xA0] =	vst v1  }
0x4a0: {  	v28 =	vmul.f32 v14, v9;
	v27 =	vld [tilespmem:s29+$0x20]  }
0x4a1: {  	[tilespmem:s1+$0xFFFFFF80] =	vst v25;
	v1 =	vmul.f32 v2, v24  }
0x4a2: {  	v13 =	vimm.s32 $0x2;
	v3 =	vld [tilespmem:s15+$0xFFFFFF00];
	[tilespmem:s16+$0x20] =	vst v28  }
0x4a3: {  	v30 =	vperm.xlane v55, v13;
	v32 =	vld [tilespmem:s15+$0xB0];
	[tilespmem:s5+$0xFFFFFF80] =	vst v1  }
0x4a4: {  	v1 =	vld [tilespmem:s29+$0xFFFFFF00]  }
0x4a5: {  	v35 =	vperm.xlane v0, v13;
	v13 =	vimm.s32 $0xA;
	v31 =	vmul.f32 v27, v30  }
0x4a6: {  	v61 =	vperm.xlane v38, v13  }
0x4a7: {  	v3 =	vmul.f32 v3, v60;
	[tilespmem:s5+$0x20] =	vst v31  }
0x4a8: {  	v2 =	vmul.f32 v32, v61;
	v60 =	vld [tilespmem:s29+$0xB0]  }
0x4a9: {  	[tilespmem:s1+$0xFFFFFF00] =	vst v3;
	v1 =	vmul.f32 v1, v35  }
0x4aa: {  	v3 =	vld [tilespmem:s15+$0xFFFFFF90];
	[tilespmem:s1+$0xB0] =	vst v2  }
0x4ab: {  	v62 =	vperm.xlane v55, v13;
	v25 =	vld [tilespmem:s15+$0x30];
	[tilespmem:s5+$0xFFFFFF00] =	vst v1  }
0x4ac: {  	v1 =	vld [tilespmem:s29+$0xFFFFFF90]  }
0x4ad: {  	v27 =	vperm.xlane v0, v13;
	v13 =	vimm.s32 $0x3;
	v24 =	vmul.f32 v60, v62  }
0x4ae: {  	v30 =	vperm.xlane v38, v13  }
0x4af: {  	v3 =	vmul.f32 v3, v58;
	[tilespmem:s5+$0xB0] =	vst v24  }
0x4b0: {  	v2 =	vmul.f32 v25, v30;
	v28 =	vld [tilespmem:s29+$0x30]  }
0x4b1: {  	[tilespmem:s1+$0xFFFFFF90] =	vst v3;
	v1 =	vmul.f32 v1, v27  }
0x4b2: {  	v3 =	vld [tilespmem:s15+$0xFFFFFF10];
	[tilespmem:s1+$0x30] =	vst v2  }
0x4b3: {  	v31 =	vperm.xlane v55, v13;
	v35 =	vld [tilespmem:s15+$0xC0];
	[tilespmem:s5+$0xFFFFFF90] =	vst v1  }
0x4b4: {  	v8 =	vmul.f32 v8, v49;
	v1 =	vld [tilespmem:s29+$0xFFFFFF10]  }
0x4b5: {  	v58 =	vperm.xlane v0, v13;
	v13 =	vimm.s32 $0xB;
	v32 =	vmul.f32 v28, v31  }
0x4b6: {  	[tilespmem:s4+$0xFFFFFF10] =	vst v8;
	v61 =	vperm.xlane v38, v13  }
0x4b7: {  	v16 =	vimm.s32 $0xC;
	v3 =	vmul.f32 v3, v57;
	v24 =	vld [tilespmem:s3+$0xFFFFFFA0];
	[tilespmem:s5+$0x30] =	vst v32  }
0x4b8: {  	[tilespmem:s14+$0xFFFFFFD0] =	vst v4;
	v62 =	vperm.xlane v29, v16;
	v8 =	vmul.f32 v35, v61;
	v60 =	vld [tilespmem:s29+$0xC0]  }
0x4b9: {  	[tilespmem:s1+$0xFFFFFF10] =	vst v3;
	v1 =	vmul.f32 v1, v58  }
0x4ba: {  	v2 =	vmul.f32 v12, v62;
	v27 =	vld [tilespmem:s15+$0xFFFFFFA0];
	[tilespmem:s1+$0xC0] =	vst v8  }
0x4bb: {  	v25 =	vperm.xlane v55, v13;
	v31 =	vld [tilespmem:s15+$0x40];
	[tilespmem:s5+$0xFFFFFF10] =	vst v1  }
0x4bc: {  	[tilespmem:s4+$0xD0] =	vst v2;
	v3 =	vmul.f32 v24, v51;
	v28 =	vld [tilespmem:s29+$0xFFFFFFA0]  }
0x4bd: {  	[tilespmem:s0+$0xFFFFFF50] =	vst v7;
	v12 =	vimm.s32 $0x4;
	v32 =	vld [tilespmem:s3+$0x50];
	v30 =	vmul.f32 v60, v25  }
0x4be: {  	v57 =	vperm.xlane v38, v12;
	[tilespmem:s4+$0xFFFFFFA0] =	vst v3  }
0x4bf: {  	v15 =	vimm.s32 $0x5;
	v35 =	vperm.xlane v0, v13;
	v60 =	vld [tilespmem:s3+$0xFFFFFF20];
	[tilespmem:s5+$0xC0] =	vst v30;
	v1 =	vmul.f32 v27, v56  }
0x4c0: {  	[tilespmem:s10+$0xFFFFFFC0] =	vst v5;
	v58 =	vperm.xlane v29, v15;
	v2 =	vmul.f32 v31, v57;
	v51 =	vld [tilespmem:s29+$0x40]  }
0x4c1: {  	[tilespmem:s1+$0xFFFFFFA0] =	vst v1;
	v56 =	vmul.f32 v28, v35  }
0x4c2: {  	v24 =	vmul.f32 v32, v58;
	[tilespmem:s1+$0x40] =	vst v2;
	v62 =	vld [tilespmem:s15+$0xFFFFFF20]  }
0x4c3: {  	v13 =	vimm.s32 $0x7;
	v61 =	vperm.xlane v55, v12;
	v28 =	vld [tilespmem:s15+$0xD0];
	[tilespmem:s5+$0xFFFFFFA0] =	vst v56  }
0x4c4: {  	v49 =	vperm.xlane v26, v13;
	[tilespmem:s4+$0x50] =	vst v24;
	v1 =	vmul.f32 v60, v47;
	v25 =	vld [tilespmem:s29+$0xFFFFFF20]  }
0x4c5: {  	[tilespmem:s24+$0xFFFFFFE0] =	vst v6;
	v30 =	vld [tilespmem:s3+$0xE0];
	v27 =	vmul.f32 v51, v61  }
0x4c6: {  	v4 =	vmul.f32 v11, v49;
	v47 =	vperm.xlane v38, v16;
	[tilespmem:s4+$0xFFFFFF20] =	vst v1;
	v35 =	vld [tilespmem:s18+$0xFFFFFFB0]  }
0x4c7: {  	v14 =	vimm.s32 $0xD;
	v31 =	vperm.xlane v0, v12;
	v51 =	vld [tilespmem:s3+$0xFFFFFFB0];
	[tilespmem:s5+$0x40] =	vst v27;
	v3 =	vmul.f32 v62, v54  }
0x4c8: {  	v49 =	vperm.xlane v29, v14;
	[tilespmem:s19+$0x70] =	vst v4;
	v32 =	vld [tilespmem:s29+$0xD0];
	v1 =	vmul.f32 v28, v47  }
0x4c9: {  	v60 =	vld [tilespmem:s18+$0x100];
	[tilespmem:s1+$0xFFFFFF20] =	vst v3;
	v2 =	vmul.f32 v25, v31  }
0x4ca: {  	v5 =	vmul.f32 v30, v49;
	v56 =	vld [tilespmem:s15+$0xFFFFFFB0];
	[tilespmem:s1+$0xD0] =	vst v1  }
0x4cb: {  	v12 =	vimm.s32 $0xF;
	v54 =	vperm.xlane v55, v16;
	v61 =	vmul.f32 v35, v37;
	v62 =	vld [tilespmem:s15+$0x50];
	[tilespmem:s5+$0xFFFFFF20] =	vst v2  }
0x4cc: {  	v27 =	vperm.xlane v26, v12;
	[tilespmem:s4+$0xE0] =	vst v5;
	v3 =	vmul.f32 v51, v46;
	v57 =	vld [tilespmem:s29+$0xFFFFFFB0]  }
0x4cd: {  	[tilespmem:s19+$0xFFFFFFB0] =	vst v61;
	v58 =	vmul.f32 v32, v54;
	v25 =	vld [tilespmem:s3+$0x60]  }
0x4ce: {  	v4 =	vmul.f32 v60, v27;
	[tilespmem:s4+$0xFFFFFFB0] =	vst v3;
	v30 =	vld [tilespmem:s18+$0xFFFFFF30];
	v31 =	vperm.xlane v38, v15  }
0x4cf: {  	v11 =	vimm.s32 $0x6;
	v24 =	vperm.xlane v0, v16;
	v35 =	vld [tilespmem:s3+$0xFFFFFF30];
	[tilespmem:s5+$0xD0] =	vst v58;
	v2 =	vmul.f32 v56, v53  }
0x4d0: {  	[tilespmem:s19+$0x100] =	vst v4;
	v32 =	vperm.xlane v29, v11;
	v28 =	vld [tilespmem:s29+$0x50];
	v5 =	vmul.f32 v62, v31  }
0x4d1: {  	v51 =	vld [tilespmem:s9+$0xFFFFFF40];
	[tilespmem:s1+$0xFFFFFFB0] =	vst v2;
	v6 =	vmul.f32 v57, v24  }
0x4d2: {  	v46 =	vld [tilespmem:s15+$0xFFFFFF30];
	v1 =	vmul.f32 v25, v32;
	[tilespmem:s1+$0x50] =	vst v5  }
0x4d3: {  	v37 =	vperm.xlane v55, v15;
	v53 =	vmul.f32 v30, v36;
	v54 =	vld [tilespmem:s15+$0xE0];
	[tilespmem:s5+$0xFFFFFFB0] =	vst v6  }
0x4d4: {  	v2 =	vmul.f32 v35, v45;
	[tilespmem:s4+$0x60] =	vst v1;
	v47 =	vld [tilespmem:s29+$0xFFFFFF30]  }
0x4d5: {  	[tilespmem:s19+$0xFFFFFF30] =	vst v53;
	v49 =	vmul.f32 v28, v37;
	v57 =	vld [tilespmem:s3+$0xF0]  }
0x4d6: {  	v62 =	vperm.xlane v38, v14;
	[tilespmem:s4+$0xFFFFFF30] =	vst v2;
	v61 =	vld [tilespmem:s18+$0xFFFFFFC0]  }
0x4d7: {  	v10 =	vimm.s32 $0xE;
	v56 =	vperm.xlane v0, v15;
	v26 =	vld [tilespmem:s3+$0xFFFFFFC0];
	[tilespmem:s5+$0x50] =	vst v49;
	v58 =	vmul.f32 v46, v52  }
0x4d8: {  	v25 =	vperm.xlane v29, v10;
	v24 =	vld [tilespmem:$0x1FCA0];
	v3 =	vmul.f32 v54, v62  }
0x4d9: {  	v60 =	vld [tilespmem:s29+$0xE0];
	[tilespmem:s1+$0xFFFFFF30] =	vst v58;
	v4 =	vmul.f32 v47, v56  }
0x4da: {  	v28 =	vld [tilespmem:s15+$0xFFFFFFC0];
	v5 =	vmul.f32 v57, v25;
	[tilespmem:s1+$0xE0] =	vst v3  }
0x4db: {  	v2 =	vmul.f32 v61, v34;
	v34 =	vld [tilespmem:s15+$0x60];
	[tilespmem:s5+$0xFFFFFF30] =	vst v4  }
0x4dc: {  	v27 =	vperm.xlane v55, v14;
	v1 =	vmul.f32 v26, v44;
	[tilespmem:s4+$0xF0] =	vst v5;
	v30 =	vld [tilespmem:s29+$0xFFFFFFC0]  }
0x4dd: {  	[tilespmem:s19+$0xFFFFFFC0] =	vst v2;
	v7 =	vmul.f32 v51, v24;
	v36 =	vld [tilespmem:s3+$0x70]  }
0x4de: {  	[tilespmem:s4+$0xFFFFFFC0] =	vst v1;
	v31 =	vmul.f32 v60, v27;
	v45 =	vld [tilespmem:s18+$0xFFFFFF40]  }
0x4df: {  	v35 =	vperm.xlane v0, v14;
	v51 =	vld [tilespmem:s3+$0xFFFFFF40];
	[tilespmem:s10+$0xFFFFFF40] =	vst v7  }
0x4e0: {  	v46 =	vperm.xlane v38, v11;
	[tilespmem:s5+$0xE0] =	vst v31;
	v37 =	vmul.f32 v28, v59;
	v32 =	vld [tilespmem:s9+$0xFFFFFFD0]  }
0x4e1: {  	v49 =	vperm.xlane v29, v13;
	v47 =	vld [tilespmem:$0x1FCB0];
	v7 =	vmul.f32 v30, v35  }
0x4e2: {  	v44 =	vld [tilespmem:s29+$0x60];
	[tilespmem:s1+$0xFFFFFFC0] =	vst v37;
	v5 =	vmul.f32 v34, v46  }
0x4e3: {  	v53 =	vld [tilespmem:s15+$0xFFFFFF40];
	v3 =	vmul.f32 v36, v49;
	[tilespmem:s5+$0xFFFFFFC0] =	vst v7  }
0x4e4: {  	v1 =	vmul.f32 v45, v33;
	[tilespmem:s1+$0x60] =	vst v5;
	v54 =	vld [tilespmem:s29+$0xFFFFFF40]  }
0x4e5: {  	v52 =	vperm.xlane v55, v11;
	v2 =	vmul.f32 v51, v43;
	[tilespmem:s4+$0x70] =	vst v3  }
0x4e6: {  	[tilespmem:s19+$0xFFFFFF40] =	vst v1;
	v6 =	vmul.f32 v32, v47  }
0x4e7: {  	v58 =	vperm.xlane v0, v11;
	[tilespmem:s4+$0xFFFFFF40] =	vst v2;
	v4 =	vmul.f32 v44, v52  }
0x4e8: {  	v56 =	vld [tilespmem:s8+$0xFFFFFF50];
	[tilespmem:s10+$0xFFFFFFD0] =	vst v6;
	v60 =	vmul.f32 v53, v50  }
0x4e9: {  	v59 =	vld [tilespmem:s2+$0xFFFFFFE0];
	[tilespmem:s5+$0x60] =	vst v4;
	v6 =	vmul.f32 v54, v58  }
0x4ea: {  	v25 =	vld [tilespmem:$0x1FC80];
	[tilespmem:s1+$0xFFFFFF40] =	vst v60  }
0x4eb: {  	v57 =	vld [tilespmem:s15+$0xF0];
	[tilespmem:s5+$0xFFFFFF40] =	vst v6  }
0x4ec: {  	v30 =	vld [tilespmem:$0x1FC70];
	_ =	sdelay $0x1  }
0x4ed: {  	v24 =	vperm.xlane v38, v10  }
0x4ee: {  	v5 =	vmul.f32 v56, v25  }
0x4ef: {  	v62 =	vld [tilespmem:s18+$0xFFFFFFD0];
	v3 =	vmul.f32 v57, v24  }
0x4f0: {  	v61 =	vld [tilespmem:s29+$0xF0];
	[tilespmem:s14+$0xFFFFFF50] =	vst v5;
	v4 =	vmul.f32 v59, v30  }
0x4f1: {  	v26 =	vld [tilespmem:s3+$0xFFFFFFD0];
	[tilespmem:s1+$0xF0] =	vst v3  }
0x4f2: {  	v28 =	vld [tilespmem:s15+$0xFFFFFFD0];
	[tilespmem:s0+$0xFFFFFFE0] =	vst v4  }
0x4f3: {  	v27 =	vperm.xlane v55, v10;
	v4 =	vld [tilespmem:$0x1FCE0]  }
0x4f4: {  	v31 =	vld [tilespmem:s29+$0xFFFFFFD0]  }
0x4f5: {  	v33 =	vld [tilespmem:s3+$0x100];
	v32 =	vmul.f32 v61, v27  }
0x4f6: {  	v1 =	vmul.f32 v26, v41  }
0x4f7: {  	v35 =	vperm.xlane v0, v10;
	v6 =	vmul.f32 v28, v48;
	[tilespmem:s5+$0xF0] =	vst v32  }
0x4f8: {  	v37 =	vperm.xlane v29, v12;
	[tilespmem:s4+$0xFFFFFFD0] =	vst v1;
	v2 =	vmul.f32 v62, v4  }
0x4f9: {  	v5 =	vmul.f32 v31, v35;
	[tilespmem:s1+$0xFFFFFFD0] =	vst v6  }
0x4fa: {  	[tilespmem:s19+$0xFFFFFFD0] =	vst v2;
	v2 =	vmul.f32 v33, v37  }
0x4fb: {  	v36 =	vld [tilespmem:s9+$0xFFFFFF50];
	[tilespmem:s5+$0xFFFFFFD0] =	vst v5  }
0x4fc: {  	v34 =	vld [tilespmem:s15+$0x70];
	[tilespmem:s4+$0x100] =	vst v2  }
0x4fd: {  	v2 =	vld [tilespmem:$0x1FCC0];
	_ =	sdelay $0x1  }
0x4fe: {  	v43 =	vperm.xlane v38, v13;
	_ =	sdelay $0x1  }
0x4ff: {  	v1 =	vmul.f32 v34, v43  }
0x500: {  	v41 =	vld [tilespmem:s29+$0x70];
	v2 =	vmul.f32 v36, v2  }
0x501: {  	v45 =	vld [tilespmem:s3+$0xFFFFFF50];
	[tilespmem:s1+$0x70] =	vst v1  }
0x502: {  	v44 =	vld [tilespmem:s18+$0xFFFFFF50];
	[tilespmem:s10+$0xFFFFFF50] =	vst v2  }
0x503: {  	v2 =	vld [tilespmem:$0x1FCF0]  }
0x504: {  	v46 =	vperm.xlane v55, v13;
	_ =	sdelay $0x1  }
0x505: {  	v49 =	vmul.f32 v41, v46  }
0x506: {  	v6 =	vmul.f32 v45, v40  }
0x507: {  	v50 =	vld [tilespmem:s8+$0xFFFFFFE0];
	[tilespmem:s5+$0x70] =	vst v49;
	v2 =	vmul.f32 v44, v2  }
0x508: {  	v47 =	vld [tilespmem:s15+$0xFFFFFF50];
	[tilespmem:s4+$0xFFFFFF50] =	vst v6  }
0x509: {  	v48 =	vld [tilespmem:s29+$0xFFFFFF50];
	[tilespmem:s19+$0xFFFFFF50] =	vst v2  }
0x50a: {  	v59 =	vld [tilespmem:$0x1FC90];
	_ =	sdelay $0x1  }
0x50b: {  	v52 =	vperm.xlane v0, v13  }
0x50c: {  	v54 =	vmul.f32 v47, v63  }
0x50d: {  	v1 =	vmul.f32 v48, v52  }
0x50e: {  	[tilespmem:s1+$0xFFFFFF50] =	vst v54;
	v4 =	vmul.f32 v50, v59  }
0x50f: {  	v51 =	vld [tilespmem:s15+$0x100];
	[tilespmem:s5+$0xFFFFFF50] =	vst v1  }
0x510: {  	v53 =	vld [tilespmem:s9+$0xFFFFFFE0];
	[tilespmem:s14+$0xFFFFFFE0] =	vst v4  }
0x511: {  	v4 =	vld [tilespmem:$0x1FCD0];
	_ =	sdelay $0x1  }
0x512: {  	v57 =	vperm.xlane v38, v12  }
0x513: {  	v56 =	vld [tilespmem:s29+$0x100]  }
0x514: {  	v6 =	vmul.f32 v51, v57;
	v60 =	vld [tilespmem:s3+$0xFFFFFFE0]  }
0x515: {  	v58 =	vld [tilespmem:s18+$0xFFFFFFE0];
	v4 =	vmul.f32 v53, v4  }
0x516: {  	v62 =	vld [tilespmem:s15+$0xFFFFFFE0];
	[tilespmem:s1+$0x100] =	vst v6  }
0x517: {  	v61 =	vperm.xlane v55, v12;
	v63 =	vld [tilespmem:s29+$0xFFFFFFE0];
	[tilespmem:s10+$0xFFFFFFE0] =	vst v4  }
0x518: {  	v4 =	vld [tilespmem:$0x1FD00]  }
0x519: {  	v5 =	vmul.f32 v56, v61  }
0x51a: {  	v0 =	vperm.xlane v0, v12;
	v2 =	vmul.f32 v60, v39  }
0x51b: {  	v1 =	vmul.f32 v62, v42;
	[tilespmem:s5+$0x100] =	vst v5  }
0x51c: {  	v0 =	vmul.f32 v63, v0;
	[tilespmem:s4+$0xFFFFFFE0] =	vst v2  }
0x51d: {  	[tilespmem:s1+$0xFFFFFFE0] =	vst v1;
	v3 =	vmul.f32 v58, v4  }
0x51e: {  	[tilespmem:s5+$0xFFFFFFE0] =	vst v0  }
0x51f: {  	s23 =	rddreg [dreg:$0x2];
	s2 =	simm.s32 $0x50;
	s5 =	simm.s32 $0xF0;
	[tilespmem:s19+$0xFFFFFFE0] =	vst v3  }
0x520: {  	[spmem:s23] =	stream.indirect.scatter.add.f32 [tilespmem:s22], [sflag:$0x4], $0x90, s5, s2, $0xb8;
	[tilespmem:$0x1FAD0] =	vst v63  }
0x521: {  	s19 =	smin.u32 s31, $0x79;
	s23 =	simm.s32 $0x4  }
0x522: {  	s30 =	sadd.s32 $0x1, s30;
	s0 =	smul.u32 $0x50, s19;
	_ =	swait.ge [sflag:s23], $0x2D00  }
0x523: {  	p0 =	sne.s32 s30, $0x3E;
	s24 =	rddreg [dreg:$0x11]  }
0x524: {  	v17 =	vimm.s32 $0x8;
	s29 =	simm.s32 $0x0;
	[sflag:s23] =	ssyncset.done $0x0;
	s0 =	sadd.s32 s0, s24  }
.Ltmp3:
0x525: {  	v18 =	vimm.s32 $0x1;
	v19 =	vimm.s32 $0xB;
	v15 =	vimm.s32 $0x0;
	s25 =	rddreg [dreg:$0x4];
	s0 =	sshrl.u32 s0, $0x3;
	(pc) =	sbr.rel @p0 .LBB2_4-.Ltmp3, $4  }
0x526: {  	v14 =	vimm.s32 $0x3;
	v13 =	vimm.s32 $0xA;
	v12 =	vimm.s32 $0x2;
	s4 =	simm.s32 $0xA0;
	[sflag:s23] =	ssyncadd.s32 $0xFFFFD300;
	s0 =	sadd.s32 s25, s0  }
0x527: {  	v35 =	vimm.s32 $0x9;
	v34 =	vimm.s32 $0x4;
	v47 =	vimm.s32 $0xD;
	v20 =	vld [tilespmem:$0x1FFF0];
	[tilespmem:s4], [sflag:$0x3] =	stream.linear.gather [hbm4b:s0+s29], $0x50, $0x38  }
0x528: {  	v46 =	vimm.s32 $0xF;
	v37 =	vimm.s32 $0xE;
	v36 =	vimm.s32 $0x6;
	s31 =	simm.s32 $0x0;
	v16 =	vld [tilespmem:$0x1FFE0];
	s0 =	sadd.s32 $0x9C40, s0  }
0x529: {  	v49 =	vimm.s32 $0xC;
	v51 =	vimm.s32 $0x5;
	v56 =	vimm.s32 $0x7;
	v48 =	vld [tilespmem:$0x1FFC0];
	[tilespmem:s5], [sflag:$0x3] =	stream.linear.gather [hbm4b:s0+s29], $0x50, $0x38  }
0x52a: {  	_ =	swait.ge [sflag:s17], $0x50  }
0x52b: {  	[sflag:s17] =	ssyncset.done $0x0  }
0x52c: {  	[sflag:s17] =	ssyncadd.s32 $0xFFFFFFB0  }
0x52d: {  	_ =	swait.ge [sflag:s17], $0x50  }
0x52e: {  	[sflag:s17] =	ssyncset.done $0x0  }
0x52f: {  	[sflag:s17] =	ssyncadd.s32 $0xFFFFFFB0  }
0x530: {  	_ =	swait.ge [sflag:s13], $0x900  }
0x531: {  	[sflag:s13] =	ssyncset.done $0x0  }
0x532: {  	[sflag:s13] =	ssyncadd.s32 $0xFFFFF700  }
0x533: {  	_ =	swait.ge [sflag:s13], $0x900  }
0x534: {  	[sflag:s13] =	ssyncset.done $0x0  }
0x535: {  	[sflag:s13] =	ssyncadd.s32 $0xFFFFF700  }
0x536: {  	_ =	swait.ge [sflag:s13], $0x900  }
0x537: {  	[sflag:s13] =	ssyncset.done $0x0  }
0x538: {  	[sflag:s13] =	ssyncadd.s32 $0xFFFFF700  }
0x539: {  	_ =	swait.ge [sflag:s13], $0x900  }
0x53a: {  	[sflag:s13] =	ssyncset.done $0x0  }
0x53b: {  	[sflag:s13] =	ssyncadd.s32 $0xFFFFF700  }
0x53c: {  	_ =	swait.ge [sflag:s13], $0x900  }
0x53d: {  	s0 =	simm.s32 $0x2;
	[sflag:s13] =	ssyncset.done $0x0  }
0x53e: {  	v0 =	vor.u32 s0, v16;
	[sflag:s13] =	ssyncadd.s32 $0xFFFFF700  }
0x53f: {  	v1 =	vshll.u32 v0, $0x4;
	v0 =	vmul.u32 $0x90, v0;
	_ =	swait.ge [sflag:s13], $0x500  }
0x540: {  	v1 =	vor.u32 v20, v1;
	[sflag:s13] =	ssyncset.done $0x0  }
0x541: {  	v0 =	vadd.s32 v21, v0;
	[sflag:s13] =	ssyncadd.s32 $0xFFFFFB00  }
0x542: {  	_ =	swait.ge [sflag:s13], $0x280  }
0x543: {  	[sflag:s13] =	ssyncset.done $0x0  }
0x544: {  	[sflag:s13] =	ssyncadd.s32 $0xFFFFFD80  }
0x545: {  	v1 =	vld.idx.msk [tilespmem:v1+s11+$0x0], $0xffff  }
0x546: {  	v2 =	vld.idx.msk [tilespmem:v0+s28+$0x0], $0xffff  }
0x547: {  	s10 =	simm.s32 $0x6550  }
0x548: {  	v3 =	vld [tilespmem:s10+$0x0];
	_ =	sdelay $0x2  }
0x549: {  	v1 =	vadd.f32 v1, v2;
	_ =	sdelay $0x1  }
0x54a: {  	v1 =	vadd.f32 v3, v1;
	_ =	sdelay $0x1  }
0x54b: {  	v40 =	vmul.f32 $2.000000030e-01, v1;
	_ =	sdelay $0x1  }
0x54c: {  	v1 =	vmax.f32 v1, v40  }
0x54d: {  	v1 =	vsub.f32 v1, v48;
	_ =	sdelay $0x1  }
0x54e: {  	v1 =	vmul.f32 $1.442695020e+00, v1;
	_ =	sdelay $0x1  }
0x54f: {  	(erf) = vpow2.f32 v1;
	_ =	sdelay $0x2  }
0x550: {  	s1 =	simm.s32 $0x0  }
0x551: {  	v41 =	vor.u32 s1, v16  }
0x552: {  	v42 =	vmul.u32 $0x90, v41;
	_ =	sdelay $0x1  }
0x553: {  	v2 =	vadd.s32 v21, v42;
	v1 =	vshll.u32 v41, $0x4  }
0x554: {  	v1 =	vor.u32 v20, v1  }
0x555: {  	s2 =	simm.s32 $0x6;
	v24 =	vpop (erf)  }
0x556: {  	s1 =	simm.s32 $0x260;
	v43 =	vor.u32 s2, v16;
	[tilespmem:v0+s22+$0x0] =	vst.idx.msk $0xffff, v24  }
0x557: {  	v4 =	vshll.u32 v43, $0x4;
	v0 =	vmul.u32 $0x90, v43;
	v3 =	vld [tilespmem:s1+$0x0]  }
0x558: {  	v4 =	vor.u32 v20, v4;
	v5 =	vld.idx.msk [tilespmem:v2+s28+$0x0], $0xffff  }
0x559: {  	v1 =	vld.idx.msk [tilespmem:v1+s11+$0x0], $0xffff;
	v7 =	vadd.s32 v21, v0  }
0x55a: {  	v6 =	vperm.xlane v24, v15;
	_ =	sdelay $0x1  }
0x55b: {  	v44 =	vmul.f32 v3, v6;
	v3 =	vld [tilespmem:s10+$0xFFFFFFF0]  }
0x55c: {  	s24 =	simm.s32 $0x6B60;
	v4 =	vld.idx.msk [tilespmem:v4+s11+$0x0], $0xffff  }
0x55d: {  	v1 =	vadd.f32 v1, v5;
	v5 =	vld.idx.msk [tilespmem:v7+s28+$0x0], $0xffff;
	[tilespmem:s24+$0x0] =	vst v44  }
0x55e: {  	v0 =	vld [tilespmem:s1+$0x90]  }
0x55f: {  	s14 =	simm.s32 $0x6570  }
0x560: {  	v1 =	vadd.f32 v3, v1;
	v3 =	vld [tilespmem:s14+$0x0]  }
0x561: {  	v6 =	vperm.xlane v24, v17  }
0x562: {  	v8 =	vmul.f32 $2.000000030e-01, v1  }
0x563: {  	v4 =	vadd.f32 v4, v5;
	v0 =	vmul.f32 v0, v6  }
0x564: {  	v1 =	vmax.f32 v1, v8  }
0x565: {  	v1 =	vsub.f32 v1, v48;
	[tilespmem:s24+$0x90] =	vst v0;
	v45 =	vadd.f32 v3, v4  }
0x566: {  	v3 =	vld [tilespmem:s1+$0x10]  }
0x567: {  	v1 =	vmul.f32 $1.442695020e+00, v1;
	v4 =	vmul.f32 $2.000000030e-01, v45;
	_ =	sdelay $0x1  }
0x568: {  	s15 =	simm.s32 $0x4;
	v50 =	vperm.xlane v24, v18;
	(erf) = vpow2.f32 v1;
	v0 =	vmax.f32 v45, v4  }
0x569: {  	v4 =	vor.u32 s15, v16;
	v0 =	vsub.f32 v0, v48  }
0x56a: {  	v5 =	vmul.u32 $0x90, v4;
	v1 =	vmul.f32 v3, v50  }
0x56b: {  	v0 =	vmul.f32 $1.442695020e+00, v0  }
0x56c: {  	v3 =	vshll.u32 v4, $0x4;
	v4 =	vadd.s32 v21, v5;
	[tilespmem:s24+$0x10] =	vst v1  }
0x56d: {  	v52 =	vor.u32 v20, v3;
	v3 =	vld [tilespmem:s1+$0xA0];
	(erf) = vpow2.f32 v0;
	_ =	sdelay $0x2  }
0x56e: {  	v5 =	vperm.xlane v24, v35  }
0x56f: {  	v6 =	vld.idx.msk [tilespmem:v4+s28+$0x0], $0xffff;
	v53 =	vpop (erf)  }
0x570: {  	v1 =	vld.idx.msk [tilespmem:v52+s11+$0x0], $0xffff;
	[tilespmem:v2+s22+$0x0] =	vst.idx.msk $0xffff, v53;
	v54 =	vmul.f32 v3, v5  }
0x571: {  	v3 =	vld [tilespmem:s1+$0xFFFFFEE0]  }
0x572: {  	v5 =	vld [tilespmem:s14+$0xFFFFFFF0];
	[tilespmem:s24+$0xA0] =	vst v54  }
0x573: {  	v2 =	vld [tilespmem:s1+$0x20]  }
0x574: {  	v8 =	vperm.xlane v53, v15;
	v29 =	vpop (erf)  }
0x575: {  	s16 =	simm.s32 $0xA;
	s2 =	simm.s32 $0x4A0;
	v1 =	vadd.f32 v1, v6;
	[tilespmem:v7+s22+$0x0] =	vst.idx.msk $0xffff, v29  }
0x576: {  	v6 =	vperm.xlane v24, v12;
	v7 =	vor.u32 s16, v16;
	v9 =	vld [tilespmem:s2+$0x0];
	v3 =	vmul.f32 v3, v8  }
0x577: {  	v1 =	vadd.f32 v5, v1;
	v5 =	vshll.u32 v7, $0x4  }
0x578: {  	v5 =	vor.u32 v20, v5;
	v2 =	vmul.f32 v2, v6;
	v6 =	vmul.u32 $0x90, v7;
	[tilespmem:s24+$0xFFFFFEE0] =	vst v3  }
0x579: {  	v3 =	vperm.xlane v29, v15;
	v7 =	vld [tilespmem:s1+$0xFFFFFF70]  }
0x57a: {  	v8 =	vmul.f32 $2.000000030e-01, v1;
	[tilespmem:s24+$0x20] =	vst v2;
	v55 =	vadd.s32 v21, v6  }
0x57b: {  	v6 =	vld [tilespmem:s1+$0xB0];
	v3 =	vmul.f32 v9, v3  }
0x57c: {  	s0 =	simm.s32 $0x6DA0;
	v1 =	vmax.f32 v1, v8;
	v8 =	vperm.xlane v53, v17  }
0x57d: {  	v5 =	vld.idx.msk [tilespmem:v5+s11+$0x0], $0xffff;
	[tilespmem:s0+$0x0] =	vst v3  }
0x57e: {  	v1 =	vsub.f32 v1, v48;
	v3 =	vperm.xlane v24, v13;
	v9 =	vld [tilespmem:s2+$0x90];
	v7 =	vmul.f32 v7, v8  }
0x57f: {  	s3 =	simm.s32 $0x6590;
	v8 =	vld.idx.msk [tilespmem:v55+s28+$0x0], $0xffff  }
0x580: {  	v1 =	vmul.f32 $1.442695020e+00, v1;
	v3 =	vmul.f32 v6, v3;
	[tilespmem:s24+$0xFFFFFF70] =	vst v7;
	v6 =	vld [tilespmem:s3+$0x0]  }
0x581: {  	v7 =	vld [tilespmem:s1+$0xFFFFFEF0]  }
0x582: {  	v59 =	vperm.xlane v29, v17;
	(erf) = vpow2.f32 v1  }
0x583: {  	[tilespmem:s24+$0xB0] =	vst v3  }
0x584: {  	s4 =	simm.s32 $0x8;
	v3 =	vld [tilespmem:s1+$0x30];
	v1 =	vmul.f32 v9, v59;
	v5 =	vadd.f32 v5, v8;
	v8 =	vperm.xlane v53, v18  }
0x585: {  	v9 =	vor.u32 s4, v16  }
0x586: {  	v60 =	vmul.u32 $0x90, v9;
	[tilespmem:s0+$0x90] =	vst v1;
	v6 =	vadd.f32 v6, v5;
	v5 =	vmul.f32 v7, v8  }
0x587: {  	v10 =	vperm.xlane v24, v14;
	v11 =	vld [tilespmem:s2+$0x10]  }
0x588: {  	v1 =	vadd.s32 v21, v60;
	[tilespmem:s24+$0xFFFFFEF0] =	vst v5;
	v5 =	vshll.u32 v9, $0x4  }
0x589: {  	v3 =	vmul.f32 v3, v10;
	v7 =	vmul.f32 $2.000000030e-01, v6  }
0x58a: {  	v8 =	vperm.xlane v29, v18  }
0x58b: {  	v9 =	vld [tilespmem:s1+$0xFFFFFF80];
	v10 =	vor.u32 v20, v5;
	[tilespmem:s24+$0x30] =	vst v3;
	v3 =	vmax.f32 v6, v7;
	v5 =	vpop (erf)  }
0x58c: {  	v6 =	vmul.f32 v11, v8;
	v3 =	vsub.f32 v3, v48;
	[tilespmem:v4+s22+$0x0] =	vst.idx.msk $0xffff, v5;
	v4 =	vld [tilespmem:s1+$0xC0]  }
0x58d: {  	v8 =	vld.idx.msk [tilespmem:v1+s28+$0x0], $0xffff  }
0x58e: {  	v7 =	vld [tilespmem:s2+$0xFFFFFEE0];
	[tilespmem:s0+$0x10] =	vst v6;
	v3 =	vmul.f32 $1.442695020e+00, v3  }
0x58f: {  	v6 =	vperm.xlane v24, v19;
	v11 =	vld [tilespmem:s2+$0xA0]  }
0x590: {  	v10 =	vld.idx.msk [tilespmem:v10+s11+$0x0], $0xffff;
	(erf) = vpow2.f32 v3  }
0x591: {  	v3 =	vperm.xlane v5, v15;
	v4 =	vmul.f32 v4, v6  }
0x592: {  	v13 =	vperm.xlane v53, v35;
	v6 =	vld [tilespmem:s3+$0xFFFFFFF0]  }
0x593: {  	v12 =	vperm.xlane v29, v35;
	v3 =	vmul.f32 v7, v3;
	[tilespmem:s24+$0xC0] =	vst v4  }
0x594: {  	v9 =	vmul.f32 v9, v13;
	v4 =	vld [tilespmem:s1+$0x40]  }
0x595: {  	v7 =	vmul.f32 v11, v12;
	[tilespmem:s0+$0xFFFFFEE0] =	vst v3;
	v3 =	vadd.f32 v10, v8  }
0x596: {  	[tilespmem:s24+$0xFFFFFF80] =	vst v9  }
0x597: {  	v11 =	vld [tilespmem:s1+$0xFFFFFF00];
	[tilespmem:s0+$0xA0] =	vst v7;
	v3 =	vadd.f32 v6, v3;
	v6 =	vperm.xlane v24, v34  }
0x598: {  	v7 =	vld [tilespmem:s2+$0x20]  }
0x599: {  	v10 =	vld [tilespmem:s2+$0xFFFFFF70];
	v38 =	vpop (erf);
	v4 =	vmul.f32 v4, v6  }
0x59a: {  	v30 =	vimm.s32 $0x2;
	s8 =	simm.s32 $0x6E0;
	v8 =	vmul.f32 $2.000000030e-01, v3;
	[tilespmem:v55+s22+$0x0] =	vst.idx.msk $0xffff, v38  }
0x59b: {  	v9 =	vperm.xlane v53, v30;
	v12 =	vperm.xlane v29, v30;
	[tilespmem:s24+$0x40] =	vst v4;
	v4 =	vld [tilespmem:s8+$0x0]  }
0x59c: {  	v2 =	vperm.xlane v53, v14;
	v13 =	vperm.xlane v5, v17;
	v3 =	vmax.f32 v3, v8;
	v14 =	vld [tilespmem:s1+$0xD0]  }
0x59d: {  	v9 =	vmul.f32 v11, v9;
	v3 =	vsub.f32 v3, v48;
	v7 =	vmul.f32 v7, v12  }
0x59e: {  	s18 =	simm.s32 $0xE;
	v10 =	vmul.f32 v10, v13;
	v12 =	vperm.xlane v38, v15  }
0x59f: {  	v11 =	vor.u32 s18, v16;
	v13 =	vperm.xlane v24, v49;
	v3 =	vmul.f32 $1.442695020e+00, v3;
	[tilespmem:s0+$0x20] =	vst v7  }
0x5a0: {  	[tilespmem:s24+$0xFFFFFF00] =	vst v9;
	v15 =	vshll.u32 v11, $0x4;
	v11 =	vmul.u32 $0x90, v11;
	v61 =	vld [tilespmem:s2+$0xB0];
	v4 =	vmul.f32 v4, v12  }
0x5a1: {  	s14 =	simm.s32 $0x6FE0;
	[tilespmem:s0+$0xFFFFFF70] =	vst v10;
	v10 =	vor.u32 v20, v15;
	(erf) = vpow2.f32 v3;
	v3 =	vmul.f32 v14, v13  }
0x5a2: {  	v59 =	vimm.s32 $0xA;
	v9 =	vld [tilespmem:s1+$0xFFFFFF90];
	v14 =	vadd.s32 v21, v11;
	[tilespmem:s14+$0x0] =	vst v4  }
0x5a3: {  	v11 =	vperm.xlane v29, v59;
	v13 =	vperm.xlane v53, v56;
	[tilespmem:s24+$0xD0] =	vst v3;
	v3 =	vld [tilespmem:s8+$0x90]  }
0x5a4: {  	v0 =	vperm.xlane v53, v46;
	v12 =	vld [tilespmem:s2+$0xFFFFFEF0]  }
0x5a5: {  	v27 =	vperm.xlane v53, v49;
	v11 =	vmul.f32 v61, v11;
	v4 =	vld [tilespmem:s1+$0x50];
	[tilespmem:$0x1FBB0] =	vst v13  }
0x5a6: {  	v26 =	vperm.xlane v53, v51;
	v13 =	vld.idx.msk [tilespmem:v10+s11+$0x0], $0xffff;
	[tilespmem:$0x1FC60] =	vst v0;
	v10 =	vperm.xlane v38, v17  }
0x5a7: {  	v58 =	vperm.xlane v53, v47;
	v0 =	vld.idx.msk [tilespmem:v14+s28+$0x0], $0xffff;
	[tilespmem:s0+$0xB0] =	vst v11;
	v11 =	vperm.xlane v5, v18  }
0x5a8: {  	s19 =	simm.s32 $0x65B0;
	v6 =	vperm.xlane v53, v59;
	v62 =	vld [tilespmem:s2+$0x30];
	v3 =	vmul.f32 v3, v10  }
0x5a9: {  	v57 =	vimm.s32 $0x3;
	s23 =	simm.s32 $0xC;
	v39 =	vmovc v16;
	v52 =	vmovc v20;
	v20 =	vperm.xlane v24, v51;
	v63 =	vld [tilespmem:s19+$0x0];
	v12 =	vmul.f32 v12, v11  }
0x5aa: {  	v40 =	vor.u32 s23, v39;
	v41 =	vperm.xlane v29, v57;
	v6 =	vmul.f32 v9, v6;
	[tilespmem:s14+$0x90] =	vst v3  }
0x5ab: {  	v9 =	vmul.u32 $0x90, v40;
	v55 =	vld [tilespmem:s19+$0xFFFFFFF0];
	v4 =	vmul.f32 v4, v20;
	v11 =	vpop (erf);
	[tilespmem:s0+$0xFFFFFEF0] =	vst v12;
	v12 =	vshll.u32 v40, $0x4  }
0x5ac: {  	v32 =	vimm.s32 $0x1;
	[tilespmem:v1+s22+$0x0] =	vst.idx.msk $0xffff, v11;
	v0 =	vadd.f32 v13, v0;
	v3 =	vld [tilespmem:s8+$0x10];
	v12 =	vor.u32 v52, v12  }
0x5ad: {  	v31 =	vperm.xlane v53, v36;
	v13 =	vadd.s32 v21, v9;
	[tilespmem:s24+$0x50] =	vst v4;
	v42 =	vld [tilespmem:s8+$0xFFFFFEE0];
	v1 =	vmul.f32 v62, v41  }
0x5ae: {  	v60 =	vperm.xlane v53, v37;
	v8 =	vperm.xlane v53, v19;
	v21 =	vld [tilespmem:s1+$0xE0];
	v0 =	vadd.f32 v63, v0  }
0x5af: {  	v33 =	vimm.s32 $0x0;
	v15 =	vperm.xlane v5, v35;
	v20 =	vld [tilespmem:s2+$0xFFFFFF80];
	v4 =	vperm.xlane v38, v32;
	[tilespmem:s0+$0x30] =	vst v1  }
0x5b0: {  	v43 =	vperm.xlane v11, v33;
	v44 =	vmul.f32 $2.000000030e-01, v0;
	v22 =	vld [tilespmem:s2+$0xC0]  }
0x5b1: {  	v3 =	vmul.f32 v3, v4;
	v50 =	vld.idx.msk [tilespmem:v12+s11+$0x0], $0xffff;
	v12 =	vperm.xlane v24, v47  }
0x5b2: {  	v54 =	vimm.s32 $0xB;
	[tilespmem:s24+$0xFFFFFF90] =	vst v6;
	v45 =	vld.idx.msk [tilespmem:v13+s28+$0x0], $0xffff;
	v18 =	vmul.f32 v42, v43;
	v0 =	vmax.f32 v0, v44  }
0x5b3: {  	v16 =	vld [tilespmem:s1+$0xFFFFFF10];
	v23 =	vsub.f32 v0, v48;
	[tilespmem:s14+$0x10] =	vst v3;
	v3 =	vperm.xlane v29, v54;
	v12 =	vmul.f32 v21, v12  }
0x5b4: {  	v7 =	vperm.xlane v53, v34;
	v61 =	vperm.xlane v5, v47;
	v28 =	vld [tilespmem:s8+$0xA0];
	[tilespmem:s14+$0xFFFFFEE0] =	vst v18  }
0x5b5: {  	v21 =	vmul.f32 $1.442695020e+00, v23;
	v23 =	vld [tilespmem:s8+$0xFFFFFF70];
	v3 =	vmul.f32 v22, v3;
	[tilespmem:s24+$0xE0] =	vst v12  }
0x5b6: {  	v15 =	vmul.f32 v20, v15;
	v22 =	vperm.xlane v5, v36;
	v44 =	vld [tilespmem:s1+$0x60]  }
0x5b7: {  	v12 =	vperm.xlane v38, v35;
	(erf) = vpow2.f32 v21;
	v21 =	vld [tilespmem:$0x1FFD0];
	[tilespmem:s0+$0xC0] =	vst v3  }
0x5b8: {  	v53 =	vimm.s32 $0x8;
	v17 =	vperm.xlane v5, v30;
	v2 =	vmul.f32 v16, v2;
	v20 =	vld [tilespmem:s2+$0x40];
	[tilespmem:$0x1FB80] =	vst v22  }
0x5b9: {  	v6 =	vperm.xlane v5, v54;
	v1 =	vadd.f32 v50, v45;
	v12 =	vmul.f32 v28, v12;
	[tilespmem:s0+$0xFFFFFF80] =	vst v15  }
0x5ba: {  	v3 =	vperm.xlane v11, v53;
	v22 =	vperm.xlane v5, v37;
	[tilespmem:s24+$0xFFFFFF10] =	vst v2  }
0x5bb: {  	v10 =	vperm.xlane v5, v59;
	v62 =	vperm.xlane v5, v56;
	v1 =	vadd.f32 v55, v1;
	v15 =	vld [tilespmem:s2+$0xFFFFFF00];
	[tilespmem:s14+$0xA0] =	vst v12  }
0x5bc: {  	v40 =	vperm.xlane v5, v51;
	v3 =	vmul.f32 v23, v3;
	v55 =	vld [tilespmem:s8+$0x20];
	[tilespmem:$0x1FBA0] =	vst v22  }
0x5bd: {  	v45 =	vperm.xlane v24, v36;
	v50 =	vmul.f32 $2.000000030e-01, v1;
	v22 =	vld [tilespmem:s1+$0xFFFFFFA0];
	[tilespmem:$0x1FC40] =	vst v62  }
0x5be: {  	v12 =	vperm.xlane v29, v34;
	[tilespmem:s14+$0xFFFFFF70] =	vst v3;
	v3 =	vperm.xlane v5, v46  }
0x5bf: {  	v9 =	vperm.xlane v5, v57;
	v16 =	vmul.f32 v44, v45  }
0x5c0: {  	v4 =	vperm.xlane v5, v34;
	v1 =	vmax.f32 v1, v50;
	v63 =	vmul.f32 v20, v12;
	[tilespmem:$0x1FAF0] =	vst v3  }
0x5c1: {  	v0 =	vperm.xlane v5, v49;
	v1 =	vsub.f32 v1, v48;
	v5 =	vperm.xlane v38, v30;
	v3 =	vld [tilespmem:s8+$0xFFFFFEF0];
	[tilespmem:s24+$0x60] =	vst v16  }
0x5c2: {  	v36 =	vperm.xlane v24, v37;
	[tilespmem:s0+$0x40] =	vst v63;
	v19 =	vld [tilespmem:s1+$0xF0]  }
0x5c3: {  	v1 =	vmul.f32 $1.442695020e+00, v1;
	v50 =	vpop (erf);
	v5 =	vmul.f32 v55, v5;
	v2 =	vld [tilespmem:s2+$0xD0]  }
0x5c4: {  	s9 =	simm.s32 $0x920;
	v12 =	vperm.xlane v11, v32;
	[tilespmem:v14+s22+$0x0] =	vst.idx.msk $0xffff, v50;
	v14 =	vmul.f32 v15, v17  }
0x5c5: {  	(erf) = vpow2.f32 v1;
	v8 =	vmul.f32 v22, v8;
	v15 =	vld [tilespmem:s9+$0x0];
	[tilespmem:s14+$0x20] =	vst v5  }
0x5c6: {  	s25 =	simm.s32 $0x12;
	s4 =	simm.s32 $0x65D0;
	[tilespmem:s0+$0xFFFFFF00] =	vst v14;
	v37 =	vmul.f32 v3, v12;
	v3 =	vperm.xlane v29, v49;
	v12 =	vld [tilespmem:s8+$0xB0]  }
0x5c7: {  	v46 =	vld [tilespmem:s4+$0x0];
	v5 =	vor.u32 s25, v39;
	[tilespmem:s24+$0xFFFFFFA0] =	vst v8;
	v8 =	vmul.f32 v19, v36  }
0x5c8: {  	v42 =	vperm.xlane v50, v33;
	v14 =	vld [tilespmem:s2+$0xFFFFFF90];
	v41 =	vshll.u32 v5, $0x4;
	[tilespmem:s14+$0xFFFFFEF0] =	vst v37;
	v43 =	vmul.f32 v2, v3  }
0x5c9: {  	v44 =	vmul.u32 $0x90, v5;
	v19 =	vld [tilespmem:s1+$0xFFFFFF20];
	v3 =	vor.u32 v52, v41;
	[tilespmem:s24+$0xF0] =	vst v8;
	v8 =	vperm.xlane v38, v59  }
0x5ca: {  	v5 =	vmul.f32 v15, v42;
	v17 =	vld [tilespmem:s8+$0xFFFFFF80];
	[tilespmem:s0+$0xD0] =	vst v43  }
0x5cb: {  	s30 =	simm.s32 $0x10;
	s10 =	simm.s32 $0x7220;
	v1 =	vadd.s32 v21, v44;
	v22 =	vld [tilespmem:s2+$0x50];
	v8 =	vmul.f32 v12, v8  }
0x5cc: {  	v28 =	vperm.xlane v11, v59;
	v20 =	vor.u32 s30, v39;
	[tilespmem:s10+$0x0] =	vst v5;
	v18 =	vld [tilespmem:s1+$0x70]  }
0x5cd: {  	v34 =	vperm.xlane v11, v34;
	v45 =	vmul.u32 $0x90, v20;
	v16 =	vperm.xlane v11, v35;
	v23 =	vld [tilespmem:s9+$0x90]  }
0x5ce: {  	v55 =	vimm.s32 $0x6;
	v44 =	vperm.xlane v11, v51;
	v2 =	vld.idx.msk [tilespmem:v3+s11+$0x0], $0xffff;
	[tilespmem:s14+$0xB0] =	vst v8;
	v3 =	vperm.xlane v29, v51  }
0x5cf: {  	v15 =	vperm.xlane v11, v30;
	v30 =	vperm.xlane v11, v55;
	v12 =	vadd.s32 v21, v45;
	v35 =	vld [tilespmem:s8+$0x30];
	v8 =	vpop (erf)  }
0x5d0: {  	v36 =	vperm.xlane v11, v54;
	[tilespmem:v13+s22+$0x0] =	vst.idx.msk $0xffff, v8;
	v13 =	vld.idx.msk [tilespmem:v1+s28+$0x0], $0xffff;
	v3 =	vmul.f32 v22, v3  }
0x5d1: {  	v63 =	vimm.s32 $0xE;
	v37 =	vperm.xlane v50, v53;
	v5 =	vperm.xlane v11, v57;
	v42 =	vld [tilespmem:s9+$0xFFFFFEE0];
	[tilespmem:$0x1FBF0] =	vst v30  }
0x5d2: {  	v20 =	vshll.u32 v20, $0x4;
	v10 =	vmul.f32 v14, v10;
	[tilespmem:s0+$0x50] =	vst v3;
	v3 =	vperm.xlane v11, v63  }
0x5d3: {  	v20 =	vor.u32 v52, v20;
	v14 =	vperm.xlane v11, v56;
	v22 =	vmul.f32 v23, v37  }
0x5d4: {  	v62 =	vimm.s32 $0xF;
	v43 =	vperm.xlane v11, v47;
	v23 =	vperm.xlane v38, v57;
	v37 =	vld.idx.msk [tilespmem:v12+s28+$0x0], $0xffff;
	[tilespmem:$0x1FC20] =	vst v3  }
0x5d5: {  	v45 =	vperm.xlane v11, v49;
	v11 =	vperm.xlane v11, v62;
	[tilespmem:s10+$0x90] =	vst v22  }
0x5d6: {  	v35 =	vmul.f32 v35, v23;
	v3 =	vld [tilespmem:s2+$0xE0];
	[tilespmem:$0x1FB00] =	vst v14  }
0x5d7: {  	v2 =	vadd.f32 v2, v13;
	v13 =	vld [tilespmem:s9+$0x10];
	[tilespmem:$0x1FB10] =	vst v11  }
0x5d8: {  	v7 =	vmul.f32 v19, v7;
	v19 =	vperm.xlane v8, v33;
	v11 =	vld.idx.msk [tilespmem:v20+s11+$0x0], $0xffff;
	[tilespmem:s14+$0x30] =	vst v35  }
0x5d9: {  	v2 =	vadd.f32 v46, v2;
	v46 =	vperm.xlane v50, v32;
	[tilespmem:s0+$0xFFFFFF90] =	vst v10;
	v20 =	vld [tilespmem:s8+$0xC0]  }
0x5da: {  	v10 =	vmul.f32 v17, v16;
	v16 =	vld [tilespmem:s4+$0xFFFFFFF0];
	[tilespmem:s24+$0xFFFFFF20] =	vst v7;
	v7 =	vmul.f32 v42, v19  }
0x5db: {  	v14 =	vperm.xlane v24, v56;
	v35 =	vld [tilespmem:s2+$0xFFFFFF10];
	v19 =	vmul.f32 $2.000000030e-01, v2  }
0x5dc: {  	v42 =	vld [tilespmem:s1+$0xFFFFFFB0];
	[tilespmem:s10+$0xFFFFFEE0] =	vst v7;
	v13 =	vmul.f32 v13, v46;
	v46 =	vperm.xlane v38, v54  }
0x5dd: {  	v14 =	vmul.f32 v18, v14;
	v7 =	vperm.xlane v29, v47;
	[tilespmem:s14+$0xFFFFFF80] =	vst v10  }
0x5de: {  	v2 =	vmax.f32 v2, v19;
	v18 =	vld [tilespmem:s9+$0xFFFFFF70];
	v11 =	vadd.f32 v11, v37;
	[tilespmem:s10+$0x10] =	vst v13;
	v13 =	vmul.f32 v20, v46  }
0x5df: {  	[tilespmem:s24+$0x70] =	vst v14;
	v2 =	vsub.f32 v2, v48;
	v3 =	vmul.f32 v3, v7;
	v10 =	vld [tilespmem:s9+$0xA0]  }
0x5e0: {  	v46 =	vperm.xlane v8, v53;
	v9 =	vmul.f32 v35, v9;
	v7 =	vadd.f32 v16, v11;
	v11 =	vld [tilespmem:s8+$0xFFFFFF00];
	[tilespmem:s14+$0xC0] =	vst v13  }
0x5e1: {  	v41 =	vimm.s32 $0x9;
	v2 =	vmul.f32 $1.442695020e+00, v2;
	[tilespmem:s0+$0xE0] =	vst v3;
	v13 =	vmul.f32 v42, v27;
	v47 =	vld [tilespmem:s8+$0x40]  }
0x5e2: {  	v35 =	vperm.xlane v50, v41;
	[tilespmem:s0+$0xFFFFFF10] =	vst v9;
	v9 =	vld [tilespmem:s2+$0x60];
	v3 =	vmul.f32 $2.000000030e-01, v7  }
0x5e3: {  	v25 =	vimm.s32 $0x4;
	(erf) = vpow2.f32 v2;
	v17 =	vmul.f32 v18, v46;
	[tilespmem:s24+$0xFFFFFFB0] =	vst v13;
	v13 =	vld [tilespmem:s2+$0xFFFFFFA0]  }
0x5e4: {  	v3 =	vmax.f32 v7, v3;
	v7 =	vperm.xlane v38, v25;
	v2 =	vmul.f32 v10, v35;
	v10 =	vld [tilespmem:s1+$0x100]  }
0x5e5: {  	v42 =	vperm.xlane v29, v55;
	[tilespmem:s10+$0xFFFFFF70] =	vst v17;
	v14 =	vld [tilespmem:s1+$0xFFFFFF30];
	v11 =	vmul.f32 v11, v15  }
0x5e6: {  	v3 =	vsub.f32 v3, v48;
	[tilespmem:s10+$0xA0] =	vst v2;
	v46 =	vmul.f32 v47, v7  }
0x5e7: {  	v17 =	vld [tilespmem:s9+$0xFFFFFEF0];
	v7 =	vmul.f32 v9, v42;
	[tilespmem:s14+$0xFFFFFF00] =	vst v11;
	v11 =	vperm.xlane v24, v62  }
0x5e8: {  	v3 =	vmul.f32 $1.442695020e+00, v3;
	v9 =	vld [tilespmem:s9+$0x20];
	v13 =	vmul.f32 v13, v6;
	[tilespmem:s14+$0x40] =	vst v46  }
0x5e9: {  	v37 =	vperm.xlane v8, v32;
	v47 =	vld [tilespmem:s8+$0xFFFFFF90];
	[tilespmem:s0+$0x60] =	vst v7;
	v10 =	vmul.f32 v10, v11  }
0x5ea: {  	v35 =	vmul.f32 v14, v26;
	(erf) = vpow2.f32 v3;
	v14 =	vimm.s32 $0x2;
	v3 =	vld [tilespmem:s8+$0xD0];
	[tilespmem:s0+$0xFFFFFFA0] =	vst v13  }
0x5eb: {  	v7 =	vld [tilespmem:s2+$0xF0];
	v13 =	vperm.xlane v50, v14;
	[tilespmem:$0x1FBD0] =	vst v10  }
0x5ec: {  	v11 =	vmul.f32 v17, v37;
	v26 =	vpop (erf);
	v10 =	vld [tilespmem:s2+$0xFFFFFF20]  }
0x5ed: {  	s18 =	simm.s32 $0xB60;
	v6 =	vperm.xlane v8, v14;
	[tilespmem:v1+s22+$0x0] =	vst.idx.msk $0xffff, v26;
	v37 =	vmul.f32 v9, v13  }
0x5ee: {  	v14 =	vperm.xlane v29, v63;
	v13 =	vperm.xlane v38, v49;
	[tilespmem:s10+$0xFFFFFEF0] =	vst v11;
	v42 =	vld [tilespmem:s18+$0x0]  }
0x5ef: {  	v11 =	vmul.f32 v47, v28;
	[tilespmem:s10+$0x20] =	vst v37  }
0x5f0: {  	s5 =	simm.s32 $0x16;
	[tilespmem:s24+$0xFFFFFF30] =	vst v35;
	v35 =	vmul.f32 v3, v13;
	v3 =	vmul.f32 v7, v14;
	v13 =	vld [tilespmem:s9+$0xB0]  }
0x5f1: {  	v2 =	vld [tilespmem:s1+$0xFFFFFFC0];
	[tilespmem:s14+$0xFFFFFF90] =	vst v11;
	v7 =	vor.u32 s5, v39;
	v11 =	vperm.xlane v26, v33;
	v4 =	vmul.f32 v10, v4  }
0x5f2: {  	v17 =	vld [tilespmem:s9+$0xFFFFFF80];
	[tilespmem:s14+$0xD0] =	vst v35;
	v10 =	vshll.u32 v7, $0x4  }
0x5f3: {  	v14 =	vld [tilespmem:s8+$0xFFFFFF10];
	[tilespmem:s0+$0xF0] =	vst v3;
	v3 =	vor.u32 v52, v10;
	v10 =	vmul.f32 v42, v11;
	v42 =	vperm.xlane v50, v59  }
0x5f4: {  	s19 =	simm.s32 $0x7460;
	v37 =	vmul.u32 $0x90, v7;
	v7 =	vld [tilespmem:s8+$0x50];
	[tilespmem:s0+$0xFFFFFF20] =	vst v4  }
0x5f5: {  	v18 =	vld [tilespmem:s2+$0x70];
	[tilespmem:s19+$0x0] =	vst v10;
	v10 =	vmul.f32 v13, v42;
	v42 =	vperm.xlane v8, v49;
	v4 =	vpop (erf)  }
0x5f6: {  	v30 =	vimm.s32 $0xD;
	v19 =	vld [tilespmem:s2+$0xFFFFFFB0];
	v49 =	vperm.xlane v8, v51;
	[tilespmem:v12+s22+$0x0] =	vst.idx.msk $0xffff, v4  }
0x5f7: {  	v22 =	vperm.xlane v8, v30;
	v12 =	vld [tilespmem:s18+$0xFFFFFEE0];
	[tilespmem:$0x1FBE0] =	vst v42  }
0x5f8: {  	[tilespmem:$0x1FC10] =	vst v49  }
0x5f9: {  	v20 =	vld [tilespmem:s18+$0x90];
	[tilespmem:$0x1FC50] =	vst v22  }
0x5fa: {  	s7 =	simm.s32 $0x14;
	[tilespmem:s10+$0xB0] =	vst v10;
	v10 =	vperm.xlane v8, v55  }
0x5fb: {  	v11 =	vadd.s32 v21, v37;
	v37 =	vor.u32 s7, v39  }
0x5fc: {  	v27 =	vperm.xlane v8, v56;
	v1 =	vshll.u32 v37, $0x4;
	v3 =	vld.idx.msk [tilespmem:v3+s11+$0x0], $0xffff;
	[tilespmem:$0x1FB20] =	vst v10;
	v10 =	vperm.xlane v8, v63  }
0x5fd: {  	v15 =	vperm.xlane v8, v41;
	v13 =	vperm.xlane v38, v51;
	v1 =	vor.u32 v52, v1  }
0x5fe: {  	v46 =	vperm.xlane v8, v54;
	v24 =	vperm.xlane v26, v53;
	[tilespmem:$0x1FB30] =	vst v10  }
0x5ff: {  	v2 =	vmul.f32 v2, v58;
	v7 =	vmul.f32 v7, v13;
	v13 =	vld [tilespmem:s9+$0x30]  }
0x600: {  	s15 =	simm.s32 $0x65F0;
	v9 =	vperm.xlane v8, v59;
	v47 =	vperm.xlane v8, v57;
	v51 =	vmul.u32 $0x90, v37;
	v16 =	vld.idx.msk [tilespmem:v11+s28+$0x0], $0xffff  }
0x601: {  	v28 =	vperm.xlane v8, v62;
	v5 =	vmul.f32 v14, v5;
	[tilespmem:s24+$0xFFFFFFC0] =	vst v2;
	v2 =	vld [tilespmem:s15+$0x0]  }
0x602: {  	v10 =	vadd.s32 v21, v51;
	[tilespmem:s14+$0x50] =	vst v7;
	v7 =	vperm.xlane v29, v56;
	v1 =	vld.idx.msk [tilespmem:v1+s11+$0x0], $0xffff  }
0x603: {  	v20 =	vmul.f32 v20, v24;
	v56 =	vperm.xlane v50, v57;
	v37 =	vld [tilespmem:s8+$0xE0]  }
0x604: {  	v35 =	vperm.xlane v8, v25;
	[tilespmem:s14+$0xFFFFFF10] =	vst v5;
	v8 =	vld [tilespmem:s1+$0xFFFFFF40];
	v18 =	vmul.f32 v18, v7  }
0x605: {  	[tilespmem:s19+$0x90] =	vst v20;
	v14 =	vld [tilespmem:s8+$0xFFFFFFA0];
	v7 =	vperm.xlane v4, v33;
	v13 =	vmul.f32 v13, v56  }
0x606: {  	v58 =	vperm.xlane v38, v30;
	v3 =	vadd.f32 v3, v16;
	v16 =	vld [tilespmem:s18+$0x10]  }
0x607: {  	v49 =	vld.idx.msk [tilespmem:v10+s28+$0x0], $0xffff;
	v12 =	vmul.f32 v12, v7;
	[tilespmem:s10+$0x30] =	vst v13  }
0x608: {  	v13 =	vmul.f32 v37, v58;
	v2 =	vadd.f32 v2, v3;
	v3 =	vld [tilespmem:s9+$0xC0]  }
0x609: {  	v15 =	vmul.f32 v17, v15;
	v56 =	vperm.xlane v26, v32;
	[tilespmem:s19+$0xFFFFFEE0] =	vst v12;
	v12 =	vld [tilespmem:s15+$0xFFFFFFF0]  }
0x60a: {  	v0 =	vmul.f32 v19, v0;
	v58 =	vld [tilespmem:s18+$0xFFFFFF70];
	[tilespmem:s14+$0xE0] =	vst v13;
	v13 =	vmul.f32 $2.000000030e-01, v2  }
0x60b: {  	[tilespmem:s0+$0x70] =	vst v18;
	v18 =	vld [tilespmem:s8+$0x60];
	v16 =	vmul.f32 v16, v56;
	v56 =	vperm.xlane v50, v54  }
0x60c: {  	[tilespmem:s10+$0xFFFFFF80] =	vst v15;
	v20 =	vperm.xlane v4, v53;
	v2 =	vmax.f32 v2, v13  }
0x60d: {  	[tilespmem:s0+$0xFFFFFFB0] =	vst v0;
	v1 =	vadd.f32 v1, v49;
	v13 =	vld [tilespmem:s9+$0xFFFFFF00];
	v2 =	vsub.f32 v2, v48;
	v3 =	vmul.f32 v3, v56  }
0x60e: {  	v5 =	vmul.f32 v8, v31;
	v8 =	vperm.xlane v38, v55;
	[tilespmem:s19+$0x10] =	vst v16  }
0x60f: {  	v1 =	vadd.f32 v12, v1;
	v15 =	vmul.f32 v58, v20;
	v12 =	vld [tilespmem:s18+$0xA0];
	v2 =	vmul.f32 $1.442695020e+00, v2;
	[tilespmem:s10+$0xC0] =	vst v3  }
0x610: {  	[tilespmem:s24+$0xFFFFFF40] =	vst v5;
	v5 =	vmul.f32 v14, v36;
	v3 =	vmul.f32 v18, v8;
	v37 =	vld [tilespmem:s9+$0x40]  }
0x611: {  	v49 =	vld [tilespmem:s2+$0xFFFFFF30];
	v58 =	vmul.f32 $2.000000030e-01, v1;
	[tilespmem:s19+$0xFFFFFF70] =	vst v15;
	(erf) = vpow2.f32 v2  }
0x612: {  	v56 =	vperm.xlane v26, v41;
	v6 =	vmul.f32 v13, v6;
	v13 =	vld [tilespmem:s18+$0xFFFFFEF0];
	[tilespmem:s14+$0x60] =	vst v3  }
0x613: {  	v0 =	vmax.f32 v1, v58;
	v3 =	vperm.xlane v50, v25;
	v58 =	vld [tilespmem:s8+$0xF0]  }
0x614: {  	v51 =	vperm.xlane v4, v32;
	v42 =	vld [tilespmem:s2+$0x100];
	[tilespmem:s14+$0xFFFFFFA0] =	vst v5;
	v2 =	vmul.f32 v12, v56  }
0x615: {  	v29 =	vperm.xlane v29, v62;
	v12 =	vld [tilespmem:s1+$0xFFFFFFD0];
	[tilespmem:s10+$0xFFFFFF00] =	vst v6;
	v37 =	vmul.f32 v37, v3  }
0x616: {  	v5 =	vperm.xlane v38, v63;
	v14 =	vld [tilespmem:s9+$0xFFFFFF90];
	[tilespmem:s19+$0xA0] =	vst v2;
	v3 =	vmul.f32 v49, v40  }
0x617: {  	v15 =	vld [tilespmem:s18+$0x20];
	v13 =	vmul.f32 v13, v51;
	[tilespmem:s10+$0x40] =	vst v37  }
0x618: {  	v0 =	vsub.f32 v0, v48;
	v49 =	vld [tilespmem:s8+$0xFFFFFF20];
	[tilespmem:s0+$0xFFFFFF30] =	vst v3;
	v17 =	vmul.f32 v58, v5;
	v5 =	vperm.xlane v4, v54  }
0x619: {  	[tilespmem:s19+$0xFFFFFEF0] =	vst v13;
	v19 =	vld [tilespmem:s9+$0xD0]  }
0x61a: {  	v42 =	vmul.f32 v42, v29;
	v0 =	vmul.f32 $1.442695020e+00, v0;
	v36 =	vld [tilespmem:s2+$0xFFFFFFC0];
	[tilespmem:$0x1FC00] =	vst v5;
	v29 =	vpop (erf)  }
0x61b: {  	v24 =	vimm.s32 $0xC;
	[tilespmem:v11+s22+$0x0] =	vst.idx.msk $0xffff, v29;
	v11 =	vperm.xlane v4, v25  }
0x61c: {  	v18 =	vimm.s32 $0x2;
	(erf) = vpow2.f32 v0;
	v5 =	vmul.f32 v14, v9;
	v13 =	vld [tilespmem:s18+$0xFFFFFF80];
	[tilespmem:s14+$0xF0] =	vst v17  }
0x61d: {  	v3 =	vperm.xlane v26, v18;
	v14 =	vperm.xlane v4, v24;
	v0 =	vld [tilespmem:s8+$0x70];
	[tilespmem:$0x1FC30] =	vst v11  }
0x61e: {  	s3 =	simm.s32 $0xDA0;
	[tilespmem:s10+$0xFFFFFF90] =	vst v5;
	v5 =	vmul.f32 v49, v34  }
0x61f: {  	v33 =	vimm.s32 $0x5;
	v3 =	vmul.f32 v15, v3;
	v11 =	vld [tilespmem:s3+$0x0];
	[tilespmem:$0x1FB40] =	vst v14  }
0x620: {  	s16 =	simm.s32 $0x1A;
	v9 =	vperm.xlane v50, v24;
	[tilespmem:s14+$0xFFFFFF20] =	vst v5;
	v5 =	vperm.xlane v4, v33  }
0x621: {  	v22 =	vimm.s32 $0x0;
	v31 =	vimm.s32 $0x7;
	v14 =	vld [tilespmem:s9+$0xFFFFFF10];
	[tilespmem:s19+$0x20] =	vst v3;
	v3 =	vor.u32 s16, v39  }
0x622: {  	v1 =	vmul.f32 v19, v9;
	v9 =	vperm.xlane v38, v31;
	v15 =	vld [tilespmem:s18+$0xB0];
	[tilespmem:$0x1FB50] =	vst v5;
	v5 =	vshll.u32 v3, $0x4  }
0x623: {  	v37 =	vperm.xlane v29, v22;
	v2 =	vmul.f32 v36, v61  }
0x624: {  	v7 =	vperm.xlane v4, v41;
	v0 =	vmul.f32 v0, v9;
	[tilespmem:s10+$0xD0] =	vst v1;
	v49 =	vor.u32 v52, v5  }
0x625: {  	v16 =	vld [tilespmem:s8+$0xFFFFFFB0];
	[tilespmem:s0+$0xFFFFFFC0] =	vst v2;
	v9 =	vmul.f32 v11, v37;
	v11 =	vperm.xlane v4, v30;
	v5 =	vpop (erf)  }
0x626: {  	v8 =	vperm.xlane v4, v18;
	v6 =	vperm.xlane v4, v59;
	v40 =	vmul.u32 $0x90, v3;
	v3 =	vld [tilespmem:s9+$0x50];
	[tilespmem:v10+s22+$0x0] =	vst.idx.msk $0xffff, v5  }
0x627: {  	v56 =	vperm.xlane v4, v57;
	v18 =	vld [tilespmem:s2+$0xFFFFFF40];
	v10 =	vperm.xlane v26, v59;
	[tilespmem:$0x1FB60] =	vst v11  }
0x628: {  	s4 =	simm.s32 $0x76A0;
	v36 =	vperm.xlane v4, v63;
	v34 =	vperm.xlane v4, v31;
	v11 =	vadd.s32 v21, v40;
	v1 =	vld [tilespmem:s3+$0xFFFFFEE0];
	[tilespmem:s14+$0x70] =	vst v0  }
0x629: {  	s23 =	simm.s32 $0x18;
	v37 =	vperm.xlane v4, v55;
	[tilespmem:s4+$0x0] =	vst v9;
	v9 =	vmul.f32 v15, v10;
	v0 =	vld.idx.msk [tilespmem:v49+s11+$0x0], $0xffff  }
0x62a: {  	v51 =	vor.u32 s23, v39;
	v4 =	vperm.xlane v4, v62;
	v15 =	vperm.xlane v50, v33;
	v19 =	vld [tilespmem:s8+$0x100]  }
0x62b: {  	v58 =	vmul.u32 $0x90, v51;
	v20 =	vld [tilespmem:s3+$0x90];
	[tilespmem:s19+$0xB0] =	vst v9  }
0x62c: {  	v61 =	vmul.f32 v3, v15;
	v15 =	vld [tilespmem:s18+$0x30];
	[tilespmem:$0x1FB70] =	vst v4  }
0x62d: {  	s5 =	simm.s32 $0x6610;
	v10 =	vadd.s32 v21, v58;
	v4 =	vld.idx.msk [tilespmem:v11+s28+$0x0], $0xffff  }
0x62e: {  	v17 =	vshll.u32 v51, $0x4;
	v9 =	vperm.xlane v29, v53;
	[tilespmem:s10+$0x50] =	vst v61;
	v51 =	vld [tilespmem:s5+$0x0]  }
0x62f: {  	v40 =	vperm.xlane v26, v57;
	v49 =	vld [tilespmem:s9+$0xE0]  }
0x630: {  	v3 =	vmul.f32 v12, v60;
	v12 =	vor.u32 v52, v17;
	v20 =	vmul.f32 v20, v9  }
0x631: {  	v13 =	vmul.f32 v13, v7;
	v15 =	vmul.f32 v15, v40  }
0x632: {  	v61 =	vld.idx.msk [tilespmem:v10+s28+$0x0], $0xffff;
	[tilespmem:s4+$0x90] =	vst v20;
	v20 =	vperm.xlane v50, v30;
	v0 =	vadd.f32 v0, v4  }
0x633: {  	v38 =	vperm.xlane v38, v62;
	v2 =	vperm.xlane v5, v22;
	v62 =	vld [tilespmem:s3+$0x10];
	[tilespmem:s19+$0x30] =	vst v15  }
0x634: {  	[tilespmem:s19+$0xFFFFFF80] =	vst v13;
	v13 =	vmul.f32 v14, v47;
	v15 =	vmul.f32 v49, v20;
	v49 =	vadd.f32 v51, v0;
	v51 =	vld [tilespmem:s18+$0xC0]  }
0x635: {  	[tilespmem:s24+$0xFFFFFFD0] =	vst v3;
	v1 =	vmul.f32 v1, v2;
	v12 =	vld.idx.msk [tilespmem:v12+s11+$0x0], $0xffff  }
0x636: {  	[tilespmem:s10+$0xFFFFFF10] =	vst v13;
	v13 =	vmul.f32 v16, v45;
	v40 =	vperm.xlane v29, v32  }
0x637: {  	v58 =	vld [tilespmem:s5+$0xFFFFFFF0];
	v47 =	vperm.xlane v26, v54;
	[tilespmem:s4+$0xFFFFFEE0] =	vst v1;
	v14 =	vmul.f32 $2.000000030e-01, v49  }
0x638: {  	[tilespmem:s14+$0xFFFFFFB0] =	vst v13;
	v20 =	vld [tilespmem:s3+$0xFFFFFF70];
	v2 =	vmul.f32 v62, v40  }
0x639: {  	v3 =	vld [tilespmem:s18+$0xFFFFFF00];
	[tilespmem:s10+$0xE0] =	vst v15;
	v1 =	vmax.f32 v49, v14;
	v49 =	vmul.f32 v51, v47  }
0x63a: {  	v12 =	vadd.f32 v12, v61;
	v15 =	vld [tilespmem:s9+$0x60];
	[tilespmem:s4+$0x10] =	vst v2  }
0x63b: {  	v17 =	vperm.xlane v5, v53;
	v14 =	vld [tilespmem:s9+$0xFFFFFFA0];
	[tilespmem:s19+$0xC0] =	vst v49  }
0x63c: {  	v12 =	vadd.f32 v58, v12;
	v40 =	vld [tilespmem:$0x1FB80]  }
0x63d: {  	v7 =	vmul.f32 v19, v38;
	v13 =	vmul.f32 v20, v17;
	v20 =	vld [tilespmem:s8+$0xFFFFFF30];
	v1 =	vsub.f32 v1, v48  }
0x63e: {  	v51 =	vperm.xlane v50, v55;
	v58 =	vmul.f32 $2.000000030e-01, v12  }
0x63f: {  	v3 =	vmul.f32 v3, v8;
	v61 =	vld [tilespmem:s3+$0xA0];
	v1 =	vmul.f32 $1.442695020e+00, v1  }
0x640: {  	v45 =	vperm.xlane v29, v41;
	v38 =	vmul.f32 v15, v51;
	v12 =	vmax.f32 v12, v58;
	[tilespmem:s4+$0xFFFFFF70] =	vst v13;
	v8 =	vld [tilespmem:s18+$0x40]  }
0x641: {  	[tilespmem:s19+$0xFFFFFF00] =	vst v3;
	v3 =	vsub.f32 v12, v48;
	v13 =	vld [tilespmem:s3+$0xFFFFFEF0];
	(erf) = vpow2.f32 v1;
	v15 =	vmul.f32 v18, v40  }
0x642: {  	v47 =	vimm.s32 $0x4;
	[tilespmem:s10+$0x60] =	vst v38;
	v46 =	vmul.f32 v14, v46;
	v14 =	vld [tilespmem:s18+$0xFFFFFF90];
	v58 =	vmul.f32 v20, v44  }
0x643: {  	v12 =	vld [tilespmem:s9+$0xF0];
	v3 =	vmul.f32 $1.442695020e+00, v3;
	[tilespmem:s0+$0xFFFFFF40] =	vst v15;
	v15 =	vperm.xlane v26, v47  }
0x644: {  	v60 =	vperm.xlane v5, v32;
	v1 =	vmul.f32 v61, v45;
	[tilespmem:s10+$0xFFFFFFA0] =	vst v46  }
0x645: {  	[tilespmem:s14+$0xFFFFFF30] =	vst v58;
	v61 =	vld [tilespmem:s9+$0xFFFFFF20];
	(erf) = vpow2.f32 v3;
	v38 =	vmul.f32 v8, v15  }
0x646: {  	v3 =	vld [tilespmem:s8+$0xFFFFFFC0];
	[tilespmem:s4+$0xA0] =	vst v1;
	v13 =	vmul.f32 v13, v60;
	v8 =	vperm.xlane v50, v63  }
0x647: {  	v40 =	vld [tilespmem:s3+$0x20];
	v6 =	vmul.f32 v14, v6;
	[tilespmem:s19+$0x40] =	vst v38  }
0x648: {  	[tilespmem:s4+$0xFFFFFEF0] =	vst v13;
	v58 =	vmul.f32 v12, v8;
	v8 =	vld [tilespmem:s18+$0xD0]  }
0x649: {  	v25 =	vimm.s32 $0x2;
	v23 =	vperm.xlane v5, v59;
	v9 =	vperm.xlane v5, v41;
	v62 =	vld [tilespmem:s1+$0xFFFFFF50];
	[tilespmem:s19+$0xFFFFFF90] =	vst v6  }
0x64a: {  	s25 =	simm.s32 $0x1E;
	v16 =	vld [tilespmem:s2+$0xFFFFFFD0];
	v13 =	vperm.xlane v29, v25;
	v6 =	vperm.xlane v26, v24;
	[tilespmem:s10+$0xF0] =	vst v58  }
0x64b: {  	v60 =	vmul.f32 v61, v35;
	v61 =	vmul.f32 v3, v43;
	v3 =	vor.u32 s25, v39;
	v38 =	vpop (erf);
	v14 =	vld [tilespmem:s9+$0x70]  }
0x64c: {  	s29 =	simm.s32 $0xFE0;
	v15 =	vld [tilespmem:s18+$0xFFFFFF10];
	v35 =	vshll.u32 v3, $0x4;
	v43 =	vmul.u32 $0x90, v3;
	v2 =	vmul.f32 v40, v13;
	[tilespmem:v11+s22+$0x0] =	vst.idx.msk $0xffff, v38  }
0x64d: {  	[tilespmem:s10+$0xFFFFFF20] =	vst v60;
	v3 =	vor.u32 v52, v35;
	v11 =	vld [tilespmem:s29+$0x0];
	v40 =	vmul.f32 v8, v6;
	v6 =	vperm.xlane v5, v55  }
0x64e: {  	v4 =	vperm.xlane v5, v25;
	v12 =	vld [tilespmem:s3+$0xFFFFFF80];
	[tilespmem:s4+$0x20] =	vst v2;
	v8 =	vperm.xlane v50, v31  }
0x64f: {  	v22 =	vimm.s32 $0x0;
	v49 =	vperm.xlane v5, v57;
	v51 =	vperm.xlane v5, v54;
	v13 =	vld [tilespmem:s9+$0xFFFFFFB0];
	[tilespmem:$0x1FB90] =	vst v6  }
0x650: {  	v20 =	vperm.xlane v38, v22;
	v58 =	vmul.f32 v14, v8;
	[tilespmem:s14+$0xFFFFFFC0] =	vst v61  }
0x651: {  	v44 =	vperm.xlane v5, v30;
	v46 =	vperm.xlane v5, v24;
	v17 =	vld [tilespmem:s3+$0xB0];
	[tilespmem:s19+$0xD0] =	vst v40  }
0x652: {  	s30 =	simm.s32 $0x1C;
	v45 =	vperm.xlane v5, v33;
	v11 =	vmul.f32 v11, v20;
	v3 =	vld.idx.msk [tilespmem:v3+s11+$0x0], $0xffff;
	v6 =	vpop (erf);
	[tilespmem:s10+$0x70] =	vst v58  }
0x653: {  	s16 =	simm.s32 $0x78E0;
	v18 =	vor.u32 s30, v39;
	v47 =	vperm.xlane v5, v47;
	v39 =	vperm.xlane v5, v63;
	v1 =	vld [tilespmem:s18+$0x50];
	[tilespmem:v10+s22+$0x0] =	vst.idx.msk $0xffff, v6  }
0x654: {  	v35 =	vadd.s32 v21, v43;
	v43 =	vimm.s32 $0xF;
	v14 =	vperm.xlane v29, v59;
	v2 =	vld [tilespmem:$0x1FBA0];
	[tilespmem:s16+$0x0] =	vst v11  }
0x655: {  	v40 =	vperm.xlane v5, v31;
	v5 =	vperm.xlane v5, v43;
	v58 =	vld [tilespmem:$0x1FBB0]  }
0x656: {  	v8 =	vmul.u32 $0x90, v18;
	v19 =	vld [tilespmem:s8+$0xFFFFFF40];
	v11 =	vmul.f32 v17, v14;
	v14 =	vperm.xlane v26, v33  }
0x657: {  	v10 =	vld [tilespmem:s29+$0xFFFFFEE0]  }
0x658: {  	v61 =	vadd.s32 v21, v8;
	v8 =	vld [tilespmem:s9+$0x100];
	[tilespmem:$0x1FBC0] =	vst v5;
	v1 =	vmul.f32 v1, v14  }
0x659: {  	v60 =	vshll.u32 v18, $0x4;
	[tilespmem:s4+$0xB0] =	vst v11;
	v2 =	vmul.f32 v16, v2;
	v16 =	vld [tilespmem:s29+$0x90]  }
0x65a: {  	v5 =	vor.u32 v52, v60;
	v60 =	vperm.xlane v6, v22;
	v17 =	vmul.f32 v62, v58;
	v58 =	vld [tilespmem:s3+$0x30];
	[tilespmem:s19+$0x50] =	vst v1  }
0x65b: {  	v22 =	vld [tilespmem:$0x1FBD0]  }
0x65c: {  	v9 =	vmul.f32 v12, v9;
	v10 =	vmul.f32 v10, v60;
	v18 =	vld [tilespmem:s18+$0xE0];
	[tilespmem:s0+$0x100] =	vst v42  }
0x65d: {  	v50 =	vperm.xlane v50, v43;
	v20 =	vld.idx.msk [tilespmem:v35+s28+$0x0], $0xffff;
	v62 =	vperm.xlane v38, v53;
	[tilespmem:s14+$0x100] =	vst v7  }
0x65e: {  	s5 =	simm.s32 $0x6630;
	v43 =	vperm.xlane v26, v30;
	v52 =	vperm.xlane v29, v57;
	[tilespmem:s16+$0xFFFFFEE0] =	vst v10  }
0x65f: {  	v11 =	vperm.xlane v6, v53;
	v53 =	vld [tilespmem:s5+$0x0];
	[tilespmem:s4+$0xFFFFFF80] =	vst v9;
	v1 =	vmul.f32 v16, v62  }
0x660: {  	v12 =	vld.idx.msk [tilespmem:v61+s28+$0x0], $0xffff;
	v42 =	vmul.f32 v58, v52;
	[tilespmem:s24+$0x100] =	vst v22  }
0x661: {  	v5 =	vld.idx.msk [tilespmem:v5+s11+$0x0], $0xffff;
	v7 =	vmul.f32 v8, v50;
	[tilespmem:s16+$0x90] =	vst v1;
	v50 =	vmul.f32 v18, v43  }
0x662: {  	v3 =	vadd.f32 v3, v20;
	v9 =	vmul.f32 v15, v56;
	v52 =	vld [tilespmem:s29+$0xFFFFFF70];
	[tilespmem:s4+$0x30] =	vst v42  }
0x663: {  	v42 =	vld [tilespmem:$0x1FBE0];
	[tilespmem:s19+$0xE0] =	vst v50  }
0x664: {  	v3 =	vadd.f32 v53, v3;
	v10 =	vld [tilespmem:s29+$0x10];
	[tilespmem:s19+$0xFFFFFF10] =	vst v9  }
0x665: {  	v20 =	vld [tilespmem:$0x1FBF0]  }
0x666: {  	v9 =	vmul.f32 $2.000000030e-01, v3  }
0x667: {  	v43 =	vperm.xlane v38, v32;
	v15 =	vld [tilespmem:s3+$0xC0]  }
0x668: {  	v8 =	vld [tilespmem:s5+$0xFFFFFFF0];
	v58 =	vperm.xlane v6, v59;
	v3 =	vmax.f32 v3, v9;
	v9 =	vmul.f32 v52, v11  }
0x669: {  	v59 =	vadd.f32 v5, v12;
	v50 =	vld [tilespmem:s3+$0xFFFFFF00];
	[tilespmem:s0+$0xFFFFFFD0] =	vst v2;
	v5 =	vmul.f32 v10, v43;
	v10 =	vperm.xlane v29, v54  }
0x66a: {  	[tilespmem:s16+$0xFFFFFF70] =	vst v9;
	v13 =	vmul.f32 v13, v42;
	v19 =	vmul.f32 v19, v20;
	v20 =	vld [tilespmem:s18+$0x60]  }
0x66b: {  	[tilespmem:s16+$0x10] =	vst v5  }
0x66c: {  	v10 =	vmul.f32 v15, v10;
	[tilespmem:s10+$0xFFFFFFB0] =	vst v13  }
0x66d: {  	v12 =	vld [tilespmem:s18+$0xFFFFFFA0];
	v2 =	vadd.f32 v8, v59;
	v13 =	vperm.xlane v26, v55;
	[tilespmem:s14+$0xFFFFFF40] =	vst v19  }
0x66e: {  	v1 =	vmul.f32 v50, v4;
	v11 =	vld [tilespmem:s9+$0xFFFFFF30];
	[tilespmem:s4+$0xC0] =	vst v10  }
0x66f: {  	v9 =	vmul.f32 $2.000000030e-01, v2;
	v10 =	vld [tilespmem:$0x1FC00];
	[tilespmem:s24+$0xFFFFFF50] =	vst v17;
	v5 =	vmul.f32 v20, v13  }
0x670: {  	v4 =	vld [tilespmem:s8+$0xFFFFFFD0];
	[tilespmem:s4+$0xFFFFFF00] =	vst v1  }
0x671: {  	v2 =	vmax.f32 v2, v9;
	v9 =	vld [tilespmem:$0x1FC10];
	[tilespmem:s19+$0x60] =	vst v5  }
0x672: {  	v3 =	vsub.f32 v3, v48;
	v5 =	vld [tilespmem:$0x1FC20];
	_ =	sdelay $0x1  }
0x673: {  	v3 =	vmul.f32 $1.442695020e+00, v3;
	v8 =	vld [tilespmem:s29+$0xA0]  }
0x674: {  	v10 =	vmul.f32 v12, v10;
	v12 =	vld [tilespmem:s29+$0xFFFFFEF0]  }
0x675: {  	(erf) = vpow2.f32 v3;
	v3 =	vld [tilespmem:s3+$0x40];
	v9 =	vmul.f32 v11, v9  }
0x676: {  	v11 =	vperm.xlane v38, v41;
	v4 =	vmul.f32 v4, v5;
	v5 =	vld [tilespmem:s3+$0xFFFFFF90]  }
0x677: {  	v0 =	vimm.s32 $0x4;
	v14 =	vperm.xlane v6, v32;
	[tilespmem:s10+$0x100] =	vst v7  }
0x678: {  	[tilespmem:s19+$0xFFFFFFA0] =	vst v10;
	v8 =	vmul.f32 v8, v11;
	v11 =	vperm.xlane v29, v0  }
0x679: {  	[tilespmem:s10+$0xFFFFFF30] =	vst v9;
	v7 =	vmul.f32 v12, v14  }
0x67a: {  	v3 =	vmul.f32 v3, v11;
	[tilespmem:s16+$0xA0] =	vst v8  }
0x67b: {  	[tilespmem:s16+$0xFFFFFEF0] =	vst v7;
	v42 =	vmul.f32 v5, v23  }
0x67c: {  	v10 =	vld [tilespmem:s18+$0xF0];
	[tilespmem:s4+$0x40] =	vst v3  }
0x67d: {  	v12 =	vld [tilespmem:s18+$0xFFFFFF20];
	[tilespmem:s4+$0xFFFFFF90] =	vst v42  }
0x67e: {  	v56 =	vperm.xlane v6, v54;
	v54 =	vperm.xlane v6, v0;
	v0 =	vld [tilespmem:$0x1FC30];
	_ =	sdelay $0x1  }
0x67f: {  	v8 =	vperm.xlane v26, v63;
	_ =	sdelay $0x1  }
0x680: {  	v32 =	vld [tilespmem:s2+$0xFFFFFF50];
	v3 =	vmul.f32 v10, v8  }
0x681: {  	v52 =	vperm.xlane v6, v33;
	v33 =	vld [tilespmem:s9+$0xFFFFFFC0];
	v0 =	vmul.f32 v12, v0  }
0x682: {  	v5 =	vld [tilespmem:$0x1FC40];
	[tilespmem:s19+$0xF0] =	vst v3  }
0x683: {  	v25 =	vimm.s32 $0x2;
	v57 =	vperm.xlane v6, v57;
	v2 =	vsub.f32 v2, v48;
	v11 =	vld [tilespmem:s1+$0xFFFFFFE0];
	[tilespmem:s19+$0xFFFFFF20] =	vst v0  }
0x684: {  	v60 =	vperm.xlane v6, v25;
	v62 =	vperm.xlane v6, v41;
	v0 =	vld [tilespmem:$0x1FC50]  }
0x685: {  	v53 =	vperm.xlane v6, v24;
	v2 =	vmul.f32 $1.442695020e+00, v2;
	v43 =	vld [tilespmem:$0x1FC60]  }
0x686: {  	v59 =	vperm.xlane v6, v30;
	v50 =	vperm.xlane v6, v55;
	v14 =	vld [tilespmem:s29+$0x20]  }
0x687: {  	v48 =	vperm.xlane v6, v63;
	(erf) = vpow2.f32 v2;
	v13 =	vld [tilespmem:s29+$0xFFFFFF80]  }
0x688: {  	v22 =	vimm.s32 $0xF;
	v9 =	vperm.xlane v38, v25;
	v63 =	vperm.xlane v6, v31;
	v8 =	vld [tilespmem:s3+$0xFFFFFF10]  }
0x689: {  	s7 =	simm.s32 $0xE;
	v42 =	vperm.xlane v6, v22;
	v12 =	vld [tilespmem:s3+$0xD0];
	v7 =	vmul.f32 v32, v5  }
0x68a: {  	s15 =	simm.s32 $0xFE0;
	s25 =	simm.s32 $0x20;
	v55 =	vpop (erf);
	s1 =	simm.s32 $0x78E0;
	v5 =	vmul.f32 v33, v0;
	v6 =	vmul.f32 v11, v43;
	v11 =	vld [tilespmem:s18+$0x70]  }
.LBB2_10:
0x68b: {  	v15 =	vld [tilespmem:$0x1FFE0];
	_ =	sdelay $0x4  }
0x68c: {  	v43 =	vmovc v39;
	v39 =	vmov v36;
	v36 =	vimm.s32 $0xC;
	v16 =	vor.u32 s25, v15  }
0x68d: {  	v2 =	vperm.xlane v29, v36;
	v1 =	vmul.f32 v14, v9;
	v9 =	vmul.u32 $0x90, v16  }
0x68e: {  	[tilespmem:v35+s22+$0x0] =	vst.idx.msk $0xffff, v55  }
0x68f: {  	v0 =	vmovc v44;
	v44 =	vmov v59;
	v59 =	vmul.f32 v12, v2;
	v12 =	vadd.s32 v21, v9;
	v9 =	vld [tilespmem:$0x1FFF0]  }
0x690: {  	v3 =	vld [tilespmem:s18+$0xFFFFFFB0];
	v32 =	vimm.s32 $0x7;
	[tilespmem:s10+$0xFFFFFFC0] =	vst v5  }
0x691: {  	s23 =	sadd.s32 $0x2, s25;
	s29 =	sadd.s32 $0x240, s29;
	v41 =	vperm.xlane v26, v32;
	v17 =	vld [tilespmem:s9+$0xFFFFFF40];
	[tilespmem:s14+$0xFFFFFFD0] =	vst v4  }
0x692: {  	v14 =	vor.u32 s23, v15;
	v15 =	vld [tilespmem:s29+$0x0];
	[tilespmem:s16+$0x20] =	vst v1;
	v10 =	vshll.u32 v16, $0x4  }
0x693: {  	v16 =	vshll.u32 v14, $0x4;
	v14 =	vmul.u32 $0x90, v14;
	v18 =	vld [tilespmem:s15+$0xB0];
	[tilespmem:s4+$0xD0] =	vst v59;
	v59 =	vmul.f32 v11, v41  }
0x694: {  	v19 =	vimm.s32 $0x0;
	v11 =	vld [tilespmem:s8+$0xFFFFFF50];
	v16 =	vor.u32 v9, v16  }
0x695: {  	v22 =	vperm.xlane v55, v19;
	v35 =	vadd.s32 v21, v14;
	v14 =	vld [tilespmem:s3+$0x50];
	[tilespmem:s19+$0x70] =	vst v59  }
0x696: {  	v59 =	vld [tilespmem:s18+$0x100];
	v4 =	vor.u32 v9, v10;
	v9 =	vpop (erf)  }
0x697: {  	v21 =	vimm.s32 $0xA;
	v15 =	vmul.f32 v15, v22;
	v22 =	vld [tilespmem:$0x1FB10];
	[tilespmem:v61+s22+$0x0] =	vst.idx.msk $0xffff, v9  }
0x698: {  	v20 =	vperm.xlane v38, v21;
	v2 =	vperm.xlane v9, v19;
	v19 =	vld [tilespmem:s29+$0xFFFFFEE0];
	[tilespmem:s0+$0xFFFFFF50] =	vst v7;
	v7 =	vmov v28  }
0x699: {  	s16 =	sadd.s32 $0x240, s16;
	[tilespmem:$0x1FB10] =	vst v7;
	v7 =	vld.idx.msk [tilespmem:v16+s11+$0x0], $0xffff  }
0x69a: {  	[tilespmem:s16+$0x0] =	vst v15;
	v15 =	vmul.f32 v18, v20;
	v20 =	vld [tilespmem:$0x1FBC0];
	_ =	sdelay $0x2  }
0x69b: {  	v5 =	vmovc v34;
	v34 =	vmov v40;
	v40 =	vmov v63;
	v63 =	vld [tilespmem:$0x1FAF0];
	v41 =	vimm.s32 $0x5  }
0x69c: {  	[tilespmem:s24+$0xFFFFFFE0] =	vst v6;
	v6 =	vmov v42;
	v16 =	vperm.xlane v29, v41  }
0x69d: {  	[tilespmem:$0x1FBC0] =	vst v6;
	v18 =	vld [tilespmem:s29+$0x90];
	v20 =	vmov v20  }
0x69e: {  	v33 =	vld [tilespmem:$0x1FB70];
	v23 =	vimm.s32 $0xF;
	v13 =	vmul.f32 v13, v62;
	s24 =	smov.u32 s0;
	s0 =	smov.u32 s14;
	s14 =	smov.u32 s10;
	v6 =	vmul.f32 v14, v16;
	[tilespmem:$0x1FB70] =	vst v20  }
0x69f: {  	v25 =	vimm.s32 $0x8;
	s10 =	smov.u32 s19;
	s19 =	smov.u32 s4;
	s4 =	smov.u32 s1;
	v14 =	vperm.xlane v26, v23;
	v26 =	vmovc v29;
	v29 =	vmovc v38;
	v38 =	vmov v55;
	v20 =	vld.idx.msk [tilespmem:v35+s28+$0x0], $0xffff;
	[tilespmem:s1+$0xB0] =	vst v15  }
0x6a0: {  	v10 =	vmov v63;
	[tilespmem:s4+$0xFFFFFF80] =	vst v13;
	v63 =	vperm.xlane v38, v25;
	v13 =	vld [tilespmem:s15+$0x30]  }
0x6a1: {  	v14 =	vmul.f32 v59, v14;
	[tilespmem:s19+$0x50] =	vst v6  }
0x6a2: {  	v18 =	vmul.f32 v18, v63;
	v6 =	vperm.xlane v9, v21;
	v21 =	vimm.s32 $0x3;
	v42 =	vld [tilespmem:s3+$0xE0]  }
0x6a3: {  	s5 =	sadd.s32 $0x20, s5;
	v59 =	vperm.xlane v9, v21;
	v63 =	vperm.xlane v29, v21  }
0x6a4: {  	v8 =	vmul.f32 v8, v49;
	v61 =	vmov v12;
	v55 =	vld [tilespmem:s5+$0x0];
	[tilespmem:s10+$0x100] =	vst v14;
	v21 =	vimm.s32 $0xD  }
0x6a5: {  	v49 =	vmovc v57;
	[tilespmem:s16+$0x90] =	vst v18;
	v57 =	vmov v59;
	v59 =	vperm.xlane v26, v21;
	v13 =	vmul.f32 v13, v63  }
0x6a6: {  	v63 =	vld [tilespmem:s29+$0x10]  }
0x6a7: {  	v2 =	vmul.f32 v19, v2;
	[tilespmem:s4+$0x30] =	vst v13;
	v13 =	vmul.f32 v42, v59;
	v59 =	vld [tilespmem:$0x1FB40];
	_ =	sdelay $0x1  }
0x6a8: {  	v16 =	vld.idx.msk [tilespmem:v61+s28+$0x0], $0xffff;
	[tilespmem:s16+$0xFFFFFEE0] =	vst v2  }
0x6a9: {  	v4 =	vld.idx.msk [tilespmem:v4+s11+$0x0], $0xffff  }
0x6aa: {  	v2 =	vld [tilespmem:s5+$0xFFFFFFF0];
	[tilespmem:s19+$0xFFFFFF10] =	vst v8  }
0x6ab: {  	v8 =	vld [tilespmem:s29+$0xFFFFFF70];
	v3 =	vmul.f32 v3, v59  }
0x6ac: {  	v59 =	vperm.xlane v9, v21;
	v21 =	vld [tilespmem:s15+$0xFFFFFF00]  }
0x6ad: {  	[tilespmem:s10+$0xFFFFFFB0] =	vst v3;
	v3 =	vld [tilespmem:$0x1FB20];
	_ =	sdelay $0x2  }
0x6ae: {  	v31 =	vmov v27;
	v27 =	vimm.s32 $0x1;
	v22 =	vmov v22  }
0x6af: {  	[tilespmem:$0x1FAF0] =	vst v22;
	v22 =	vimm.s32 $0xB;
	v18 =	vperm.xlane v9, v41;
	v41 =	vperm.xlane v38, v27  }
0x6b0: {  	v14 =	vperm.xlane v9, v22;
	v3 =	vmul.f32 v17, v3  }
0x6b1: {  	v17 =	vmul.f32 v63, v41;
	v41 =	vperm.xlane v29, v22;
	v22 =	vld [tilespmem:$0x1FB90];
	_ =	sdelay $0x1  }
0x6b2: {  	v7 =	vadd.f32 v7, v20;
	v20 =	vperm.xlane v9, v36;
	v36 =	vmov v46;
	_ =	sdelay $0x2  }
0x6b3: {  	[tilespmem:$0x1FB40] =	vst v36;
	v36 =	vmov v37;
	v42 =	vld [tilespmem:s15+$0xC0];
	v37 =	vmov v22;
	v22 =	vmov v50  }
0x6b4: {  	v7 =	vadd.f32 v55, v7;
	[tilespmem:$0x1FB90] =	vst v22;
	v22 =	vld [tilespmem:$0x1FFC0]  }
0x6b5: {  	v1 =	vperm.xlane v9, v25;
	v4 =	vadd.f32 v4, v16;
	[tilespmem:s19+$0xE0] =	vst v13  }
0x6b6: {  	v24 =	vimm.s32 $0x2;
	v25 =	vimm.s32 $0x6;
	v13 =	vmul.f32 $2.000000030e-01, v7;
	v16 =	vld [tilespmem:s3+$0x60]  }
0x6b7: {  	v15 =	vperm.xlane v9, v24;
	v1 =	vmul.f32 v8, v1;
	v2 =	vadd.f32 v2, v4;
	[tilespmem:$0x1FB20] =	vst v36;
	v63 =	vld [tilespmem:s3+$0xFFFFFFA0]  }
0x6b8: {  	v46 =	vmovc v53;
	v53 =	vmov v20;
	v20 =	vperm.xlane v9, v25;
	v4 =	vmax.f32 v7, v13;
	v7 =	vld [tilespmem:s18+$0xFFFFFF30];
	[tilespmem:s14+$0xFFFFFF40] =	vst v3  }
0x6b9: {  	v8 =	vperm.xlane v26, v25;
	[tilespmem:s16+$0x10] =	vst v17;
	v13 =	vld [tilespmem:s9+$0xFFFFFFD0];
	v3 =	vsub.f32 v4, v22;
	v4 =	vmul.f32 v42, v41  }
0x6ba: {  	[tilespmem:s16+$0xFFFFFF70] =	vst v1;
	v36 =	vld [tilespmem:s29+$0xA0];
	v50 =	vmov v20;
	v20 =	vmul.f32 v21, v60  }
0x6bb: {  	v60 =	vmov v15;
	v15 =	vld [tilespmem:s29+$0xFFFFFEF0];
	v3 =	vmul.f32 $1.442695020e+00, v3;
	[tilespmem:s4+$0xC0] =	vst v4;
	v4 =	vmul.f32 v16, v8  }
0x6bc: {  	v30 =	vmov v33;
	v33 =	vimm.s32 $0x9;
	v63 =	vmul.f32 v63, v51;
	[tilespmem:s4+$0xFFFFFF00] =	vst v20;
	v16 =	vld [tilespmem:s15+$0x40]  }
0x6bd: {  	(erf) = vpow2.f32 v3;
	v3 =	vperm.xlane v38, v33;
	[tilespmem:s19+$0x60] =	vst v4;
	v4 =	vld [tilespmem:$0x1FB50]  }
0x6be: {  	v62 =	vperm.xlane v9, v33;
	v28 =	vimm.s32 $0x4;
	v55 =	vmul.f32 $2.000000030e-01, v2;
	v20 =	vld [tilespmem:s15+$0xFFFFFF90]  }
0x6bf: {  	[tilespmem:s19+$0xFFFFFFA0] =	vst v63;
	v33 =	vld [tilespmem:s3+$0xF0];
	v1 =	vmul.f32 v36, v3;
	v3 =	vperm.xlane v29, v28  }
0x6c0: {  	v51 =	vmov v56;
	v56 =	vmov v14;
	v14 =	vmov v45;
	v21 =	vld [tilespmem:s3+$0xFFFFFF20]  }
0x6c1: {  	v2 =	vmax.f32 v2, v55;
	v42 =	vimm.s32 $0xE;
	v41 =	vld [tilespmem:$0x1FB60];
	[tilespmem:$0x1FB50] =	vst v14;
	v55 =	vmul.f32 v16, v3  }
0x6c2: {  	v36 =	vmovc v43;
	v43 =	vmov v0;
	[tilespmem:s16+$0xA0] =	vst v1;
	v3 =	vperm.xlane v26, v42;
	v7 =	vmul.f32 v7, v4;
	v4 =	vld [tilespmem:$0x1FB30]  }
0x6c3: {  	v12 =	vperm.xlane v9, v27;
	v45 =	vmov v52;
	[tilespmem:$0x1FB60] =	vst v43;
	v14 =	vld [tilespmem:s29+$0x20]  }
0x6c4: {  	s7 =	sadd.s32 $0x2, s7;
	v52 =	vmovc v18;
	v18 =	vmul.f32 v20, v58;
	v58 =	vmov v6;
	v6 =	vmul.f32 v33, v3;
	v3 =	vld [tilespmem:$0x1FB00];
	[tilespmem:s10+$0xFFFFFF30] =	vst v7  }
0x6c5: {  	v12 =	vmul.f32 v15, v12;
	v2 =	vsub.f32 v2, v22;
	[tilespmem:s4+$0x40] =	vst v55;
	v33 =	vmov v31;
	v15 =	vld [tilespmem:s2+$0xFFFFFFE0];
	s2 =	smov.u32 s8;
	s8 =	smov.u32 s9;
	s9 =	smov.u32 s18  }
0x6c6: {  	p0 =	slt.u32 s7, $0x26;
	v19 =	vperm.xlane v9, v28;
	v63 =	vperm.xlane v9, v32;
	[tilespmem:$0x1FB00] =	vst v33;
	v16 =	vld [tilespmem:s9+$0xFFFFFFC0]  }
.Ltmp4:
0x6c7: {  	v2 =	vmul.f32 $1.442695020e+00, v2;
	v32 =	vmul.f32 v21, v47;
	v21 =	vld [tilespmem:$0x1FFD0];
	s18 =	smov.u32 s3;
	s3 =	smov.u32 s15;
	[tilespmem:s16+$0xFFFFFEF0] =	vst v12;
	(pc) =	sbr.rel @p0 .LBB2_10-.Ltmp4, $4  }
0x6c8: {  	v8 =	vperm.xlane v9, v42;
	v12 =	vld [tilespmem:s3+$0xD0];
	[tilespmem:s19+$0xF0] =	vst v6;
	v4 =	vmul.f32 v13, v4;
	v13 =	vmov v39  }
0x6c9: {  	v27 =	vmovc v5;
	v47 =	vmovc v54;
	v54 =	vmov v19;
	(erf) = vpow2.f32 v2;
	v42 =	vperm.xlane v9, v23;
	[tilespmem:$0x1FB30] =	vst v13;
	v13 =	vld [tilespmem:s29+$0xFFFFFF80]  }
0x6ca: {  	v28 =	vmov v30;
	v9 =	vperm.xlane v38, v24;
	v55 =	vpop (erf);
	[tilespmem:s4+$0xFFFFFF90] =	vst v18;
	v7 =	vmul.f32 v11, v3;
	v11 =	vld [tilespmem:s18+$0x70]  }
0x6cb: {  	s25 =	sadd.s32 $0x4, s25;
	s1 =	smov.u32 s16;
	s15 =	smov.u32 s29;
	v39 =	vmovc v48;
	v48 =	vmov v8;
	v8 =	vld [tilespmem:s3+$0xFFFFFF10];
	[tilespmem:s19+$0xFFFFFF20] =	vst v32;
	v6 =	vmul.f32 v15, v10;
	v5 =	vmul.f32 v16, v41  }
0x6cc: {  	_ =	sdelay $0x3  }
0x6cd: {  	[tilespmem:v35+s22+$0x0] =	vst.idx.msk $0xffff, v55;
	s29 =	sadd.s32 $0x240, s29  }
0x6ce: {  	v1 =	vld [tilespmem:s29+$0x0];
	_ =	sdelay $0x1  }
0x6cf: {  	v10 =	vimm.s32 $0x0;
	v0 =	vpop (erf)  }
0x6d0: {  	v2 =	vperm.xlane v55, v10;
	[tilespmem:v61+s22+$0x0] =	vst.idx.msk $0xffff, v0  }
0x6d1: {  	v3 =	vld [tilespmem:s29+$0xFFFFFEE0]  }
0x6d2: {  	v1 =	vmul.f32 v1, v2  }
0x6d3: {  	s5 =	sadd.s32 $0x240, s16  }
0x6d4: {  	v2 =	vperm.xlane v0, v10;
	[tilespmem:s5+$0x0] =	vst v1  }
0x6d5: {  	v1 =	vld [tilespmem:s29+$0x90]  }
0x6d6: {  	v2 =	vmul.f32 v3, v2  }
0x6d7: {  	v35 =	vimm.s32 $0x8  }
0x6d8: {  	v3 =	vperm.xlane v55, v35;
	[tilespmem:s5+$0xFFFFFEE0] =	vst v2  }
0x6d9: {  	v2 =	vld [tilespmem:s29+$0xFFFFFF70]  }
0x6da: {  	v1 =	vmul.f32 v1, v3;
	_ =	sdelay $0x1  }
0x6db: {  	v3 =	vperm.xlane v0, v35;
	[tilespmem:s5+$0x90] =	vst v1  }
0x6dc: {  	v1 =	vld [tilespmem:s29+$0x10]  }
0x6dd: {  	v2 =	vmul.f32 v2, v3  }
0x6de: {  	v41 =	vimm.s32 $0x1  }
0x6df: {  	v3 =	vperm.xlane v55, v41;
	[tilespmem:s5+$0xFFFFFF70] =	vst v2  }
0x6e0: {  	v2 =	vld [tilespmem:s29+$0xFFFFFEF0]  }
0x6e1: {  	v1 =	vmul.f32 v1, v3;
	_ =	sdelay $0x1  }
0x6e2: {  	v3 =	vperm.xlane v0, v41;
	[tilespmem:s5+$0x10] =	vst v1  }
0x6e3: {  	v1 =	vld [tilespmem:s29+$0xA0]  }
0x6e4: {  	v2 =	vmul.f32 v2, v3  }
0x6e5: {  	v43 =	vimm.s32 $0x9  }
0x6e6: {  	v3 =	vperm.xlane v55, v43;
	[tilespmem:s5+$0xFFFFFEF0] =	vst v2  }
0x6e7: {  	v2 =	vld [tilespmem:s29+$0xFFFFFF80]  }
0x6e8: {  	v1 =	vmul.f32 v1, v3;
	_ =	sdelay $0x1  }
0x6e9: {  	[tilespmem:s5+$0xA0] =	vst v1;
	v1 =	vperm.xlane v0, v43  }
0x6ea: {  	v3 =	vmul.f32 v13, v62;
	v61 =	vld [tilespmem:s29+$0x20]  }
0x6eb: {  	v1 =	vmul.f32 v2, v1  }
0x6ec: {  	v13 =	vimm.s32 $0x2;
	[tilespmem:s1+$0xFFFFFF80] =	vst v3  }
0x6ed: {  	v62 =	vperm.xlane v55, v13;
	v3 =	vld [tilespmem:s15+$0xFFFFFF00];
	v2 =	vmul.f32 v14, v9;
	[tilespmem:s5+$0xFFFFFF80] =	vst v1  }
0x6ee: {  	v1 =	vld [tilespmem:s29+$0xFFFFFF00]  }
0x6ef: {  	[tilespmem:s16+$0x20] =	vst v2;
	v2 =	vmul.f32 v61, v62  }
0x6f0: {  	v24 =	vld [tilespmem:s15+$0xB0]  }
0x6f1: {  	[tilespmem:s5+$0x20] =	vst v2;
	v2 =	vperm.xlane v0, v13  }
0x6f2: {  	v3 =	vmul.f32 v3, v60;
	v13 =	vimm.s32 $0xA;
	v25 =	vld [tilespmem:s29+$0xB0]  }
0x6f3: {  	v1 =	vmul.f32 v1, v2;
	v2 =	vperm.xlane v38, v13  }
0x6f4: {  	[tilespmem:s1+$0xFFFFFF00] =	vst v3  }
0x6f5: {  	v3 =	vld [tilespmem:s15+$0xFFFFFF90];
	v30 =	vperm.xlane v55, v13;
	v2 =	vmul.f32 v24, v2;
	[tilespmem:s5+$0xFFFFFF00] =	vst v1  }
0x6f6: {  	v1 =	vld [tilespmem:s29+$0xFFFFFF90]  }
0x6f7: {  	[tilespmem:s1+$0xB0] =	vst v2;
	v2 =	vmul.f32 v25, v30  }
0x6f8: {  	v31 =	vld [tilespmem:s15+$0x30]  }
0x6f9: {  	[tilespmem:s5+$0xB0] =	vst v2;
	v2 =	vperm.xlane v0, v13  }
0x6fa: {  	v3 =	vmul.f32 v3, v58;
	v13 =	vimm.s32 $0x3;
	v32 =	vld [tilespmem:s29+$0x30]  }
0x6fb: {  	v1 =	vmul.f32 v1, v2;
	v2 =	vperm.xlane v38, v13  }
0x6fc: {  	[tilespmem:s1+$0xFFFFFF90] =	vst v3  }
0x6fd: {  	v3 =	vld [tilespmem:s15+$0xFFFFFF10];
	v33 =	vperm.xlane v55, v13;
	v2 =	vmul.f32 v31, v2;
	[tilespmem:s5+$0xFFFFFF90] =	vst v1  }
0x6fe: {  	v1 =	vld [tilespmem:s29+$0xFFFFFF10]  }
0x6ff: {  	[tilespmem:s1+$0x30] =	vst v2;
	v2 =	vmul.f32 v32, v33  }
0x700: {  	v35 =	vld [tilespmem:s15+$0xC0]  }
0x701: {  	v8 =	vmul.f32 v8, v49;
	[tilespmem:s5+$0x30] =	vst v2;
	v2 =	vperm.xlane v0, v13  }
0x702: {  	v3 =	vmul.f32 v3, v57;
	v13 =	vimm.s32 $0xB  }
0x703: {  	v15 =	vimm.s32 $0xC;
	[tilespmem:s4+$0xFFFFFF10] =	vst v8;
	v41 =	vld [tilespmem:s29+$0xC0];
	v43 =	vperm.xlane v38, v13;
	v1 =	vmul.f32 v1, v2  }
0x704: {  	[tilespmem:s1+$0xFFFFFF10] =	vst v3;
	v3 =	vld [tilespmem:s3+$0xFFFFFFA0];
	v2 =	vperm.xlane v29, v15  }
0x705: {  	v8 =	vmul.f32 v35, v43;
	[tilespmem:s5+$0xFFFFFF10] =	vst v1;
	v1 =	vld [tilespmem:s15+$0xFFFFFFA0]  }
0x706: {  	[tilespmem:s14+$0xFFFFFFD0] =	vst v4;
	v49 =	vperm.xlane v55, v13;
	v2 =	vmul.f32 v12, v2  }
0x707: {  	v57 =	vld [tilespmem:s29+$0xFFFFFFA0];
	[tilespmem:s1+$0xC0] =	vst v8  }
0x708: {  	v14 =	vimm.s32 $0x7;
	v58 =	vmul.f32 v41, v49;
	[tilespmem:s4+$0xD0] =	vst v2;
	v2 =	vld [tilespmem:s15+$0x40]  }
0x709: {  	[tilespmem:s0+$0xFFFFFF50] =	vst v7;
	v62 =	vperm.xlane v26, v14;
	v3 =	vmul.f32 v3, v51  }
0x70a: {  	v61 =	vperm.xlane v0, v13;
	v12 =	vimm.s32 $0x4;
	v60 =	vld [tilespmem:s3+$0x50];
	[tilespmem:s5+$0xC0] =	vst v58;
	v1 =	vmul.f32 v1, v56  }
0x70b: {  	[tilespmem:s4+$0xFFFFFFA0] =	vst v3;
	v25 =	vperm.xlane v38, v12;
	v24 =	vld [tilespmem:s29+$0x40]  }
0x70c: {  	v4 =	vmul.f32 v11, v62;
	v11 =	vimm.s32 $0x5;
	v3 =	vmul.f32 v57, v61;
	[tilespmem:s1+$0xFFFFFFA0] =	vst v1;
	v1 =	vld [tilespmem:s3+$0xFFFFFF20]  }
0x70d: {  	[tilespmem:s10+$0xFFFFFFC0] =	vst v5;
	v30 =	vperm.xlane v29, v11;
	v2 =	vmul.f32 v2, v25  }
0x70e: {  	v31 =	vperm.xlane v55, v12;
	[tilespmem:s5+$0xFFFFFFA0] =	vst v3;
	v3 =	vld [tilespmem:s15+$0xFFFFFF20]  }
0x70f: {  	v32 =	vmul.f32 v60, v30;
	v33 =	vld [tilespmem:s29+$0xFFFFFF20];
	[tilespmem:s1+$0x40] =	vst v2  }
0x710: {  	[tilespmem:s19+$0x70] =	vst v4;
	v2 =	vmul.f32 v24, v31;
	v35 =	vld [tilespmem:s15+$0xD0]  }
0x711: {  	v56 =	vld [tilespmem:s18+$0x100];
	[tilespmem:s4+$0x50] =	vst v32;
	v1 =	vmul.f32 v1, v47  }
0x712: {  	v41 =	vld [tilespmem:s3+$0xE0];
	[tilespmem:s5+$0x40] =	vst v2;
	v2 =	vperm.xlane v0, v12  }
0x713: {  	v43 =	vld [tilespmem:s29+$0xD0];
	v3 =	vmul.f32 v3, v54;
	[tilespmem:s4+$0xFFFFFF20] =	vst v1;
	v1 =	vperm.xlane v38, v15  }
0x714: {  	[tilespmem:s24+$0xFFFFFFE0] =	vst v6;
	v13 =	vimm.s32 $0xD;
	v47 =	vld [tilespmem:s18+$0xFFFFFFB0];
	v2 =	vmul.f32 v33, v2  }
0x715: {  	v49 =	vperm.xlane v29, v13;
	[tilespmem:s1+$0xFFFFFF20] =	vst v3;
	v3 =	vld [tilespmem:s3+$0xFFFFFFB0];
	v1 =	vmul.f32 v35, v1  }
0x716: {  	v10 =	vimm.s32 $0xF;
	v51 =	vperm.xlane v55, v15;
	[tilespmem:s5+$0xFFFFFF20] =	vst v2;
	v2 =	vld [tilespmem:s15+$0xFFFFFFB0]  }
0x717: {  	v61 =	vperm.xlane v26, v10;
	v5 =	vmul.f32 v41, v49;
	v54 =	vld [tilespmem:s29+$0xFFFFFFB0];
	[tilespmem:s1+$0xD0] =	vst v1  }
0x718: {  	v1 =	vmul.f32 v43, v51;
	v57 =	vld [tilespmem:$0x1FB40]  }
0x719: {  	v4 =	vmul.f32 v56, v61;
	[tilespmem:s4+$0xE0] =	vst v5;
	v58 =	vld [tilespmem:s15+$0x50]  }
0x71a: {  	v60 =	vperm.xlane v0, v15;
	v3 =	vmul.f32 v3, v46;
	[tilespmem:s5+$0xD0] =	vst v1;
	v1 =	vld [tilespmem:s3+$0x60]  }
0x71b: {  	[tilespmem:s19+$0x100] =	vst v4;
	v2 =	vmul.f32 v2, v53  }
0x71c: {  	v24 =	vperm.xlane v38, v11;
	v12 =	vimm.s32 $0x6;
	[tilespmem:s4+$0xFFFFFFB0] =	vst v3;
	v6 =	vmul.f32 v54, v60  }
0x71d: {  	v25 =	vperm.xlane v29, v12;
	[tilespmem:s1+$0xFFFFFFB0] =	vst v2;
	v7 =	vmul.f32 v47, v57  }
0x71e: {  	v5 =	vmul.f32 v58, v24;
	[tilespmem:s5+$0xFFFFFFB0] =	vst v6  }
0x71f: {  	v62 =	vld [tilespmem:s29+$0x50];
	v1 =	vmul.f32 v1, v25;
	[tilespmem:s19+$0xFFFFFFB0] =	vst v7  }
0x720: {  	v2 =	vld [tilespmem:s3+$0xFFFFFF30];
	[tilespmem:s1+$0x50] =	vst v5  }
0x721: {  	v3 =	vld [tilespmem:s18+$0xFFFFFF30];
	[tilespmem:s4+$0x60] =	vst v1  }
0x722: {  	v1 =	vld [tilespmem:$0x1FB50]  }
0x723: {  	v26 =	vperm.xlane v55, v11;
	_ =	sdelay $0x1  }
0x724: {  	v33 =	vld [tilespmem:s9+$0xFFFFFF40];
	v32 =	vmul.f32 v62, v26  }
0x725: {  	v31 =	vld [tilespmem:s29+$0xFFFFFF30];
	v2 =	vmul.f32 v2, v45  }
0x726: {  	[tilespmem:s5+$0x50] =	vst v32;
	v41 =	vld [tilespmem:s3+$0xF0];
	v1 =	vmul.f32 v3, v1  }
0x727: {  	v30 =	vld [tilespmem:s15+$0xFFFFFF30];
	[tilespmem:s4+$0xFFFFFF30] =	vst v2  }
0x728: {  	v35 =	vperm.xlane v0, v11;
	v11 =	vimm.s32 $0xE;
	v3 =	vld [tilespmem:s15+$0xE0];
	[tilespmem:s19+$0xFFFFFF30] =	vst v1  }
0x729: {  	v47 =	vperm.xlane v29, v11;
	v46 =	vld [tilespmem:$0x1FB20]  }
0x72a: {  	v4 =	vmul.f32 v31, v35  }
0x72b: {  	v45 =	vperm.xlane v38, v13;
	v5 =	vmul.f32 v41, v47  }
0x72c: {  	v1 =	vmul.f32 v30, v52;
	[tilespmem:s5+$0xFFFFFF30] =	vst v4  }
0x72d: {  	[tilespmem:s4+$0xF0] =	vst v5;
	v3 =	vmul.f32 v3, v45  }
0x72e: {  	v43 =	vld [tilespmem:s29+$0xE0];
	[tilespmem:s1+$0xFFFFFF30] =	vst v1;
	v7 =	vmul.f32 v33, v46  }
0x72f: {  	v2 =	vld [tilespmem:s18+$0xFFFFFFC0];
	[tilespmem:s1+$0xE0] =	vst v3  }
0x730: {  	v1 =	vld [tilespmem:s3+$0xFFFFFFC0];
	[tilespmem:s10+$0xFFFFFF40] =	vst v7  }
0x731: {  	v5 =	vld [tilespmem:$0x1FB60]  }
0x732: {  	v49 =	vperm.xlane v55, v13;
	_ =	sdelay $0x1  }
0x733: {  	v51 =	vld [tilespmem:s15+$0xFFFFFFC0];
	v3 =	vmul.f32 v43, v49  }
0x734: {  	v52 =	vld [tilespmem:s29+$0xFFFFFFC0];
	v1 =	vmul.f32 v1, v44  }
0x735: {  	v54 =	vld [tilespmem:s15+$0x60];
	[tilespmem:s5+$0xE0] =	vst v3;
	v2 =	vmul.f32 v2, v5  }
0x736: {  	v3 =	vld [tilespmem:s3+$0x70];
	[tilespmem:s4+$0xFFFFFFC0] =	vst v1  }
0x737: {  	v56 =	vperm.xlane v0, v13;
	v53 =	vld [tilespmem:s9+$0xFFFFFFD0];
	[tilespmem:s19+$0xFFFFFFC0] =	vst v2  }
0x738: {  	v58 =	vperm.xlane v38, v12;
	v2 =	vmul.f32 v51, v59;
	v59 =	vld [tilespmem:$0x1FB30]  }
0x739: {  	v60 =	vperm.xlane v29, v14;
	v7 =	vmul.f32 v52, v56  }
0x73a: {  	v5 =	vmul.f32 v54, v58  }
0x73b: {  	v3 =	vmul.f32 v3, v60;
	[tilespmem:s5+$0xFFFFFFC0] =	vst v7  }
0x73c: {  	[tilespmem:s1+$0x60] =	vst v5  }
0x73d: {  	v57 =	vld [tilespmem:s29+$0x60];
	[tilespmem:s4+$0x70] =	vst v3;
	v6 =	vmul.f32 v53, v59  }
0x73e: {  	v1 =	vld [tilespmem:s18+$0xFFFFFF40];
	[tilespmem:s1+$0xFFFFFFC0] =	vst v2  }
0x73f: {  	v2 =	vld [tilespmem:s3+$0xFFFFFF40];
	[tilespmem:s10+$0xFFFFFFD0] =	vst v6  }
0x740: {  	v26 =	vld [tilespmem:$0x1FB90]  }
0x741: {  	v61 =	vperm.xlane v55, v12;
	v62 =	vld [tilespmem:s15+$0xFFFFFF40]  }
0x742: {  	v24 =	vld [tilespmem:s29+$0xFFFFFF40]  }
0x743: {  	v25 =	vld [tilespmem:s8+$0xFFFFFF50];
	v4 =	vmul.f32 v57, v61  }
0x744: {  	v3 =	vld [tilespmem:s15+$0xF0];
	v1 =	vmul.f32 v1, v37  }
0x745: {  	v31 =	vld [tilespmem:s2+$0xFFFFFFE0];
	v30 =	vperm.xlane v0, v12;
	[tilespmem:s5+$0x60] =	vst v4;
	v2 =	vmul.f32 v2, v26  }
0x746: {  	[tilespmem:s19+$0xFFFFFF40] =	vst v1;
	v1 =	vmul.f32 v62, v50;
	v32 =	vld [tilespmem:s29+$0xF0]  }
0x747: {  	v33 =	vperm.xlane v38, v11;
	v6 =	vmul.f32 v24, v30;
	[tilespmem:s4+$0xFFFFFF40] =	vst v2;
	v2 =	vld [tilespmem:s18+$0xFFFFFFD0]  }
0x748: {  	v35 =	vld [tilespmem:$0x1FB00];
	[tilespmem:s1+$0xFFFFFF40] =	vst v1  }
0x749: {  	v37 =	vperm.xlane v55, v11;
	v3 =	vmul.f32 v3, v33;
	v1 =	vld [tilespmem:s3+$0xFFFFFFD0];
	[tilespmem:s5+$0xFFFFFF40] =	vst v6  }
0x74a: {  	v43 =	vld [tilespmem:$0x1FAF0]  }
0x74b: {  	v41 =	vld [tilespmem:s15+$0xFFFFFFD0];
	[tilespmem:s1+$0xF0] =	vst v3;
	v3 =	vmul.f32 v32, v37  }
0x74c: {  	v44 =	vld [tilespmem:s29+$0xFFFFFFD0];
	v2 =	vmul.f32 v2, v36  }
0x74d: {  	v45 =	vld [tilespmem:s3+$0x100];
	[tilespmem:s5+$0xF0] =	vst v3;
	v5 =	vmul.f32 v25, v35  }
0x74e: {  	v46 =	vld [tilespmem:s15+$0x70];
	v1 =	vmul.f32 v1, v39;
	[tilespmem:s19+$0xFFFFFFD0] =	vst v2  }
0x74f: {  	v47 =	vperm.xlane v0, v11;
	v3 =	vld [tilespmem:s9+$0xFFFFFF50];
	v4 =	vmul.f32 v31, v43;
	[tilespmem:s14+$0xFFFFFF50] =	vst v5  }
0x750: {  	v2 =	vperm.xlane v29, v10;
	v6 =	vmul.f32 v41, v48;
	v48 =	vld [tilespmem:s29+$0x70];
	[tilespmem:s4+$0xFFFFFFD0] =	vst v1  }
0x751: {  	v1 =	vperm.xlane v38, v14;
	v5 =	vmul.f32 v44, v47;
	v49 =	vld [tilespmem:s18+$0xFFFFFF50];
	[tilespmem:s0+$0xFFFFFFE0] =	vst v4  }
0x752: {  	v2 =	vmul.f32 v45, v2;
	[tilespmem:s1+$0xFFFFFFD0] =	vst v6;
	v50 =	vld [tilespmem:s3+$0xFFFFFF50]  }
0x753: {  	v51 =	vperm.xlane v55, v14;
	v1 =	vmul.f32 v46, v1;
	[tilespmem:s5+$0xFFFFFFD0] =	vst v5  }
0x754: {  	[tilespmem:s4+$0x100] =	vst v2;
	v2 =	vmul.f32 v3, v27  }
0x755: {  	v53 =	vld [tilespmem:s8+$0xFFFFFFE0];
	[tilespmem:s1+$0x70] =	vst v1;
	v1 =	vmul.f32 v48, v51  }
0x756: {  	v52 =	vld [tilespmem:s15+$0xFFFFFF50];
	[tilespmem:s10+$0xFFFFFF50] =	vst v2;
	v2 =	vmul.f32 v49, v34  }
0x757: {  	v3 =	vld [tilespmem:s29+$0xFFFFFF50];
	[tilespmem:s5+$0x70] =	vst v1;
	v6 =	vmul.f32 v50, v40  }
0x758: {  	v54 =	vld [tilespmem:s15+$0x100];
	[tilespmem:s19+$0xFFFFFF50] =	vst v2  }
0x759: {  	v56 =	vld [tilespmem:s9+$0xFFFFFFE0];
	[tilespmem:s4+$0xFFFFFF50] =	vst v6  }
0x75a: {  	v1 =	vperm.xlane v0, v14;
	v59 =	vld [tilespmem:$0x1FB10]  }
0x75b: {  	v58 =	vperm.xlane v38, v10;
	v2 =	vmul.f32 v52, v63;
	v57 =	vld [tilespmem:s29+$0x100]  }
0x75c: {  	v1 =	vmul.f32 v3, v1  }
0x75d: {  	[tilespmem:s1+$0xFFFFFF50] =	vst v2;
	v6 =	vmul.f32 v54, v58  }
0x75e: {  	v60 =	vperm.xlane v55, v10;
	v3 =	vld [tilespmem:s18+$0xFFFFFFE0];
	[tilespmem:s5+$0xFFFFFF50] =	vst v1;
	v61 =	vmul.f32 v56, v28  }
0x75f: {  	v2 =	vld [tilespmem:s3+$0xFFFFFFE0];
	[tilespmem:s1+$0x100] =	vst v6;
	v4 =	vmul.f32 v53, v59  }
0x760: {  	v1 =	vld [tilespmem:s15+$0xFFFFFFE0];
	v5 =	vmul.f32 v57, v60;
	[tilespmem:s10+$0xFFFFFFE0] =	vst v61  }
0x761: {  	v62 =	vld [tilespmem:s29+$0xFFFFFFE0];
	[tilespmem:s14+$0xFFFFFFE0] =	vst v4  }
0x762: {  	v4 =	vld [tilespmem:$0x1FB70];
	[tilespmem:s5+$0x100] =	vst v5  }
0x763: {  	v63 =	vld [tilespmem:$0x1FBC0]  }
0x764: {  	v0 =	vperm.xlane v0, v10  }
0x765: {  	v1 =	vmul.f32 v1, v42  }
0x766: {  	v0 =	vmul.f32 v62, v0  }
0x767: {  	[tilespmem:s1+$0xFFFFFFE0] =	vst v1;
	v3 =	vmul.f32 v3, v4  }
0x768: {  	[tilespmem:s5+$0xFFFFFFE0] =	vst v0;
	v2 =	vmul.f32 v2, v63  }
0x769: {  	[tilespmem:s19+$0xFFFFFFE0] =	vst v3  }
0x76a: {  	s25 =	rddreg [dreg:$0x2];
	s23 =	simm.s32 $0x4;
	s2 =	simm.s32 $0x50;
	[tilespmem:s4+$0xFFFFFFE0] =	vst v2  }
0x76b: {  	[spmem:s25] =	stream.indirect.scatter.add.f32 [tilespmem:s22], [sflag:$0x4], $0x90, s2, s2, $0xb8;
	[tilespmem:$0x1FAD0] =	vst v63  }
0x76c: {  	_ =	swait.ge [sflag:s23], $0x2D00  }
0x76d: {  	[sflag:s23] =	ssyncset.done $0x0  }
0x76e: {  	[sflag:s23] =	ssyncadd.s32 $0xFFFFD300  }
0x76f: {  	[bflag:$0x0] =	sbarrier.arrive $0xFFFF  }
0x770: {  	s3 =	rddreg [dreg:$0xb]  }
0x771: {  	s29 =	rddreg [dreg:$0x12]  }
0x772: {  	s1 =	rddreg [dreg:$0x14]  }
0x773: {  	[hbm:s29], [sflag:s3] =	dma.local [spmem:s1], $0x2C70  }
0x774: {  	_ =	swait.ge [sflag:s23], $0x2C70  }
0x775: {  	s7 =	rddreg [dreg:$0x15]  }
0x776: {  	s30 =	rddreg [dreg:$0x13];
	s7 =	sadd.s32 $0x1, s7  }
0x777: {  	v17 =	vimm.s32 $0x8;
	v18 =	vimm.s32 $0x1;
	p0 =	sne.s32 s7, s30  }
.Ltmp5:
0x778: {  	v19 =	vimm.s32 $0xB;
	v15 =	vimm.s32 $0x0;
	v13 =	vimm.s32 $0xA;
	(pc) =	sbr.rel @p0 .LBB2_1-.Ltmp5, $4  }
0x779: {  	v12 =	vimm.s32 $0x2;
	v37 =	vimm.s32 $0xE;
	v36 =	vimm.s32 $0x6  }
0x77a: {  	v35 =	vimm.s32 $0x9;
	v47 =	vimm.s32 $0xD;
	v46 =	vimm.s32 $0xF  }
0x77b: {  	v51 =	vimm.s32 $0x5;
	v34 =	vimm.s32 $0x4;
	v49 =	vimm.s32 $0xC;
	[sflag:s23] =	ssyncset.done $0x0;
	v16 =	vld [tilespmem:$0x1FFE0]  }
0x77c: {  	v14 =	vimm.s32 $0x3;
	v56 =	vimm.s32 $0x7;
	v1 =	vimm.f32 $0.0e+00;
	s5 =	simm.s32 $0xF0;
	s4 =	simm.s32 $0xA0;
	v20 =	vld [tilespmem:$0x1FFF0];
	[sflag:s23] =	ssyncadd.s32 $0xFFFFD390  }
0x77d: {  	_ =	sfence.sel $0x180000  }
0x77e: {  	[bflag:$0x0] =	sbarrier.arrive $0xFFFF  }
0x77f: {  	_ =	strace $0x90000047  }
0x780: {  	s0 =	stileid.u32;
	[bflag:$0x2] =	sbarrier.arrive $0xFFFF  }
0x781: {  	p0 =	sne.s32 s0, $0x0;
	s0 =	rddreg [dreg:$0x3]  }
0x782: {  	s0 =	sadd.s32 @!p0 $0x100000, s0  }
0x783: {  	[sflag:s0] =	ssyncadd.tile.s32 @!p0 $0x1;
	_ =	shalt  }
.Lfunc_end2:
_tile_overlayer_lowered:
.L_overlay_start_2:
0x784: {  	(tag) =	ssettag $0x2  }
0x785: {  	s0 =	rddreg [dreg:$0x0];
	s2 =	stileid.u32  }
0x786: {  	s1 =	rddreg [dreg:$0x1];
	p0 =	sne.s32 s2, $0x0  }
0x787: {  	s3 =	rddreg [dreg:$0x2];
	[bflag:$0x3] =	sbarrier.arrive $0xFFFF;
	s2 =	simm.s32 @!p0 $0x1C04  }
0x788: {  	[timem:s3], [sflag:s2] =	dma.local @!p0 [hbm:s0], s1  }
0x789: {  	s0 =	simm.s32 @!p0 $0x4  }
0x78a: {  	_ =	swait.ge @!p0 [sflag:s0], s1  }
0x78b: {  	s1 =	ssub.s32 @!p0 $0x0, s1;
	[sflag:s0] =	ssyncset.done @!p0 $0x0  }
0x78c: {  	[sflag:s0] =	ssyncadd.s32 @!p0 s1  }
0x78d: {  	[bflag:$0x3] =	sbarrier.arrive $0xFFFF  }
0x78e: {  	_ =	shalt  }

</sc_bundles>
